<compile_context>
chip_gen: v7x
topology: tpu7x:2x2x1
jax: 0.10.2.dev20260603
libtpu: 0.0.44.dev20260713+nightly
codegen_flags: <defaults>
</compile_context>

<pallas_src>
import functools

import jax
import jax.numpy as jnp
from jax import lax
from jax.experimental import pallas as pl
from jax.experimental.pallas import tpu as pltpu
from jax.experimental.pallas import tpu_sc as plsc

H = 32
NE1 = 1537
NSP = 512
NTAB = 15 * NE1 + NSP
NTAB_PAD = 23680
B, N = 16, 64
EL = B * N * N
NW = 32
EPW = EL // NW
CHUNK = 64
NIDX = CHUNK * 16
NPAIR = EPW // (2 * CHUNK)


def _prep_body(enc0_ref, enc1_ref, enc2_ref, w_ref, spw_ref, fidx_ref,
               out_ref, oidx_ref):
    encs = (enc0_ref[...], enc1_ref[...], enc2_ref[...])
    for k in range(15):
        d, j = k // 3, k % 3
        t = jnp.dot(encs[j], w_ref[d], preferred_element_type=jnp.float32)
        out_ref[pl.ds(k * NE1, NE1), :] = t * (1.0 / 3.0)
    s = lax.broadcasted_iota(jnp.int32, (NSP, 1), 0)
    sp = jnp.where(s == 0, 1, s)
    sp = jnp.where(sp > 1, sp - 1, sp)
    sp = jnp.minimum(sp, 5)
    out_ref[pl.ds(15 * NE1, NSP), :] = spw_ref[...] * sp.astype(jnp.float32)
    out_ref[pl.ds(NTAB, NTAB_PAD - NTAB), :] = jnp.zeros(
        (NTAB_PAD - NTAB, H), jnp.float32)
    off = (lax.broadcasted_iota(jnp.int32, (1, 128), 1) % 16) * NE1
    oidx_ref[...] = fidx_ref[...] + off


def _build_table(enc0, enc1, enc2, w5, spatial_w, fidx):
    return pl.pallas_call(
        _prep_body,
        out_shape=[
            jax.ShapeDtypeStruct((NTAB_PAD, H), jnp.float32),
            jax.ShapeDtypeStruct((EL // 8, 128), jnp.int32),
        ],
    )(enc0, enc1, enc2, w5, spatial_w, fidx)


def _sc_body(tab_hbm, fidx_hbm, out_hbm, idx_a, idx_b, rows_a, rows_b,
             zeros_v, dst_a, dst_b, acc_sh, tab_sh, sem_a, sem_b):
    sid = lax.axis_index("s")
    wid = sid * 2 + lax.axis_index("c")
    a0 = pl.multiple_of(sid * 2 * CHUNK, CHUNK)
    b0 = pl.multiple_of(sid * 2 * CHUNK + CHUNK, CHUNK)
    t0 = pl.multiple_of(sid * (NTAB_PAD // 16), 8)
    pltpu.sync_copy(tab_hbm.at[pl.ds(t0, NTAB_PAD // 16)],
                    tab_sh.at[pl.ds(t0, NTAB_PAD // 16)])
    plsc.subcore_barrier()
    z = jnp.zeros((16,), jnp.float32)
    zi = jnp.zeros((16,), jnp.int32)
    for e in range(CHUNK):
        dst_a[pl.ds(e * 16, 16)] = zi + (sid * 2 * CHUNK + e)
        dst_b[pl.ds(e * 16, 16)] = zi + (sid * 2 * CHUNK + CHUNK + e)
    for e in range(2 * CHUNK):
        zeros_v[e, pl.ds(0, 16)] = z
        zeros_v[e, pl.ds(16, 16)] = z

    def pair_body(p, carry):
        ea = pl.multiple_of(wid * EPW + (2 * p) * CHUNK, CHUNK)
        eb = pl.multiple_of(wid * EPW + (2 * p + 1) * CHUNK, CHUNK)
        pltpu.sync_copy(fidx_hbm.at[pl.ds(pl.multiple_of(ea * 16, NIDX), NIDX)],
                        idx_a)
        cpa = pltpu.async_copy(tab_sh.at[idx_a], rows_a, sem_a)
        pltpu.sync_copy(fidx_hbm.at[pl.ds(pl.multiple_of(eb * 16, NIDX), NIDX)],
                        idx_b)
        cpb = pltpu.async_copy(tab_sh.at[idx_b], rows_b, sem_b)
        pltpu.sync_copy(zeros_v, acc_sh.at[pl.ds(a0, 2 * CHUNK)])
        cpa.wait()
        pltpu.sync_copy(rows_a, acc_sh.at[dst_a], add=True)
        pltpu.sync_copy(acc_sh.at[pl.ds(a0, CHUNK)], out_hbm.at[pl.ds(ea, CHUNK)])
        cpb.wait()
        pltpu.sync_copy(rows_b, acc_sh.at[dst_b], add=True)
        pltpu.sync_copy(acc_sh.at[pl.ds(b0, CHUNK)], out_hbm.at[pl.ds(eb, CHUNK)])
        return carry

    lax.fori_loop(0, NPAIR, pair_body, 0)


def _sc_gather(tab, fidx):
    mesh = plsc.VectorSubcoreMesh(core_axis_name="c", subcore_axis_name="s",
                                  num_cores=2, num_subcores=16)
    fn = pl.kernel(
        _sc_body,
        out_type=jax.ShapeDtypeStruct((EL, H), jnp.float32),
        mesh=mesh,
        compiler_params=pltpu.CompilerParams(use_tc_tiling_on_sc=False,
                                             needs_layout_passes=False),
        scratch_types=[
            pltpu.VMEM((NIDX,), jnp.int32),
            pltpu.VMEM((NIDX,), jnp.int32),
            pltpu.VMEM((NIDX, H), jnp.float32),
            pltpu.VMEM((NIDX, H), jnp.float32),
            pltpu.VMEM((2 * CHUNK, H), jnp.float32),
            pltpu.VMEM((NIDX,), jnp.int32),
            pltpu.VMEM((NIDX,), jnp.int32),
            pltpu.VMEM_SHARED((16 * 2 * CHUNK, H), jnp.float32),
            pltpu.VMEM_SHARED((NTAB_PAD, H), jnp.float32),
            pltpu.SemaphoreType.DMA,
            pltpu.SemaphoreType.DMA,
        ],
    )
    return fn(tab, fidx)


def _asm_body(ab_ref, sp_ref, u_ref, virt_ref, out_ref):
    s = sp_ref[0, 0]
    sp = jnp.where(s == 0, 1, s)
    sp = jnp.where(sp > 1, sp - 1, sp)
    sp = jnp.minimum(sp, 5)
    u = u_ref[0]
    ut = u.T.reshape(H, N, N)
    u3 = ut * (1.0 / sp.astype(jnp.float32))[None]
    ab = ab_ref[0]
    vb = virt_ref[...].reshape(H, 1)
    out_ref[0, :, 0, :] = ab[0:1, :] + vb
    out_ref[0, :, 1:, 0:1] = ab[1:, 0:1][None, :, :] + vb.reshape(H, 1, 1)
    out_ref[0, :, 1:, 1:] = u3 + ab[1:, 1:][None]


def _assemble(attn_bias, spatial_sq, unscaled, virt_w):
    return pl.pallas_call(
        _asm_body,
        grid=(B,),
        in_specs=[
            pl.BlockSpec((1, N + 1, N + 1), lambda b: (b, 0, 0)),
            pl.BlockSpec((1, 1, N, N), lambda b: (b, 0, 0, 0)),
            pl.BlockSpec((1, N * N, H), lambda b: (b, 0, 0)),
            pl.BlockSpec((1, H), lambda b: (0, 0)),
        ],
        out_specs=pl.BlockSpec((1, H, N + 1, N + 1), lambda b: (b, 0, 0, 0)),
        out_shape=jax.ShapeDtypeStruct((B, H, N + 1, N + 1), jnp.float32),
    )(attn_bias, spatial_sq, unscaled, virt_w)


def kernel(attn_bias, spatial_pos, edge_input, edge_enc0, edge_enc1,
           edge_enc2, edge_dis_w, spatial_w, virt_w):
    spi = spatial_pos.astype(jnp.int32)
    ei = edge_input.astype(jnp.int32).reshape(EL, 15)
    fidx = jnp.concatenate([ei, spi.reshape(EL, 1)], axis=1)
    fidx = fidx.reshape(EL // 8, 128)
    w5 = edge_dis_w.reshape(-1)[: 5 * H * H].reshape(5, H, H)

    tab, oidx = _build_table(edge_enc0, edge_enc1, edge_enc2, w5, spatial_w,
                             fidx)
    unscaled = _sc_gather(tab, oidx.reshape(EL * 16))
    return _assemble(attn_bias, spi.reshape(B, 1, N, N),
                     unscaled.reshape(B, N * N, H), virt_w)

# --- scband reference (transcript-rebuilt; emitter-appended) ---
"""Pipeline reference for scband-molecule-attn-bias-31602369364615 (READ-ONLY COPY).

The authoritative reference and input builder live on the scoring server;
editing this copy changes nothing except your own understanding.
"""

import jax, jax.numpy as jnp
import numpy as np

H = 32
NE = 1536
NS = 512
NED = 128
MHMD = 5
B, N = 16, 64


def _emb(k, n, d, pad0=True):
    w = jax.random.normal(k, (n, d), dtype=jnp.float32) * 0.02
    if pad0:
        w = w.at[0].set(0.0)
    return w


def setup_inputs(seed: int = 0) -> dict:
    key = jax.random.key(seed)
    ks = jax.random.split(key, 9)
    attn_bias = jax.random.normal(ks[0], (B, N + 1, N + 1), dtype=jnp.float32)
    spatial_pos = jax.random.randint(ks[1], (B, N, N), 0, NS).astype(jnp.int64)
    edge_input = jax.random.randint(ks[2], (B, N, N, MHMD, 3), 0, NE + 1).astype(jnp.int64)
    edge_enc0 = _emb(ks[3], NE + 1, H)
    edge_enc1 = _emb(ks[4], NE + 1, H)
    edge_enc2 = _emb(ks[5], NE + 1, H)
    edge_dis_w = jax.random.normal(ks[6], (NED * H * H, 1), dtype=jnp.float32) * 0.02
    spatial_w = _emb(ks[7], NS, H)
    virt_w = jax.random.normal(ks[8], (1, H), dtype=jnp.float32) * 0.02
    return {
        'attn_bias': attn_bias,
        'spatial_pos': spatial_pos,
        'edge_input': edge_input,
        'edge_enc0': edge_enc0,
        'edge_enc1': edge_enc1,
        'edge_enc2': edge_enc2,
        'edge_dis_w': edge_dis_w,
        'spatial_w': spatial_w,
        'virt_w': virt_w,
    }


def reference(attn_bias, spatial_pos, edge_input, edge_enc0, edge_enc1, edge_enc2, edge_dis_w, spatial_w, virt_w):
    n_graph = spatial_pos.shape[0]
    n_node = spatial_pos.shape[1]
    # repeat bias over heads
    gab = jnp.repeat(attn_bias[:, None, :, :], H, axis=1)  # [B,H,N+1,N+1]
    # spatial position bias
    spb = jnp.take(spatial_w, spatial_pos, axis=0)  # [B,N,N,H]
    spb = jnp.transpose(spb, (0, 3, 1, 2))  # [B,H,N,N]
    gab = gab.at[:, :, 1:, 1:].add(spb)
    # virtual graph token distance
    t = virt_w.reshape(1, H, 1)
    gab = gab.at[:, :, 1:, 0].add(t)
    gab = gab.at[:, :, 0, :].add(t)
    # multi-hop edge encoding
    sp = jnp.where(spatial_pos == 0, 1, spatial_pos)
    sp = jnp.where(sp > 1, sp - 1, sp)
    sp = jnp.clip(sp, 0, MHMD)
    ei = edge_input[:, :, :, :MHMD, :]
    r0 = jnp.take(edge_enc0, ei[..., 0], axis=0)  # [B,N,N,D,H]
    r1 = jnp.take(edge_enc1, ei[..., 1], axis=0)
    r2 = jnp.take(edge_enc2, ei[..., 2], axis=0)
    edge_feat = (r0 + r1 + r2) / 3.0  # mean over the 3 edge features
    max_dist = edge_feat.shape[3]
    flat = jnp.transpose(edge_feat, (3, 0, 1, 2, 4)).reshape(max_dist, -1, H)
    w = edge_dis_w.reshape(-1, H, H)[:max_dist]
    flat = jnp.einsum('dbh,dhk->dbk', flat, w)
    ef = flat.reshape(max_dist, n_graph, n_node, n_node, H)
    ef = jnp.transpose(ef, (1, 2, 3, 0, 4))  # [B,N,N,D,H]
    ef = ef.sum(axis=-2) / sp.astype(jnp.float32)[..., None]  # [B,N,N,H]
    ef = jnp.transpose(ef, (0, 3, 1, 2))  # [B,H,N,N]
    gab = gab.at[:, :, 1:, 1:].add(ef)
    return gab

if __name__ == "__main__":
    import jax
    _d = setup_inputs()
    print(jax.jit(kernel)(*tuple(_d.values())))

</pallas_src>

<mosaic_0001>
#map = affine_map<(d0, d1) -> (0, 0)>
#map1 = affine_map<(d0, d1) -> (0)>
module attributes {stable_mosaic.version = 14 : i64} {
  func.func @_sc_body(%arg0: i32, %arg1: i32, %arg2: memref<23680x32xf32, #tpu.memory_space<hbm>>, %arg3: memref<1048576xi32, #tpu.memory_space<hbm>>, %arg4: memref<65536x32xf32, #tpu.memory_space<hbm>>, %arg5: memref<1024xi32, #tpu.memory_space<vmem>>, %arg6: memref<1024xi32, #tpu.memory_space<vmem>>, %arg7: memref<1024x32xf32, #tpu.memory_space<vmem>>, %arg8: memref<1024x32xf32, #tpu.memory_space<vmem>>, %arg9: memref<128x32xf32, #tpu.memory_space<vmem>>, %arg10: memref<1024xi32, #tpu.memory_space<vmem>>, %arg11: memref<1024xi32, #tpu.memory_space<vmem>>, %arg12: memref<2048x32xf32, #tpu.memory_space<vmem_shared>>, %arg13: memref<23680x32xf32, #tpu.memory_space<vmem_shared>>, %arg14: memref<!tpu.dma_semaphore, #tpu.memory_space<semaphore_mem>>, %arg15: memref<!tpu.dma_semaphore, #tpu.memory_space<semaphore_mem>>) attributes {dimension_semantics = [#tpu.dimension_semantics<core_parallel>, #tpu.dimension_semantics<subcore_parallel>], iteration_bounds = array<i64: 2, 16>, scalar_prefetch = 0 : i64, scratch_operands = 11 : i64, tpu.core_type = #tpu.core_type<sc_vector_subcore>, window_params = [{transform_indices = #map}, {transform_indices = #map1}, {transform_indices = #map}]} {
    %mul3A = arith.constant 2 : i32
    %mul3A_0 = arith.muli %arg1, %mul3A : i32
    %add3A = arith.addi %mul3A_0, %arg0 : i32
    %mul3A_1 = arith.constant 2 : i32
    %mul3A_2 = arith.muli %arg1, %mul3A_1 : i32
    %mul3A_3 = arith.constant 64 : i32
    %mul3A_4 = arith.muli %mul3A_2, %mul3A_3 : i32
    %multiple_of3A = tpu.assume_multiple %mul3A_4, 64 : i32
    %mul3A_5 = arith.constant 2 : i32
    %mul3A_6 = arith.muli %arg1, %mul3A_5 : i32
    %mul3A_7 = arith.constant 64 : i32
    %mul3A_8 = arith.muli %mul3A_6, %mul3A_7 : i32
    %add3A_9 = arith.constant 64 : i32
    %add3A_10 = arith.addi %mul3A_8, %add3A_9 : i32
    %multiple_of3A_11 = tpu.assume_multiple %add3A_10, 64 : i32
    %mul3A_12 = arith.constant 1480 : i32
    %mul3A_13 = arith.muli %arg1, %mul3A_12 : i32
    %multiple_of3A_14 = tpu.assume_multiple %mul3A_13, 8 : i32
    "tpu.region"() ({
      %run_scoped3A = tpu.sem_alloc : memref<!tpu.dma_semaphore, #tpu.memory_space<semaphore_mem>>
      %dma_start3A = arith.constant 0 : i32
      %dma_start3A_2454 = tpu.memref_slice %arg13[%multiple_of3A_14, %dma_start3A] : memref<23680x32xf32, #tpu.memory_space<vmem_shared>> -> memref<1480x32xf32, #tpu.memory_space<vmem_shared>>
      %dma_start3A_2455 = arith.constant 0 : i32
      %dma_start3A_2456 = tpu.memref_slice %arg2[%multiple_of3A_14, %dma_start3A_2455] : memref<23680x32xf32, #tpu.memory_space<hbm>> -> memref<1480x32xf32, #tpu.memory_space<hbm>>
      tpu.enqueue_dma source(%dma_start3A_2456 : memref<1480x32xf32, #tpu.memory_space<hbm>>) target(%dma_start3A_2454 : memref<1480x32xf32, #tpu.memory_space<vmem_shared>>) target_semaphore(%run_scoped3A : memref<!tpu.dma_semaphore, #tpu.memory_space<semaphore_mem>>)
      %dma_wait3A = arith.constant 0 : i32
      %dma_wait3A_2457 = tpu.memref_slice %arg13[%multiple_of3A_14, %dma_wait3A] : memref<23680x32xf32, #tpu.memory_space<vmem_shared>> -> memref<1480x32xf32, #tpu.memory_space<vmem_shared>>
      %dma_wait3A_2458 = arith.constant 0 : i32
      %dma_wait3A_2459 = tpu.memref_slice %arg2[%multiple_of3A_14, %dma_wait3A_2458] : memref<23680x32xf32, #tpu.memory_space<hbm>> -> memref<1480x32xf32, #tpu.memory_space<hbm>>
      tpu.wait_dma2 semaphore(%run_scoped3A : memref<!tpu.dma_semaphore, #tpu.memory_space<semaphore_mem>>) src(%dma_wait3A_2459 : memref<1480x32xf32, #tpu.memory_space<hbm>>) dst(%dma_wait3A_2457 : memref<1480x32xf32, #tpu.memory_space<vmem_shared>>)
      tpu.yield
    }) : () -> ()
    %barrier3A = arith.constant 0 : index
    tpu.barrier barrier_id(%barrier3A)
    %broadcast_in_dim3A = arith.constant 0.000000e+00 : f32
    %broadcast_in_dim3A_15 = vector.broadcast %broadcast_in_dim3A : f32 to vector<16xf32>
    %broadcast_in_dim3A_16 = arith.constant 0 : i32
    %broadcast_in_dim3A_17 = vector.broadcast %broadcast_in_dim3A_16 : i32 to vector<16xi32>
    %mul3A_18 = arith.constant 2 : i32
    %mul3A_19 = arith.muli %arg1, %mul3A_18 : i32
    %mul3A_20 = arith.constant 64 : i32
    %mul3A_21 = arith.muli %mul3A_19, %mul3A_20 : i32
    %add3A_22 = arith.constant 0 : i32
    %add3A_23 = arith.addi %mul3A_21, %add3A_22 : i32
    %add3A_24 = vector.broadcast %add3A_23 : i32 to vector<16xi32>
    %add3A_25 = arith.addi %broadcast_in_dim3A_17, %add3A_24 : vector<16xi32>
    %swap3A = arith.constant 0 : index
    %swap3A_26 = tpu.vector_load %arg10[%swap3A] {strides = array<i32>} : memref<1024xi32, #tpu.memory_space<vmem>>, vector<16xi32>,
    tpu.vector_store %arg10[%swap3A], %add3A_25 {strides = array<i32>} : memref<1024xi32, #tpu.memory_space<vmem>>, vector<16xi32>,
    %mul3A_27 = arith.constant 2 : i32
    %mul3A_28 = arith.muli %arg1, %mul3A_27 : i32
    %mul3A_29 = arith.constant 64 : i32
    %mul3A_30 = arith.muli %mul3A_28, %mul3A_29 : i32
    %add3A_31 = arith.constant 64 : i32
    %add3A_32 = arith.addi %mul3A_30, %add3A_31 : i32
    %add3A_33 = arith.constant 0 : i32
    %add3A_34 = arith.addi %add3A_32, %add3A_33 : i32
    %add3A_35 = vector.broadcast %add3A_34 : i32 to vector<16xi32>
    %add3A_36 = arith.addi %broadcast_in_dim3A_17, %add3A_35 : vector<16xi32>
    %swap3A_37 = arith.constant 0 : index
    %swap3A_38 = tpu.vector_load %arg11[%swap3A_37] {strides = array<i32>} : memref<1024xi32, #tpu.memory_space<vmem>>, vector<16xi32>,
    tpu.vector_store %arg11[%swap3A_37], %add3A_36 {strides = array<i32>} : memref<1024xi32, #tpu.memory_space<vmem>>, vector<16xi32>,
    %mul3A_39 = arith.constant 2 : i32
    %mul3A_40 = arith.muli %arg1, %mul3A_39 : i32
    %mul3A_41 = arith.constant 64 : i32
    %mul3A_42 = arith.muli %mul3A_40, %mul3A_41 : i32
    %add3A_43 = arith.constant 1 : i32
    %add3A_44 = arith.addi %mul3A_42, %add3A_43 : i32
    %add3A_45 = vector.broadcast %add3A_44 : i32 to vector<16xi32>
    %add3A_46 = arith.addi %broadcast_in_dim3A_17, %add3A_45 : vector<16xi32>
    %swap3A_47 = arith.constant 16 : index
    %swap3A_48 = tpu.vector_load %arg10[%swap3A_47] {strides = array<i32>} : memref<1024xi32, #tpu.memory_space<vmem>>, vector<16xi32>,
    tpu.vector_store %arg10[%swap3A_47], %add3A_46 {strides = array<i32>} : memref<1024xi32, #tpu.memory_space<vmem>>, vector<16xi32>,
    %mul3A_49 = arith.constant 2 : i32
    %mul3A_50 = arith.muli %arg1, %mul3A_49 : i32
    %mul3A_51 = arith.constant 64 : i32
    %mul3A_52 = arith.muli %mul3A_50, %mul3A_51 : i32
    %add3A_53 = arith.constant 64 : i32
    %add3A_54 = arith.addi %mul3A_52, %add3A_53 : i32
    %add3A_55 = arith.constant 1 : i32
    %add3A_56 = arith.addi %add3A_54, %add3A_55 : i32
    %add3A_57 = vector.broadcast %add3A_56 : i32 to vector<16xi32>
    %add3A_58 = arith.addi %broadcast_in_dim3A_17, %add3A_57 : vector<16xi32>
    %swap3A_59 = arith.constant 16 : index
    %swap3A_60 = tpu.vector_load %arg11[%swap3A_59] {strides = array<i32>} : memref<1024xi32, #tpu.memory_space<vmem>>, vector<16xi32>,
    tpu.vector_store %arg11[%swap3A_59], %add3A_58 {strides = array<i32>} : memref<1024xi32, #tpu.memory_space<vmem>>, vector<16xi32>,
    %mul3A_61 = arith.constant 2 : i32
    %mul3A_62 = arith.muli %arg1, %mul3A_61 : i32
    %mul3A_63 = arith.constant 64 : i32
    %mul3A_64 = arith.muli %mul3A_62, %mul3A_63 : i32
    %add3A_65 = arith.constant 2 : i32
    %add3A_66 = arith.addi %mul3A_64, %add3A_65 : i32
    %add3A_67 = vector.broadcast %add3A_66 : i32 to vector<16xi32>
    %add3A_68 = arith.addi %broadcast_in_dim3A_17, %add3A_67 : vector<16xi32>
    %swap3A_69 = arith.constant 32 : index
    %swap3A_70 = tpu.vector_load %arg10[%swap3A_69] {strides = array<i32>} : memref<1024xi32, #tpu.memory_space<vmem>>, vector<16xi32>,
    tpu.vector_store %arg10[%swap3A_69], %add3A_68 {strides = array<i32>} : memref<1024xi32, #tpu.memory_space<vmem>>, vector<16xi32>,
    %mul3A_71 = arith.constant 2 : i32
    %mul3A_72 = arith.muli %arg1, %mul3A_71 : i32
    %mul3A_73 = arith.constant 64 : i32
    %mul3A_74 = arith.muli %mul3A_72, %mul3A_73 : i32
    %add3A_75 = arith.constant 64 : i32
    %add3A_76 = arith.addi %mul3A_74, %add3A_75 : i32
    %add3A_77 = arith.constant 2 : i32
    %add3A_78 = arith.addi %add3A_76, %add3A_77 : i32
    %add3A_79 = vector.broadcast %add3A_78 : i32 to vector<16xi32>
    %add3A_80 = arith.addi %broadcast_in_dim3A_17, %add3A_79 : vector<16xi32>
    %swap3A_81 = arith.constant 32 : index
    %swap3A_82 = tpu.vector_load %arg11[%swap3A_81] {strides = array<i32>} : memref<1024xi32, #tpu.memory_space<vmem>>, vector<16xi32>,
    tpu.vector_store %arg11[%swap3A_81], %add3A_80 {strides = array<i32>} : memref<1024xi32, #tpu.memory_space<vmem>>, vector<16xi32>,
    %mul3A_83 = arith.constant 2 : i32
    %mul3A_84 = arith.muli %arg1, %mul3A_83 : i32
    %mul3A_85 = arith.constant 64 : i32
    %mul3A_86 = arith.muli %mul3A_84, %mul3A_85 : i32
    %add3A_87 = arith.constant 3 : i32
    %add3A_88 = arith.addi %mul3A_86, %add3A_87 : i32
    %add3A_89 = vector.broadcast %add3A_88 : i32 to vector<16xi32>
    %add3A_90 = arith.addi %broadcast_in_dim3A_17, %add3A_89 : vector<16xi32>
    %swap3A_91 = arith.constant 48 : index
    %swap3A_92 = tpu.vector_load %arg10[%swap3A_91] {strides = array<i32>} : memref<1024xi32, #tpu.memory_space<vmem>>, vector<16xi32>,
    tpu.vector_store %arg10[%swap3A_91], %add3A_90 {strides = array<i32>} : memref<1024xi32, #tpu.memory_space<vmem>>, vector<16xi32>,
    %mul3A_93 = arith.constant 2 : i32
    %mul3A_94 = arith.muli %arg1, %mul3A_93 : i32
    %mul3A_95 = arith.constant 64 : i32
    %mul3A_96 = arith.muli %mul3A_94, %mul3A_95 : i32
    %add3A_97 = arith.constant 64 : i32
    %add3A_98 = arith.addi %mul3A_96, %add3A_97 : i32
    %add3A_99 = arith.constant 3 : i32
    %add3A_100 = arith.addi %add3A_98, %add3A_99 : i32
    %add3A_101 = vector.broadcast %add3A_100 : i32 to vector<16xi32>
    %add3A_102 = arith.addi %broadcast_in_dim3A_17, %add3A_101 : vector<16xi32>
    %swap3A_103 = arith.constant 48 : index
    %swap3A_104 = tpu.vector_load %arg11[%swap3A_103] {strides = array<i32>} : memref<1024xi32, #tpu.memory_space<vmem>>, vector<16xi32>,
    tpu.vector_store %arg11[%swap3A_103], %add3A_102 {strides = array<i32>} : memref<1024xi32, #tpu.memory_space<vmem>>, vector<16xi32>,
    %mul3A_105 = arith.constant 2 : i32
    %mul3A_106 = arith.muli %arg1, %mul3A_105 : i32
    %mul3A_107 = arith.constant 64 : i32
    %mul3A_108 = arith.muli %mul3A_106, %mul3A_107 : i32
    %add3A_109 = arith.constant 4 : i32
    %add3A_110 = arith.addi %mul3A_108, %add3A_109 : i32
    %add3A_111 = vector.broadcast %add3A_110 : i32 to vector<16xi32>
    %add3A_112 = arith.addi %broadcast_in_dim3A_17, %add3A_111 : vector<16xi32>
    %swap3A_113 = arith.constant 64 : index
    %swap3A_114 = tpu.vector_load %arg10[%swap3A_113] {strides = array<i32>} : memref<1024xi32, #tpu.memory_space<vmem>>, vector<16xi32>,
    tpu.vector_store %arg10[%swap3A_113], %add3A_112 {strides = array<i32>} : memref<1024xi32, #tpu.memory_space<vmem>>, vector<16xi32>,
    %mul3A_115 = arith.constant 2 : i32
    %mul3A_116 = arith.muli %arg1, %mul3A_115 : i32
    %mul3A_117 = arith.constant 64 : i32
    %mul3A_118 = arith.muli %mul3A_116, %mul3A_117 : i32
    %add3A_119 = arith.constant 64 : i32
    %add3A_120 = arith.addi %mul3A_118, %add3A_119 : i32
    %add3A_121 = arith.constant 4 : i32
    %add3A_122 = arith.addi %add3A_120, %add3A_121 : i32
    %add3A_123 = vector.broadcast %add3A_122 : i32 to vector<16xi32>
    %add3A_124 = arith.addi %broadcast_in_dim3A_17, %add3A_123 : vector<16xi32>
    %swap3A_125 = arith.constant 64 : index
    %swap3A_126 = tpu.vector_load %arg11[%swap3A_125] {strides = array<i32>} : memref<1024xi32, #tpu.memory_space<vmem>>, vector<16xi32>,
    tpu.vector_store %arg11[%swap3A_125], %add3A_124 {strides = array<i32>} : memref<1024xi32, #tpu.memory_space<vmem>>, vector<16xi32>,
    %mul3A_127 = arith.constant 2 : i32
    %mul3A_128 = arith.muli %arg1, %mul3A_127 : i32
    %mul3A_129 = arith.constant 64 : i32
    %mul3A_130 = arith.muli %mul3A_128, %mul3A_129 : i32
    %add3A_131 = arith.constant 5 : i32
    %add3A_132 = arith.addi %mul3A_130, %add3A_131 : i32
    %add3A_133 = vector.broadcast %add3A_132 : i32 to vector<16xi32>
    %add3A_134 = arith.addi %broadcast_in_dim3A_17, %add3A_133 : vector<16xi32>
    %swap3A_135 = arith.constant 80 : index
    %swap3A_136 = tpu.vector_load %arg10[%swap3A_135] {strides = array<i32>} : memref<1024xi32, #tpu.memory_space<vmem>>, vector<16xi32>,
    tpu.vector_store %arg10[%swap3A_135], %add3A_134 {strides = array<i32>} : memref<1024xi32, #tpu.memory_space<vmem>>, vector<16xi32>,
    %mul3A_137 = arith.constant 2 : i32
    %mul3A_138 = arith.muli %arg1, %mul3A_137 : i32
    %mul3A_139 = arith.constant 64 : i32
    %mul3A_140 = arith.muli %mul3A_138, %mul3A_139 : i32
    %add3A_141 = arith.constant 64 : i32
    %add3A_142 = arith.addi %mul3A_140, %add3A_141 : i32
    %add3A_143 = arith.constant 5 : i32
    %add3A_144 = arith.addi %add3A_142, %add3A_143 : i32
    %add3A_145 = vector.broadcast %add3A_144 : i32 to vector<16xi32>
    %add3A_146 = arith.addi %broadcast_in_dim3A_17, %add3A_145 : vector<16xi32>
    %swap3A_147 = arith.constant 80 : index
    %swap3A_148 = tpu.vector_load %arg11[%swap3A_147] {strides = array<i32>} : memref<1024xi32, #tpu.memory_space<vmem>>, vector<16xi32>,
    tpu.vector_store %arg11[%swap3A_147], %add3A_146 {strides = array<i32>} : memref<1024xi32, #tpu.memory_space<vmem>>, vector<16xi32>,
    %mul3A_149 = arith.constant 2 : i32
    %mul3A_150 = arith.muli %arg1, %mul3A_149 : i32
    %mul3A_151 = arith.constant 64 : i32
    %mul3A_152 = arith.muli %mul3A_150, %mul3A_151 : i32
    %add3A_153 = arith.constant 6 : i32
    %add3A_154 = arith.addi %mul3A_152, %add3A_153 : i32
    %add3A_155 = vector.broadcast %add3A_154 : i32 to vector<16xi32>
    %add3A_156 = arith.addi %broadcast_in_dim3A_17, %add3A_155 : vector<16xi32>
    %swap3A_157 = arith.constant 96 : index
    %swap3A_158 = tpu.vector_load %arg10[%swap3A_157] {strides = array<i32>} : memref<1024xi32, #tpu.memory_space<vmem>>, vector<16xi32>,
    tpu.vector_store %arg10[%swap3A_157], %add3A_156 {strides = array<i32>} : memref<1024xi32, #tpu.memory_space<vmem>>, vector<16xi32>,
    %mul3A_159 = arith.constant 2 : i32
    %mul3A_160 = arith.muli %arg1, %mul3A_159 : i32
    %mul3A_161 = arith.constant 64 : i32
    %mul3A_162 = arith.muli %mul3A_160, %mul3A_161 : i32
    %add3A_163 = arith.constant 64 : i32
    %add3A_164 = arith.addi %mul3A_162, %add3A_163 : i32
    %add3A_165 = arith.constant 6 : i32
    %add3A_166 = arith.addi %add3A_164, %add3A_165 : i32
    %add3A_167 = vector.broadcast %add3A_166 : i32 to vector<16xi32>
    %add3A_168 = arith.addi %broadcast_in_dim3A_17, %add3A_167 : vector<16xi32>
    %swap3A_169 = arith.constant 96 : index
    %swap3A_170 = tpu.vector_load %arg11[%swap3A_169] {strides = array<i32>} : memref<1024xi32, #tpu.memory_space<vmem>>, vector<16xi32>,
    tpu.vector_store %arg11[%swap3A_169], %add3A_168 {strides = array<i32>} : memref<1024xi32, #tpu.memory_space<vmem>>, vector<16xi32>,
    %mul3A_171 = arith.constant 2 : i32
    %mul3A_172 = arith.muli %arg1, %mul3A_171 : i32
    %mul3A_173 = arith.constant 64 : i32
    %mul3A_174 = arith.muli %mul3A_172, %mul3A_173 : i32
    %add3A_175 = arith.constant 7 : i32
    %add3A_176 = arith.addi %mul3A_174, %add3A_175 : i32
    %add3A_177 = vector.broadcast %add3A_176 : i32 to vector<16xi32>
    %add3A_178 = arith.addi %broadcast_in_dim3A_17, %add3A_177 : vector<16xi32>
    %swap3A_179 = arith.constant 112 : index
    %swap3A_180 = tpu.vector_load %arg10[%swap3A_179] {strides = array<i32>} : memref<1024xi32, #tpu.memory_space<vmem>>, vector<16xi32>,
    tpu.vector_store %arg10[%swap3A_179], %add3A_178 {strides = array<i32>} : memref<1024xi32, #tpu.memory_space<vmem>>, vector<16xi32>,
    %mul3A_181 = arith.constant 2 : i32
    %mul3A_182 = arith.muli %arg1, %mul3A_181 : i32
    %mul3A_183 = arith.constant 64 : i32
    %mul3A_184 = arith.muli %mul3A_182, %mul3A_183 : i32
    %add3A_185 = arith.constant 64 : i32
    %add3A_186 = arith.addi %mul3A_184, %add3A_185 : i32
    %add3A_187 = arith.constant 7 : i32
    %add3A_188 = arith.addi %add3A_186, %add3A_187 : i32
    %add3A_189 = vector.broadcast %add3A_188 : i32 to vector<16xi32>
    %add3A_190 = arith.addi %broadcast_in_dim3A_17, %add3A_189 : vector<16xi32>
    %swap3A_191 = arith.constant 112 : index
    %swap3A_192 = tpu.vector_load %arg11[%swap3A_191] {strides = array<i32>} : memref<1024xi32, #tpu.memory_space<vmem>>, vector<16xi32>,
    tpu.vector_store %arg11[%swap3A_191], %add3A_190 {strides = array<i32>} : memref<1024xi32, #tpu.memory_space<vmem>>, vector<16xi32>,
    %mul3A_193 = arith.constant 2 : i32
    %mul3A_194 = arith.muli %arg1, %mul3A_193 : i32
    %mul3A_195 = arith.constant 64 : i32
    %mul3A_196 = arith.muli %mul3A_194, %mul3A_195 : i32
    %add3A_197 = arith.constant 8 : i32
    %add3A_198 = arith.addi %mul3A_196, %add3A_197 : i32
    %add3A_199 = vector.broadcast %add3A_198 : i32 to vector<16xi32>
    %add3A_200 = arith.addi %broadcast_in_dim3A_17, %add3A_199 : vector<16xi32>
    %swap3A_201 = arith.constant 128 : index
    %swap3A_202 = tpu.vector_load %arg10[%swap3A_201] {strides = array<i32>} : memref<1024xi32, #tpu.memory_space<vmem>>, vector<16xi32>,
    tpu.vector_store %arg10[%swap3A_201], %add3A_200 {strides = array<i32>} : memref<1024xi32, #tpu.memory_space<vmem>>, vector<16xi32>,
    %mul3A_203 = arith.constant 2 : i32
    %mul3A_204 = arith.muli %arg1, %mul3A_203 : i32
    %mul3A_205 = arith.constant 64 : i32
    %mul3A_206 = arith.muli %mul3A_204, %mul3A_205 : i32
    %add3A_207 = arith.constant 64 : i32
    %add3A_208 = arith.addi %mul3A_206, %add3A_207 : i32
    %add3A_209 = arith.constant 8 : i32
    %add3A_210 = arith.addi %add3A_208, %add3A_209 : i32
    %add3A_211 = vector.broadcast %add3A_210 : i32 to vector<16xi32>
    %add3A_212 = arith.addi %broadcast_in_dim3A_17, %add3A_211 : vector<16xi32>
    %swap3A_213 = arith.constant 128 : index
    %swap3A_214 = tpu.vector_load %arg11[%swap3A_213] {strides = array<i32>} : memref<1024xi32, #tpu.memory_space<vmem>>, vector<16xi32>,
    tpu.vector_store %arg11[%swap3A_213], %add3A_212 {strides = array<i32>} : memref<1024xi32, #tpu.memory_space<vmem>>, vector<16xi32>,
    %mul3A_215 = arith.constant 2 : i32
    %mul3A_216 = arith.muli %arg1, %mul3A_215 : i32
    %mul3A_217 = arith.constant 64 : i32
    %mul3A_218 = arith.muli %mul3A_216, %mul3A_217 : i32
    %add3A_219 = arith.constant 9 : i32
    %add3A_220 = arith.addi %mul3A_218, %add3A_219 : i32
    %add3A_221 = vector.broadcast %add3A_220 : i32 to vector<16xi32>
    %add3A_222 = arith.addi %broadcast_in_dim3A_17, %add3A_221 : vector<16xi32>
    %swap3A_223 = arith.constant 144 : index
    %swap3A_224 = tpu.vector_load %arg10[%swap3A_223] {strides = array<i32>} : memref<1024xi32, #tpu.memory_space<vmem>>, vector<16xi32>,
    tpu.vector_store %arg10[%swap3A_223], %add3A_222 {strides = array<i32>} : memref<1024xi32, #tpu.memory_space<vmem>>, vector<16xi32>,
    %mul3A_225 = arith.constant 2 : i32
    %mul3A_226 = arith.muli %arg1, %mul3A_225 : i32
    %mul3A_227 = arith.constant 64 : i32
    %mul3A_228 = arith.muli %mul3A_226, %mul3A_227 : i32
    %add3A_229 = arith.constant 64 : i32
    %add3A_230 = arith.addi %mul3A_228, %add3A_229 : i32
    %add3A_231 = arith.constant 9 : i32
    %add3A_232 = arith.addi %add3A_230, %add3A_231 : i32
    %add3A_233 = vector.broadcast %add3A_232 : i32 to vector<16xi32>
    %add3A_234 = arith.addi %broadcast_in_dim3A_17, %add3A_233 : vector<16xi32>
    %swap3A_235 = arith.constant 144 : index
    %swap3A_236 = tpu.vector_load %arg11[%swap3A_235] {strides = array<i32>} : memref<1024xi32, #tpu.memory_space<vmem>>, vector<16xi32>,
    tpu.vector_store %arg11[%swap3A_235], %add3A_234 {strides = array<i32>} : memref<1024xi32, #tpu.memory_space<vmem>>, vector<16xi32>,
    %mul3A_237 = arith.constant 2 : i32
    %mul3A_238 = arith.muli %arg1, %mul3A_237 : i32
    %mul3A_239 = arith.constant 64 : i32
    %mul3A_240 = arith.muli %mul3A_238, %mul3A_239 : i32
    %add3A_241 = arith.constant 10 : i32
    %add3A_242 = arith.addi %mul3A_240, %add3A_241 : i32
    %add3A_243 = vector.broadcast %add3A_242 : i32 to vector<16xi32>
    %add3A_244 = arith.addi %broadcast_in_dim3A_17, %add3A_243 : vector<16xi32>
    %swap3A_245 = arith.constant 160 : index
    %swap3A_246 = tpu.vector_load %arg10[%swap3A_245] {strides = array<i32>} : memref<1024xi32, #tpu.memory_space<vmem>>, vector<16xi32>,
    tpu.vector_store %arg10[%swap3A_245], %add3A_244 {strides = array<i32>} : memref<1024xi32, #tpu.memory_space<vmem>>, vector<16xi32>,
    %mul3A_247 = arith.constant 2 : i32
    %mul3A_248 = arith.muli %arg1, %mul3A_247 : i32
    %mul3A_249 = arith.constant 64 : i32
    %mul3A_250 = arith.muli %mul3A_248, %mul3A_249 : i32
    %add3A_251 = arith.constant 64 : i32
    %add3A_252 = arith.addi %mul3A_250, %add3A_251 : i32
    %add3A_253 = arith.constant 10 : i32
    %add3A_254 = arith.addi %add3A_252, %add3A_253 : i32
    %add3A_255 = vector.broadcast %add3A_254 : i32 to vector<16xi32>
    %add3A_256 = arith.addi %broadcast_in_dim3A_17, %add3A_255 : vector<16xi32>
    %swap3A_257 = arith.constant 160 : index
    %swap3A_258 = tpu.vector_load %arg11[%swap3A_257] {strides = array<i32>} : memref<1024xi32, #tpu.memory_space<vmem>>, vector<16xi32>,
    tpu.vector_store %arg11[%swap3A_257], %add3A_256 {strides = array<i32>} : memref<1024xi32, #tpu.memory_space<vmem>>, vector<16xi32>,
    %mul3A_259 = arith.constant 2 : i32
    %mul3A_260 = arith.muli %arg1, %mul3A_259 : i32
    %mul3A_261 = arith.constant 64 : i32
    %mul3A_262 = arith.muli %mul3A_260, %mul3A_261 : i32
    %add3A_263 = arith.constant 11 : i32
    %add3A_264 = arith.addi %mul3A_262, %add3A_263 : i32
    %add3A_265 = vector.broadcast %add3A_264 : i32 to vector<16xi32>
    %add3A_266 = arith.addi %broadcast_in_dim3A_17, %add3A_265 : vector<16xi32>
    %swap3A_267 = arith.constant 176 : index
    %swap3A_268 = tpu.vector_load %arg10[%swap3A_267] {strides = array<i32>} : memref<1024xi32, #tpu.memory_space<vmem>>, vector<16xi32>,
    tpu.vector_store %arg10[%swap3A_267], %add3A_266 {strides = array<i32>} : memref<1024xi32, #tpu.memory_space<vmem>>, vector<16xi32>,
    %mul3A_269 = arith.constant 2 : i32
    %mul3A_270 = arith.muli %arg1, %mul3A_269 : i32
    %mul3A_271 = arith.constant 64 : i32
    %mul3A_272 = arith.muli %mul3A_270, %mul3A_271 : i32
    %add3A_273 = arith.constant 64 : i32
    %add3A_274 = arith.addi %mul3A_272, %add3A_273 : i32
    %add3A_275 = arith.constant 11 : i32
    %add3A_276 = arith.addi %add3A_274, %add3A_275 : i32
    %add3A_277 = vector.broadcast %add3A_276 : i32 to vector<16xi32>
    %add3A_278 = arith.addi %broadcast_in_dim3A_17, %add3A_277 : vector<16xi32>
    %swap3A_279 = arith.constant 176 : index
    %swap3A_280 = tpu.vector_load %arg11[%swap3A_279] {strides = array<i32>} : memref<1024xi32, #tpu.memory_space<vmem>>, vector<16xi32>,
    tpu.vector_store %arg11[%swap3A_279], %add3A_278 {strides = array<i32>} : memref<1024xi32, #tpu.memory_space<vmem>>, vector<16xi32>,
    %mul3A_281 = arith.constant 2 : i32
    %mul3A_282 = arith.muli %arg1, %mul3A_281 : i32
    %mul3A_283 = arith.constant 64 : i32
    %mul3A_284 = arith.muli %mul3A_282, %mul3A_283 : i32
    %add3A_285 = arith.constant 12 : i32
    %add3A_286 = arith.addi %mul3A_284, %add3A_285 : i32
    %add3A_287 = vector.broadcast %add3A_286 : i32 to vector<16xi32>
    %add3A_288 = arith.addi %broadcast_in_dim3A_17, %add3A_287 : vector<16xi32>
    %swap3A_289 = arith.constant 192 : index
    %swap3A_290 = tpu.vector_load %arg10[%swap3A_289] {strides = array<i32>} : memref<1024xi32, #tpu.memory_space<vmem>>, vector<16xi32>,
    tpu.vector_store %arg10[%swap3A_289], %add3A_288 {strides = array<i32>} : memref<1024xi32, #tpu.memory_space<vmem>>, vector<16xi32>,
    %mul3A_291 = arith.constant 2 : i32
    %mul3A_292 = arith.muli %arg1, %mul3A_291 : i32
    %mul3A_293 = arith.constant 64 : i32
    %mul3A_294 = arith.muli %mul3A_292, %mul3A_293 : i32
    %add3A_295 = arith.constant 64 : i32
    %add3A_296 = arith.addi %mul3A_294, %add3A_295 : i32
    %add3A_297 = arith.constant 12 : i32
    %add3A_298 = arith.addi %add3A_296, %add3A_297 : i32
    %add3A_299 = vector.broadcast %add3A_298 : i32 to vector<16xi32>
    %add3A_300 = arith.addi %broadcast_in_dim3A_17, %add3A_299 : vector<16xi32>
    %swap3A_301 = arith.constant 192 : index
    %swap3A_302 = tpu.vector_load %arg11[%swap3A_301] {strides = array<i32>} : memref<1024xi32, #tpu.memory_space<vmem>>, vector<16xi32>,
    tpu.vector_store %arg11[%swap3A_301], %add3A_300 {strides = array<i32>} : memref<1024xi32, #tpu.memory_space<vmem>>, vector<16xi32>,
    %mul3A_303 = arith.constant 2 : i32
    %mul3A_304 = arith.muli %arg1, %mul3A_303 : i32
    %mul3A_305 = arith.constant 64 : i32
    %mul3A_306 = arith.muli %mul3A_304, %mul3A_305 : i32
    %add3A_307 = arith.constant 13 : i32
    %add3A_308 = arith.addi %mul3A_306, %add3A_307 : i32
    %add3A_309 = vector.broadcast %add3A_308 : i32 to vector<16xi32>
    %add3A_310 = arith.addi %broadcast_in_dim3A_17, %add3A_309 : vector<16xi32>
    %swap3A_311 = arith.constant 208 : index
    %swap3A_312 = tpu.vector_load %arg10[%swap3A_311] {strides = array<i32>} : memref<1024xi32, #tpu.memory_space<vmem>>, vector<16xi32>,
    tpu.vector_store %arg10[%swap3A_311], %add3A_310 {strides = array<i32>} : memref<1024xi32, #tpu.memory_space<vmem>>, vector<16xi32>,
    %mul3A_313 = arith.constant 2 : i32
    %mul3A_314 = arith.muli %arg1, %mul3A_313 : i32
    %mul3A_315 = arith.constant 64 : i32
    %mul3A_316 = arith.muli %mul3A_314, %mul3A_315 : i32
    %add3A_317 = arith.constant 64 : i32
    %add3A_318 = arith.addi %mul3A_316, %add3A_317 : i32
    %add3A_319 = arith.constant 13 : i32
    %add3A_320 = arith.addi %add3A_318, %add3A_319 : i32
    %add3A_321 = vector.broadcast %add3A_320 : i32 to vector<16xi32>
    %add3A_322 = arith.addi %broadcast_in_dim3A_17, %add3A_321 : vector<16xi32>
    %swap3A_323 = arith.constant 208 : index
    %swap3A_324 = tpu.vector_load %arg11[%swap3A_323] {strides = array<i32>} : memref<1024xi32, #tpu.memory_space<vmem>>, vector<16xi32>,
    tpu.vector_store %arg11[%swap3A_323], %add3A_322 {strides = array<i32>} : memref<1024xi32, #tpu.memory_space<vmem>>, vector<16xi32>,
    %mul3A_325 = arith.constant 2 : i32
    %mul3A_326 = arith.muli %arg1, %mul3A_325 : i32
    %mul3A_327 = arith.constant 64 : i32
    %mul3A_328 = arith.muli %mul3A_326, %mul3A_327 : i32
    %add3A_329 = arith.constant 14 : i32
    %add3A_330 = arith.addi %mul3A_328, %add3A_329 : i32
    %add3A_331 = vector.broadcast %add3A_330 : i32 to vector<16xi32>
    %add3A_332 = arith.addi %broadcast_in_dim3A_17, %add3A_331 : vector<16xi32>
    %swap3A_333 = arith.constant 224 : index
    %swap3A_334 = tpu.vector_load %arg10[%swap3A_333] {strides = array<i32>} : memref<1024xi32, #tpu.memory_space<vmem>>, vector<16xi32>,
    tpu.vector_store %arg10[%swap3A_333], %add3A_332 {strides = array<i32>} : memref<1024xi32, #tpu.memory_space<vmem>>, vector<16xi32>,
    %mul3A_335 = arith.constant 2 : i32
    %mul3A_336 = arith.muli %arg1, %mul3A_335 : i32
    %mul3A_337 = arith.constant 64 : i32
    %mul3A_338 = arith.muli %mul3A_336, %mul3A_337 : i32
    %add3A_339 = arith.constant 64 : i32
    %add3A_340 = arith.addi %mul3A_338, %add3A_339 : i32
    %add3A_341 = arith.constant 14 : i32
    %add3A_342 = arith.addi %add3A_340, %add3A_341 : i32
    %add3A_343 = vector.broadcast %add3A_342 : i32 to vector<16xi32>
    %add3A_344 = arith.addi %broadcast_in_dim3A_17, %add3A_343 : vector<16xi32>
    %swap3A_345 = arith.constant 224 : index
    %swap3A_346 = tpu.vector_load %arg11[%swap3A_345] {strides = array<i32>} : memref<1024xi32, #tpu.memory_space<vmem>>, vector<16xi32>,
    tpu.vector_store %arg11[%swap3A_345], %add3A_344 {strides = array<i32>} : memref<1024xi32, #tpu.memory_space<vmem>>, vector<16xi32>,
    %mul3A_347 = arith.constant 2 : i32
    %mul3A_348 = arith.muli %arg1, %mul3A_347 : i32
    %mul3A_349 = arith.constant 64 : i32
    %mul3A_350 = arith.muli %mul3A_348, %mul3A_349 : i32
    %add3A_351 = arith.constant 15 : i32
    %add3A_352 = arith.addi %mul3A_350, %add3A_351 : i32
    %add3A_353 = vector.broadcast %add3A_352 : i32 to vector<16xi32>
    %add3A_354 = arith.addi %broadcast_in_dim3A_17, %add3A_353 : vector<16xi32>
    %swap3A_355 = arith.constant 240 : index
    %swap3A_356 = tpu.vector_load %arg10[%swap3A_355] {strides = array<i32>} : memref<1024xi32, #tpu.memory_space<vmem>>, vector<16xi32>,
    tpu.vector_store %arg10[%swap3A_355], %add3A_354 {strides = array<i32>} : memref<1024xi32, #tpu.memory_space<vmem>>, vector<16xi32>,
    %mul3A_357 = arith.constant 2 : i32
    %mul3A_358 = arith.muli %arg1, %mul3A_357 : i32
    %mul3A_359 = arith.constant 64 : i32
    %mul3A_360 = arith.muli %mul3A_358, %mul3A_359 : i32
    %add3A_361 = arith.constant 64 : i32
    %add3A_362 = arith.addi %mul3A_360, %add3A_361 : i32
    %add3A_363 = arith.constant 15 : i32
    %add3A_364 = arith.addi %add3A_362, %add3A_363 : i32
    %add3A_365 = vector.broadcast %add3A_364 : i32 to vector<16xi32>
    %add3A_366 = arith.addi %broadcast_in_dim3A_17, %add3A_365 : vector<16xi32>
    %swap3A_367 = arith.constant 240 : index
    %swap3A_368 = tpu.vector_load %arg11[%swap3A_367] {strides = array<i32>} : memref<1024xi32, #tpu.memory_space<vmem>>, vector<16xi32>,
    tpu.vector_store %arg11[%swap3A_367], %add3A_366 {strides = array<i32>} : memref<1024xi32, #tpu.memory_space<vmem>>, vector<16xi32>,
    %mul3A_369 = arith.constant 2 : i32
    %mul3A_370 = arith.muli %arg1, %mul3A_369 : i32
    %mul3A_371 = arith.constant 64 : i32
    %mul3A_372 = arith.muli %mul3A_370, %mul3A_371 : i32
    %add3A_373 = arith.constant 16 : i32
    %add3A_374 = arith.addi %mul3A_372, %add3A_373 : i32
    %add3A_375 = vector.broadcast %add3A_374 : i32 to vector<16xi32>
    %add3A_376 = arith.addi %broadcast_in_dim3A_17, %add3A_375 : vector<16xi32>
    %swap3A_377 = arith.constant 256 : index
    %swap3A_378 = tpu.vector_load %arg10[%swap3A_377] {strides = array<i32>} : memref<1024xi32, #tpu.memory_space<vmem>>, vector<16xi32>,
    tpu.vector_store %arg10[%swap3A_377], %add3A_376 {strides = array<i32>} : memref<1024xi32, #tpu.memory_space<vmem>>, vector<16xi32>,
    %mul3A_379 = arith.constant 2 : i32
    %mul3A_380 = arith.muli %arg1, %mul3A_379 : i32
    %mul3A_381 = arith.constant 64 : i32
    %mul3A_382 = arith.muli %mul3A_380, %mul3A_381 : i32
    %add3A_383 = arith.constant 64 : i32
    %add3A_384 = arith.addi %mul3A_382, %add3A_383 : i32
    %add3A_385 = arith.constant 16 : i32
    %add3A_386 = arith.addi %add3A_384, %add3A_385 : i32
    %add3A_387 = vector.broadcast %add3A_386 : i32 to vector<16xi32>
    %add3A_388 = arith.addi %broadcast_in_dim3A_17, %add3A_387 : vector<16xi32>
    %swap3A_389 = arith.constant 256 : index
    %swap3A_390 = tpu.vector_load %arg11[%swap3A_389] {strides = array<i32>} : memref<1024xi32, #tpu.memory_space<vmem>>, vector<16xi32>,
    tpu.vector_store %arg11[%swap3A_389], %add3A_388 {strides = array<i32>} : memref<1024xi32, #tpu.memory_space<vmem>>, vector<16xi32>,
    %mul3A_391 = arith.constant 2 : i32
    %mul3A_392 = arith.muli %arg1, %mul3A_391 : i32
    %mul3A_393 = arith.constant 64 : i32
    %mul3A_394 = arith.muli %mul3A_392, %mul3A_393 : i32
    %add3A_395 = arith.constant 17 : i32
    %add3A_396 = arith.addi %mul3A_394, %add3A_395 : i32
    %add3A_397 = vector.broadcast %add3A_396 : i32 to vector<16xi32>
    %add3A_398 = arith.addi %broadcast_in_dim3A_17, %add3A_397 : vector<16xi32>
    %swap3A_399 = arith.constant 272 : index
    %swap3A_400 = tpu.vector_load %arg10[%swap3A_399] {strides = array<i32>} : memref<1024xi32, #tpu.memory_space<vmem>>, vector<16xi32>,
    tpu.vector_store %arg10[%swap3A_399], %add3A_398 {strides = array<i32>} : memref<1024xi32, #tpu.memory_space<vmem>>, vector<16xi32>,
    %mul3A_401 = arith.constant 2 : i32
    %mul3A_402 = arith.muli %arg1, %mul3A_401 : i32
    %mul3A_403 = arith.constant 64 : i32
    %mul3A_404 = arith.muli %mul3A_402, %mul3A_403 : i32
    %add3A_405 = arith.constant 64 : i32
    %add3A_406 = arith.addi %mul3A_404, %add3A_405 : i32
    %add3A_407 = arith.constant 17 : i32
    %add3A_408 = arith.addi %add3A_406, %add3A_407 : i32
    %add3A_409 = vector.broadcast %add3A_408 : i32 to vector<16xi32>
    %add3A_410 = arith.addi %broadcast_in_dim3A_17, %add3A_409 : vector<16xi32>
    %swap3A_411 = arith.constant 272 : index
    %swap3A_412 = tpu.vector_load %arg11[%swap3A_411] {strides = array<i32>} : memref<1024xi32, #tpu.memory_space<vmem>>, vector<16xi32>,
    tpu.vector_store %arg11[%swap3A_411], %add3A_410 {strides = array<i32>} : memref<1024xi32, #tpu.memory_space<vmem>>, vector<16xi32>,
    %mul3A_413 = arith.constant 2 : i32
    %mul3A_414 = arith.muli %arg1, %mul3A_413 : i32
    %mul3A_415 = arith.constant 64 : i32
    %mul3A_416 = arith.muli %mul3A_414, %mul3A_415 : i32
    %add3A_417 = arith.constant 18 : i32
    %add3A_418 = arith.addi %mul3A_416, %add3A_417 : i32
    %add3A_419 = vector.broadcast %add3A_418 : i32 to vector<16xi32>
    %add3A_420 = arith.addi %broadcast_in_dim3A_17, %add3A_419 : vector<16xi32>
    %swap3A_421 = arith.constant 288 : index
    %swap3A_422 = tpu.vector_load %arg10[%swap3A_421] {strides = array<i32>} : memref<1024xi32, #tpu.memory_space<vmem>>, vector<16xi32>,
    tpu.vector_store %arg10[%swap3A_421], %add3A_420 {strides = array<i32>} : memref<1024xi32, #tpu.memory_space<vmem>>, vector<16xi32>,
    %mul3A_423 = arith.constant 2 : i32
    %mul3A_424 = arith.muli %arg1, %mul3A_423 : i32
    %mul3A_425 = arith.constant 64 : i32
    %mul3A_426 = arith.muli %mul3A_424, %mul3A_425 : i32
    %add3A_427 = arith.constant 64 : i32
    %add3A_428 = arith.addi %mul3A_426, %add3A_427 : i32
    %add3A_429 = arith.constant 18 : i32
    %add3A_430 = arith.addi %add3A_428, %add3A_429 : i32
    %add3A_431 = vector.broadcast %add3A_430 : i32 to vector<16xi32>
    %add3A_432 = arith.addi %broadcast_in_dim3A_17, %add3A_431 : vector<16xi32>
    %swap3A_433 = arith.constant 288 : index
    %swap3A_434 = tpu.vector_load %arg11[%swap3A_433] {strides = array<i32>} : memref<1024xi32, #tpu.memory_space<vmem>>, vector<16xi32>,
    tpu.vector_store %arg11[%swap3A_433], %add3A_432 {strides = array<i32>} : memref<1024xi32, #tpu.memory_space<vmem>>, vector<16xi32>,
    %mul3A_435 = arith.constant 2 : i32
    %mul3A_436 = arith.muli %arg1, %mul3A_435 : i32
    %mul3A_437 = arith.constant 64 : i32
    %mul3A_438 = arith.muli %mul3A_436, %mul3A_437 : i32
    %add3A_439 = arith.constant 19 : i32
    %add3A_440 = arith.addi %mul3A_438, %add3A_439 : i32
    %add3A_441 = vector.broadcast %add3A_440 : i32 to vector<16xi32>
    %add3A_442 = arith.addi %broadcast_in_dim3A_17, %add3A_441 : vector<16xi32>
    %swap3A_443 = arith.constant 304 : index
    %swap3A_444 = tpu.vector_load %arg10[%swap3A_443] {strides = array<i32>} : memref<1024xi32, #tpu.memory_space<vmem>>, vector<16xi32>,
    tpu.vector_store %arg10[%swap3A_443], %add3A_442 {strides = array<i32>} : memref<1024xi32, #tpu.memory_space<vmem>>, vector<16xi32>,
    %mul3A_445 = arith.constant 2 : i32
    %mul3A_446 = arith.muli %arg1, %mul3A_445 : i32
    %mul3A_447 = arith.constant 64 : i32
    %mul3A_448 = arith.muli %mul3A_446, %mul3A_447 : i32
    %add3A_449 = arith.constant 64 : i32
    %add3A_450 = arith.addi %mul3A_448, %add3A_449 : i32
    %add3A_451 = arith.constant 19 : i32
    %add3A_452 = arith.addi %add3A_450, %add3A_451 : i32
    %add3A_453 = vector.broadcast %add3A_452 : i32 to vector<16xi32>
    %add3A_454 = arith.addi %broadcast_in_dim3A_17, %add3A_453 : vector<16xi32>
    %swap3A_455 = arith.constant 304 : index
    %swap3A_456 = tpu.vector_load %arg11[%swap3A_455] {strides = array<i32>} : memref<1024xi32, #tpu.memory_space<vmem>>, vector<16xi32>,
    tpu.vector_store %arg11[%swap3A_455], %add3A_454 {strides = array<i32>} : memref<1024xi32, #tpu.memory_space<vmem>>, vector<16xi32>,
    %mul3A_457 = arith.constant 2 : i32
    %mul3A_458 = arith.muli %arg1, %mul3A_457 : i32
    %mul3A_459 = arith.constant 64 : i32
    %mul3A_460 = arith.muli %mul3A_458, %mul3A_459 : i32
    %add3A_461 = arith.constant 20 : i32
    %add3A_462 = arith.addi %mul3A_460, %add3A_461 : i32
    %add3A_463 = vector.broadcast %add3A_462 : i32 to vector<16xi32>
    %add3A_464 = arith.addi %broadcast_in_dim3A_17, %add3A_463 : vector<16xi32>
    %swap3A_465 = arith.constant 320 : index
    %swap3A_466 = tpu.vector_load %arg10[%swap3A_465] {strides = array<i32>} : memref<1024xi32, #tpu.memory_space<vmem>>, vector<16xi32>,
    tpu.vector_store %arg10[%swap3A_465], %add3A_464 {strides = array<i32>} : memref<1024xi32, #tpu.memory_space<vmem>>, vector<16xi32>,
    %mul3A_467 = arith.constant 2 : i32
    %mul3A_468 = arith.muli %arg1, %mul3A_467 : i32
    %mul3A_469 = arith.constant 64 : i32
    %mul3A_470 = arith.muli %mul3A_468, %mul3A_469 : i32
    %add3A_471 = arith.constant 64 : i32
    %add3A_472 = arith.addi %mul3A_470, %add3A_471 : i32
    %add3A_473 = arith.constant 20 : i32
    %add3A_474 = arith.addi %add3A_472, %add3A_473 : i32
    %add3A_475 = vector.broadcast %add3A_474 : i32 to vector<16xi32>
    %add3A_476 = arith.addi %broadcast_in_dim3A_17, %add3A_475 : vector<16xi32>
    %swap3A_477 = arith.constant 320 : index
    %swap3A_478 = tpu.vector_load %arg11[%swap3A_477] {strides = array<i32>} : memref<1024xi32, #tpu.memory_space<vmem>>, vector<16xi32>,
    tpu.vector_store %arg11[%swap3A_477], %add3A_476 {strides = array<i32>} : memref<1024xi32, #tpu.memory_space<vmem>>, vector<16xi32>,
    %mul3A_479 = arith.constant 2 : i32
    %mul3A_480 = arith.muli %arg1, %mul3A_479 : i32
    %mul3A_481 = arith.constant 64 : i32
    %mul3A_482 = arith.muli %mul3A_480, %mul3A_481 : i32
    %add3A_483 = arith.constant 21 : i32
    %add3A_484 = arith.addi %mul3A_482, %add3A_483 : i32
    %add3A_485 = vector.broadcast %add3A_484 : i32 to vector<16xi32>
    %add3A_486 = arith.addi %broadcast_in_dim3A_17, %add3A_485 : vector<16xi32>
    %swap3A_487 = arith.constant 336 : index
    %swap3A_488 = tpu.vector_load %arg10[%swap3A_487] {strides = array<i32>} : memref<1024xi32, #tpu.memory_space<vmem>>, vector<16xi32>,
    tpu.vector_store %arg10[%swap3A_487], %add3A_486 {strides = array<i32>} : memref<1024xi32, #tpu.memory_space<vmem>>, vector<16xi32>,
    %mul3A_489 = arith.constant 2 : i32
    %mul3A_490 = arith.muli %arg1, %mul3A_489 : i32
    %mul3A_491 = arith.constant 64 : i32
    %mul3A_492 = arith.muli %mul3A_490, %mul3A_491 : i32
    %add3A_493 = arith.constant 64 : i32
    %add3A_494 = arith.addi %mul3A_492, %add3A_493 : i32
    %add3A_495 = arith.constant 21 : i32
    %add3A_496 = arith.addi %add3A_494, %add3A_495 : i32
    %add3A_497 = vector.broadcast %add3A_496 : i32 to vector<16xi32>
    %add3A_498 = arith.addi %broadcast_in_dim3A_17, %add3A_497 : vector<16xi32>
    %swap3A_499 = arith.constant 336 : index
    %swap3A_500 = tpu.vector_load %arg11[%swap3A_499] {strides = array<i32>} : memref<1024xi32, #tpu.memory_space<vmem>>, vector<16xi32>,
    tpu.vector_store %arg11[%swap3A_499], %add3A_498 {strides = array<i32>} : memref<1024xi32, #tpu.memory_space<vmem>>, vector<16xi32>,
    %mul3A_501 = arith.constant 2 : i32
    %mul3A_502 = arith.muli %arg1, %mul3A_501 : i32
    %mul3A_503 = arith.constant 64 : i32
    %mul3A_504 = arith.muli %mul3A_502, %mul3A_503 : i32
    %add3A_505 = arith.constant 22 : i32
    %add3A_506 = arith.addi %mul3A_504, %add3A_505 : i32
    %add3A_507 = vector.broadcast %add3A_506 : i32 to vector<16xi32>
    %add3A_508 = arith.addi %broadcast_in_dim3A_17, %add3A_507 : vector<16xi32>
    %swap3A_509 = arith.constant 352 : index
    %swap3A_510 = tpu.vector_load %arg10[%swap3A_509] {strides = array<i32>} : memref<1024xi32, #tpu.memory_space<vmem>>, vector<16xi32>,
    tpu.vector_store %arg10[%swap3A_509], %add3A_508 {strides = array<i32>} : memref<1024xi32, #tpu.memory_space<vmem>>, vector<16xi32>,
    %mul3A_511 = arith.constant 2 : i32
    %mul3A_512 = arith.muli %arg1, %mul3A_511 : i32
    %mul3A_513 = arith.constant 64 : i32
    %mul3A_514 = arith.muli %mul3A_512, %mul3A_513 : i32
    %add3A_515 = arith.constant 64 : i32
    %add3A_516 = arith.addi %mul3A_514, %add3A_515 : i32
    %add3A_517 = arith.constant 22 : i32
    %add3A_518 = arith.addi %add3A_516, %add3A_517 : i32
    %add3A_519 = vector.broadcast %add3A_518 : i32 to vector<16xi32>
    %add3A_520 = arith.addi %broadcast_in_dim3A_17, %add3A_519 : vector<16xi32>
    %swap3A_521 = arith.constant 352 : index
    %swap3A_522 = tpu.vector_load %arg11[%swap3A_521] {strides = array<i32>} : memref<1024xi32, #tpu.memory_space<vmem>>, vector<16xi32>,
    tpu.vector_store %arg11[%swap3A_521], %add3A_520 {strides = array<i32>} : memref<1024xi32, #tpu.memory_space<vmem>>, vector<16xi32>,
    %mul3A_523 = arith.constant 2 : i32
    %mul3A_524 = arith.muli %arg1, %mul3A_523 : i32
    %mul3A_525 = arith.constant 64 : i32
    %mul3A_526 = arith.muli %mul3A_524, %mul3A_525 : i32
    %add3A_527 = arith.constant 23 : i32
    %add3A_528 = arith.addi %mul3A_526, %add3A_527 : i32
    %add3A_529 = vector.broadcast %add3A_528 : i32 to vector<16xi32>
    %add3A_530 = arith.addi %broadcast_in_dim3A_17, %add3A_529 : vector<16xi32>
    %swap3A_531 = arith.constant 368 : index
    %swap3A_532 = tpu.vector_load %arg10[%swap3A_531] {strides = array<i32>} : memref<1024xi32, #tpu.memory_space<vmem>>, vector<16xi32>,
    tpu.vector_store %arg10[%swap3A_531], %add3A_530 {strides = array<i32>} : memref<1024xi32, #tpu.memory_space<vmem>>, vector<16xi32>,
    %mul3A_533 = arith.constant 2 : i32
    %mul3A_534 = arith.muli %arg1, %mul3A_533 : i32
    %mul3A_535 = arith.constant 64 : i32
    %mul3A_536 = arith.muli %mul3A_534, %mul3A_535 : i32
    %add3A_537 = arith.constant 64 : i32
    %add3A_538 = arith.addi %mul3A_536, %add3A_537 : i32
    %add3A_539 = arith.constant 23 : i32
    %add3A_540 = arith.addi %add3A_538, %add3A_539 : i32
    %add3A_541 = vector.broadcast %add3A_540 : i32 to vector<16xi32>
    %add3A_542 = arith.addi %broadcast_in_dim3A_17, %add3A_541 : vector<16xi32>
    %swap3A_543 = arith.constant 368 : index
    %swap3A_544 = tpu.vector_load %arg11[%swap3A_543] {strides = array<i32>} : memref<1024xi32, #tpu.memory_space<vmem>>, vector<16xi32>,
    tpu.vector_store %arg11[%swap3A_543], %add3A_542 {strides = array<i32>} : memref<1024xi32, #tpu.memory_space<vmem>>, vector<16xi32>,
    %mul3A_545 = arith.constant 2 : i32
    %mul3A_546 = arith.muli %arg1, %mul3A_545 : i32
    %mul3A_547 = arith.constant 64 : i32
    %mul3A_548 = arith.muli %mul3A_546, %mul3A_547 : i32
    %add3A_549 = arith.constant 24 : i32
    %add3A_550 = arith.addi %mul3A_548, %add3A_549 : i32
    %add3A_551 = vector.broadcast %add3A_550 : i32 to vector<16xi32>
    %add3A_552 = arith.addi %broadcast_in_dim3A_17, %add3A_551 : vector<16xi32>
    %swap3A_553 = arith.constant 384 : index
    %swap3A_554 = tpu.vector_load %arg10[%swap3A_553] {strides = array<i32>} : memref<1024xi32, #tpu.memory_space<vmem>>, vector<16xi32>,
    tpu.vector_store %arg10[%swap3A_553], %add3A_552 {strides = array<i32>} : memref<1024xi32, #tpu.memory_space<vmem>>, vector<16xi32>,
    %mul3A_555 = arith.constant 2 : i32
    %mul3A_556 = arith.muli %arg1, %mul3A_555 : i32
    %mul3A_557 = arith.constant 64 : i32
    %mul3A_558 = arith.muli %mul3A_556, %mul3A_557 : i32
    %add3A_559 = arith.constant 64 : i32
    %add3A_560 = arith.addi %mul3A_558, %add3A_559 : i32
    %add3A_561 = arith.constant 24 : i32
    %add3A_562 = arith.addi %add3A_560, %add3A_561 : i32
    %add3A_563 = vector.broadcast %add3A_562 : i32 to vector<16xi32>
    %add3A_564 = arith.addi %broadcast_in_dim3A_17, %add3A_563 : vector<16xi32>
    %swap3A_565 = arith.constant 384 : index
    %swap3A_566 = tpu.vector_load %arg11[%swap3A_565] {strides = array<i32>} : memref<1024xi32, #tpu.memory_space<vmem>>, vector<16xi32>,
    tpu.vector_store %arg11[%swap3A_565], %add3A_564 {strides = array<i32>} : memref<1024xi32, #tpu.memory_space<vmem>>, vector<16xi32>,
    %mul3A_567 = arith.constant 2 : i32
    %mul3A_568 = arith.muli %arg1, %mul3A_567 : i32
    %mul3A_569 = arith.constant 64 : i32
    %mul3A_570 = arith.muli %mul3A_568, %mul3A_569 : i32
    %add3A_571 = arith.constant 25 : i32
    %add3A_572 = arith.addi %mul3A_570, %add3A_571 : i32
    %add3A_573 = vector.broadcast %add3A_572 : i32 to vector<16xi32>
    %add3A_574 = arith.addi %broadcast_in_dim3A_17, %add3A_573 : vector<16xi32>
    %swap3A_575 = arith.constant 400 : index
    %swap3A_576 = tpu.vector_load %arg10[%swap3A_575] {strides = array<i32>} : memref<1024xi32, #tpu.memory_space<vmem>>, vector<16xi32>,
    tpu.vector_store %arg10[%swap3A_575], %add3A_574 {strides = array<i32>} : memref<1024xi32, #tpu.memory_space<vmem>>, vector<16xi32>,
    %mul3A_577 = arith.constant 2 : i32
    %mul3A_578 = arith.muli %arg1, %mul3A_577 : i32
    %mul3A_579 = arith.constant 64 : i32
    %mul3A_580 = arith.muli %mul3A_578, %mul3A_579 : i32
    %add3A_581 = arith.constant 64 : i32
    %add3A_582 = arith.addi %mul3A_580, %add3A_581 : i32
    %add3A_583 = arith.constant 25 : i32
    %add3A_584 = arith.addi %add3A_582, %add3A_583 : i32
    %add3A_585 = vector.broadcast %add3A_584 : i32 to vector<16xi32>
    %add3A_586 = arith.addi %broadcast_in_dim3A_17, %add3A_585 : vector<16xi32>
    %swap3A_587 = arith.constant 400 : index
    %swap3A_588 = tpu.vector_load %arg11[%swap3A_587] {strides = array<i32>} : memref<1024xi32, #tpu.memory_space<vmem>>, vector<16xi32>,
    tpu.vector_store %arg11[%swap3A_587], %add3A_586 {strides = array<i32>} : memref<1024xi32, #tpu.memory_space<vmem>>, vector<16xi32>,
    %mul3A_589 = arith.constant 2 : i32
    %mul3A_590 = arith.muli %arg1, %mul3A_589 : i32
    %mul3A_591 = arith.constant 64 : i32
    %mul3A_592 = arith.muli %mul3A_590, %mul3A_591 : i32
    %add3A_593 = arith.constant 26 : i32
    %add3A_594 = arith.addi %mul3A_592, %add3A_593 : i32
    %add3A_595 = vector.broadcast %add3A_594 : i32 to vector<16xi32>
    %add3A_596 = arith.addi %broadcast_in_dim3A_17, %add3A_595 : vector<16xi32>
    %swap3A_597 = arith.constant 416 : index
    %swap3A_598 = tpu.vector_load %arg10[%swap3A_597] {strides = array<i32>} : memref<1024xi32, #tpu.memory_space<vmem>>, vector<16xi32>,
    tpu.vector_store %arg10[%swap3A_597], %add3A_596 {strides = array<i32>} : memref<1024xi32, #tpu.memory_space<vmem>>, vector<16xi32>,
    %mul3A_599 = arith.constant 2 : i32
    %mul3A_600 = arith.muli %arg1, %mul3A_599 : i32
    %mul3A_601 = arith.constant 64 : i32
    %mul3A_602 = arith.muli %mul3A_600, %mul3A_601 : i32
    %add3A_603 = arith.constant 64 : i32
    %add3A_604 = arith.addi %mul3A_602, %add3A_603 : i32
    %add3A_605 = arith.constant 26 : i32
    %add3A_606 = arith.addi %add3A_604, %add3A_605 : i32
    %add3A_607 = vector.broadcast %add3A_606 : i32 to vector<16xi32>
    %add3A_608 = arith.addi %broadcast_in_dim3A_17, %add3A_607 : vector<16xi32>
    %swap3A_609 = arith.constant 416 : index
    %swap3A_610 = tpu.vector_load %arg11[%swap3A_609] {strides = array<i32>} : memref<1024xi32, #tpu.memory_space<vmem>>, vector<16xi32>,
    tpu.vector_store %arg11[%swap3A_609], %add3A_608 {strides = array<i32>} : memref<1024xi32, #tpu.memory_space<vmem>>, vector<16xi32>,
    %mul3A_611 = arith.constant 2 : i32
    %mul3A_612 = arith.muli %arg1, %mul3A_611 : i32
    %mul3A_613 = arith.constant 64 : i32
    %mul3A_614 = arith.muli %mul3A_612, %mul3A_613 : i32
    %add3A_615 = arith.constant 27 : i32
    %add3A_616 = arith.addi %mul3A_614, %add3A_615 : i32
    %add3A_617 = vector.broadcast %add3A_616 : i32 to vector<16xi32>
    %add3A_618 = arith.addi %broadcast_in_dim3A_17, %add3A_617 : vector<16xi32>
    %swap3A_619 = arith.constant 432 : index
    %swap3A_620 = tpu.vector_load %arg10[%swap3A_619] {strides = array<i32>} : memref<1024xi32, #tpu.memory_space<vmem>>, vector<16xi32>,
    tpu.vector_store %arg10[%swap3A_619], %add3A_618 {strides = array<i32>} : memref<1024xi32, #tpu.memory_space<vmem>>, vector<16xi32>,
    %mul3A_621 = arith.constant 2 : i32
    %mul3A_622 = arith.muli %arg1, %mul3A_621 : i32
    %mul3A_623 = arith.constant 64 : i32
    %mul3A_624 = arith.muli %mul3A_622, %mul3A_623 : i32
    %add3A_625 = arith.constant 64 : i32
    %add3A_626 = arith.addi %mul3A_624, %add3A_625 : i32
    %add3A_627 = arith.constant 27 : i32
    %add3A_628 = arith.addi %add3A_626, %add3A_627 : i32
    %add3A_629 = vector.broadcast %add3A_628 : i32 to vector<16xi32>
    %add3A_630 = arith.addi %broadcast_in_dim3A_17, %add3A_629 : vector<16xi32>
    %swap3A_631 = arith.constant 432 : index
    %swap3A_632 = tpu.vector_load %arg11[%swap3A_631] {strides = array<i32>} : memref<1024xi32, #tpu.memory_space<vmem>>, vector<16xi32>,
    tpu.vector_store %arg11[%swap3A_631], %add3A_630 {strides = array<i32>} : memref<1024xi32, #tpu.memory_space<vmem>>, vector<16xi32>,
    %mul3A_633 = arith.constant 2 : i32
    %mul3A_634 = arith.muli %arg1, %mul3A_633 : i32
    %mul3A_635 = arith.constant 64 : i32
    %mul3A_636 = arith.muli %mul3A_634, %mul3A_635 : i32
    %add3A_637 = arith.constant 28 : i32
    %add3A_638 = arith.addi %mul3A_636, %add3A_637 : i32
    %add3A_639 = vector.broadcast %add3A_638 : i32 to vector<16xi32>
    %add3A_640 = arith.addi %broadcast_in_dim3A_17, %add3A_639 : vector<16xi32>
    %swap3A_641 = arith.constant 448 : index
    %swap3A_642 = tpu.vector_load %arg10[%swap3A_641] {strides = array<i32>} : memref<1024xi32, #tpu.memory_space<vmem>>, vector<16xi32>,
    tpu.vector_store %arg10[%swap3A_641], %add3A_640 {strides = array<i32>} : memref<1024xi32, #tpu.memory_space<vmem>>, vector<16xi32>,
    %mul3A_643 = arith.constant 2 : i32
    %mul3A_644 = arith.muli %arg1, %mul3A_643 : i32
    %mul3A_645 = arith.constant 64 : i32
    %mul3A_646 = arith.muli %mul3A_644, %mul3A_645 : i32
    %add3A_647 = arith.constant 64 : i32
    %add3A_648 = arith.addi %mul3A_646, %add3A_647 : i32
    %add3A_649 = arith.constant 28 : i32
    %add3A_650 = arith.addi %add3A_648, %add3A_649 : i32
    %add3A_651 = vector.broadcast %add3A_650 : i32 to vector<16xi32>
    %add3A_652 = arith.addi %broadcast_in_dim3A_17, %add3A_651 : vector<16xi32>
    %swap3A_653 = arith.constant 448 : index
    %swap3A_654 = tpu.vector_load %arg11[%swap3A_653] {strides = array<i32>} : memref<1024xi32, #tpu.memory_space<vmem>>, vector<16xi32>,
    tpu.vector_store %arg11[%swap3A_653], %add3A_652 {strides = array<i32>} : memref<1024xi32, #tpu.memory_space<vmem>>, vector<16xi32>,
    %mul3A_655 = arith.constant 2 : i32
    %mul3A_656 = arith.muli %arg1, %mul3A_655 : i32
    %mul3A_657 = arith.constant 64 : i32
    %mul3A_658 = arith.muli %mul3A_656, %mul3A_657 : i32
    %add3A_659 = arith.constant 29 : i32
    %add3A_660 = arith.addi %mul3A_658, %add3A_659 : i32
    %add3A_661 = vector.broadcast %add3A_660 : i32 to vector<16xi32>
    %add3A_662 = arith.addi %broadcast_in_dim3A_17, %add3A_661 : vector<16xi32>
    %swap3A_663 = arith.constant 464 : index
    %swap3A_664 = tpu.vector_load %arg10[%swap3A_663] {strides = array<i32>} : memref<1024xi32, #tpu.memory_space<vmem>>, vector<16xi32>,
    tpu.vector_store %arg10[%swap3A_663], %add3A_662 {strides = array<i32>} : memref<1024xi32, #tpu.memory_space<vmem>>, vector<16xi32>,
    %mul3A_665 = arith.constant 2 : i32
    %mul3A_666 = arith.muli %arg1, %mul3A_665 : i32
    %mul3A_667 = arith.constant 64 : i32
    %mul3A_668 = arith.muli %mul3A_666, %mul3A_667 : i32
    %add3A_669 = arith.constant 64 : i32
    %add3A_670 = arith.addi %mul3A_668, %add3A_669 : i32
    %add3A_671 = arith.constant 29 : i32
    %add3A_672 = arith.addi %add3A_670, %add3A_671 : i32
    %add3A_673 = vector.broadcast %add3A_672 : i32 to vector<16xi32>
    %add3A_674 = arith.addi %broadcast_in_dim3A_17, %add3A_673 : vector<16xi32>
    %swap3A_675 = arith.constant 464 : index
    %swap3A_676 = tpu.vector_load %arg11[%swap3A_675] {strides = array<i32>} : memref<1024xi32, #tpu.memory_space<vmem>>, vector<16xi32>,
    tpu.vector_store %arg11[%swap3A_675], %add3A_674 {strides = array<i32>} : memref<1024xi32, #tpu.memory_space<vmem>>, vector<16xi32>,
    %mul3A_677 = arith.constant 2 : i32
    %mul3A_678 = arith.muli %arg1, %mul3A_677 : i32
    %mul3A_679 = arith.constant 64 : i32
    %mul3A_680 = arith.muli %mul3A_678, %mul3A_679 : i32
    %add3A_681 = arith.constant 30 : i32
    %add3A_682 = arith.addi %mul3A_680, %add3A_681 : i32
    %add3A_683 = vector.broadcast %add3A_682 : i32 to vector<16xi32>
    %add3A_684 = arith.addi %broadcast_in_dim3A_17, %add3A_683 : vector<16xi32>
    %swap3A_685 = arith.constant 480 : index
    %swap3A_686 = tpu.vector_load %arg10[%swap3A_685] {strides = array<i32>} : memref<1024xi32, #tpu.memory_space<vmem>>, vector<16xi32>,
    tpu.vector_store %arg10[%swap3A_685], %add3A_684 {strides = array<i32>} : memref<1024xi32, #tpu.memory_space<vmem>>, vector<16xi32>,
    %mul3A_687 = arith.constant 2 : i32
    %mul3A_688 = arith.muli %arg1, %mul3A_687 : i32
    %mul3A_689 = arith.constant 64 : i32
    %mul3A_690 = arith.muli %mul3A_688, %mul3A_689 : i32
    %add3A_691 = arith.constant 64 : i32
    %add3A_692 = arith.addi %mul3A_690, %add3A_691 : i32
    %add3A_693 = arith.constant 30 : i32
    %add3A_694 = arith.addi %add3A_692, %add3A_693 : i32
    %add3A_695 = vector.broadcast %add3A_694 : i32 to vector<16xi32>
    %add3A_696 = arith.addi %broadcast_in_dim3A_17, %add3A_695 : vector<16xi32>
    %swap3A_697 = arith.constant 480 : index
    %swap3A_698 = tpu.vector_load %arg11[%swap3A_697] {strides = array<i32>} : memref<1024xi32, #tpu.memory_space<vmem>>, vector<16xi32>,
    tpu.vector_store %arg11[%swap3A_697], %add3A_696 {strides = array<i32>} : memref<1024xi32, #tpu.memory_space<vmem>>, vector<16xi32>,
    %mul3A_699 = arith.constant 2 : i32
    %mul3A_700 = arith.muli %arg1, %mul3A_699 : i32
    %mul3A_701 = arith.constant 64 : i32
    %mul3A_702 = arith.muli %mul3A_700, %mul3A_701 : i32
    %add3A_703 = arith.constant 31 : i32
    %add3A_704 = arith.addi %mul3A_702, %add3A_703 : i32
    %add3A_705 = vector.broadcast %add3A_704 : i32 to vector<16xi32>
    %add3A_706 = arith.addi %broadcast_in_dim3A_17, %add3A_705 : vector<16xi32>
    %swap3A_707 = arith.constant 496 : index
    %swap3A_708 = tpu.vector_load %arg10[%swap3A_707] {strides = array<i32>} : memref<1024xi32, #tpu.memory_space<vmem>>, vector<16xi32>,
    tpu.vector_store %arg10[%swap3A_707], %add3A_706 {strides = array<i32>} : memref<1024xi32, #tpu.memory_space<vmem>>, vector<16xi32>,
    %mul3A_709 = arith.constant 2 : i32
    %mul3A_710 = arith.muli %arg1, %mul3A_709 : i32
    %mul3A_711 = arith.constant 64 : i32
    %mul3A_712 = arith.muli %mul3A_710, %mul3A_711 : i32
    %add3A_713 = arith.constant 64 : i32
    %add3A_714 = arith.addi %mul3A_712, %add3A_713 : i32
    %add3A_715 = arith.constant 31 : i32
    %add3A_716 = arith.addi %add3A_714, %add3A_715 : i32
    %add3A_717 = vector.broadcast %add3A_716 : i32 to vector<16xi32>
    %add3A_718 = arith.addi %broadcast_in_dim3A_17, %add3A_717 : vector<16xi32>
    %swap3A_719 = arith.constant 496 : index
    %swap3A_720 = tpu.vector_load %arg11[%swap3A_719] {strides = array<i32>} : memref<1024xi32, #tpu.memory_space<vmem>>, vector<16xi32>,
    tpu.vector_store %arg11[%swap3A_719], %add3A_718 {strides = array<i32>} : memref<1024xi32, #tpu.memory_space<vmem>>, vector<16xi32>,
    %mul3A_721 = arith.constant 2 : i32
    %mul3A_722 = arith.muli %arg1, %mul3A_721 : i32
    %mul3A_723 = arith.constant 64 : i32
    %mul3A_724 = arith.muli %mul3A_722, %mul3A_723 : i32
    %add3A_725 = arith.constant 32 : i32
    %add3A_726 = arith.addi %mul3A_724, %add3A_725 : i32
    %add3A_727 = vector.broadcast %add3A_726 : i32 to vector<16xi32>
    %add3A_728 = arith.addi %broadcast_in_dim3A_17, %add3A_727 : vector<16xi32>
    %swap3A_729 = arith.constant 512 : index
    %swap3A_730 = tpu.vector_load %arg10[%swap3A_729] {strides = array<i32>} : memref<1024xi32, #tpu.memory_space<vmem>>, vector<16xi32>,
    tpu.vector_store %arg10[%swap3A_729], %add3A_728 {strides = array<i32>} : memref<1024xi32, #tpu.memory_space<vmem>>, vector<16xi32>,
    %mul3A_731 = arith.constant 2 : i32
    %mul3A_732 = arith.muli %arg1, %mul3A_731 : i32
    %mul3A_733 = arith.constant 64 : i32
    %mul3A_734 = arith.muli %mul3A_732, %mul3A_733 : i32
    %add3A_735 = arith.constant 64 : i32
    %add3A_736 = arith.addi %mul3A_734, %add3A_735 : i32
    %add3A_737 = arith.constant 32 : i32
    %add3A_738 = arith.addi %add3A_736, %add3A_737 : i32
    %add3A_739 = vector.broadcast %add3A_738 : i32 to vector<16xi32>
    %add3A_740 = arith.addi %broadcast_in_dim3A_17, %add3A_739 : vector<16xi32>
    %swap3A_741 = arith.constant 512 : index
    %swap3A_742 = tpu.vector_load %arg11[%swap3A_741] {strides = array<i32>} : memref<1024xi32, #tpu.memory_space<vmem>>, vector<16xi32>,
    tpu.vector_store %arg11[%swap3A_741], %add3A_740 {strides = array<i32>} : memref<1024xi32, #tpu.memory_space<vmem>>, vector<16xi32>,
    %mul3A_743 = arith.constant 2 : i32
    %mul3A_744 = arith.muli %arg1, %mul3A_743 : i32
    %mul3A_745 = arith.constant 64 : i32
    %mul3A_746 = arith.muli %mul3A_744, %mul3A_745 : i32
    %add3A_747 = arith.constant 33 : i32
    %add3A_748 = arith.addi %mul3A_746, %add3A_747 : i32
    %add3A_749 = vector.broadcast %add3A_748 : i32 to vector<16xi32>
    %add3A_750 = arith.addi %broadcast_in_dim3A_17, %add3A_749 : vector<16xi32>
    %swap3A_751 = arith.constant 528 : index
    %swap3A_752 = tpu.vector_load %arg10[%swap3A_751] {strides = array<i32>} : memref<1024xi32, #tpu.memory_space<vmem>>, vector<16xi32>,
    tpu.vector_store %arg10[%swap3A_751], %add3A_750 {strides = array<i32>} : memref<1024xi32, #tpu.memory_space<vmem>>, vector<16xi32>,
    %mul3A_753 = arith.constant 2 : i32
    %mul3A_754 = arith.muli %arg1, %mul3A_753 : i32
    %mul3A_755 = arith.constant 64 : i32
    %mul3A_756 = arith.muli %mul3A_754, %mul3A_755 : i32
    %add3A_757 = arith.constant 64 : i32
    %add3A_758 = arith.addi %mul3A_756, %add3A_757 : i32
    %add3A_759 = arith.constant 33 : i32
    %add3A_760 = arith.addi %add3A_758, %add3A_759 : i32
    %add3A_761 = vector.broadcast %add3A_760 : i32 to vector<16xi32>
    %add3A_762 = arith.addi %broadcast_in_dim3A_17, %add3A_761 : vector<16xi32>
    %swap3A_763 = arith.constant 528 : index
    %swap3A_764 = tpu.vector_load %arg11[%swap3A_763] {strides = array<i32>} : memref<1024xi32, #tpu.memory_space<vmem>>, vector<16xi32>,
    tpu.vector_store %arg11[%swap3A_763], %add3A_762 {strides = array<i32>} : memref<1024xi32, #tpu.memory_space<vmem>>, vector<16xi32>,
    %mul3A_765 = arith.constant 2 : i32
    %mul3A_766 = arith.muli %arg1, %mul3A_765 : i32
    %mul3A_767 = arith.constant 64 : i32
    %mul3A_768 = arith.muli %mul3A_766, %mul3A_767 : i32
    %add3A_769 = arith.constant 34 : i32
    %add3A_770 = arith.addi %mul3A_768, %add3A_769 : i32
    %add3A_771 = vector.broadcast %add3A_770 : i32 to vector<16xi32>
    %add3A_772 = arith.addi %broadcast_in_dim3A_17, %add3A_771 : vector<16xi32>
    %swap3A_773 = arith.constant 544 : index
    %swap3A_774 = tpu.vector_load %arg10[%swap3A_773] {strides = array<i32>} : memref<1024xi32, #tpu.memory_space<vmem>>, vector<16xi32>,
    tpu.vector_store %arg10[%swap3A_773], %add3A_772 {strides = array<i32>} : memref<1024xi32, #tpu.memory_space<vmem>>, vector<16xi32>,
    %mul3A_775 = arith.constant 2 : i32
    %mul3A_776 = arith.muli %arg1, %mul3A_775 : i32
    %mul3A_777 = arith.constant 64 : i32
    %mul3A_778 = arith.muli %mul3A_776, %mul3A_777 : i32
    %add3A_779 = arith.constant 64 : i32
    %add3A_780 = arith.addi %mul3A_778, %add3A_779 : i32
    %add3A_781 = arith.constant 34 : i32
    %add3A_782 = arith.addi %add3A_780, %add3A_781 : i32
    %add3A_783 = vector.broadcast %add3A_782 : i32 to vector<16xi32>
    %add3A_784 = arith.addi %broadcast_in_dim3A_17, %add3A_783 : vector<16xi32>
    %swap3A_785 = arith.constant 544 : index
    %swap3A_786 = tpu.vector_load %arg11[%swap3A_785] {strides = array<i32>} : memref<1024xi32, #tpu.memory_space<vmem>>, vector<16xi32>,
    tpu.vector_store %arg11[%swap3A_785], %add3A_784 {strides = array<i32>} : memref<1024xi32, #tpu.memory_space<vmem>>, vector<16xi32>,
    %mul3A_787 = arith.constant 2 : i32
    %mul3A_788 = arith.muli %arg1, %mul3A_787 : i32
    %mul3A_789 = arith.constant 64 : i32
    %mul3A_790 = arith.muli %mul3A_788, %mul3A_789 : i32
    %add3A_791 = arith.constant 35 : i32
    %add3A_792 = arith.addi %mul3A_790, %add3A_791 : i32
    %add3A_793 = vector.broadcast %add3A_792 : i32 to vector<16xi32>
    %add3A_794 = arith.addi %broadcast_in_dim3A_17, %add3A_793 : vector<16xi32>
    %swap3A_795 = arith.constant 560 : index
    %swap3A_796 = tpu.vector_load %arg10[%swap3A_795] {strides = array<i32>} : memref<1024xi32, #tpu.memory_space<vmem>>, vector<16xi32>,
    tpu.vector_store %arg10[%swap3A_795], %add3A_794 {strides = array<i32>} : memref<1024xi32, #tpu.memory_space<vmem>>, vector<16xi32>,
    %mul3A_797 = arith.constant 2 : i32
    %mul3A_798 = arith.muli %arg1, %mul3A_797 : i32
    %mul3A_799 = arith.constant 64 : i32
    %mul3A_800 = arith.muli %mul3A_798, %mul3A_799 : i32
    %add3A_801 = arith.constant 64 : i32
    %add3A_802 = arith.addi %mul3A_800, %add3A_801 : i32
    %add3A_803 = arith.constant 35 : i32
    %add3A_804 = arith.addi %add3A_802, %add3A_803 : i32
    %add3A_805 = vector.broadcast %add3A_804 : i32 to vector<16xi32>
    %add3A_806 = arith.addi %broadcast_in_dim3A_17, %add3A_805 : vector<16xi32>
    %swap3A_807 = arith.constant 560 : index
    %swap3A_808 = tpu.vector_load %arg11[%swap3A_807] {strides = array<i32>} : memref<1024xi32, #tpu.memory_space<vmem>>, vector<16xi32>,
    tpu.vector_store %arg11[%swap3A_807], %add3A_806 {strides = array<i32>} : memref<1024xi32, #tpu.memory_space<vmem>>, vector<16xi32>,
    %mul3A_809 = arith.constant 2 : i32
    %mul3A_810 = arith.muli %arg1, %mul3A_809 : i32
    %mul3A_811 = arith.constant 64 : i32
    %mul3A_812 = arith.muli %mul3A_810, %mul3A_811 : i32
    %add3A_813 = arith.constant 36 : i32
    %add3A_814 = arith.addi %mul3A_812, %add3A_813 : i32
    %add3A_815 = vector.broadcast %add3A_814 : i32 to vector<16xi32>
    %add3A_816 = arith.addi %broadcast_in_dim3A_17, %add3A_815 : vector<16xi32>
    %swap3A_817 = arith.constant 576 : index
    %swap3A_818 = tpu.vector_load %arg10[%swap3A_817] {strides = array<i32>} : memref<1024xi32, #tpu.memory_space<vmem>>, vector<16xi32>,
    tpu.vector_store %arg10[%swap3A_817], %add3A_816 {strides = array<i32>} : memref<1024xi32, #tpu.memory_space<vmem>>, vector<16xi32>,
    %mul3A_819 = arith.constant 2 : i32
    %mul3A_820 = arith.muli %arg1, %mul3A_819 : i32
    %mul3A_821 = arith.constant 64 : i32
    %mul3A_822 = arith.muli %mul3A_820, %mul3A_821 : i32
    %add3A_823 = arith.constant 64 : i32
    %add3A_824 = arith.addi %mul3A_822, %add3A_823 : i32
    %add3A_825 = arith.constant 36 : i32
    %add3A_826 = arith.addi %add3A_824, %add3A_825 : i32
    %add3A_827 = vector.broadcast %add3A_826 : i32 to vector<16xi32>
    %add3A_828 = arith.addi %broadcast_in_dim3A_17, %add3A_827 : vector<16xi32>
    %swap3A_829 = arith.constant 576 : index
    %swap3A_830 = tpu.vector_load %arg11[%swap3A_829] {strides = array<i32>} : memref<1024xi32, #tpu.memory_space<vmem>>, vector<16xi32>,
    tpu.vector_store %arg11[%swap3A_829], %add3A_828 {strides = array<i32>} : memref<1024xi32, #tpu.memory_space<vmem>>, vector<16xi32>,
    %mul3A_831 = arith.constant 2 : i32
    %mul3A_832 = arith.muli %arg1, %mul3A_831 : i32
    %mul3A_833 = arith.constant 64 : i32
    %mul3A_834 = arith.muli %mul3A_832, %mul3A_833 : i32
    %add3A_835 = arith.constant 37 : i32
    %add3A_836 = arith.addi %mul3A_834, %add3A_835 : i32
    %add3A_837 = vector.broadcast %add3A_836 : i32 to vector<16xi32>
    %add3A_838 = arith.addi %broadcast_in_dim3A_17, %add3A_837 : vector<16xi32>
    %swap3A_839 = arith.constant 592 : index
    %swap3A_840 = tpu.vector_load %arg10[%swap3A_839] {strides = array<i32>} : memref<1024xi32, #tpu.memory_space<vmem>>, vector<16xi32>,
    tpu.vector_store %arg10[%swap3A_839], %add3A_838 {strides = array<i32>} : memref<1024xi32, #tpu.memory_space<vmem>>, vector<16xi32>,
    %mul3A_841 = arith.constant 2 : i32
    %mul3A_842 = arith.muli %arg1, %mul3A_841 : i32
    %mul3A_843 = arith.constant 64 : i32
    %mul3A_844 = arith.muli %mul3A_842, %mul3A_843 : i32
    %add3A_845 = arith.constant 64 : i32
    %add3A_846 = arith.addi %mul3A_844, %add3A_845 : i32
    %add3A_847 = arith.constant 37 : i32
    %add3A_848 = arith.addi %add3A_846, %add3A_847 : i32
    %add3A_849 = vector.broadcast %add3A_848 : i32 to vector<16xi32>
    %add3A_850 = arith.addi %broadcast_in_dim3A_17, %add3A_849 : vector<16xi32>
    %swap3A_851 = arith.constant 592 : index
    %swap3A_852 = tpu.vector_load %arg11[%swap3A_851] {strides = array<i32>} : memref<1024xi32, #tpu.memory_space<vmem>>, vector<16xi32>,
    tpu.vector_store %arg11[%swap3A_851], %add3A_850 {strides = array<i32>} : memref<1024xi32, #tpu.memory_space<vmem>>, vector<16xi32>,
    %mul3A_853 = arith.constant 2 : i32
    %mul3A_854 = arith.muli %arg1, %mul3A_853 : i32
    %mul3A_855 = arith.constant 64 : i32
    %mul3A_856 = arith.muli %mul3A_854, %mul3A_855 : i32
    %add3A_857 = arith.constant 38 : i32
    %add3A_858 = arith.addi %mul3A_856, %add3A_857 : i32
    %add3A_859 = vector.broadcast %add3A_858 : i32 to vector<16xi32>
    %add3A_860 = arith.addi %broadcast_in_dim3A_17, %add3A_859 : vector<16xi32>
    %swap3A_861 = arith.constant 608 : index
    %swap3A_862 = tpu.vector_load %arg10[%swap3A_861] {strides = array<i32>} : memref<1024xi32, #tpu.memory_space<vmem>>, vector<16xi32>,
    tpu.vector_store %arg10[%swap3A_861], %add3A_860 {strides = array<i32>} : memref<1024xi32, #tpu.memory_space<vmem>>, vector<16xi32>,
    %mul3A_863 = arith.constant 2 : i32
    %mul3A_864 = arith.muli %arg1, %mul3A_863 : i32
    %mul3A_865 = arith.constant 64 : i32
    %mul3A_866 = arith.muli %mul3A_864, %mul3A_865 : i32
    %add3A_867 = arith.constant 64 : i32
    %add3A_868 = arith.addi %mul3A_866, %add3A_867 : i32
    %add3A_869 = arith.constant 38 : i32
    %add3A_870 = arith.addi %add3A_868, %add3A_869 : i32
    %add3A_871 = vector.broadcast %add3A_870 : i32 to vector<16xi32>
    %add3A_872 = arith.addi %broadcast_in_dim3A_17, %add3A_871 : vector<16xi32>
    %swap3A_873 = arith.constant 608 : index
    %swap3A_874 = tpu.vector_load %arg11[%swap3A_873] {strides = array<i32>} : memref<1024xi32, #tpu.memory_space<vmem>>, vector<16xi32>,
    tpu.vector_store %arg11[%swap3A_873], %add3A_872 {strides = array<i32>} : memref<1024xi32, #tpu.memory_space<vmem>>, vector<16xi32>,
    %mul3A_875 = arith.constant 2 : i32
    %mul3A_876 = arith.muli %arg1, %mul3A_875 : i32
    %mul3A_877 = arith.constant 64 : i32
    %mul3A_878 = arith.muli %mul3A_876, %mul3A_877 : i32
    %add3A_879 = arith.constant 39 : i32
    %add3A_880 = arith.addi %mul3A_878, %add3A_879 : i32
    %add3A_881 = vector.broadcast %add3A_880 : i32 to vector<16xi32>
    %add3A_882 = arith.addi %broadcast_in_dim3A_17, %add3A_881 : vector<16xi32>
    %swap3A_883 = arith.constant 624 : index
    %swap3A_884 = tpu.vector_load %arg10[%swap3A_883] {strides = array<i32>} : memref<1024xi32, #tpu.memory_space<vmem>>, vector<16xi32>,
    tpu.vector_store %arg10[%swap3A_883], %add3A_882 {strides = array<i32>} : memref<1024xi32, #tpu.memory_space<vmem>>, vector<16xi32>,
    %mul3A_885 = arith.constant 2 : i32
    %mul3A_886 = arith.muli %arg1, %mul3A_885 : i32
    %mul3A_887 = arith.constant 64 : i32
    %mul3A_888 = arith.muli %mul3A_886, %mul3A_887 : i32
    %add3A_889 = arith.constant 64 : i32
    %add3A_890 = arith.addi %mul3A_888, %add3A_889 : i32
    %add3A_891 = arith.constant 39 : i32
    %add3A_892 = arith.addi %add3A_890, %add3A_891 : i32
    %add3A_893 = vector.broadcast %add3A_892 : i32 to vector<16xi32>
    %add3A_894 = arith.addi %broadcast_in_dim3A_17, %add3A_893 : vector<16xi32>
    %swap3A_895 = arith.constant 624 : index
    %swap3A_896 = tpu.vector_load %arg11[%swap3A_895] {strides = array<i32>} : memref<1024xi32, #tpu.memory_space<vmem>>, vector<16xi32>,
    tpu.vector_store %arg11[%swap3A_895], %add3A_894 {strides = array<i32>} : memref<1024xi32, #tpu.memory_space<vmem>>, vector<16xi32>,
    %mul3A_897 = arith.constant 2 : i32
    %mul3A_898 = arith.muli %arg1, %mul3A_897 : i32
    %mul3A_899 = arith.constant 64 : i32
    %mul3A_900 = arith.muli %mul3A_898, %mul3A_899 : i32
    %add3A_901 = arith.constant 40 : i32
    %add3A_902 = arith.addi %mul3A_900, %add3A_901 : i32
    %add3A_903 = vector.broadcast %add3A_902 : i32 to vector<16xi32>
    %add3A_904 = arith.addi %broadcast_in_dim3A_17, %add3A_903 : vector<16xi32>
    %swap3A_905 = arith.constant 640 : index
    %swap3A_906 = tpu.vector_load %arg10[%swap3A_905] {strides = array<i32>} : memref<1024xi32, #tpu.memory_space<vmem>>, vector<16xi32>,
    tpu.vector_store %arg10[%swap3A_905], %add3A_904 {strides = array<i32>} : memref<1024xi32, #tpu.memory_space<vmem>>, vector<16xi32>,
    %mul3A_907 = arith.constant 2 : i32
    %mul3A_908 = arith.muli %arg1, %mul3A_907 : i32
    %mul3A_909 = arith.constant 64 : i32
    %mul3A_910 = arith.muli %mul3A_908, %mul3A_909 : i32
    %add3A_911 = arith.constant 64 : i32
    %add3A_912 = arith.addi %mul3A_910, %add3A_911 : i32
    %add3A_913 = arith.constant 40 : i32
    %add3A_914 = arith.addi %add3A_912, %add3A_913 : i32
    %add3A_915 = vector.broadcast %add3A_914 : i32 to vector<16xi32>
    %add3A_916 = arith.addi %broadcast_in_dim3A_17, %add3A_915 : vector<16xi32>
    %swap3A_917 = arith.constant 640 : index
    %swap3A_918 = tpu.vector_load %arg11[%swap3A_917] {strides = array<i32>} : memref<1024xi32, #tpu.memory_space<vmem>>, vector<16xi32>,
    tpu.vector_store %arg11[%swap3A_917], %add3A_916 {strides = array<i32>} : memref<1024xi32, #tpu.memory_space<vmem>>, vector<16xi32>,
    %mul3A_919 = arith.constant 2 : i32
    %mul3A_920 = arith.muli %arg1, %mul3A_919 : i32
    %mul3A_921 = arith.constant 64 : i32
    %mul3A_922 = arith.muli %mul3A_920, %mul3A_921 : i32
    %add3A_923 = arith.constant 41 : i32
    %add3A_924 = arith.addi %mul3A_922, %add3A_923 : i32
    %add3A_925 = vector.broadcast %add3A_924 : i32 to vector<16xi32>
    %add3A_926 = arith.addi %broadcast_in_dim3A_17, %add3A_925 : vector<16xi32>
    %swap3A_927 = arith.constant 656 : index
    %swap3A_928 = tpu.vector_load %arg10[%swap3A_927] {strides = array<i32>} : memref<1024xi32, #tpu.memory_space<vmem>>, vector<16xi32>,
    tpu.vector_store %arg10[%swap3A_927], %add3A_926 {strides = array<i32>} : memref<1024xi32, #tpu.memory_space<vmem>>, vector<16xi32>,
    %mul3A_929 = arith.constant 2 : i32
    %mul3A_930 = arith.muli %arg1, %mul3A_929 : i32
    %mul3A_931 = arith.constant 64 : i32
    %mul3A_932 = arith.muli %mul3A_930, %mul3A_931 : i32
    %add3A_933 = arith.constant 64 : i32
    %add3A_934 = arith.addi %mul3A_932, %add3A_933 : i32
    %add3A_935 = arith.constant 41 : i32
    %add3A_936 = arith.addi %add3A_934, %add3A_935 : i32
    %add3A_937 = vector.broadcast %add3A_936 : i32 to vector<16xi32>
    %add3A_938 = arith.addi %broadcast_in_dim3A_17, %add3A_937 : vector<16xi32>
    %swap3A_939 = arith.constant 656 : index
    %swap3A_940 = tpu.vector_load %arg11[%swap3A_939] {strides = array<i32>} : memref<1024xi32, #tpu.memory_space<vmem>>, vector<16xi32>,
    tpu.vector_store %arg11[%swap3A_939], %add3A_938 {strides = array<i32>} : memref<1024xi32, #tpu.memory_space<vmem>>, vector<16xi32>,
    %mul3A_941 = arith.constant 2 : i32
    %mul3A_942 = arith.muli %arg1, %mul3A_941 : i32
    %mul3A_943 = arith.constant 64 : i32
    %mul3A_944 = arith.muli %mul3A_942, %mul3A_943 : i32
    %add3A_945 = arith.constant 42 : i32
    %add3A_946 = arith.addi %mul3A_944, %add3A_945 : i32
    %add3A_947 = vector.broadcast %add3A_946 : i32 to vector<16xi32>
    %add3A_948 = arith.addi %broadcast_in_dim3A_17, %add3A_947 : vector<16xi32>
    %swap3A_949 = arith.constant 672 : index
    %swap3A_950 = tpu.vector_load %arg10[%swap3A_949] {strides = array<i32>} : memref<1024xi32, #tpu.memory_space<vmem>>, vector<16xi32>,
    tpu.vector_store %arg10[%swap3A_949], %add3A_948 {strides = array<i32>} : memref<1024xi32, #tpu.memory_space<vmem>>, vector<16xi32>,
    %mul3A_951 = arith.constant 2 : i32
    %mul3A_952 = arith.muli %arg1, %mul3A_951 : i32
    %mul3A_953 = arith.constant 64 : i32
    %mul3A_954 = arith.muli %mul3A_952, %mul3A_953 : i32
    %add3A_955 = arith.constant 64 : i32
    %add3A_956 = arith.addi %mul3A_954, %add3A_955 : i32
    %add3A_957 = arith.constant 42 : i32
    %add3A_958 = arith.addi %add3A_956, %add3A_957 : i32
    %add3A_959 = vector.broadcast %add3A_958 : i32 to vector<16xi32>
    %add3A_960 = arith.addi %broadcast_in_dim3A_17, %add3A_959 : vector<16xi32>
    %swap3A_961 = arith.constant 672 : index
    %swap3A_962 = tpu.vector_load %arg11[%swap3A_961] {strides = array<i32>} : memref<1024xi32, #tpu.memory_space<vmem>>, vector<16xi32>,
    tpu.vector_store %arg11[%swap3A_961], %add3A_960 {strides = array<i32>} : memref<1024xi32, #tpu.memory_space<vmem>>, vector<16xi32>,
    %mul3A_963 = arith.constant 2 : i32
    %mul3A_964 = arith.muli %arg1, %mul3A_963 : i32
    %mul3A_965 = arith.constant 64 : i32
    %mul3A_966 = arith.muli %mul3A_964, %mul3A_965 : i32
    %add3A_967 = arith.constant 43 : i32
    %add3A_968 = arith.addi %mul3A_966, %add3A_967 : i32
    %add3A_969 = vector.broadcast %add3A_968 : i32 to vector<16xi32>
    %add3A_970 = arith.addi %broadcast_in_dim3A_17, %add3A_969 : vector<16xi32>
    %swap3A_971 = arith.constant 688 : index
    %swap3A_972 = tpu.vector_load %arg10[%swap3A_971] {strides = array<i32>} : memref<1024xi32, #tpu.memory_space<vmem>>, vector<16xi32>,
    tpu.vector_store %arg10[%swap3A_971], %add3A_970 {strides = array<i32>} : memref<1024xi32, #tpu.memory_space<vmem>>, vector<16xi32>,
    %mul3A_973 = arith.constant 2 : i32
    %mul3A_974 = arith.muli %arg1, %mul3A_973 : i32
    %mul3A_975 = arith.constant 64 : i32
    %mul3A_976 = arith.muli %mul3A_974, %mul3A_975 : i32
    %add3A_977 = arith.constant 64 : i32
    %add3A_978 = arith.addi %mul3A_976, %add3A_977 : i32
    %add3A_979 = arith.constant 43 : i32
    %add3A_980 = arith.addi %add3A_978, %add3A_979 : i32
    %add3A_981 = vector.broadcast %add3A_980 : i32 to vector<16xi32>
    %add3A_982 = arith.addi %broadcast_in_dim3A_17, %add3A_981 : vector<16xi32>
    %swap3A_983 = arith.constant 688 : index
    %swap3A_984 = tpu.vector_load %arg11[%swap3A_983] {strides = array<i32>} : memref<1024xi32, #tpu.memory_space<vmem>>, vector<16xi32>,
    tpu.vector_store %arg11[%swap3A_983], %add3A_982 {strides = array<i32>} : memref<1024xi32, #tpu.memory_space<vmem>>, vector<16xi32>,
    %mul3A_985 = arith.constant 2 : i32
    %mul3A_986 = arith.muli %arg1, %mul3A_985 : i32
    %mul3A_987 = arith.constant 64 : i32
    %mul3A_988 = arith.muli %mul3A_986, %mul3A_987 : i32
    %add3A_989 = arith.constant 44 : i32
    %add3A_990 = arith.addi %mul3A_988, %add3A_989 : i32
    %add3A_991 = vector.broadcast %add3A_990 : i32 to vector<16xi32>
    %add3A_992 = arith.addi %broadcast_in_dim3A_17, %add3A_991 : vector<16xi32>
    %swap3A_993 = arith.constant 704 : index
    %swap3A_994 = tpu.vector_load %arg10[%swap3A_993] {strides = array<i32>} : memref<1024xi32, #tpu.memory_space<vmem>>, vector<16xi32>,
    tpu.vector_store %arg10[%swap3A_993], %add3A_992 {strides = array<i32>} : memref<1024xi32, #tpu.memory_space<vmem>>, vector<16xi32>,
    %mul3A_995 = arith.constant 2 : i32
    %mul3A_996 = arith.muli %arg1, %mul3A_995 : i32
    %mul3A_997 = arith.constant 64 : i32
    %mul3A_998 = arith.muli %mul3A_996, %mul3A_997 : i32
    %add3A_999 = arith.constant 64 : i32
    %add3A_1000 = arith.addi %mul3A_998, %add3A_999 : i32
    %add3A_1001 = arith.constant 44 : i32
    %add3A_1002 = arith.addi %add3A_1000, %add3A_1001 : i32
    %add3A_1003 = vector.broadcast %add3A_1002 : i32 to vector<16xi32>
    %add3A_1004 = arith.addi %broadcast_in_dim3A_17, %add3A_1003 : vector<16xi32>
    %swap3A_1005 = arith.constant 704 : index
    %swap3A_1006 = tpu.vector_load %arg11[%swap3A_1005] {strides = array<i32>} : memref<1024xi32, #tpu.memory_space<vmem>>, vector<16xi32>,
    tpu.vector_store %arg11[%swap3A_1005], %add3A_1004 {strides = array<i32>} : memref<1024xi32, #tpu.memory_space<vmem>>, vector<16xi32>,
    %mul3A_1007 = arith.constant 2 : i32
    %mul3A_1008 = arith.muli %arg1, %mul3A_1007 : i32
    %mul3A_1009 = arith.constant 64 : i32
    %mul3A_1010 = arith.muli %mul3A_1008, %mul3A_1009 : i32
    %add3A_1011 = arith.constant 45 : i32
    %add3A_1012 = arith.addi %mul3A_1010, %add3A_1011 : i32
    %add3A_1013 = vector.broadcast %add3A_1012 : i32 to vector<16xi32>
    %add3A_1014 = arith.addi %broadcast_in_dim3A_17, %add3A_1013 : vector<16xi32>
    %swap3A_1015 = arith.constant 720 : index
    %swap3A_1016 = tpu.vector_load %arg10[%swap3A_1015] {strides = array<i32>} : memref<1024xi32, #tpu.memory_space<vmem>>, vector<16xi32>,
    tpu.vector_store %arg10[%swap3A_1015], %add3A_1014 {strides = array<i32>} : memref<1024xi32, #tpu.memory_space<vmem>>, vector<16xi32>,
    %mul3A_1017 = arith.constant 2 : i32
    %mul3A_1018 = arith.muli %arg1, %mul3A_1017 : i32
    %mul3A_1019 = arith.constant 64 : i32
    %mul3A_1020 = arith.muli %mul3A_1018, %mul3A_1019 : i32
    %add3A_1021 = arith.constant 64 : i32
    %add3A_1022 = arith.addi %mul3A_1020, %add3A_1021 : i32
    %add3A_1023 = arith.constant 45 : i32
    %add3A_1024 = arith.addi %add3A_1022, %add3A_1023 : i32
    %add3A_1025 = vector.broadcast %add3A_1024 : i32 to vector<16xi32>
    %add3A_1026 = arith.addi %broadcast_in_dim3A_17, %add3A_1025 : vector<16xi32>
    %swap3A_1027 = arith.constant 720 : index
    %swap3A_1028 = tpu.vector_load %arg11[%swap3A_1027] {strides = array<i32>} : memref<1024xi32, #tpu.memory_space<vmem>>, vector<16xi32>,
    tpu.vector_store %arg11[%swap3A_1027], %add3A_1026 {strides = array<i32>} : memref<1024xi32, #tpu.memory_space<vmem>>, vector<16xi32>,
    %mul3A_1029 = arith.constant 2 : i32
    %mul3A_1030 = arith.muli %arg1, %mul3A_1029 : i32
    %mul3A_1031 = arith.constant 64 : i32
    %mul3A_1032 = arith.muli %mul3A_1030, %mul3A_1031 : i32
    %add3A_1033 = arith.constant 46 : i32
    %add3A_1034 = arith.addi %mul3A_1032, %add3A_1033 : i32
    %add3A_1035 = vector.broadcast %add3A_1034 : i32 to vector<16xi32>
    %add3A_1036 = arith.addi %broadcast_in_dim3A_17, %add3A_1035 : vector<16xi32>
    %swap3A_1037 = arith.constant 736 : index
    %swap3A_1038 = tpu.vector_load %arg10[%swap3A_1037] {strides = array<i32>} : memref<1024xi32, #tpu.memory_space<vmem>>, vector<16xi32>,
    tpu.vector_store %arg10[%swap3A_1037], %add3A_1036 {strides = array<i32>} : memref<1024xi32, #tpu.memory_space<vmem>>, vector<16xi32>,
    %mul3A_1039 = arith.constant 2 : i32
    %mul3A_1040 = arith.muli %arg1, %mul3A_1039 : i32
    %mul3A_1041 = arith.constant 64 : i32
    %mul3A_1042 = arith.muli %mul3A_1040, %mul3A_1041 : i32
    %add3A_1043 = arith.constant 64 : i32
    %add3A_1044 = arith.addi %mul3A_1042, %add3A_1043 : i32
    %add3A_1045 = arith.constant 46 : i32
    %add3A_1046 = arith.addi %add3A_1044, %add3A_1045 : i32
    %add3A_1047 = vector.broadcast %add3A_1046 : i32 to vector<16xi32>
    %add3A_1048 = arith.addi %broadcast_in_dim3A_17, %add3A_1047 : vector<16xi32>
    %swap3A_1049 = arith.constant 736 : index
    %swap3A_1050 = tpu.vector_load %arg11[%swap3A_1049] {strides = array<i32>} : memref<1024xi32, #tpu.memory_space<vmem>>, vector<16xi32>,
    tpu.vector_store %arg11[%swap3A_1049], %add3A_1048 {strides = array<i32>} : memref<1024xi32, #tpu.memory_space<vmem>>, vector<16xi32>,
    %mul3A_1051 = arith.constant 2 : i32
    %mul3A_1052 = arith.muli %arg1, %mul3A_1051 : i32
    %mul3A_1053 = arith.constant 64 : i32
    %mul3A_1054 = arith.muli %mul3A_1052, %mul3A_1053 : i32
    %add3A_1055 = arith.constant 47 : i32
    %add3A_1056 = arith.addi %mul3A_1054, %add3A_1055 : i32
    %add3A_1057 = vector.broadcast %add3A_1056 : i32 to vector<16xi32>
    %add3A_1058 = arith.addi %broadcast_in_dim3A_17, %add3A_1057 : vector<16xi32>
    %swap3A_1059 = arith.constant 752 : index
    %swap3A_1060 = tpu.vector_load %arg10[%swap3A_1059] {strides = array<i32>} : memref<1024xi32, #tpu.memory_space<vmem>>, vector<16xi32>,
    tpu.vector_store %arg10[%swap3A_1059], %add3A_1058 {strides = array<i32>} : memref<1024xi32, #tpu.memory_space<vmem>>, vector<16xi32>,
    %mul3A_1061 = arith.constant 2 : i32
    %mul3A_1062 = arith.muli %arg1, %mul3A_1061 : i32
    %mul3A_1063 = arith.constant 64 : i32
    %mul3A_1064 = arith.muli %mul3A_1062, %mul3A_1063 : i32
    %add3A_1065 = arith.constant 64 : i32
    %add3A_1066 = arith.addi %mul3A_1064, %add3A_1065 : i32
    %add3A_1067 = arith.constant 47 : i32
    %add3A_1068 = arith.addi %add3A_1066, %add3A_1067 : i32
    %add3A_1069 = vector.broadcast %add3A_1068 : i32 to vector<16xi32>
    %add3A_1070 = arith.addi %broadcast_in_dim3A_17, %add3A_1069 : vector<16xi32>
    %swap3A_1071 = arith.constant 752 : index
    %swap3A_1072 = tpu.vector_load %arg11[%swap3A_1071] {strides = array<i32>} : memref<1024xi32, #tpu.memory_space<vmem>>, vector<16xi32>,
    tpu.vector_store %arg11[%swap3A_1071], %add3A_1070 {strides = array<i32>} : memref<1024xi32, #tpu.memory_space<vmem>>, vector<16xi32>,
    %mul3A_1073 = arith.constant 2 : i32
    %mul3A_1074 = arith.muli %arg1, %mul3A_1073 : i32
    %mul3A_1075 = arith.constant 64 : i32
    %mul3A_1076 = arith.muli %mul3A_1074, %mul3A_1075 : i32
    %add3A_1077 = arith.constant 48 : i32
    %add3A_1078 = arith.addi %mul3A_1076, %add3A_1077 : i32
    %add3A_1079 = vector.broadcast %add3A_1078 : i32 to vector<16xi32>
    %add3A_1080 = arith.addi %broadcast_in_dim3A_17, %add3A_1079 : vector<16xi32>
    %swap3A_1081 = arith.constant 768 : index
    %swap3A_1082 = tpu.vector_load %arg10[%swap3A_1081] {strides = array<i32>} : memref<1024xi32, #tpu.memory_space<vmem>>, vector<16xi32>,
    tpu.vector_store %arg10[%swap3A_1081], %add3A_1080 {strides = array<i32>} : memref<1024xi32, #tpu.memory_space<vmem>>, vector<16xi32>,
    %mul3A_1083 = arith.constant 2 : i32
    %mul3A_1084 = arith.muli %arg1, %mul3A_1083 : i32
    %mul3A_1085 = arith.constant 64 : i32
    %mul3A_1086 = arith.muli %mul3A_1084, %mul3A_1085 : i32
    %add3A_1087 = arith.constant 64 : i32
    %add3A_1088 = arith.addi %mul3A_1086, %add3A_1087 : i32
    %add3A_1089 = arith.constant 48 : i32
    %add3A_1090 = arith.addi %add3A_1088, %add3A_1089 : i32
    %add3A_1091 = vector.broadcast %add3A_1090 : i32 to vector<16xi32>
    %add3A_1092 = arith.addi %broadcast_in_dim3A_17, %add3A_1091 : vector<16xi32>
    %swap3A_1093 = arith.constant 768 : index
    %swap3A_1094 = tpu.vector_load %arg11[%swap3A_1093] {strides = array<i32>} : memref<1024xi32, #tpu.memory_space<vmem>>, vector<16xi32>,
    tpu.vector_store %arg11[%swap3A_1093], %add3A_1092 {strides = array<i32>} : memref<1024xi32, #tpu.memory_space<vmem>>, vector<16xi32>,
    %mul3A_1095 = arith.constant 2 : i32
    %mul3A_1096 = arith.muli %arg1, %mul3A_1095 : i32
    %mul3A_1097 = arith.constant 64 : i32
    %mul3A_1098 = arith.muli %mul3A_1096, %mul3A_1097 : i32
    %add3A_1099 = arith.constant 49 : i32
    %add3A_1100 = arith.addi %mul3A_1098, %add3A_1099 : i32
    %add3A_1101 = vector.broadcast %add3A_1100 : i32 to vector<16xi32>
    %add3A_1102 = arith.addi %broadcast_in_dim3A_17, %add3A_1101 : vector<16xi32>
    %swap3A_1103 = arith.constant 784 : index
    %swap3A_1104 = tpu.vector_load %arg10[%swap3A_1103] {strides = array<i32>} : memref<1024xi32, #tpu.memory_space<vmem>>, vector<16xi32>,
    tpu.vector_store %arg10[%swap3A_1103], %add3A_1102 {strides = array<i32>} : memref<1024xi32, #tpu.memory_space<vmem>>, vector<16xi32>,
    %mul3A_1105 = arith.constant 2 : i32
    %mul3A_1106 = arith.muli %arg1, %mul3A_1105 : i32
    %mul3A_1107 = arith.constant 64 : i32
    %mul3A_1108 = arith.muli %mul3A_1106, %mul3A_1107 : i32
    %add3A_1109 = arith.constant 64 : i32
    %add3A_1110 = arith.addi %mul3A_1108, %add3A_1109 : i32
    %add3A_1111 = arith.constant 49 : i32
    %add3A_1112 = arith.addi %add3A_1110, %add3A_1111 : i32
    %add3A_1113 = vector.broadcast %add3A_1112 : i32 to vector<16xi32>
    %add3A_1114 = arith.addi %broadcast_in_dim3A_17, %add3A_1113 : vector<16xi32>
    %swap3A_1115 = arith.constant 784 : index
    %swap3A_1116 = tpu.vector_load %arg11[%swap3A_1115] {strides = array<i32>} : memref<1024xi32, #tpu.memory_space<vmem>>, vector<16xi32>,
    tpu.vector_store %arg11[%swap3A_1115], %add3A_1114 {strides = array<i32>} : memref<1024xi32, #tpu.memory_space<vmem>>, vector<16xi32>,
    %mul3A_1117 = arith.constant 2 : i32
    %mul3A_1118 = arith.muli %arg1, %mul3A_1117 : i32
    %mul3A_1119 = arith.constant 64 : i32
    %mul3A_1120 = arith.muli %mul3A_1118, %mul3A_1119 : i32
    %add3A_1121 = arith.constant 50 : i32
    %add3A_1122 = arith.addi %mul3A_1120, %add3A_1121 : i32
    %add3A_1123 = vector.broadcast %add3A_1122 : i32 to vector<16xi32>
    %add3A_1124 = arith.addi %broadcast_in_dim3A_17, %add3A_1123 : vector<16xi32>
    %swap3A_1125 = arith.constant 800 : index
    %swap3A_1126 = tpu.vector_load %arg10[%swap3A_1125] {strides = array<i32>} : memref<1024xi32, #tpu.memory_space<vmem>>, vector<16xi32>,
    tpu.vector_store %arg10[%swap3A_1125], %add3A_1124 {strides = array<i32>} : memref<1024xi32, #tpu.memory_space<vmem>>, vector<16xi32>,
    %mul3A_1127 = arith.constant 2 : i32
    %mul3A_1128 = arith.muli %arg1, %mul3A_1127 : i32
    %mul3A_1129 = arith.constant 64 : i32
    %mul3A_1130 = arith.muli %mul3A_1128, %mul3A_1129 : i32
    %add3A_1131 = arith.constant 64 : i32
    %add3A_1132 = arith.addi %mul3A_1130, %add3A_1131 : i32
    %add3A_1133 = arith.constant 50 : i32
    %add3A_1134 = arith.addi %add3A_1132, %add3A_1133 : i32
    %add3A_1135 = vector.broadcast %add3A_1134 : i32 to vector<16xi32>
    %add3A_1136 = arith.addi %broadcast_in_dim3A_17, %add3A_1135 : vector<16xi32>
    %swap3A_1137 = arith.constant 800 : index
    %swap3A_1138 = tpu.vector_load %arg11[%swap3A_1137] {strides = array<i32>} : memref<1024xi32, #tpu.memory_space<vmem>>, vector<16xi32>,
    tpu.vector_store %arg11[%swap3A_1137], %add3A_1136 {strides = array<i32>} : memref<1024xi32, #tpu.memory_space<vmem>>, vector<16xi32>,
    %mul3A_1139 = arith.constant 2 : i32
    %mul3A_1140 = arith.muli %arg1, %mul3A_1139 : i32
    %mul3A_1141 = arith.constant 64 : i32
    %mul3A_1142 = arith.muli %mul3A_1140, %mul3A_1141 : i32
    %add3A_1143 = arith.constant 51 : i32
    %add3A_1144 = arith.addi %mul3A_1142, %add3A_1143 : i32
    %add3A_1145 = vector.broadcast %add3A_1144 : i32 to vector<16xi32>
    %add3A_1146 = arith.addi %broadcast_in_dim3A_17, %add3A_1145 : vector<16xi32>
    %swap3A_1147 = arith.constant 816 : index
    %swap3A_1148 = tpu.vector_load %arg10[%swap3A_1147] {strides = array<i32>} : memref<1024xi32, #tpu.memory_space<vmem>>, vector<16xi32>,
    tpu.vector_store %arg10[%swap3A_1147], %add3A_1146 {strides = array<i32>} : memref<1024xi32, #tpu.memory_space<vmem>>, vector<16xi32>,
    %mul3A_1149 = arith.constant 2 : i32
    %mul3A_1150 = arith.muli %arg1, %mul3A_1149 : i32
    %mul3A_1151 = arith.constant 64 : i32
    %mul3A_1152 = arith.muli %mul3A_1150, %mul3A_1151 : i32
    %add3A_1153 = arith.constant 64 : i32
    %add3A_1154 = arith.addi %mul3A_1152, %add3A_1153 : i32
    %add3A_1155 = arith.constant 51 : i32
    %add3A_1156 = arith.addi %add3A_1154, %add3A_1155 : i32
    %add3A_1157 = vector.broadcast %add3A_1156 : i32 to vector<16xi32>
    %add3A_1158 = arith.addi %broadcast_in_dim3A_17, %add3A_1157 : vector<16xi32>
    %swap3A_1159 = arith.constant 816 : index
    %swap3A_1160 = tpu.vector_load %arg11[%swap3A_1159] {strides = array<i32>} : memref<1024xi32, #tpu.memory_space<vmem>>, vector<16xi32>,
    tpu.vector_store %arg11[%swap3A_1159], %add3A_1158 {strides = array<i32>} : memref<1024xi32, #tpu.memory_space<vmem>>, vector<16xi32>,
    %mul3A_1161 = arith.constant 2 : i32
    %mul3A_1162 = arith.muli %arg1, %mul3A_1161 : i32
    %mul3A_1163 = arith.constant 64 : i32
    %mul3A_1164 = arith.muli %mul3A_1162, %mul3A_1163 : i32
    %add3A_1165 = arith.constant 52 : i32
    %add3A_1166 = arith.addi %mul3A_1164, %add3A_1165 : i32
    %add3A_1167 = vector.broadcast %add3A_1166 : i32 to vector<16xi32>
    %add3A_1168 = arith.addi %broadcast_in_dim3A_17, %add3A_1167 : vector<16xi32>
    %swap3A_1169 = arith.constant 832 : index
    %swap3A_1170 = tpu.vector_load %arg10[%swap3A_1169] {strides = array<i32>} : memref<1024xi32, #tpu.memory_space<vmem>>, vector<16xi32>,
    tpu.vector_store %arg10[%swap3A_1169], %add3A_1168 {strides = array<i32>} : memref<1024xi32, #tpu.memory_space<vmem>>, vector<16xi32>,
    %mul3A_1171 = arith.constant 2 : i32
    %mul3A_1172 = arith.muli %arg1, %mul3A_1171 : i32
    %mul3A_1173 = arith.constant 64 : i32
    %mul3A_1174 = arith.muli %mul3A_1172, %mul3A_1173 : i32
    %add3A_1175 = arith.constant 64 : i32
    %add3A_1176 = arith.addi %mul3A_1174, %add3A_1175 : i32
    %add3A_1177 = arith.constant 52 : i32
    %add3A_1178 = arith.addi %add3A_1176, %add3A_1177 : i32
    %add3A_1179 = vector.broadcast %add3A_1178 : i32 to vector<16xi32>
    %add3A_1180 = arith.addi %broadcast_in_dim3A_17, %add3A_1179 : vector<16xi32>
    %swap3A_1181 = arith.constant 832 : index
    %swap3A_1182 = tpu.vector_load %arg11[%swap3A_1181] {strides = array<i32>} : memref<1024xi32, #tpu.memory_space<vmem>>, vector<16xi32>,
    tpu.vector_store %arg11[%swap3A_1181], %add3A_1180 {strides = array<i32>} : memref<1024xi32, #tpu.memory_space<vmem>>, vector<16xi32>,
    %mul3A_1183 = arith.constant 2 : i32
    %mul3A_1184 = arith.muli %arg1, %mul3A_1183 : i32
    %mul3A_1185 = arith.constant 64 : i32
    %mul3A_1186 = arith.muli %mul3A_1184, %mul3A_1185 : i32
    %add3A_1187 = arith.constant 53 : i32
    %add3A_1188 = arith.addi %mul3A_1186, %add3A_1187 : i32
    %add3A_1189 = vector.broadcast %add3A_1188 : i32 to vector<16xi32>
    %add3A_1190 = arith.addi %broadcast_in_dim3A_17, %add3A_1189 : vector<16xi32>
    %swap3A_1191 = arith.constant 848 : index
    %swap3A_1192 = tpu.vector_load %arg10[%swap3A_1191] {strides = array<i32>} : memref<1024xi32, #tpu.memory_space<vmem>>, vector<16xi32>,
    tpu.vector_store %arg10[%swap3A_1191], %add3A_1190 {strides = array<i32>} : memref<1024xi32, #tpu.memory_space<vmem>>, vector<16xi32>,
    %mul3A_1193 = arith.constant 2 : i32
    %mul3A_1194 = arith.muli %arg1, %mul3A_1193 : i32
    %mul3A_1195 = arith.constant 64 : i32
    %mul3A_1196 = arith.muli %mul3A_1194, %mul3A_1195 : i32
    %add3A_1197 = arith.constant 64 : i32
    %add3A_1198 = arith.addi %mul3A_1196, %add3A_1197 : i32
    %add3A_1199 = arith.constant 53 : i32
    %add3A_1200 = arith.addi %add3A_1198, %add3A_1199 : i32
    %add3A_1201 = vector.broadcast %add3A_1200 : i32 to vector<16xi32>
    %add3A_1202 = arith.addi %broadcast_in_dim3A_17, %add3A_1201 : vector<16xi32>
    %swap3A_1203 = arith.constant 848 : index
    %swap3A_1204 = tpu.vector_load %arg11[%swap3A_1203] {strides = array<i32>} : memref<1024xi32, #tpu.memory_space<vmem>>, vector<16xi32>,
    tpu.vector_store %arg11[%swap3A_1203], %add3A_1202 {strides = array<i32>} : memref<1024xi32, #tpu.memory_space<vmem>>, vector<16xi32>,
    %mul3A_1205 = arith.constant 2 : i32
    %mul3A_1206 = arith.muli %arg1, %mul3A_1205 : i32
    %mul3A_1207 = arith.constant 64 : i32
    %mul3A_1208 = arith.muli %mul3A_1206, %mul3A_1207 : i32
    %add3A_1209 = arith.constant 54 : i32
    %add3A_1210 = arith.addi %mul3A_1208, %add3A_1209 : i32
    %add3A_1211 = vector.broadcast %add3A_1210 : i32 to vector<16xi32>
    %add3A_1212 = arith.addi %broadcast_in_dim3A_17, %add3A_1211 : vector<16xi32>
    %swap3A_1213 = arith.constant 864 : index
    %swap3A_1214 = tpu.vector_load %arg10[%swap3A_1213] {strides = array<i32>} : memref<1024xi32, #tpu.memory_space<vmem>>, vector<16xi32>,
    tpu.vector_store %arg10[%swap3A_1213], %add3A_1212 {strides = array<i32>} : memref<1024xi32, #tpu.memory_space<vmem>>, vector<16xi32>,
    %mul3A_1215 = arith.constant 2 : i32
    %mul3A_1216 = arith.muli %arg1, %mul3A_1215 : i32
    %mul3A_1217 = arith.constant 64 : i32
    %mul3A_1218 = arith.muli %mul3A_1216, %mul3A_1217 : i32
    %add3A_1219 = arith.constant 64 : i32
    %add3A_1220 = arith.addi %mul3A_1218, %add3A_1219 : i32
    %add3A_1221 = arith.constant 54 : i32
    %add3A_1222 = arith.addi %add3A_1220, %add3A_1221 : i32
    %add3A_1223 = vector.broadcast %add3A_1222 : i32 to vector<16xi32>
    %add3A_1224 = arith.addi %broadcast_in_dim3A_17, %add3A_1223 : vector<16xi32>
    %swap3A_1225 = arith.constant 864 : index
    %swap3A_1226 = tpu.vector_load %arg11[%swap3A_1225] {strides = array<i32>} : memref<1024xi32, #tpu.memory_space<vmem>>, vector<16xi32>,
    tpu.vector_store %arg11[%swap3A_1225], %add3A_1224 {strides = array<i32>} : memref<1024xi32, #tpu.memory_space<vmem>>, vector<16xi32>,
    %mul3A_1227 = arith.constant 2 : i32
    %mul3A_1228 = arith.muli %arg1, %mul3A_1227 : i32
    %mul3A_1229 = arith.constant 64 : i32
    %mul3A_1230 = arith.muli %mul3A_1228, %mul3A_1229 : i32
    %add3A_1231 = arith.constant 55 : i32
    %add3A_1232 = arith.addi %mul3A_1230, %add3A_1231 : i32
    %add3A_1233 = vector.broadcast %add3A_1232 : i32 to vector<16xi32>
    %add3A_1234 = arith.addi %broadcast_in_dim3A_17, %add3A_1233 : vector<16xi32>
    %swap3A_1235 = arith.constant 880 : index
    %swap3A_1236 = tpu.vector_load %arg10[%swap3A_1235] {strides = array<i32>} : memref<1024xi32, #tpu.memory_space<vmem>>, vector<16xi32>,
    tpu.vector_store %arg10[%swap3A_1235], %add3A_1234 {strides = array<i32>} : memref<1024xi32, #tpu.memory_space<vmem>>, vector<16xi32>,
    %mul3A_1237 = arith.constant 2 : i32
    %mul3A_1238 = arith.muli %arg1, %mul3A_1237 : i32
    %mul3A_1239 = arith.constant 64 : i32
    %mul3A_1240 = arith.muli %mul3A_1238, %mul3A_1239 : i32
    %add3A_1241 = arith.constant 64 : i32
    %add3A_1242 = arith.addi %mul3A_1240, %add3A_1241 : i32
    %add3A_1243 = arith.constant 55 : i32
    %add3A_1244 = arith.addi %add3A_1242, %add3A_1243 : i32
    %add3A_1245 = vector.broadcast %add3A_1244 : i32 to vector<16xi32>
    %add3A_1246 = arith.addi %broadcast_in_dim3A_17, %add3A_1245 : vector<16xi32>
    %swap3A_1247 = arith.constant 880 : index
    %swap3A_1248 = tpu.vector_load %arg11[%swap3A_1247] {strides = array<i32>} : memref<1024xi32, #tpu.memory_space<vmem>>, vector<16xi32>,
    tpu.vector_store %arg11[%swap3A_1247], %add3A_1246 {strides = array<i32>} : memref<1024xi32, #tpu.memory_space<vmem>>, vector<16xi32>,
    %mul3A_1249 = arith.constant 2 : i32
    %mul3A_1250 = arith.muli %arg1, %mul3A_1249 : i32
    %mul3A_1251 = arith.constant 64 : i32
    %mul3A_1252 = arith.muli %mul3A_1250, %mul3A_1251 : i32
    %add3A_1253 = arith.constant 56 : i32
    %add3A_1254 = arith.addi %mul3A_1252, %add3A_1253 : i32
    %add3A_1255 = vector.broadcast %add3A_1254 : i32 to vector<16xi32>
    %add3A_1256 = arith.addi %broadcast_in_dim3A_17, %add3A_1255 : vector<16xi32>
    %swap3A_1257 = arith.constant 896 : index
    %swap3A_1258 = tpu.vector_load %arg10[%swap3A_1257] {strides = array<i32>} : memref<1024xi32, #tpu.memory_space<vmem>>, vector<16xi32>,
    tpu.vector_store %arg10[%swap3A_1257], %add3A_1256 {strides = array<i32>} : memref<1024xi32, #tpu.memory_space<vmem>>, vector<16xi32>,
    %mul3A_1259 = arith.constant 2 : i32
    %mul3A_1260 = arith.muli %arg1, %mul3A_1259 : i32
    %mul3A_1261 = arith.constant 64 : i32
    %mul3A_1262 = arith.muli %mul3A_1260, %mul3A_1261 : i32
    %add3A_1263 = arith.constant 64 : i32
    %add3A_1264 = arith.addi %mul3A_1262, %add3A_1263 : i32
    %add3A_1265 = arith.constant 56 : i32
    %add3A_1266 = arith.addi %add3A_1264, %add3A_1265 : i32
    %add3A_1267 = vector.broadcast %add3A_1266 : i32 to vector<16xi32>
    %add3A_1268 = arith.addi %broadcast_in_dim3A_17, %add3A_1267 : vector<16xi32>
    %swap3A_1269 = arith.constant 896 : index
    %swap3A_1270 = tpu.vector_load %arg11[%swap3A_1269] {strides = array<i32>} : memref<1024xi32, #tpu.memory_space<vmem>>, vector<16xi32>,
    tpu.vector_store %arg11[%swap3A_1269], %add3A_1268 {strides = array<i32>} : memref<1024xi32, #tpu.memory_space<vmem>>, vector<16xi32>,
    %mul3A_1271 = arith.constant 2 : i32
    %mul3A_1272 = arith.muli %arg1, %mul3A_1271 : i32
    %mul3A_1273 = arith.constant 64 : i32
    %mul3A_1274 = arith.muli %mul3A_1272, %mul3A_1273 : i32
    %add3A_1275 = arith.constant 57 : i32
    %add3A_1276 = arith.addi %mul3A_1274, %add3A_1275 : i32
    %add3A_1277 = vector.broadcast %add3A_1276 : i32 to vector<16xi32>
    %add3A_1278 = arith.addi %broadcast_in_dim3A_17, %add3A_1277 : vector<16xi32>
    %swap3A_1279 = arith.constant 912 : index
    %swap3A_1280 = tpu.vector_load %arg10[%swap3A_1279] {strides = array<i32>} : memref<1024xi32, #tpu.memory_space<vmem>>, vector<16xi32>,
    tpu.vector_store %arg10[%swap3A_1279], %add3A_1278 {strides = array<i32>} : memref<1024xi32, #tpu.memory_space<vmem>>, vector<16xi32>,
    %mul3A_1281 = arith.constant 2 : i32
    %mul3A_1282 = arith.muli %arg1, %mul3A_1281 : i32
    %mul3A_1283 = arith.constant 64 : i32
    %mul3A_1284 = arith.muli %mul3A_1282, %mul3A_1283 : i32
    %add3A_1285 = arith.constant 64 : i32
    %add3A_1286 = arith.addi %mul3A_1284, %add3A_1285 : i32
    %add3A_1287 = arith.constant 57 : i32
    %add3A_1288 = arith.addi %add3A_1286, %add3A_1287 : i32
    %add3A_1289 = vector.broadcast %add3A_1288 : i32 to vector<16xi32>
    %add3A_1290 = arith.addi %broadcast_in_dim3A_17, %add3A_1289 : vector<16xi32>
    %swap3A_1291 = arith.constant 912 : index
    %swap3A_1292 = tpu.vector_load %arg11[%swap3A_1291] {strides = array<i32>} : memref<1024xi32, #tpu.memory_space<vmem>>, vector<16xi32>,
    tpu.vector_store %arg11[%swap3A_1291], %add3A_1290 {strides = array<i32>} : memref<1024xi32, #tpu.memory_space<vmem>>, vector<16xi32>,
    %mul3A_1293 = arith.constant 2 : i32
    %mul3A_1294 = arith.muli %arg1, %mul3A_1293 : i32
    %mul3A_1295 = arith.constant 64 : i32
    %mul3A_1296 = arith.muli %mul3A_1294, %mul3A_1295 : i32
    %add3A_1297 = arith.constant 58 : i32
    %add3A_1298 = arith.addi %mul3A_1296, %add3A_1297 : i32
    %add3A_1299 = vector.broadcast %add3A_1298 : i32 to vector<16xi32>
    %add3A_1300 = arith.addi %broadcast_in_dim3A_17, %add3A_1299 : vector<16xi32>
    %swap3A_1301 = arith.constant 928 : index
    %swap3A_1302 = tpu.vector_load %arg10[%swap3A_1301] {strides = array<i32>} : memref<1024xi32, #tpu.memory_space<vmem>>, vector<16xi32>,
    tpu.vector_store %arg10[%swap3A_1301], %add3A_1300 {strides = array<i32>} : memref<1024xi32, #tpu.memory_space<vmem>>, vector<16xi32>,
    %mul3A_1303 = arith.constant 2 : i32
    %mul3A_1304 = arith.muli %arg1, %mul3A_1303 : i32
    %mul3A_1305 = arith.constant 64 : i32
    %mul3A_1306 = arith.muli %mul3A_1304, %mul3A_1305 : i32
    %add3A_1307 = arith.constant 64 : i32
    %add3A_1308 = arith.addi %mul3A_1306, %add3A_1307 : i32
    %add3A_1309 = arith.constant 58 : i32
    %add3A_1310 = arith.addi %add3A_1308, %add3A_1309 : i32
    %add3A_1311 = vector.broadcast %add3A_1310 : i32 to vector<16xi32>
    %add3A_1312 = arith.addi %broadcast_in_dim3A_17, %add3A_1311 : vector<16xi32>
    %swap3A_1313 = arith.constant 928 : index
    %swap3A_1314 = tpu.vector_load %arg11[%swap3A_1313] {strides = array<i32>} : memref<1024xi32, #tpu.memory_space<vmem>>, vector<16xi32>,
    tpu.vector_store %arg11[%swap3A_1313], %add3A_1312 {strides = array<i32>} : memref<1024xi32, #tpu.memory_space<vmem>>, vector<16xi32>,
    %mul3A_1315 = arith.constant 2 : i32
    %mul3A_1316 = arith.muli %arg1, %mul3A_1315 : i32
    %mul3A_1317 = arith.constant 64 : i32
    %mul3A_1318 = arith.muli %mul3A_1316, %mul3A_1317 : i32
    %add3A_1319 = arith.constant 59 : i32
    %add3A_1320 = arith.addi %mul3A_1318, %add3A_1319 : i32
    %add3A_1321 = vector.broadcast %add3A_1320 : i32 to vector<16xi32>
    %add3A_1322 = arith.addi %broadcast_in_dim3A_17, %add3A_1321 : vector<16xi32>
    %swap3A_1323 = arith.constant 944 : index
    %swap3A_1324 = tpu.vector_load %arg10[%swap3A_1323] {strides = array<i32>} : memref<1024xi32, #tpu.memory_space<vmem>>, vector<16xi32>,
    tpu.vector_store %arg10[%swap3A_1323], %add3A_1322 {strides = array<i32>} : memref<1024xi32, #tpu.memory_space<vmem>>, vector<16xi32>,
    %mul3A_1325 = arith.constant 2 : i32
    %mul3A_1326 = arith.muli %arg1, %mul3A_1325 : i32
    %mul3A_1327 = arith.constant 64 : i32
    %mul3A_1328 = arith.muli %mul3A_1326, %mul3A_1327 : i32
    %add3A_1329 = arith.constant 64 : i32
    %add3A_1330 = arith.addi %mul3A_1328, %add3A_1329 : i32
    %add3A_1331 = arith.constant 59 : i32
    %add3A_1332 = arith.addi %add3A_1330, %add3A_1331 : i32
    %add3A_1333 = vector.broadcast %add3A_1332 : i32 to vector<16xi32>
    %add3A_1334 = arith.addi %broadcast_in_dim3A_17, %add3A_1333 : vector<16xi32>
    %swap3A_1335 = arith.constant 944 : index
    %swap3A_1336 = tpu.vector_load %arg11[%swap3A_1335] {strides = array<i32>} : memref<1024xi32, #tpu.memory_space<vmem>>, vector<16xi32>,
    tpu.vector_store %arg11[%swap3A_1335], %add3A_1334 {strides = array<i32>} : memref<1024xi32, #tpu.memory_space<vmem>>, vector<16xi32>,
    %mul3A_1337 = arith.constant 2 : i32
    %mul3A_1338 = arith.muli %arg1, %mul3A_1337 : i32
    %mul3A_1339 = arith.constant 64 : i32
    %mul3A_1340 = arith.muli %mul3A_1338, %mul3A_1339 : i32
    %add3A_1341 = arith.constant 60 : i32
    %add3A_1342 = arith.addi %mul3A_1340, %add3A_1341 : i32
    %add3A_1343 = vector.broadcast %add3A_1342 : i32 to vector<16xi32>
    %add3A_1344 = arith.addi %broadcast_in_dim3A_17, %add3A_1343 : vector<16xi32>
    %swap3A_1345 = arith.constant 960 : index
    %swap3A_1346 = tpu.vector_load %arg10[%swap3A_1345] {strides = array<i32>} : memref<1024xi32, #tpu.memory_space<vmem>>, vector<16xi32>,
    tpu.vector_store %arg10[%swap3A_1345], %add3A_1344 {strides = array<i32>} : memref<1024xi32, #tpu.memory_space<vmem>>, vector<16xi32>,
    %mul3A_1347 = arith.constant 2 : i32
    %mul3A_1348 = arith.muli %arg1, %mul3A_1347 : i32
    %mul3A_1349 = arith.constant 64 : i32
    %mul3A_1350 = arith.muli %mul3A_1348, %mul3A_1349 : i32
    %add3A_1351 = arith.constant 64 : i32
    %add3A_1352 = arith.addi %mul3A_1350, %add3A_1351 : i32
    %add3A_1353 = arith.constant 60 : i32
    %add3A_1354 = arith.addi %add3A_1352, %add3A_1353 : i32
    %add3A_1355 = vector.broadcast %add3A_1354 : i32 to vector<16xi32>
    %add3A_1356 = arith.addi %broadcast_in_dim3A_17, %add3A_1355 : vector<16xi32>
    %swap3A_1357 = arith.constant 960 : index
    %swap3A_1358 = tpu.vector_load %arg11[%swap3A_1357] {strides = array<i32>} : memref<1024xi32, #tpu.memory_space<vmem>>, vector<16xi32>,
    tpu.vector_store %arg11[%swap3A_1357], %add3A_1356 {strides = array<i32>} : memref<1024xi32, #tpu.memory_space<vmem>>, vector<16xi32>,
    %mul3A_1359 = arith.constant 2 : i32
    %mul3A_1360 = arith.muli %arg1, %mul3A_1359 : i32
    %mul3A_1361 = arith.constant 64 : i32
    %mul3A_1362 = arith.muli %mul3A_1360, %mul3A_1361 : i32
    %add3A_1363 = arith.constant 61 : i32
    %add3A_1364 = arith.addi %mul3A_1362, %add3A_1363 : i32
    %add3A_1365 = vector.broadcast %add3A_1364 : i32 to vector<16xi32>
    %add3A_1366 = arith.addi %broadcast_in_dim3A_17, %add3A_1365 : vector<16xi32>
    %swap3A_1367 = arith.constant 976 : index
    %swap3A_1368 = tpu.vector_load %arg10[%swap3A_1367] {strides = array<i32>} : memref<1024xi32, #tpu.memory_space<vmem>>, vector<16xi32>,
    tpu.vector_store %arg10[%swap3A_1367], %add3A_1366 {strides = array<i32>} : memref<1024xi32, #tpu.memory_space<vmem>>, vector<16xi32>,
    %mul3A_1369 = arith.constant 2 : i32
    %mul3A_1370 = arith.muli %arg1, %mul3A_1369 : i32
    %mul3A_1371 = arith.constant 64 : i32
    %mul3A_1372 = arith.muli %mul3A_1370, %mul3A_1371 : i32
    %add3A_1373 = arith.constant 64 : i32
    %add3A_1374 = arith.addi %mul3A_1372, %add3A_1373 : i32
    %add3A_1375 = arith.constant 61 : i32
    %add3A_1376 = arith.addi %add3A_1374, %add3A_1375 : i32
    %add3A_1377 = vector.broadcast %add3A_1376 : i32 to vector<16xi32>
    %add3A_1378 = arith.addi %broadcast_in_dim3A_17, %add3A_1377 : vector<16xi32>
    %swap3A_1379 = arith.constant 976 : index
    %swap3A_1380 = tpu.vector_load %arg11[%swap3A_1379] {strides = array<i32>} : memref<1024xi32, #tpu.memory_space<vmem>>, vector<16xi32>,
    tpu.vector_store %arg11[%swap3A_1379], %add3A_1378 {strides = array<i32>} : memref<1024xi32, #tpu.memory_space<vmem>>, vector<16xi32>,
    %mul3A_1381 = arith.constant 2 : i32
    %mul3A_1382 = arith.muli %arg1, %mul3A_1381 : i32
    %mul3A_1383 = arith.constant 64 : i32
    %mul3A_1384 = arith.muli %mul3A_1382, %mul3A_1383 : i32
    %add3A_1385 = arith.constant 62 : i32
    %add3A_1386 = arith.addi %mul3A_1384, %add3A_1385 : i32
    %add3A_1387 = vector.broadcast %add3A_1386 : i32 to vector<16xi32>
    %add3A_1388 = arith.addi %broadcast_in_dim3A_17, %add3A_1387 : vector<16xi32>
    %swap3A_1389 = arith.constant 992 : index
    %swap3A_1390 = tpu.vector_load %arg10[%swap3A_1389] {strides = array<i32>} : memref<1024xi32, #tpu.memory_space<vmem>>, vector<16xi32>,
    tpu.vector_store %arg10[%swap3A_1389], %add3A_1388 {strides = array<i32>} : memref<1024xi32, #tpu.memory_space<vmem>>, vector<16xi32>,
    %mul3A_1391 = arith.constant 2 : i32
    %mul3A_1392 = arith.muli %arg1, %mul3A_1391 : i32
    %mul3A_1393 = arith.constant 64 : i32
    %mul3A_1394 = arith.muli %mul3A_1392, %mul3A_1393 : i32
    %add3A_1395 = arith.constant 64 : i32
    %add3A_1396 = arith.addi %mul3A_1394, %add3A_1395 : i32
    %add3A_1397 = arith.constant 62 : i32
    %add3A_1398 = arith.addi %add3A_1396, %add3A_1397 : i32
    %add3A_1399 = vector.broadcast %add3A_1398 : i32 to vector<16xi32>
    %add3A_1400 = arith.addi %broadcast_in_dim3A_17, %add3A_1399 : vector<16xi32>
    %swap3A_1401 = arith.constant 992 : index
    %swap3A_1402 = tpu.vector_load %arg11[%swap3A_1401] {strides = array<i32>} : memref<1024xi32, #tpu.memory_space<vmem>>, vector<16xi32>,
    tpu.vector_store %arg11[%swap3A_1401], %add3A_1400 {strides = array<i32>} : memref<1024xi32, #tpu.memory_space<vmem>>, vector<16xi32>,
    %mul3A_1403 = arith.constant 2 : i32
    %mul3A_1404 = arith.muli %arg1, %mul3A_1403 : i32
    %mul3A_1405 = arith.constant 64 : i32
    %mul3A_1406 = arith.muli %mul3A_1404, %mul3A_1405 : i32
    %add3A_1407 = arith.constant 63 : i32
    %add3A_1408 = arith.addi %mul3A_1406, %add3A_1407 : i32
    %add3A_1409 = vector.broadcast %add3A_1408 : i32 to vector<16xi32>
    %add3A_1410 = arith.addi %broadcast_in_dim3A_17, %add3A_1409 : vector<16xi32>
    %swap3A_1411 = arith.constant 1008 : index
    %swap3A_1412 = tpu.vector_load %arg10[%swap3A_1411] {strides = array<i32>} : memref<1024xi32, #tpu.memory_space<vmem>>, vector<16xi32>,
    tpu.vector_store %arg10[%swap3A_1411], %add3A_1410 {strides = array<i32>} : memref<1024xi32, #tpu.memory_space<vmem>>, vector<16xi32>,
    %mul3A_1413 = arith.constant 2 : i32
    %mul3A_1414 = arith.muli %arg1, %mul3A_1413 : i32
    %mul3A_1415 = arith.constant 64 : i32
    %mul3A_1416 = arith.muli %mul3A_1414, %mul3A_1415 : i32
    %add3A_1417 = arith.constant 64 : i32
    %add3A_1418 = arith.addi %mul3A_1416, %add3A_1417 : i32
    %add3A_1419 = arith.constant 63 : i32
    %add3A_1420 = arith.addi %add3A_1418, %add3A_1419 : i32
    %add3A_1421 = vector.broadcast %add3A_1420 : i32 to vector<16xi32>
    %add3A_1422 = arith.addi %broadcast_in_dim3A_17, %add3A_1421 : vector<16xi32>
    %swap3A_1423 = arith.constant 1008 : index
    %swap3A_1424 = tpu.vector_load %arg11[%swap3A_1423] {strides = array<i32>} : memref<1024xi32, #tpu.memory_space<vmem>>, vector<16xi32>,
    tpu.vector_store %arg11[%swap3A_1423], %add3A_1422 {strides = array<i32>} : memref<1024xi32, #tpu.memory_space<vmem>>, vector<16xi32>,
    %swap3A_1425 = arith.constant 0 : i32
    %swap3A_1426 = arith.index_cast %swap3A_1425 : i32 to index
    %swap3A_1427 = arith.constant 0 : index
    %swap3A_1428 = tpu.vector_load %arg9[%swap3A_1426, %swap3A_1427] {strides = array<i32>} : memref<128x32xf32, #tpu.memory_space<vmem>>, vector<16xf32>,
    tpu.vector_store %arg9[%swap3A_1426, %swap3A_1427], %broadcast_in_dim3A_15 {strides = array<i32>} : memref<128x32xf32, #tpu.memory_space<vmem>>, vector<16xf32>,
    %swap3A_1429 = arith.constant 0 : i32
    %swap3A_1430 = arith.index_cast %swap3A_1429 : i32 to index
    %swap3A_1431 = arith.constant 16 : index
    %swap3A_1432 = tpu.vector_load %arg9[%swap3A_1430, %swap3A_1431] {strides = array<i32>} : memref<128x32xf32, #tpu.memory_space<vmem>>, vector<16xf32>,
    tpu.vector_store %arg9[%swap3A_1430, %swap3A_1431], %broadcast_in_dim3A_15 {strides = array<i32>} : memref<128x32xf32, #tpu.memory_space<vmem>>, vector<16xf32>,
    %swap3A_1433 = arith.constant 1 : i32
    %swap3A_1434 = arith.index_cast %swap3A_1433 : i32 to index
    %swap3A_1435 = arith.constant 0 : index
    %swap3A_1436 = tpu.vector_load %arg9[%swap3A_1434, %swap3A_1435] {strides = array<i32>} : memref<128x32xf32, #tpu.memory_space<vmem>>, vector<16xf32>,
    tpu.vector_store %arg9[%swap3A_1434, %swap3A_1435], %broadcast_in_dim3A_15 {strides = array<i32>} : memref<128x32xf32, #tpu.memory_space<vmem>>, vector<16xf32>,
    %swap3A_1437 = arith.constant 1 : i32
    %swap3A_1438 = arith.index_cast %swap3A_1437 : i32 to index
    %swap3A_1439 = arith.constant 16 : index
    %swap3A_1440 = tpu.vector_load %arg9[%swap3A_1438, %swap3A_1439] {strides = array<i32>} : memref<128x32xf32, #tpu.memory_space<vmem>>, vector<16xf32>,
    tpu.vector_store %arg9[%swap3A_1438, %swap3A_1439], %broadcast_in_dim3A_15 {strides = array<i32>} : memref<128x32xf32, #tpu.memory_space<vmem>>, vector<16xf32>,
    %swap3A_1441 = arith.constant 2 : i32
    %swap3A_1442 = arith.index_cast %swap3A_1441 : i32 to index
    %swap3A_1443 = arith.constant 0 : index
    %swap3A_1444 = tpu.vector_load %arg9[%swap3A_1442, %swap3A_1443] {strides = array<i32>} : memref<128x32xf32, #tpu.memory_space<vmem>>, vector<16xf32>,
    tpu.vector_store %arg9[%swap3A_1442, %swap3A_1443], %broadcast_in_dim3A_15 {strides = array<i32>} : memref<128x32xf32, #tpu.memory_space<vmem>>, vector<16xf32>,
    %swap3A_1445 = arith.constant 2 : i32
    %swap3A_1446 = arith.index_cast %swap3A_1445 : i32 to index
    %swap3A_1447 = arith.constant 16 : index
    %swap3A_1448 = tpu.vector_load %arg9[%swap3A_1446, %swap3A_1447] {strides = array<i32>} : memref<128x32xf32, #tpu.memory_space<vmem>>, vector<16xf32>,
    tpu.vector_store %arg9[%swap3A_1446, %swap3A_1447], %broadcast_in_dim3A_15 {strides = array<i32>} : memref<128x32xf32, #tpu.memory_space<vmem>>, vector<16xf32>,
    %swap3A_1449 = arith.constant 3 : i32
    %swap3A_1450 = arith.index_cast %swap3A_1449 : i32 to index
    %swap3A_1451 = arith.constant 0 : index
    %swap3A_1452 = tpu.vector_load %arg9[%swap3A_1450, %swap3A_1451] {strides = array<i32>} : memref<128x32xf32, #tpu.memory_space<vmem>>, vector<16xf32>,
    tpu.vector_store %arg9[%swap3A_1450, %swap3A_1451], %broadcast_in_dim3A_15 {strides = array<i32>} : memref<128x32xf32, #tpu.memory_space<vmem>>, vector<16xf32>,
    %swap3A_1453 = arith.constant 3 : i32
    %swap3A_1454 = arith.index_cast %swap3A_1453 : i32 to index
    %swap3A_1455 = arith.constant 16 : index
    %swap3A_1456 = tpu.vector_load %arg9[%swap3A_1454, %swap3A_1455] {strides = array<i32>} : memref<128x32xf32, #tpu.memory_space<vmem>>, vector<16xf32>,
    tpu.vector_store %arg9[%swap3A_1454, %swap3A_1455], %broadcast_in_dim3A_15 {strides = array<i32>} : memref<128x32xf32, #tpu.memory_space<vmem>>, vector<16xf32>,
    %swap3A_1457 = arith.constant 4 : i32
    %swap3A_1458 = arith.index_cast %swap3A_1457 : i32 to index
    %swap3A_1459 = arith.constant 0 : index
    %swap3A_1460 = tpu.vector_load %arg9[%swap3A_1458, %swap3A_1459] {strides = array<i32>} : memref<128x32xf32, #tpu.memory_space<vmem>>, vector<16xf32>,
    tpu.vector_store %arg9[%swap3A_1458, %swap3A_1459], %broadcast_in_dim3A_15 {strides = array<i32>} : memref<128x32xf32, #tpu.memory_space<vmem>>, vector<16xf32>,
    %swap3A_1461 = arith.constant 4 : i32
    %swap3A_1462 = arith.index_cast %swap3A_1461 : i32 to index
    %swap3A_1463 = arith.constant 16 : index
    %swap3A_1464 = tpu.vector_load %arg9[%swap3A_1462, %swap3A_1463] {strides = array<i32>} : memref<128x32xf32, #tpu.memory_space<vmem>>, vector<16xf32>,
    tpu.vector_store %arg9[%swap3A_1462, %swap3A_1463], %broadcast_in_dim3A_15 {strides = array<i32>} : memref<128x32xf32, #tpu.memory_space<vmem>>, vector<16xf32>,
    %swap3A_1465 = arith.constant 5 : i32
    %swap3A_1466 = arith.index_cast %swap3A_1465 : i32 to index
    %swap3A_1467 = arith.constant 0 : index
    %swap3A_1468 = tpu.vector_load %arg9[%swap3A_1466, %swap3A_1467] {strides = array<i32>} : memref<128x32xf32, #tpu.memory_space<vmem>>, vector<16xf32>,
    tpu.vector_store %arg9[%swap3A_1466, %swap3A_1467], %broadcast_in_dim3A_15 {strides = array<i32>} : memref<128x32xf32, #tpu.memory_space<vmem>>, vector<16xf32>,
    %swap3A_1469 = arith.constant 5 : i32
    %swap3A_1470 = arith.index_cast %swap3A_1469 : i32 to index
    %swap3A_1471 = arith.constant 16 : index
    %swap3A_1472 = tpu.vector_load %arg9[%swap3A_1470, %swap3A_1471] {strides = array<i32>} : memref<128x32xf32, #tpu.memory_space<vmem>>, vector<16xf32>,
    tpu.vector_store %arg9[%swap3A_1470, %swap3A_1471], %broadcast_in_dim3A_15 {strides = array<i32>} : memref<128x32xf32, #tpu.memory_space<vmem>>, vector<16xf32>,
    %swap3A_1473 = arith.constant 6 : i32
    %swap3A_1474 = arith.index_cast %swap3A_1473 : i32 to index
    %swap3A_1475 = arith.constant 0 : index
    %swap3A_1476 = tpu.vector_load %arg9[%swap3A_1474, %swap3A_1475] {strides = array<i32>} : memref<128x32xf32, #tpu.memory_space<vmem>>, vector<16xf32>,
    tpu.vector_store %arg9[%swap3A_1474, %swap3A_1475], %broadcast_in_dim3A_15 {strides = array<i32>} : memref<128x32xf32, #tpu.memory_space<vmem>>, vector<16xf32>,
    %swap3A_1477 = arith.constant 6 : i32
    %swap3A_1478 = arith.index_cast %swap3A_1477 : i32 to index
    %swap3A_1479 = arith.constant 16 : index
    %swap3A_1480 = tpu.vector_load %arg9[%swap3A_1478, %swap3A_1479] {strides = array<i32>} : memref<128x32xf32, #tpu.memory_space<vmem>>, vector<16xf32>,
    tpu.vector_store %arg9[%swap3A_1478, %swap3A_1479], %broadcast_in_dim3A_15 {strides = array<i32>} : memref<128x32xf32, #tpu.memory_space<vmem>>, vector<16xf32>,
    %swap3A_1481 = arith.constant 7 : i32
    %swap3A_1482 = arith.index_cast %swap3A_1481 : i32 to index
    %swap3A_1483 = arith.constant 0 : index
    %swap3A_1484 = tpu.vector_load %arg9[%swap3A_1482, %swap3A_1483] {strides = array<i32>} : memref<128x32xf32, #tpu.memory_space<vmem>>, vector<16xf32>,
    tpu.vector_store %arg9[%swap3A_1482, %swap3A_1483], %broadcast_in_dim3A_15 {strides = array<i32>} : memref<128x32xf32, #tpu.memory_space<vmem>>, vector<16xf32>,
    %swap3A_1485 = arith.constant 7 : i32
    %swap3A_1486 = arith.index_cast %swap3A_1485 : i32 to index
    %swap3A_1487 = arith.constant 16 : index
    %swap3A_1488 = tpu.vector_load %arg9[%swap3A_1486, %swap3A_1487] {strides = array<i32>} : memref<128x32xf32, #tpu.memory_space<vmem>>, vector<16xf32>,
    tpu.vector_store %arg9[%swap3A_1486, %swap3A_1487], %broadcast_in_dim3A_15 {strides = array<i32>} : memref<128x32xf32, #tpu.memory_space<vmem>>, vector<16xf32>,
    %swap3A_1489 = arith.constant 8 : i32
    %swap3A_1490 = arith.index_cast %swap3A_1489 : i32 to index
    %swap3A_1491 = arith.constant 0 : index
    %swap3A_1492 = tpu.vector_load %arg9[%swap3A_1490, %swap3A_1491] {strides = array<i32>} : memref<128x32xf32, #tpu.memory_space<vmem>>, vector<16xf32>,
    tpu.vector_store %arg9[%swap3A_1490, %swap3A_1491], %broadcast_in_dim3A_15 {strides = array<i32>} : memref<128x32xf32, #tpu.memory_space<vmem>>, vector<16xf32>,
    %swap3A_1493 = arith.constant 8 : i32
    %swap3A_1494 = arith.index_cast %swap3A_1493 : i32 to index
    %swap3A_1495 = arith.constant 16 : index
    %swap3A_1496 = tpu.vector_load %arg9[%swap3A_1494, %swap3A_1495] {strides = array<i32>} : memref<128x32xf32, #tpu.memory_space<vmem>>, vector<16xf32>,
    tpu.vector_store %arg9[%swap3A_1494, %swap3A_1495], %broadcast_in_dim3A_15 {strides = array<i32>} : memref<128x32xf32, #tpu.memory_space<vmem>>, vector<16xf32>,
    %swap3A_1497 = arith.constant 9 : i32
    %swap3A_1498 = arith.index_cast %swap3A_1497 : i32 to index
    %swap3A_1499 = arith.constant 0 : index
    %swap3A_1500 = tpu.vector_load %arg9[%swap3A_1498, %swap3A_1499] {strides = array<i32>} : memref<128x32xf32, #tpu.memory_space<vmem>>, vector<16xf32>,
    tpu.vector_store %arg9[%swap3A_1498, %swap3A_1499], %broadcast_in_dim3A_15 {strides = array<i32>} : memref<128x32xf32, #tpu.memory_space<vmem>>, vector<16xf32>,
    %swap3A_1501 = arith.constant 9 : i32
    %swap3A_1502 = arith.index_cast %swap3A_1501 : i32 to index
    %swap3A_1503 = arith.constant 16 : index
    %swap3A_1504 = tpu.vector_load %arg9[%swap3A_1502, %swap3A_1503] {strides = array<i32>} : memref<128x32xf32, #tpu.memory_space<vmem>>, vector<16xf32>,
    tpu.vector_store %arg9[%swap3A_1502, %swap3A_1503], %broadcast_in_dim3A_15 {strides = array<i32>} : memref<128x32xf32, #tpu.memory_space<vmem>>, vector<16xf32>,
    %swap3A_1505 = arith.constant 10 : i32
    %swap3A_1506 = arith.index_cast %swap3A_1505 : i32 to index
    %swap3A_1507 = arith.constant 0 : index
    %swap3A_1508 = tpu.vector_load %arg9[%swap3A_1506, %swap3A_1507] {strides = array<i32>} : memref<128x32xf32, #tpu.memory_space<vmem>>, vector<16xf32>,
    tpu.vector_store %arg9[%swap3A_1506, %swap3A_1507], %broadcast_in_dim3A_15 {strides = array<i32>} : memref<128x32xf32, #tpu.memory_space<vmem>>, vector<16xf32>,
    %swap3A_1509 = arith.constant 10 : i32
    %swap3A_1510 = arith.index_cast %swap3A_1509 : i32 to index
    %swap3A_1511 = arith.constant 16 : index
    %swap3A_1512 = tpu.vector_load %arg9[%swap3A_1510, %swap3A_1511] {strides = array<i32>} : memref<128x32xf32, #tpu.memory_space<vmem>>, vector<16xf32>,
    tpu.vector_store %arg9[%swap3A_1510, %swap3A_1511], %broadcast_in_dim3A_15 {strides = array<i32>} : memref<128x32xf32, #tpu.memory_space<vmem>>, vector<16xf32>,
    %swap3A_1513 = arith.constant 11 : i32
    %swap3A_1514 = arith.index_cast %swap3A_1513 : i32 to index
    %swap3A_1515 = arith.constant 0 : index
    %swap3A_1516 = tpu.vector_load %arg9[%swap3A_1514, %swap3A_1515] {strides = array<i32>} : memref<128x32xf32, #tpu.memory_space<vmem>>, vector<16xf32>,
    tpu.vector_store %arg9[%swap3A_1514, %swap3A_1515], %broadcast_in_dim3A_15 {strides = array<i32>} : memref<128x32xf32, #tpu.memory_space<vmem>>, vector<16xf32>,
    %swap3A_1517 = arith.constant 11 : i32
    %swap3A_1518 = arith.index_cast %swap3A_1517 : i32 to index
    %swap3A_1519 = arith.constant 16 : index
    %swap3A_1520 = tpu.vector_load %arg9[%swap3A_1518, %swap3A_1519] {strides = array<i32>} : memref<128x32xf32, #tpu.memory_space<vmem>>, vector<16xf32>,
    tpu.vector_store %arg9[%swap3A_1518, %swap3A_1519], %broadcast_in_dim3A_15 {strides = array<i32>} : memref<128x32xf32, #tpu.memory_space<vmem>>, vector<16xf32>,
    %swap3A_1521 = arith.constant 12 : i32
    %swap3A_1522 = arith.index_cast %swap3A_1521 : i32 to index
    %swap3A_1523 = arith.constant 0 : index
    %swap3A_1524 = tpu.vector_load %arg9[%swap3A_1522, %swap3A_1523] {strides = array<i32>} : memref<128x32xf32, #tpu.memory_space<vmem>>, vector<16xf32>,
    tpu.vector_store %arg9[%swap3A_1522, %swap3A_1523], %broadcast_in_dim3A_15 {strides = array<i32>} : memref<128x32xf32, #tpu.memory_space<vmem>>, vector<16xf32>,
    %swap3A_1525 = arith.constant 12 : i32
    %swap3A_1526 = arith.index_cast %swap3A_1525 : i32 to index
    %swap3A_1527 = arith.constant 16 : index
    %swap3A_1528 = tpu.vector_load %arg9[%swap3A_1526, %swap3A_1527] {strides = array<i32>} : memref<128x32xf32, #tpu.memory_space<vmem>>, vector<16xf32>,
    tpu.vector_store %arg9[%swap3A_1526, %swap3A_1527], %broadcast_in_dim3A_15 {strides = array<i32>} : memref<128x32xf32, #tpu.memory_space<vmem>>, vector<16xf32>,
    %swap3A_1529 = arith.constant 13 : i32
    %swap3A_1530 = arith.index_cast %swap3A_1529 : i32 to index
    %swap3A_1531 = arith.constant 0 : index
    %swap3A_1532 = tpu.vector_load %arg9[%swap3A_1530, %swap3A_1531] {strides = array<i32>} : memref<128x32xf32, #tpu.memory_space<vmem>>, vector<16xf32>,
    tpu.vector_store %arg9[%swap3A_1530, %swap3A_1531], %broadcast_in_dim3A_15 {strides = array<i32>} : memref<128x32xf32, #tpu.memory_space<vmem>>, vector<16xf32>,
    %swap3A_1533 = arith.constant 13 : i32
    %swap3A_1534 = arith.index_cast %swap3A_1533 : i32 to index
    %swap3A_1535 = arith.constant 16 : index
    %swap3A_1536 = tpu.vector_load %arg9[%swap3A_1534, %swap3A_1535] {strides = array<i32>} : memref<128x32xf32, #tpu.memory_space<vmem>>, vector<16xf32>,
    tpu.vector_store %arg9[%swap3A_1534, %swap3A_1535], %broadcast_in_dim3A_15 {strides = array<i32>} : memref<128x32xf32, #tpu.memory_space<vmem>>, vector<16xf32>,
    %swap3A_1537 = arith.constant 14 : i32
    %swap3A_1538 = arith.index_cast %swap3A_1537 : i32 to index
    %swap3A_1539 = arith.constant 0 : index
    %swap3A_1540 = tpu.vector_load %arg9[%swap3A_1538, %swap3A_1539] {strides = array<i32>} : memref<128x32xf32, #tpu.memory_space<vmem>>, vector<16xf32>,
    tpu.vector_store %arg9[%swap3A_1538, %swap3A_1539], %broadcast_in_dim3A_15 {strides = array<i32>} : memref<128x32xf32, #tpu.memory_space<vmem>>, vector<16xf32>,
    %swap3A_1541 = arith.constant 14 : i32
    %swap3A_1542 = arith.index_cast %swap3A_1541 : i32 to index
    %swap3A_1543 = arith.constant 16 : index
    %swap3A_1544 = tpu.vector_load %arg9[%swap3A_1542, %swap3A_1543] {strides = array<i32>} : memref<128x32xf32, #tpu.memory_space<vmem>>, vector<16xf32>,
    tpu.vector_store %arg9[%swap3A_1542, %swap3A_1543], %broadcast_in_dim3A_15 {strides = array<i32>} : memref<128x32xf32, #tpu.memory_space<vmem>>, vector<16xf32>,
    %swap3A_1545 = arith.constant 15 : i32
    %swap3A_1546 = arith.index_cast %swap3A_1545 : i32 to index
    %swap3A_1547 = arith.constant 0 : index
    %swap3A_1548 = tpu.vector_load %arg9[%swap3A_1546, %swap3A_1547] {strides = array<i32>} : memref<128x32xf32, #tpu.memory_space<vmem>>, vector<16xf32>,
    tpu.vector_store %arg9[%swap3A_1546, %swap3A_1547], %broadcast_in_dim3A_15 {strides = array<i32>} : memref<128x32xf32, #tpu.memory_space<vmem>>, vector<16xf32>,
    %swap3A_1549 = arith.constant 15 : i32
    %swap3A_1550 = arith.index_cast %swap3A_1549 : i32 to index
    %swap3A_1551 = arith.constant 16 : index
    %swap3A_1552 = tpu.vector_load %arg9[%swap3A_1550, %swap3A_1551] {strides = array<i32>} : memref<128x32xf32, #tpu.memory_space<vmem>>, vector<16xf32>,
    tpu.vector_store %arg9[%swap3A_1550, %swap3A_1551], %broadcast_in_dim3A_15 {strides = array<i32>} : memref<128x32xf32, #tpu.memory_space<vmem>>, vector<16xf32>,
    %swap3A_1553 = arith.constant 16 : i32
    %swap3A_1554 = arith.index_cast %swap3A_1553 : i32 to index
    %swap3A_1555 = arith.constant 0 : index
    %swap3A_1556 = tpu.vector_load %arg9[%swap3A_1554, %swap3A_1555] {strides = array<i32>} : memref<128x32xf32, #tpu.memory_space<vmem>>, vector<16xf32>,
    tpu.vector_store %arg9[%swap3A_1554, %swap3A_1555], %broadcast_in_dim3A_15 {strides = array<i32>} : memref<128x32xf32, #tpu.memory_space<vmem>>, vector<16xf32>,
    %swap3A_1557 = arith.constant 16 : i32
    %swap3A_1558 = arith.index_cast %swap3A_1557 : i32 to index
    %swap3A_1559 = arith.constant 16 : index
    %swap3A_1560 = tpu.vector_load %arg9[%swap3A_1558, %swap3A_1559] {strides = array<i32>} : memref<128x32xf32, #tpu.memory_space<vmem>>, vector<16xf32>,
    tpu.vector_store %arg9[%swap3A_1558, %swap3A_1559], %broadcast_in_dim3A_15 {strides = array<i32>} : memref<128x32xf32, #tpu.memory_space<vmem>>, vector<16xf32>,
    %swap3A_1561 = arith.constant 17 : i32
    %swap3A_1562 = arith.index_cast %swap3A_1561 : i32 to index
    %swap3A_1563 = arith.constant 0 : index
    %swap3A_1564 = tpu.vector_load %arg9[%swap3A_1562, %swap3A_1563] {strides = array<i32>} : memref<128x32xf32, #tpu.memory_space<vmem>>, vector<16xf32>,
    tpu.vector_store %arg9[%swap3A_1562, %swap3A_1563], %broadcast_in_dim3A_15 {strides = array<i32>} : memref<128x32xf32, #tpu.memory_space<vmem>>, vector<16xf32>,
    %swap3A_1565 = arith.constant 17 : i32
    %swap3A_1566 = arith.index_cast %swap3A_1565 : i32 to index
    %swap3A_1567 = arith.constant 16 : index
    %swap3A_1568 = tpu.vector_load %arg9[%swap3A_1566, %swap3A_1567] {strides = array<i32>} : memref<128x32xf32, #tpu.memory_space<vmem>>, vector<16xf32>,
    tpu.vector_store %arg9[%swap3A_1566, %swap3A_1567], %broadcast_in_dim3A_15 {strides = array<i32>} : memref<128x32xf32, #tpu.memory_space<vmem>>, vector<16xf32>,
    %swap3A_1569 = arith.constant 18 : i32
    %swap3A_1570 = arith.index_cast %swap3A_1569 : i32 to index
    %swap3A_1571 = arith.constant 0 : index
    %swap3A_1572 = tpu.vector_load %arg9[%swap3A_1570, %swap3A_1571] {strides = array<i32>} : memref<128x32xf32, #tpu.memory_space<vmem>>, vector<16xf32>,
    tpu.vector_store %arg9[%swap3A_1570, %swap3A_1571], %broadcast_in_dim3A_15 {strides = array<i32>} : memref<128x32xf32, #tpu.memory_space<vmem>>, vector<16xf32>,
    %swap3A_1573 = arith.constant 18 : i32
    %swap3A_1574 = arith.index_cast %swap3A_1573 : i32 to index
    %swap3A_1575 = arith.constant 16 : index
    %swap3A_1576 = tpu.vector_load %arg9[%swap3A_1574, %swap3A_1575] {strides = array<i32>} : memref<128x32xf32, #tpu.memory_space<vmem>>, vector<16xf32>,
    tpu.vector_store %arg9[%swap3A_1574, %swap3A_1575], %broadcast_in_dim3A_15 {strides = array<i32>} : memref<128x32xf32, #tpu.memory_space<vmem>>, vector<16xf32>,
    %swap3A_1577 = arith.constant 19 : i32
    %swap3A_1578 = arith.index_cast %swap3A_1577 : i32 to index
    %swap3A_1579 = arith.constant 0 : index
    %swap3A_1580 = tpu.vector_load %arg9[%swap3A_1578, %swap3A_1579] {strides = array<i32>} : memref<128x32xf32, #tpu.memory_space<vmem>>, vector<16xf32>,
    tpu.vector_store %arg9[%swap3A_1578, %swap3A_1579], %broadcast_in_dim3A_15 {strides = array<i32>} : memref<128x32xf32, #tpu.memory_space<vmem>>, vector<16xf32>,
    %swap3A_1581 = arith.constant 19 : i32
    %swap3A_1582 = arith.index_cast %swap3A_1581 : i32 to index
    %swap3A_1583 = arith.constant 16 : index
    %swap3A_1584 = tpu.vector_load %arg9[%swap3A_1582, %swap3A_1583] {strides = array<i32>} : memref<128x32xf32, #tpu.memory_space<vmem>>, vector<16xf32>,
    tpu.vector_store %arg9[%swap3A_1582, %swap3A_1583], %broadcast_in_dim3A_15 {strides = array<i32>} : memref<128x32xf32, #tpu.memory_space<vmem>>, vector<16xf32>,
    %swap3A_1585 = arith.constant 20 : i32
    %swap3A_1586 = arith.index_cast %swap3A_1585 : i32 to index
    %swap3A_1587 = arith.constant 0 : index
    %swap3A_1588 = tpu.vector_load %arg9[%swap3A_1586, %swap3A_1587] {strides = array<i32>} : memref<128x32xf32, #tpu.memory_space<vmem>>, vector<16xf32>,
    tpu.vector_store %arg9[%swap3A_1586, %swap3A_1587], %broadcast_in_dim3A_15 {strides = array<i32>} : memref<128x32xf32, #tpu.memory_space<vmem>>, vector<16xf32>,
    %swap3A_1589 = arith.constant 20 : i32
    %swap3A_1590 = arith.index_cast %swap3A_1589 : i32 to index
    %swap3A_1591 = arith.constant 16 : index
    %swap3A_1592 = tpu.vector_load %arg9[%swap3A_1590, %swap3A_1591] {strides = array<i32>} : memref<128x32xf32, #tpu.memory_space<vmem>>, vector<16xf32>,
    tpu.vector_store %arg9[%swap3A_1590, %swap3A_1591], %broadcast_in_dim3A_15 {strides = array<i32>} : memref<128x32xf32, #tpu.memory_space<vmem>>, vector<16xf32>,
    %swap3A_1593 = arith.constant 21 : i32
    %swap3A_1594 = arith.index_cast %swap3A_1593 : i32 to index
    %swap3A_1595 = arith.constant 0 : index
    %swap3A_1596 = tpu.vector_load %arg9[%swap3A_1594, %swap3A_1595] {strides = array<i32>} : memref<128x32xf32, #tpu.memory_space<vmem>>, vector<16xf32>,
    tpu.vector_store %arg9[%swap3A_1594, %swap3A_1595], %broadcast_in_dim3A_15 {strides = array<i32>} : memref<128x32xf32, #tpu.memory_space<vmem>>, vector<16xf32>,
    %swap3A_1597 = arith.constant 21 : i32
    %swap3A_1598 = arith.index_cast %swap3A_1597 : i32 to index
    %swap3A_1599 = arith.constant 16 : index
    %swap3A_1600 = tpu.vector_load %arg9[%swap3A_1598, %swap3A_1599] {strides = array<i32>} : memref<128x32xf32, #tpu.memory_space<vmem>>, vector<16xf32>,
    tpu.vector_store %arg9[%swap3A_1598, %swap3A_1599], %broadcast_in_dim3A_15 {strides = array<i32>} : memref<128x32xf32, #tpu.memory_space<vmem>>, vector<16xf32>,
    %swap3A_1601 = arith.constant 22 : i32
    %swap3A_1602 = arith.index_cast %swap3A_1601 : i32 to index
    %swap3A_1603 = arith.constant 0 : index
    %swap3A_1604 = tpu.vector_load %arg9[%swap3A_1602, %swap3A_1603] {strides = array<i32>} : memref<128x32xf32, #tpu.memory_space<vmem>>, vector<16xf32>,
    tpu.vector_store %arg9[%swap3A_1602, %swap3A_1603], %broadcast_in_dim3A_15 {strides = array<i32>} : memref<128x32xf32, #tpu.memory_space<vmem>>, vector<16xf32>,
    %swap3A_1605 = arith.constant 22 : i32
    %swap3A_1606 = arith.index_cast %swap3A_1605 : i32 to index
    %swap3A_1607 = arith.constant 16 : index
    %swap3A_1608 = tpu.vector_load %arg9[%swap3A_1606, %swap3A_1607] {strides = array<i32>} : memref<128x32xf32, #tpu.memory_space<vmem>>, vector<16xf32>,
    tpu.vector_store %arg9[%swap3A_1606, %swap3A_1607], %broadcast_in_dim3A_15 {strides = array<i32>} : memref<128x32xf32, #tpu.memory_space<vmem>>, vector<16xf32>,
    %swap3A_1609 = arith.constant 23 : i32
    %swap3A_1610 = arith.index_cast %swap3A_1609 : i32 to index
    %swap3A_1611 = arith.constant 0 : index
    %swap3A_1612 = tpu.vector_load %arg9[%swap3A_1610, %swap3A_1611] {strides = array<i32>} : memref<128x32xf32, #tpu.memory_space<vmem>>, vector<16xf32>,
    tpu.vector_store %arg9[%swap3A_1610, %swap3A_1611], %broadcast_in_dim3A_15 {strides = array<i32>} : memref<128x32xf32, #tpu.memory_space<vmem>>, vector<16xf32>,
    %swap3A_1613 = arith.constant 23 : i32
    %swap3A_1614 = arith.index_cast %swap3A_1613 : i32 to index
    %swap3A_1615 = arith.constant 16 : index
    %swap3A_1616 = tpu.vector_load %arg9[%swap3A_1614, %swap3A_1615] {strides = array<i32>} : memref<128x32xf32, #tpu.memory_space<vmem>>, vector<16xf32>,
    tpu.vector_store %arg9[%swap3A_1614, %swap3A_1615], %broadcast_in_dim3A_15 {strides = array<i32>} : memref<128x32xf32, #tpu.memory_space<vmem>>, vector<16xf32>,
    %swap3A_1617 = arith.constant 24 : i32
    %swap3A_1618 = arith.index_cast %swap3A_1617 : i32 to index
    %swap3A_1619 = arith.constant 0 : index
    %swap3A_1620 = tpu.vector_load %arg9[%swap3A_1618, %swap3A_1619] {strides = array<i32>} : memref<128x32xf32, #tpu.memory_space<vmem>>, vector<16xf32>,
    tpu.vector_store %arg9[%swap3A_1618, %swap3A_1619], %broadcast_in_dim3A_15 {strides = array<i32>} : memref<128x32xf32, #tpu.memory_space<vmem>>, vector<16xf32>,
    %swap3A_1621 = arith.constant 24 : i32
    %swap3A_1622 = arith.index_cast %swap3A_1621 : i32 to index
    %swap3A_1623 = arith.constant 16 : index
    %swap3A_1624 = tpu.vector_load %arg9[%swap3A_1622, %swap3A_1623] {strides = array<i32>} : memref<128x32xf32, #tpu.memory_space<vmem>>, vector<16xf32>,
    tpu.vector_store %arg9[%swap3A_1622, %swap3A_1623], %broadcast_in_dim3A_15 {strides = array<i32>} : memref<128x32xf32, #tpu.memory_space<vmem>>, vector<16xf32>,
    %swap3A_1625 = arith.constant 25 : i32
    %swap3A_1626 = arith.index_cast %swap3A_1625 : i32 to index
    %swap3A_1627 = arith.constant 0 : index
    %swap3A_1628 = tpu.vector_load %arg9[%swap3A_1626, %swap3A_1627] {strides = array<i32>} : memref<128x32xf32, #tpu.memory_space<vmem>>, vector<16xf32>,
    tpu.vector_store %arg9[%swap3A_1626, %swap3A_1627], %broadcast_in_dim3A_15 {strides = array<i32>} : memref<128x32xf32, #tpu.memory_space<vmem>>, vector<16xf32>,
    %swap3A_1629 = arith.constant 25 : i32
    %swap3A_1630 = arith.index_cast %swap3A_1629 : i32 to index
    %swap3A_1631 = arith.constant 16 : index
    %swap3A_1632 = tpu.vector_load %arg9[%swap3A_1630, %swap3A_1631] {strides = array<i32>} : memref<128x32xf32, #tpu.memory_space<vmem>>, vector<16xf32>,
    tpu.vector_store %arg9[%swap3A_1630, %swap3A_1631], %broadcast_in_dim3A_15 {strides = array<i32>} : memref<128x32xf32, #tpu.memory_space<vmem>>, vector<16xf32>,
    %swap3A_1633 = arith.constant 26 : i32
    %swap3A_1634 = arith.index_cast %swap3A_1633 : i32 to index
    %swap3A_1635 = arith.constant 0 : index
    %swap3A_1636 = tpu.vector_load %arg9[%swap3A_1634, %swap3A_1635] {strides = array<i32>} : memref<128x32xf32, #tpu.memory_space<vmem>>, vector<16xf32>,
    tpu.vector_store %arg9[%swap3A_1634, %swap3A_1635], %broadcast_in_dim3A_15 {strides = array<i32>} : memref<128x32xf32, #tpu.memory_space<vmem>>, vector<16xf32>,
    %swap3A_1637 = arith.constant 26 : i32
    %swap3A_1638 = arith.index_cast %swap3A_1637 : i32 to index
    %swap3A_1639 = arith.constant 16 : index
    %swap3A_1640 = tpu.vector_load %arg9[%swap3A_1638, %swap3A_1639] {strides = array<i32>} : memref<128x32xf32, #tpu.memory_space<vmem>>, vector<16xf32>,
    tpu.vector_store %arg9[%swap3A_1638, %swap3A_1639], %broadcast_in_dim3A_15 {strides = array<i32>} : memref<128x32xf32, #tpu.memory_space<vmem>>, vector<16xf32>,
    %swap3A_1641 = arith.constant 27 : i32
    %swap3A_1642 = arith.index_cast %swap3A_1641 : i32 to index
    %swap3A_1643 = arith.constant 0 : index
    %swap3A_1644 = tpu.vector_load %arg9[%swap3A_1642, %swap3A_1643] {strides = array<i32>} : memref<128x32xf32, #tpu.memory_space<vmem>>, vector<16xf32>,
    tpu.vector_store %arg9[%swap3A_1642, %swap3A_1643], %broadcast_in_dim3A_15 {strides = array<i32>} : memref<128x32xf32, #tpu.memory_space<vmem>>, vector<16xf32>,
    %swap3A_1645 = arith.constant 27 : i32
    %swap3A_1646 = arith.index_cast %swap3A_1645 : i32 to index
    %swap3A_1647 = arith.constant 16 : index
    %swap3A_1648 = tpu.vector_load %arg9[%swap3A_1646, %swap3A_1647] {strides = array<i32>} : memref<128x32xf32, #tpu.memory_space<vmem>>, vector<16xf32>,
    tpu.vector_store %arg9[%swap3A_1646, %swap3A_1647], %broadcast_in_dim3A_15 {strides = array<i32>} : memref<128x32xf32, #tpu.memory_space<vmem>>, vector<16xf32>,
    %swap3A_1649 = arith.constant 28 : i32
    %swap3A_1650 = arith.index_cast %swap3A_1649 : i32 to index
    %swap3A_1651 = arith.constant 0 : index
    %swap3A_1652 = tpu.vector_load %arg9[%swap3A_1650, %swap3A_1651] {strides = array<i32>} : memref<128x32xf32, #tpu.memory_space<vmem>>, vector<16xf32>,
    tpu.vector_store %arg9[%swap3A_1650, %swap3A_1651], %broadcast_in_dim3A_15 {strides = array<i32>} : memref<128x32xf32, #tpu.memory_space<vmem>>, vector<16xf32>,
    %swap3A_1653 = arith.constant 28 : i32
    %swap3A_1654 = arith.index_cast %swap3A_1653 : i32 to index
    %swap3A_1655 = arith.constant 16 : index
    %swap3A_1656 = tpu.vector_load %arg9[%swap3A_1654, %swap3A_1655] {strides = array<i32>} : memref<128x32xf32, #tpu.memory_space<vmem>>, vector<16xf32>,
    tpu.vector_store %arg9[%swap3A_1654, %swap3A_1655], %broadcast_in_dim3A_15 {strides = array<i32>} : memref<128x32xf32, #tpu.memory_space<vmem>>, vector<16xf32>,
    %swap3A_1657 = arith.constant 29 : i32
    %swap3A_1658 = arith.index_cast %swap3A_1657 : i32 to index
    %swap3A_1659 = arith.constant 0 : index
    %swap3A_1660 = tpu.vector_load %arg9[%swap3A_1658, %swap3A_1659] {strides = array<i32>} : memref<128x32xf32, #tpu.memory_space<vmem>>, vector<16xf32>,
    tpu.vector_store %arg9[%swap3A_1658, %swap3A_1659], %broadcast_in_dim3A_15 {strides = array<i32>} : memref<128x32xf32, #tpu.memory_space<vmem>>, vector<16xf32>,
    %swap3A_1661 = arith.constant 29 : i32
    %swap3A_1662 = arith.index_cast %swap3A_1661 : i32 to index
    %swap3A_1663 = arith.constant 16 : index
    %swap3A_1664 = tpu.vector_load %arg9[%swap3A_1662, %swap3A_1663] {strides = array<i32>} : memref<128x32xf32, #tpu.memory_space<vmem>>, vector<16xf32>,
    tpu.vector_store %arg9[%swap3A_1662, %swap3A_1663], %broadcast_in_dim3A_15 {strides = array<i32>} : memref<128x32xf32, #tpu.memory_space<vmem>>, vector<16xf32>,
    %swap3A_1665 = arith.constant 30 : i32
    %swap3A_1666 = arith.index_cast %swap3A_1665 : i32 to index
    %swap3A_1667 = arith.constant 0 : index
    %swap3A_1668 = tpu.vector_load %arg9[%swap3A_1666, %swap3A_1667] {strides = array<i32>} : memref<128x32xf32, #tpu.memory_space<vmem>>, vector<16xf32>,
    tpu.vector_store %arg9[%swap3A_1666, %swap3A_1667], %broadcast_in_dim3A_15 {strides = array<i32>} : memref<128x32xf32, #tpu.memory_space<vmem>>, vector<16xf32>,
    %swap3A_1669 = arith.constant 30 : i32
    %swap3A_1670 = arith.index_cast %swap3A_1669 : i32 to index
    %swap3A_1671 = arith.constant 16 : index
    %swap3A_1672 = tpu.vector_load %arg9[%swap3A_1670, %swap3A_1671] {strides = array<i32>} : memref<128x32xf32, #tpu.memory_space<vmem>>, vector<16xf32>,
    tpu.vector_store %arg9[%swap3A_1670, %swap3A_1671], %broadcast_in_dim3A_15 {strides = array<i32>} : memref<128x32xf32, #tpu.memory_space<vmem>>, vector<16xf32>,
    %swap3A_1673 = arith.constant 31 : i32
    %swap3A_1674 = arith.index_cast %swap3A_1673 : i32 to index
    %swap3A_1675 = arith.constant 0 : index
    %swap3A_1676 = tpu.vector_load %arg9[%swap3A_1674, %swap3A_1675] {strides = array<i32>} : memref<128x32xf32, #tpu.memory_space<vmem>>, vector<16xf32>,
    tpu.vector_store %arg9[%swap3A_1674, %swap3A_1675], %broadcast_in_dim3A_15 {strides = array<i32>} : memref<128x32xf32, #tpu.memory_space<vmem>>, vector<16xf32>,
    %swap3A_1677 = arith.constant 31 : i32
    %swap3A_1678 = arith.index_cast %swap3A_1677 : i32 to index
    %swap3A_1679 = arith.constant 16 : index
    %swap3A_1680 = tpu.vector_load %arg9[%swap3A_1678, %swap3A_1679] {strides = array<i32>} : memref<128x32xf32, #tpu.memory_space<vmem>>, vector<16xf32>,
    tpu.vector_store %arg9[%swap3A_1678, %swap3A_1679], %broadcast_in_dim3A_15 {strides = array<i32>} : memref<128x32xf32, #tpu.memory_space<vmem>>, vector<16xf32>,
    %swap3A_1681 = arith.constant 32 : i32
    %swap3A_1682 = arith.index_cast %swap3A_1681 : i32 to index
    %swap3A_1683 = arith.constant 0 : index
    %swap3A_1684 = tpu.vector_load %arg9[%swap3A_1682, %swap3A_1683] {strides = array<i32>} : memref<128x32xf32, #tpu.memory_space<vmem>>, vector<16xf32>,
    tpu.vector_store %arg9[%swap3A_1682, %swap3A_1683], %broadcast_in_dim3A_15 {strides = array<i32>} : memref<128x32xf32, #tpu.memory_space<vmem>>, vector<16xf32>,
    %swap3A_1685 = arith.constant 32 : i32
    %swap3A_1686 = arith.index_cast %swap3A_1685 : i32 to index
    %swap3A_1687 = arith.constant 16 : index
    %swap3A_1688 = tpu.vector_load %arg9[%swap3A_1686, %swap3A_1687] {strides = array<i32>} : memref<128x32xf32, #tpu.memory_space<vmem>>, vector<16xf32>,
    tpu.vector_store %arg9[%swap3A_1686, %swap3A_1687], %broadcast_in_dim3A_15 {strides = array<i32>} : memref<128x32xf32, #tpu.memory_space<vmem>>, vector<16xf32>,
    %swap3A_1689 = arith.constant 33 : i32
    %swap3A_1690 = arith.index_cast %swap3A_1689 : i32 to index
    %swap3A_1691 = arith.constant 0 : index
    %swap3A_1692 = tpu.vector_load %arg9[%swap3A_1690, %swap3A_1691] {strides = array<i32>} : memref<128x32xf32, #tpu.memory_space<vmem>>, vector<16xf32>,
    tpu.vector_store %arg9[%swap3A_1690, %swap3A_1691], %broadcast_in_dim3A_15 {strides = array<i32>} : memref<128x32xf32, #tpu.memory_space<vmem>>, vector<16xf32>,
    %swap3A_1693 = arith.constant 33 : i32
    %swap3A_1694 = arith.index_cast %swap3A_1693 : i32 to index
    %swap3A_1695 = arith.constant 16 : index
    %swap3A_1696 = tpu.vector_load %arg9[%swap3A_1694, %swap3A_1695] {strides = array<i32>} : memref<128x32xf32, #tpu.memory_space<vmem>>, vector<16xf32>,
    tpu.vector_store %arg9[%swap3A_1694, %swap3A_1695], %broadcast_in_dim3A_15 {strides = array<i32>} : memref<128x32xf32, #tpu.memory_space<vmem>>, vector<16xf32>,
    %swap3A_1697 = arith.constant 34 : i32
    %swap3A_1698 = arith.index_cast %swap3A_1697 : i32 to index
    %swap3A_1699 = arith.constant 0 : index
    %swap3A_1700 = tpu.vector_load %arg9[%swap3A_1698, %swap3A_1699] {strides = array<i32>} : memref<128x32xf32, #tpu.memory_space<vmem>>, vector<16xf32>,
    tpu.vector_store %arg9[%swap3A_1698, %swap3A_1699], %broadcast_in_dim3A_15 {strides = array<i32>} : memref<128x32xf32, #tpu.memory_space<vmem>>, vector<16xf32>,
    %swap3A_1701 = arith.constant 34 : i32
    %swap3A_1702 = arith.index_cast %swap3A_1701 : i32 to index
    %swap3A_1703 = arith.constant 16 : index
    %swap3A_1704 = tpu.vector_load %arg9[%swap3A_1702, %swap3A_1703] {strides = array<i32>} : memref<128x32xf32, #tpu.memory_space<vmem>>, vector<16xf32>,
    tpu.vector_store %arg9[%swap3A_1702, %swap3A_1703], %broadcast_in_dim3A_15 {strides = array<i32>} : memref<128x32xf32, #tpu.memory_space<vmem>>, vector<16xf32>,
    %swap3A_1705 = arith.constant 35 : i32
    %swap3A_1706 = arith.index_cast %swap3A_1705 : i32 to index
    %swap3A_1707 = arith.constant 0 : index
    %swap3A_1708 = tpu.vector_load %arg9[%swap3A_1706, %swap3A_1707] {strides = array<i32>} : memref<128x32xf32, #tpu.memory_space<vmem>>, vector<16xf32>,
    tpu.vector_store %arg9[%swap3A_1706, %swap3A_1707], %broadcast_in_dim3A_15 {strides = array<i32>} : memref<128x32xf32, #tpu.memory_space<vmem>>, vector<16xf32>,
    %swap3A_1709 = arith.constant 35 : i32
    %swap3A_1710 = arith.index_cast %swap3A_1709 : i32 to index
    %swap3A_1711 = arith.constant 16 : index
    %swap3A_1712 = tpu.vector_load %arg9[%swap3A_1710, %swap3A_1711] {strides = array<i32>} : memref<128x32xf32, #tpu.memory_space<vmem>>, vector<16xf32>,
    tpu.vector_store %arg9[%swap3A_1710, %swap3A_1711], %broadcast_in_dim3A_15 {strides = array<i32>} : memref<128x32xf32, #tpu.memory_space<vmem>>, vector<16xf32>,
    %swap3A_1713 = arith.constant 36 : i32
    %swap3A_1714 = arith.index_cast %swap3A_1713 : i32 to index
    %swap3A_1715 = arith.constant 0 : index
    %swap3A_1716 = tpu.vector_load %arg9[%swap3A_1714, %swap3A_1715] {strides = array<i32>} : memref<128x32xf32, #tpu.memory_space<vmem>>, vector<16xf32>,
    tpu.vector_store %arg9[%swap3A_1714, %swap3A_1715], %broadcast_in_dim3A_15 {strides = array<i32>} : memref<128x32xf32, #tpu.memory_space<vmem>>, vector<16xf32>,
    %swap3A_1717 = arith.constant 36 : i32
    %swap3A_1718 = arith.index_cast %swap3A_1717 : i32 to index
    %swap3A_1719 = arith.constant 16 : index
    %swap3A_1720 = tpu.vector_load %arg9[%swap3A_1718, %swap3A_1719] {strides = array<i32>} : memref<128x32xf32, #tpu.memory_space<vmem>>, vector<16xf32>,
    tpu.vector_store %arg9[%swap3A_1718, %swap3A_1719], %broadcast_in_dim3A_15 {strides = array<i32>} : memref<128x32xf32, #tpu.memory_space<vmem>>, vector<16xf32>,
    %swap3A_1721 = arith.constant 37 : i32
    %swap3A_1722 = arith.index_cast %swap3A_1721 : i32 to index
    %swap3A_1723 = arith.constant 0 : index
    %swap3A_1724 = tpu.vector_load %arg9[%swap3A_1722, %swap3A_1723] {strides = array<i32>} : memref<128x32xf32, #tpu.memory_space<vmem>>, vector<16xf32>,
    tpu.vector_store %arg9[%swap3A_1722, %swap3A_1723], %broadcast_in_dim3A_15 {strides = array<i32>} : memref<128x32xf32, #tpu.memory_space<vmem>>, vector<16xf32>,
    %swap3A_1725 = arith.constant 37 : i32
    %swap3A_1726 = arith.index_cast %swap3A_1725 : i32 to index
    %swap3A_1727 = arith.constant 16 : index
    %swap3A_1728 = tpu.vector_load %arg9[%swap3A_1726, %swap3A_1727] {strides = array<i32>} : memref<128x32xf32, #tpu.memory_space<vmem>>, vector<16xf32>,
    tpu.vector_store %arg9[%swap3A_1726, %swap3A_1727], %broadcast_in_dim3A_15 {strides = array<i32>} : memref<128x32xf32, #tpu.memory_space<vmem>>, vector<16xf32>,
    %swap3A_1729 = arith.constant 38 : i32
    %swap3A_1730 = arith.index_cast %swap3A_1729 : i32 to index
    %swap3A_1731 = arith.constant 0 : index
    %swap3A_1732 = tpu.vector_load %arg9[%swap3A_1730, %swap3A_1731] {strides = array<i32>} : memref<128x32xf32, #tpu.memory_space<vmem>>, vector<16xf32>,
    tpu.vector_store %arg9[%swap3A_1730, %swap3A_1731], %broadcast_in_dim3A_15 {strides = array<i32>} : memref<128x32xf32, #tpu.memory_space<vmem>>, vector<16xf32>,
    %swap3A_1733 = arith.constant 38 : i32
    %swap3A_1734 = arith.index_cast %swap3A_1733 : i32 to index
    %swap3A_1735 = arith.constant 16 : index
    %swap3A_1736 = tpu.vector_load %arg9[%swap3A_1734, %swap3A_1735] {strides = array<i32>} : memref<128x32xf32, #tpu.memory_space<vmem>>, vector<16xf32>,
    tpu.vector_store %arg9[%swap3A_1734, %swap3A_1735], %broadcast_in_dim3A_15 {strides = array<i32>} : memref<128x32xf32, #tpu.memory_space<vmem>>, vector<16xf32>,
    %swap3A_1737 = arith.constant 39 : i32
    %swap3A_1738 = arith.index_cast %swap3A_1737 : i32 to index
    %swap3A_1739 = arith.constant 0 : index
    %swap3A_1740 = tpu.vector_load %arg9[%swap3A_1738, %swap3A_1739] {strides = array<i32>} : memref<128x32xf32, #tpu.memory_space<vmem>>, vector<16xf32>,
    tpu.vector_store %arg9[%swap3A_1738, %swap3A_1739], %broadcast_in_dim3A_15 {strides = array<i32>} : memref<128x32xf32, #tpu.memory_space<vmem>>, vector<16xf32>,
    %swap3A_1741 = arith.constant 39 : i32
    %swap3A_1742 = arith.index_cast %swap3A_1741 : i32 to index
    %swap3A_1743 = arith.constant 16 : index
    %swap3A_1744 = tpu.vector_load %arg9[%swap3A_1742, %swap3A_1743] {strides = array<i32>} : memref<128x32xf32, #tpu.memory_space<vmem>>, vector<16xf32>,
    tpu.vector_store %arg9[%swap3A_1742, %swap3A_1743], %broadcast_in_dim3A_15 {strides = array<i32>} : memref<128x32xf32, #tpu.memory_space<vmem>>, vector<16xf32>,
    %swap3A_1745 = arith.constant 40 : i32
    %swap3A_1746 = arith.index_cast %swap3A_1745 : i32 to index
    %swap3A_1747 = arith.constant 0 : index
    %swap3A_1748 = tpu.vector_load %arg9[%swap3A_1746, %swap3A_1747] {strides = array<i32>} : memref<128x32xf32, #tpu.memory_space<vmem>>, vector<16xf32>,
    tpu.vector_store %arg9[%swap3A_1746, %swap3A_1747], %broadcast_in_dim3A_15 {strides = array<i32>} : memref<128x32xf32, #tpu.memory_space<vmem>>, vector<16xf32>,
    %swap3A_1749 = arith.constant 40 : i32
    %swap3A_1750 = arith.index_cast %swap3A_1749 : i32 to index
    %swap3A_1751 = arith.constant 16 : index
    %swap3A_1752 = tpu.vector_load %arg9[%swap3A_1750, %swap3A_1751] {strides = array<i32>} : memref<128x32xf32, #tpu.memory_space<vmem>>, vector<16xf32>,
    tpu.vector_store %arg9[%swap3A_1750, %swap3A_1751], %broadcast_in_dim3A_15 {strides = array<i32>} : memref<128x32xf32, #tpu.memory_space<vmem>>, vector<16xf32>,
    %swap3A_1753 = arith.constant 41 : i32
    %swap3A_1754 = arith.index_cast %swap3A_1753 : i32 to index
    %swap3A_1755 = arith.constant 0 : index
    %swap3A_1756 = tpu.vector_load %arg9[%swap3A_1754, %swap3A_1755] {strides = array<i32>} : memref<128x32xf32, #tpu.memory_space<vmem>>, vector<16xf32>,
    tpu.vector_store %arg9[%swap3A_1754, %swap3A_1755], %broadcast_in_dim3A_15 {strides = array<i32>} : memref<128x32xf32, #tpu.memory_space<vmem>>, vector<16xf32>,
    %swap3A_1757 = arith.constant 41 : i32
    %swap3A_1758 = arith.index_cast %swap3A_1757 : i32 to index
    %swap3A_1759 = arith.constant 16 : index
    %swap3A_1760 = tpu.vector_load %arg9[%swap3A_1758, %swap3A_1759] {strides = array<i32>} : memref<128x32xf32, #tpu.memory_space<vmem>>, vector<16xf32>,
    tpu.vector_store %arg9[%swap3A_1758, %swap3A_1759], %broadcast_in_dim3A_15 {strides = array<i32>} : memref<128x32xf32, #tpu.memory_space<vmem>>, vector<16xf32>,
    %swap3A_1761 = arith.constant 42 : i32
    %swap3A_1762 = arith.index_cast %swap3A_1761 : i32 to index
    %swap3A_1763 = arith.constant 0 : index
    %swap3A_1764 = tpu.vector_load %arg9[%swap3A_1762, %swap3A_1763] {strides = array<i32>} : memref<128x32xf32, #tpu.memory_space<vmem>>, vector<16xf32>,
    tpu.vector_store %arg9[%swap3A_1762, %swap3A_1763], %broadcast_in_dim3A_15 {strides = array<i32>} : memref<128x32xf32, #tpu.memory_space<vmem>>, vector<16xf32>,
    %swap3A_1765 = arith.constant 42 : i32
    %swap3A_1766 = arith.index_cast %swap3A_1765 : i32 to index
    %swap3A_1767 = arith.constant 16 : index
    %swap3A_1768 = tpu.vector_load %arg9[%swap3A_1766, %swap3A_1767] {strides = array<i32>} : memref<128x32xf32, #tpu.memory_space<vmem>>, vector<16xf32>,
    tpu.vector_store %arg9[%swap3A_1766, %swap3A_1767], %broadcast_in_dim3A_15 {strides = array<i32>} : memref<128x32xf32, #tpu.memory_space<vmem>>, vector<16xf32>,
    %swap3A_1769 = arith.constant 43 : i32
    %swap3A_1770 = arith.index_cast %swap3A_1769 : i32 to index
    %swap3A_1771 = arith.constant 0 : index
    %swap3A_1772 = tpu.vector_load %arg9[%swap3A_1770, %swap3A_1771] {strides = array<i32>} : memref<128x32xf32, #tpu.memory_space<vmem>>, vector<16xf32>,
    tpu.vector_store %arg9[%swap3A_1770, %swap3A_1771], %broadcast_in_dim3A_15 {strides = array<i32>} : memref<128x32xf32, #tpu.memory_space<vmem>>, vector<16xf32>,
    %swap3A_1773 = arith.constant 43 : i32
    %swap3A_1774 = arith.index_cast %swap3A_1773 : i32 to index
    %swap3A_1775 = arith.constant 16 : index
    %swap3A_1776 = tpu.vector_load %arg9[%swap3A_1774, %swap3A_1775] {strides = array<i32>} : memref<128x32xf32, #tpu.memory_space<vmem>>, vector<16xf32>,
    tpu.vector_store %arg9[%swap3A_1774, %swap3A_1775], %broadcast_in_dim3A_15 {strides = array<i32>} : memref<128x32xf32, #tpu.memory_space<vmem>>, vector<16xf32>,
    %swap3A_1777 = arith.constant 44 : i32
    %swap3A_1778 = arith.index_cast %swap3A_1777 : i32 to index
    %swap3A_1779 = arith.constant 0 : index
    %swap3A_1780 = tpu.vector_load %arg9[%swap3A_1778, %swap3A_1779] {strides = array<i32>} : memref<128x32xf32, #tpu.memory_space<vmem>>, vector<16xf32>,
    tpu.vector_store %arg9[%swap3A_1778, %swap3A_1779], %broadcast_in_dim3A_15 {strides = array<i32>} : memref<128x32xf32, #tpu.memory_space<vmem>>, vector<16xf32>,
    %swap3A_1781 = arith.constant 44 : i32
    %swap3A_1782 = arith.index_cast %swap3A_1781 : i32 to index
    %swap3A_1783 = arith.constant 16 : index
    %swap3A_1784 = tpu.vector_load %arg9[%swap3A_1782, %swap3A_1783] {strides = array<i32>} : memref<128x32xf32, #tpu.memory_space<vmem>>, vector<16xf32>,
    tpu.vector_store %arg9[%swap3A_1782, %swap3A_1783], %broadcast_in_dim3A_15 {strides = array<i32>} : memref<128x32xf32, #tpu.memory_space<vmem>>, vector<16xf32>,
    %swap3A_1785 = arith.constant 45 : i32
    %swap3A_1786 = arith.index_cast %swap3A_1785 : i32 to index
    %swap3A_1787 = arith.constant 0 : index
    %swap3A_1788 = tpu.vector_load %arg9[%swap3A_1786, %swap3A_1787] {strides = array<i32>} : memref<128x32xf32, #tpu.memory_space<vmem>>, vector<16xf32>,
    tpu.vector_store %arg9[%swap3A_1786, %swap3A_1787], %broadcast_in_dim3A_15 {strides = array<i32>} : memref<128x32xf32, #tpu.memory_space<vmem>>, vector<16xf32>,
    %swap3A_1789 = arith.constant 45 : i32
    %swap3A_1790 = arith.index_cast %swap3A_1789 : i32 to index
    %swap3A_1791 = arith.constant 16 : index
    %swap3A_1792 = tpu.vector_load %arg9[%swap3A_1790, %swap3A_1791] {strides = array<i32>} : memref<128x32xf32, #tpu.memory_space<vmem>>, vector<16xf32>,
    tpu.vector_store %arg9[%swap3A_1790, %swap3A_1791], %broadcast_in_dim3A_15 {strides = array<i32>} : memref<128x32xf32, #tpu.memory_space<vmem>>, vector<16xf32>,
    %swap3A_1793 = arith.constant 46 : i32
    %swap3A_1794 = arith.index_cast %swap3A_1793 : i32 to index
    %swap3A_1795 = arith.constant 0 : index
    %swap3A_1796 = tpu.vector_load %arg9[%swap3A_1794, %swap3A_1795] {strides = array<i32>} : memref<128x32xf32, #tpu.memory_space<vmem>>, vector<16xf32>,
    tpu.vector_store %arg9[%swap3A_1794, %swap3A_1795], %broadcast_in_dim3A_15 {strides = array<i32>} : memref<128x32xf32, #tpu.memory_space<vmem>>, vector<16xf32>,
    %swap3A_1797 = arith.constant 46 : i32
    %swap3A_1798 = arith.index_cast %swap3A_1797 : i32 to index
    %swap3A_1799 = arith.constant 16 : index
    %swap3A_1800 = tpu.vector_load %arg9[%swap3A_1798, %swap3A_1799] {strides = array<i32>} : memref<128x32xf32, #tpu.memory_space<vmem>>, vector<16xf32>,
    tpu.vector_store %arg9[%swap3A_1798, %swap3A_1799], %broadcast_in_dim3A_15 {strides = array<i32>} : memref<128x32xf32, #tpu.memory_space<vmem>>, vector<16xf32>,
    %swap3A_1801 = arith.constant 47 : i32
    %swap3A_1802 = arith.index_cast %swap3A_1801 : i32 to index
    %swap3A_1803 = arith.constant 0 : index
    %swap3A_1804 = tpu.vector_load %arg9[%swap3A_1802, %swap3A_1803] {strides = array<i32>} : memref<128x32xf32, #tpu.memory_space<vmem>>, vector<16xf32>,
    tpu.vector_store %arg9[%swap3A_1802, %swap3A_1803], %broadcast_in_dim3A_15 {strides = array<i32>} : memref<128x32xf32, #tpu.memory_space<vmem>>, vector<16xf32>,
    %swap3A_1805 = arith.constant 47 : i32
    %swap3A_1806 = arith.index_cast %swap3A_1805 : i32 to index
    %swap3A_1807 = arith.constant 16 : index
    %swap3A_1808 = tpu.vector_load %arg9[%swap3A_1806, %swap3A_1807] {strides = array<i32>} : memref<128x32xf32, #tpu.memory_space<vmem>>, vector<16xf32>,
    tpu.vector_store %arg9[%swap3A_1806, %swap3A_1807], %broadcast_in_dim3A_15 {strides = array<i32>} : memref<128x32xf32, #tpu.memory_space<vmem>>, vector<16xf32>,
    %swap3A_1809 = arith.constant 48 : i32
    %swap3A_1810 = arith.index_cast %swap3A_1809 : i32 to index
    %swap3A_1811 = arith.constant 0 : index
    %swap3A_1812 = tpu.vector_load %arg9[%swap3A_1810, %swap3A_1811] {strides = array<i32>} : memref<128x32xf32, #tpu.memory_space<vmem>>, vector<16xf32>,
    tpu.vector_store %arg9[%swap3A_1810, %swap3A_1811], %broadcast_in_dim3A_15 {strides = array<i32>} : memref<128x32xf32, #tpu.memory_space<vmem>>, vector<16xf32>,
    %swap3A_1813 = arith.constant 48 : i32
    %swap3A_1814 = arith.index_cast %swap3A_1813 : i32 to index
    %swap3A_1815 = arith.constant 16 : index
    %swap3A_1816 = tpu.vector_load %arg9[%swap3A_1814, %swap3A_1815] {strides = array<i32>} : memref<128x32xf32, #tpu.memory_space<vmem>>, vector<16xf32>,
    tpu.vector_store %arg9[%swap3A_1814, %swap3A_1815], %broadcast_in_dim3A_15 {strides = array<i32>} : memref<128x32xf32, #tpu.memory_space<vmem>>, vector<16xf32>,
    %swap3A_1817 = arith.constant 49 : i32
    %swap3A_1818 = arith.index_cast %swap3A_1817 : i32 to index
    %swap3A_1819 = arith.constant 0 : index
    %swap3A_1820 = tpu.vector_load %arg9[%swap3A_1818, %swap3A_1819] {strides = array<i32>} : memref<128x32xf32, #tpu.memory_space<vmem>>, vector<16xf32>,
    tpu.vector_store %arg9[%swap3A_1818, %swap3A_1819], %broadcast_in_dim3A_15 {strides = array<i32>} : memref<128x32xf32, #tpu.memory_space<vmem>>, vector<16xf32>,
    %swap3A_1821 = arith.constant 49 : i32
    %swap3A_1822 = arith.index_cast %swap3A_1821 : i32 to index
    %swap3A_1823 = arith.constant 16 : index
    %swap3A_1824 = tpu.vector_load %arg9[%swap3A_1822, %swap3A_1823] {strides = array<i32>} : memref<128x32xf32, #tpu.memory_space<vmem>>, vector<16xf32>,
    tpu.vector_store %arg9[%swap3A_1822, %swap3A_1823], %broadcast_in_dim3A_15 {strides = array<i32>} : memref<128x32xf32, #tpu.memory_space<vmem>>, vector<16xf32>,
    %swap3A_1825 = arith.constant 50 : i32
    %swap3A_1826 = arith.index_cast %swap3A_1825 : i32 to index
    %swap3A_1827 = arith.constant 0 : index
    %swap3A_1828 = tpu.vector_load %arg9[%swap3A_1826, %swap3A_1827] {strides = array<i32>} : memref<128x32xf32, #tpu.memory_space<vmem>>, vector<16xf32>,
    tpu.vector_store %arg9[%swap3A_1826, %swap3A_1827], %broadcast_in_dim3A_15 {strides = array<i32>} : memref<128x32xf32, #tpu.memory_space<vmem>>, vector<16xf32>,
    %swap3A_1829 = arith.constant 50 : i32
    %swap3A_1830 = arith.index_cast %swap3A_1829 : i32 to index
    %swap3A_1831 = arith.constant 16 : index
    %swap3A_1832 = tpu.vector_load %arg9[%swap3A_1830, %swap3A_1831] {strides = array<i32>} : memref<128x32xf32, #tpu.memory_space<vmem>>, vector<16xf32>,
    tpu.vector_store %arg9[%swap3A_1830, %swap3A_1831], %broadcast_in_dim3A_15 {strides = array<i32>} : memref<128x32xf32, #tpu.memory_space<vmem>>, vector<16xf32>,
    %swap3A_1833 = arith.constant 51 : i32
    %swap3A_1834 = arith.index_cast %swap3A_1833 : i32 to index
    %swap3A_1835 = arith.constant 0 : index
    %swap3A_1836 = tpu.vector_load %arg9[%swap3A_1834, %swap3A_1835] {strides = array<i32>} : memref<128x32xf32, #tpu.memory_space<vmem>>, vector<16xf32>,
    tpu.vector_store %arg9[%swap3A_1834, %swap3A_1835], %broadcast_in_dim3A_15 {strides = array<i32>} : memref<128x32xf32, #tpu.memory_space<vmem>>, vector<16xf32>,
    %swap3A_1837 = arith.constant 51 : i32
    %swap3A_1838 = arith.index_cast %swap3A_1837 : i32 to index
    %swap3A_1839 = arith.constant 16 : index
    %swap3A_1840 = tpu.vector_load %arg9[%swap3A_1838, %swap3A_1839] {strides = array<i32>} : memref<128x32xf32, #tpu.memory_space<vmem>>, vector<16xf32>,
    tpu.vector_store %arg9[%swap3A_1838, %swap3A_1839], %broadcast_in_dim3A_15 {strides = array<i32>} : memref<128x32xf32, #tpu.memory_space<vmem>>, vector<16xf32>,
    %swap3A_1841 = arith.constant 52 : i32
    %swap3A_1842 = arith.index_cast %swap3A_1841 : i32 to index
    %swap3A_1843 = arith.constant 0 : index
    %swap3A_1844 = tpu.vector_load %arg9[%swap3A_1842, %swap3A_1843] {strides = array<i32>} : memref<128x32xf32, #tpu.memory_space<vmem>>, vector<16xf32>,
    tpu.vector_store %arg9[%swap3A_1842, %swap3A_1843], %broadcast_in_dim3A_15 {strides = array<i32>} : memref<128x32xf32, #tpu.memory_space<vmem>>, vector<16xf32>,
    %swap3A_1845 = arith.constant 52 : i32
    %swap3A_1846 = arith.index_cast %swap3A_1845 : i32 to index
    %swap3A_1847 = arith.constant 16 : index
    %swap3A_1848 = tpu.vector_load %arg9[%swap3A_1846, %swap3A_1847] {strides = array<i32>} : memref<128x32xf32, #tpu.memory_space<vmem>>, vector<16xf32>,
    tpu.vector_store %arg9[%swap3A_1846, %swap3A_1847], %broadcast_in_dim3A_15 {strides = array<i32>} : memref<128x32xf32, #tpu.memory_space<vmem>>, vector<16xf32>,
    %swap3A_1849 = arith.constant 53 : i32
    %swap3A_1850 = arith.index_cast %swap3A_1849 : i32 to index
    %swap3A_1851 = arith.constant 0 : index
    %swap3A_1852 = tpu.vector_load %arg9[%swap3A_1850, %swap3A_1851] {strides = array<i32>} : memref<128x32xf32, #tpu.memory_space<vmem>>, vector<16xf32>,
    tpu.vector_store %arg9[%swap3A_1850, %swap3A_1851], %broadcast_in_dim3A_15 {strides = array<i32>} : memref<128x32xf32, #tpu.memory_space<vmem>>, vector<16xf32>,
    %swap3A_1853 = arith.constant 53 : i32
    %swap3A_1854 = arith.index_cast %swap3A_1853 : i32 to index
    %swap3A_1855 = arith.constant 16 : index
    %swap3A_1856 = tpu.vector_load %arg9[%swap3A_1854, %swap3A_1855] {strides = array<i32>} : memref<128x32xf32, #tpu.memory_space<vmem>>, vector<16xf32>,
    tpu.vector_store %arg9[%swap3A_1854, %swap3A_1855], %broadcast_in_dim3A_15 {strides = array<i32>} : memref<128x32xf32, #tpu.memory_space<vmem>>, vector<16xf32>,
    %swap3A_1857 = arith.constant 54 : i32
    %swap3A_1858 = arith.index_cast %swap3A_1857 : i32 to index
    %swap3A_1859 = arith.constant 0 : index
    %swap3A_1860 = tpu.vector_load %arg9[%swap3A_1858, %swap3A_1859] {strides = array<i32>} : memref<128x32xf32, #tpu.memory_space<vmem>>, vector<16xf32>,
    tpu.vector_store %arg9[%swap3A_1858, %swap3A_1859], %broadcast_in_dim3A_15 {strides = array<i32>} : memref<128x32xf32, #tpu.memory_space<vmem>>, vector<16xf32>,
    %swap3A_1861 = arith.constant 54 : i32
    %swap3A_1862 = arith.index_cast %swap3A_1861 : i32 to index
    %swap3A_1863 = arith.constant 16 : index
    %swap3A_1864 = tpu.vector_load %arg9[%swap3A_1862, %swap3A_1863] {strides = array<i32>} : memref<128x32xf32, #tpu.memory_space<vmem>>, vector<16xf32>,
    tpu.vector_store %arg9[%swap3A_1862, %swap3A_1863], %broadcast_in_dim3A_15 {strides = array<i32>} : memref<128x32xf32, #tpu.memory_space<vmem>>, vector<16xf32>,
    %swap3A_1865 = arith.constant 55 : i32
    %swap3A_1866 = arith.index_cast %swap3A_1865 : i32 to index
    %swap3A_1867 = arith.constant 0 : index
    %swap3A_1868 = tpu.vector_load %arg9[%swap3A_1866, %swap3A_1867] {strides = array<i32>} : memref<128x32xf32, #tpu.memory_space<vmem>>, vector<16xf32>,
    tpu.vector_store %arg9[%swap3A_1866, %swap3A_1867], %broadcast_in_dim3A_15 {strides = array<i32>} : memref<128x32xf32, #tpu.memory_space<vmem>>, vector<16xf32>,
    %swap3A_1869 = arith.constant 55 : i32
    %swap3A_1870 = arith.index_cast %swap3A_1869 : i32 to index
    %swap3A_1871 = arith.constant 16 : index
    %swap3A_1872 = tpu.vector_load %arg9[%swap3A_1870, %swap3A_1871] {strides = array<i32>} : memref<128x32xf32, #tpu.memory_space<vmem>>, vector<16xf32>,
    tpu.vector_store %arg9[%swap3A_1870, %swap3A_1871], %broadcast_in_dim3A_15 {strides = array<i32>} : memref<128x32xf32, #tpu.memory_space<vmem>>, vector<16xf32>,
    %swap3A_1873 = arith.constant 56 : i32
    %swap3A_1874 = arith.index_cast %swap3A_1873 : i32 to index
    %swap3A_1875 = arith.constant 0 : index
    %swap3A_1876 = tpu.vector_load %arg9[%swap3A_1874, %swap3A_1875] {strides = array<i32>} : memref<128x32xf32, #tpu.memory_space<vmem>>, vector<16xf32>,
    tpu.vector_store %arg9[%swap3A_1874, %swap3A_1875], %broadcast_in_dim3A_15 {strides = array<i32>} : memref<128x32xf32, #tpu.memory_space<vmem>>, vector<16xf32>,
    %swap3A_1877 = arith.constant 56 : i32
    %swap3A_1878 = arith.index_cast %swap3A_1877 : i32 to index
    %swap3A_1879 = arith.constant 16 : index
    %swap3A_1880 = tpu.vector_load %arg9[%swap3A_1878, %swap3A_1879] {strides = array<i32>} : memref<128x32xf32, #tpu.memory_space<vmem>>, vector<16xf32>,
    tpu.vector_store %arg9[%swap3A_1878, %swap3A_1879], %broadcast_in_dim3A_15 {strides = array<i32>} : memref<128x32xf32, #tpu.memory_space<vmem>>, vector<16xf32>,
    %swap3A_1881 = arith.constant 57 : i32
    %swap3A_1882 = arith.index_cast %swap3A_1881 : i32 to index
    %swap3A_1883 = arith.constant 0 : index
    %swap3A_1884 = tpu.vector_load %arg9[%swap3A_1882, %swap3A_1883] {strides = array<i32>} : memref<128x32xf32, #tpu.memory_space<vmem>>, vector<16xf32>,
    tpu.vector_store %arg9[%swap3A_1882, %swap3A_1883], %broadcast_in_dim3A_15 {strides = array<i32>} : memref<128x32xf32, #tpu.memory_space<vmem>>, vector<16xf32>,
    %swap3A_1885 = arith.constant 57 : i32
    %swap3A_1886 = arith.index_cast %swap3A_1885 : i32 to index
    %swap3A_1887 = arith.constant 16 : index
    %swap3A_1888 = tpu.vector_load %arg9[%swap3A_1886, %swap3A_1887] {strides = array<i32>} : memref<128x32xf32, #tpu.memory_space<vmem>>, vector<16xf32>,
    tpu.vector_store %arg9[%swap3A_1886, %swap3A_1887], %broadcast_in_dim3A_15 {strides = array<i32>} : memref<128x32xf32, #tpu.memory_space<vmem>>, vector<16xf32>,
    %swap3A_1889 = arith.constant 58 : i32
    %swap3A_1890 = arith.index_cast %swap3A_1889 : i32 to index
    %swap3A_1891 = arith.constant 0 : index
    %swap3A_1892 = tpu.vector_load %arg9[%swap3A_1890, %swap3A_1891] {strides = array<i32>} : memref<128x32xf32, #tpu.memory_space<vmem>>, vector<16xf32>,
    tpu.vector_store %arg9[%swap3A_1890, %swap3A_1891], %broadcast_in_dim3A_15 {strides = array<i32>} : memref<128x32xf32, #tpu.memory_space<vmem>>, vector<16xf32>,
    %swap3A_1893 = arith.constant 58 : i32
    %swap3A_1894 = arith.index_cast %swap3A_1893 : i32 to index
    %swap3A_1895 = arith.constant 16 : index
    %swap3A_1896 = tpu.vector_load %arg9[%swap3A_1894, %swap3A_1895] {strides = array<i32>} : memref<128x32xf32, #tpu.memory_space<vmem>>, vector<16xf32>,
    tpu.vector_store %arg9[%swap3A_1894, %swap3A_1895], %broadcast_in_dim3A_15 {strides = array<i32>} : memref<128x32xf32, #tpu.memory_space<vmem>>, vector<16xf32>,
    %swap3A_1897 = arith.constant 59 : i32
    %swap3A_1898 = arith.index_cast %swap3A_1897 : i32 to index
    %swap3A_1899 = arith.constant 0 : index
    %swap3A_1900 = tpu.vector_load %arg9[%swap3A_1898, %swap3A_1899] {strides = array<i32>} : memref<128x32xf32, #tpu.memory_space<vmem>>, vector<16xf32>,
    tpu.vector_store %arg9[%swap3A_1898, %swap3A_1899], %broadcast_in_dim3A_15 {strides = array<i32>} : memref<128x32xf32, #tpu.memory_space<vmem>>, vector<16xf32>,
    %swap3A_1901 = arith.constant 59 : i32
    %swap3A_1902 = arith.index_cast %swap3A_1901 : i32 to index
    %swap3A_1903 = arith.constant 16 : index
    %swap3A_1904 = tpu.vector_load %arg9[%swap3A_1902, %swap3A_1903] {strides = array<i32>} : memref<128x32xf32, #tpu.memory_space<vmem>>, vector<16xf32>,
    tpu.vector_store %arg9[%swap3A_1902, %swap3A_1903], %broadcast_in_dim3A_15 {strides = array<i32>} : memref<128x32xf32, #tpu.memory_space<vmem>>, vector<16xf32>,
    %swap3A_1905 = arith.constant 60 : i32
    %swap3A_1906 = arith.index_cast %swap3A_1905 : i32 to index
    %swap3A_1907 = arith.constant 0 : index
    %swap3A_1908 = tpu.vector_load %arg9[%swap3A_1906, %swap3A_1907] {strides = array<i32>} : memref<128x32xf32, #tpu.memory_space<vmem>>, vector<16xf32>,
    tpu.vector_store %arg9[%swap3A_1906, %swap3A_1907], %broadcast_in_dim3A_15 {strides = array<i32>} : memref<128x32xf32, #tpu.memory_space<vmem>>, vector<16xf32>,
    %swap3A_1909 = arith.constant 60 : i32
    %swap3A_1910 = arith.index_cast %swap3A_1909 : i32 to index
    %swap3A_1911 = arith.constant 16 : index
    %swap3A_1912 = tpu.vector_load %arg9[%swap3A_1910, %swap3A_1911] {strides = array<i32>} : memref<128x32xf32, #tpu.memory_space<vmem>>, vector<16xf32>,
    tpu.vector_store %arg9[%swap3A_1910, %swap3A_1911], %broadcast_in_dim3A_15 {strides = array<i32>} : memref<128x32xf32, #tpu.memory_space<vmem>>, vector<16xf32>,
    %swap3A_1913 = arith.constant 61 : i32
    %swap3A_1914 = arith.index_cast %swap3A_1913 : i32 to index
    %swap3A_1915 = arith.constant 0 : index
    %swap3A_1916 = tpu.vector_load %arg9[%swap3A_1914, %swap3A_1915] {strides = array<i32>} : memref<128x32xf32, #tpu.memory_space<vmem>>, vector<16xf32>,
    tpu.vector_store %arg9[%swap3A_1914, %swap3A_1915], %broadcast_in_dim3A_15 {strides = array<i32>} : memref<128x32xf32, #tpu.memory_space<vmem>>, vector<16xf32>,
    %swap3A_1917 = arith.constant 61 : i32
    %swap3A_1918 = arith.index_cast %swap3A_1917 : i32 to index
    %swap3A_1919 = arith.constant 16 : index
    %swap3A_1920 = tpu.vector_load %arg9[%swap3A_1918, %swap3A_1919] {strides = array<i32>} : memref<128x32xf32, #tpu.memory_space<vmem>>, vector<16xf32>,
    tpu.vector_store %arg9[%swap3A_1918, %swap3A_1919], %broadcast_in_dim3A_15 {strides = array<i32>} : memref<128x32xf32, #tpu.memory_space<vmem>>, vector<16xf32>,
    %swap3A_1921 = arith.constant 62 : i32
    %swap3A_1922 = arith.index_cast %swap3A_1921 : i32 to index
    %swap3A_1923 = arith.constant 0 : index
    %swap3A_1924 = tpu.vector_load %arg9[%swap3A_1922, %swap3A_1923] {strides = array<i32>} : memref<128x32xf32, #tpu.memory_space<vmem>>, vector<16xf32>,
    tpu.vector_store %arg9[%swap3A_1922, %swap3A_1923], %broadcast_in_dim3A_15 {strides = array<i32>} : memref<128x32xf32, #tpu.memory_space<vmem>>, vector<16xf32>,
    %swap3A_1925 = arith.constant 62 : i32
    %swap3A_1926 = arith.index_cast %swap3A_1925 : i32 to index
    %swap3A_1927 = arith.constant 16 : index
    %swap3A_1928 = tpu.vector_load %arg9[%swap3A_1926, %swap3A_1927] {strides = array<i32>} : memref<128x32xf32, #tpu.memory_space<vmem>>, vector<16xf32>,
    tpu.vector_store %arg9[%swap3A_1926, %swap3A_1927], %broadcast_in_dim3A_15 {strides = array<i32>} : memref<128x32xf32, #tpu.memory_space<vmem>>, vector<16xf32>,
    %swap3A_1929 = arith.constant 63 : i32
    %swap3A_1930 = arith.index_cast %swap3A_1929 : i32 to index
    %swap3A_1931 = arith.constant 0 : index
    %swap3A_1932 = tpu.vector_load %arg9[%swap3A_1930, %swap3A_1931] {strides = array<i32>} : memref<128x32xf32, #tpu.memory_space<vmem>>, vector<16xf32>,
    tpu.vector_store %arg9[%swap3A_1930, %swap3A_1931], %broadcast_in_dim3A_15 {strides = array<i32>} : memref<128x32xf32, #tpu.memory_space<vmem>>, vector<16xf32>,
    %swap3A_1933 = arith.constant 63 : i32
    %swap3A_1934 = arith.index_cast %swap3A_1933 : i32 to index
    %swap3A_1935 = arith.constant 16 : index
    %swap3A_1936 = tpu.vector_load %arg9[%swap3A_1934, %swap3A_1935] {strides = array<i32>} : memref<128x32xf32, #tpu.memory_space<vmem>>, vector<16xf32>,
    tpu.vector_store %arg9[%swap3A_1934, %swap3A_1935], %broadcast_in_dim3A_15 {strides = array<i32>} : memref<128x32xf32, #tpu.memory_space<vmem>>, vector<16xf32>,
    %swap3A_1937 = arith.constant 64 : i32
    %swap3A_1938 = arith.index_cast %swap3A_1937 : i32 to index
    %swap3A_1939 = arith.constant 0 : index
    %swap3A_1940 = tpu.vector_load %arg9[%swap3A_1938, %swap3A_1939] {strides = array<i32>} : memref<128x32xf32, #tpu.memory_space<vmem>>, vector<16xf32>,
    tpu.vector_store %arg9[%swap3A_1938, %swap3A_1939], %broadcast_in_dim3A_15 {strides = array<i32>} : memref<128x32xf32, #tpu.memory_space<vmem>>, vector<16xf32>,
    %swap3A_1941 = arith.constant 64 : i32
    %swap3A_1942 = arith.index_cast %swap3A_1941 : i32 to index
    %swap3A_1943 = arith.constant 16 : index
    %swap3A_1944 = tpu.vector_load %arg9[%swap3A_1942, %swap3A_1943] {strides = array<i32>} : memref<128x32xf32, #tpu.memory_space<vmem>>, vector<16xf32>,
    tpu.vector_store %arg9[%swap3A_1942, %swap3A_1943], %broadcast_in_dim3A_15 {strides = array<i32>} : memref<128x32xf32, #tpu.memory_space<vmem>>, vector<16xf32>,
    %swap3A_1945 = arith.constant 65 : i32
    %swap3A_1946 = arith.index_cast %swap3A_1945 : i32 to index
    %swap3A_1947 = arith.constant 0 : index
    %swap3A_1948 = tpu.vector_load %arg9[%swap3A_1946, %swap3A_1947] {strides = array<i32>} : memref<128x32xf32, #tpu.memory_space<vmem>>, vector<16xf32>,
    tpu.vector_store %arg9[%swap3A_1946, %swap3A_1947], %broadcast_in_dim3A_15 {strides = array<i32>} : memref<128x32xf32, #tpu.memory_space<vmem>>, vector<16xf32>,
    %swap3A_1949 = arith.constant 65 : i32
    %swap3A_1950 = arith.index_cast %swap3A_1949 : i32 to index
    %swap3A_1951 = arith.constant 16 : index
    %swap3A_1952 = tpu.vector_load %arg9[%swap3A_1950, %swap3A_1951] {strides = array<i32>} : memref<128x32xf32, #tpu.memory_space<vmem>>, vector<16xf32>,
    tpu.vector_store %arg9[%swap3A_1950, %swap3A_1951], %broadcast_in_dim3A_15 {strides = array<i32>} : memref<128x32xf32, #tpu.memory_space<vmem>>, vector<16xf32>,
    %swap3A_1953 = arith.constant 66 : i32
    %swap3A_1954 = arith.index_cast %swap3A_1953 : i32 to index
    %swap3A_1955 = arith.constant 0 : index
    %swap3A_1956 = tpu.vector_load %arg9[%swap3A_1954, %swap3A_1955] {strides = array<i32>} : memref<128x32xf32, #tpu.memory_space<vmem>>, vector<16xf32>,
    tpu.vector_store %arg9[%swap3A_1954, %swap3A_1955], %broadcast_in_dim3A_15 {strides = array<i32>} : memref<128x32xf32, #tpu.memory_space<vmem>>, vector<16xf32>,
    %swap3A_1957 = arith.constant 66 : i32
    %swap3A_1958 = arith.index_cast %swap3A_1957 : i32 to index
    %swap3A_1959 = arith.constant 16 : index
    %swap3A_1960 = tpu.vector_load %arg9[%swap3A_1958, %swap3A_1959] {strides = array<i32>} : memref<128x32xf32, #tpu.memory_space<vmem>>, vector<16xf32>,
    tpu.vector_store %arg9[%swap3A_1958, %swap3A_1959], %broadcast_in_dim3A_15 {strides = array<i32>} : memref<128x32xf32, #tpu.memory_space<vmem>>, vector<16xf32>,
    %swap3A_1961 = arith.constant 67 : i32
    %swap3A_1962 = arith.index_cast %swap3A_1961 : i32 to index
    %swap3A_1963 = arith.constant 0 : index
    %swap3A_1964 = tpu.vector_load %arg9[%swap3A_1962, %swap3A_1963] {strides = array<i32>} : memref<128x32xf32, #tpu.memory_space<vmem>>, vector<16xf32>,
    tpu.vector_store %arg9[%swap3A_1962, %swap3A_1963], %broadcast_in_dim3A_15 {strides = array<i32>} : memref<128x32xf32, #tpu.memory_space<vmem>>, vector<16xf32>,
    %swap3A_1965 = arith.constant 67 : i32
    %swap3A_1966 = arith.index_cast %swap3A_1965 : i32 to index
    %swap3A_1967 = arith.constant 16 : index
    %swap3A_1968 = tpu.vector_load %arg9[%swap3A_1966, %swap3A_1967] {strides = array<i32>} : memref<128x32xf32, #tpu.memory_space<vmem>>, vector<16xf32>,
    tpu.vector_store %arg9[%swap3A_1966, %swap3A_1967], %broadcast_in_dim3A_15 {strides = array<i32>} : memref<128x32xf32, #tpu.memory_space<vmem>>, vector<16xf32>,
    %swap3A_1969 = arith.constant 68 : i32
    %swap3A_1970 = arith.index_cast %swap3A_1969 : i32 to index
    %swap3A_1971 = arith.constant 0 : index
    %swap3A_1972 = tpu.vector_load %arg9[%swap3A_1970, %swap3A_1971] {strides = array<i32>} : memref<128x32xf32, #tpu.memory_space<vmem>>, vector<16xf32>,
    tpu.vector_store %arg9[%swap3A_1970, %swap3A_1971], %broadcast_in_dim3A_15 {strides = array<i32>} : memref<128x32xf32, #tpu.memory_space<vmem>>, vector<16xf32>,
    %swap3A_1973 = arith.constant 68 : i32
    %swap3A_1974 = arith.index_cast %swap3A_1973 : i32 to index
    %swap3A_1975 = arith.constant 16 : index
    %swap3A_1976 = tpu.vector_load %arg9[%swap3A_1974, %swap3A_1975] {strides = array<i32>} : memref<128x32xf32, #tpu.memory_space<vmem>>, vector<16xf32>,
    tpu.vector_store %arg9[%swap3A_1974, %swap3A_1975], %broadcast_in_dim3A_15 {strides = array<i32>} : memref<128x32xf32, #tpu.memory_space<vmem>>, vector<16xf32>,
    %swap3A_1977 = arith.constant 69 : i32
    %swap3A_1978 = arith.index_cast %swap3A_1977 : i32 to index
    %swap3A_1979 = arith.constant 0 : index
    %swap3A_1980 = tpu.vector_load %arg9[%swap3A_1978, %swap3A_1979] {strides = array<i32>} : memref<128x32xf32, #tpu.memory_space<vmem>>, vector<16xf32>,
    tpu.vector_store %arg9[%swap3A_1978, %swap3A_1979], %broadcast_in_dim3A_15 {strides = array<i32>} : memref<128x32xf32, #tpu.memory_space<vmem>>, vector<16xf32>,
    %swap3A_1981 = arith.constant 69 : i32
    %swap3A_1982 = arith.index_cast %swap3A_1981 : i32 to index
    %swap3A_1983 = arith.constant 16 : index
    %swap3A_1984 = tpu.vector_load %arg9[%swap3A_1982, %swap3A_1983] {strides = array<i32>} : memref<128x32xf32, #tpu.memory_space<vmem>>, vector<16xf32>,
    tpu.vector_store %arg9[%swap3A_1982, %swap3A_1983], %broadcast_in_dim3A_15 {strides = array<i32>} : memref<128x32xf32, #tpu.memory_space<vmem>>, vector<16xf32>,
    %swap3A_1985 = arith.constant 70 : i32
    %swap3A_1986 = arith.index_cast %swap3A_1985 : i32 to index
    %swap3A_1987 = arith.constant 0 : index
    %swap3A_1988 = tpu.vector_load %arg9[%swap3A_1986, %swap3A_1987] {strides = array<i32>} : memref<128x32xf32, #tpu.memory_space<vmem>>, vector<16xf32>,
    tpu.vector_store %arg9[%swap3A_1986, %swap3A_1987], %broadcast_in_dim3A_15 {strides = array<i32>} : memref<128x32xf32, #tpu.memory_space<vmem>>, vector<16xf32>,
    %swap3A_1989 = arith.constant 70 : i32
    %swap3A_1990 = arith.index_cast %swap3A_1989 : i32 to index
    %swap3A_1991 = arith.constant 16 : index
    %swap3A_1992 = tpu.vector_load %arg9[%swap3A_1990, %swap3A_1991] {strides = array<i32>} : memref<128x32xf32, #tpu.memory_space<vmem>>, vector<16xf32>,
    tpu.vector_store %arg9[%swap3A_1990, %swap3A_1991], %broadcast_in_dim3A_15 {strides = array<i32>} : memref<128x32xf32, #tpu.memory_space<vmem>>, vector<16xf32>,
    %swap3A_1993 = arith.constant 71 : i32
    %swap3A_1994 = arith.index_cast %swap3A_1993 : i32 to index
    %swap3A_1995 = arith.constant 0 : index
    %swap3A_1996 = tpu.vector_load %arg9[%swap3A_1994, %swap3A_1995] {strides = array<i32>} : memref<128x32xf32, #tpu.memory_space<vmem>>, vector<16xf32>,
    tpu.vector_store %arg9[%swap3A_1994, %swap3A_1995], %broadcast_in_dim3A_15 {strides = array<i32>} : memref<128x32xf32, #tpu.memory_space<vmem>>, vector<16xf32>,
    %swap3A_1997 = arith.constant 71 : i32
    %swap3A_1998 = arith.index_cast %swap3A_1997 : i32 to index
    %swap3A_1999 = arith.constant 16 : index
    %swap3A_2000 = tpu.vector_load %arg9[%swap3A_1998, %swap3A_1999] {strides = array<i32>} : memref<128x32xf32, #tpu.memory_space<vmem>>, vector<16xf32>,
    tpu.vector_store %arg9[%swap3A_1998, %swap3A_1999], %broadcast_in_dim3A_15 {strides = array<i32>} : memref<128x32xf32, #tpu.memory_space<vmem>>, vector<16xf32>,
    %swap3A_2001 = arith.constant 72 : i32
    %swap3A_2002 = arith.index_cast %swap3A_2001 : i32 to index
    %swap3A_2003 = arith.constant 0 : index
    %swap3A_2004 = tpu.vector_load %arg9[%swap3A_2002, %swap3A_2003] {strides = array<i32>} : memref<128x32xf32, #tpu.memory_space<vmem>>, vector<16xf32>,
    tpu.vector_store %arg9[%swap3A_2002, %swap3A_2003], %broadcast_in_dim3A_15 {strides = array<i32>} : memref<128x32xf32, #tpu.memory_space<vmem>>, vector<16xf32>,
    %swap3A_2005 = arith.constant 72 : i32
    %swap3A_2006 = arith.index_cast %swap3A_2005 : i32 to index
    %swap3A_2007 = arith.constant 16 : index
    %swap3A_2008 = tpu.vector_load %arg9[%swap3A_2006, %swap3A_2007] {strides = array<i32>} : memref<128x32xf32, #tpu.memory_space<vmem>>, vector<16xf32>,
    tpu.vector_store %arg9[%swap3A_2006, %swap3A_2007], %broadcast_in_dim3A_15 {strides = array<i32>} : memref<128x32xf32, #tpu.memory_space<vmem>>, vector<16xf32>,
    %swap3A_2009 = arith.constant 73 : i32
    %swap3A_2010 = arith.index_cast %swap3A_2009 : i32 to index
    %swap3A_2011 = arith.constant 0 : index
    %swap3A_2012 = tpu.vector_load %arg9[%swap3A_2010, %swap3A_2011] {strides = array<i32>} : memref<128x32xf32, #tpu.memory_space<vmem>>, vector<16xf32>,
    tpu.vector_store %arg9[%swap3A_2010, %swap3A_2011], %broadcast_in_dim3A_15 {strides = array<i32>} : memref<128x32xf32, #tpu.memory_space<vmem>>, vector<16xf32>,
    %swap3A_2013 = arith.constant 73 : i32
    %swap3A_2014 = arith.index_cast %swap3A_2013 : i32 to index
    %swap3A_2015 = arith.constant 16 : index
    %swap3A_2016 = tpu.vector_load %arg9[%swap3A_2014, %swap3A_2015] {strides = array<i32>} : memref<128x32xf32, #tpu.memory_space<vmem>>, vector<16xf32>,
    tpu.vector_store %arg9[%swap3A_2014, %swap3A_2015], %broadcast_in_dim3A_15 {strides = array<i32>} : memref<128x32xf32, #tpu.memory_space<vmem>>, vector<16xf32>,
    %swap3A_2017 = arith.constant 74 : i32
    %swap3A_2018 = arith.index_cast %swap3A_2017 : i32 to index
    %swap3A_2019 = arith.constant 0 : index
    %swap3A_2020 = tpu.vector_load %arg9[%swap3A_2018, %swap3A_2019] {strides = array<i32>} : memref<128x32xf32, #tpu.memory_space<vmem>>, vector<16xf32>,
    tpu.vector_store %arg9[%swap3A_2018, %swap3A_2019], %broadcast_in_dim3A_15 {strides = array<i32>} : memref<128x32xf32, #tpu.memory_space<vmem>>, vector<16xf32>,
    %swap3A_2021 = arith.constant 74 : i32
    %swap3A_2022 = arith.index_cast %swap3A_2021 : i32 to index
    %swap3A_2023 = arith.constant 16 : index
    %swap3A_2024 = tpu.vector_load %arg9[%swap3A_2022, %swap3A_2023] {strides = array<i32>} : memref<128x32xf32, #tpu.memory_space<vmem>>, vector<16xf32>,
    tpu.vector_store %arg9[%swap3A_2022, %swap3A_2023], %broadcast_in_dim3A_15 {strides = array<i32>} : memref<128x32xf32, #tpu.memory_space<vmem>>, vector<16xf32>,
    %swap3A_2025 = arith.constant 75 : i32
    %swap3A_2026 = arith.index_cast %swap3A_2025 : i32 to index
    %swap3A_2027 = arith.constant 0 : index
    %swap3A_2028 = tpu.vector_load %arg9[%swap3A_2026, %swap3A_2027] {strides = array<i32>} : memref<128x32xf32, #tpu.memory_space<vmem>>, vector<16xf32>,
    tpu.vector_store %arg9[%swap3A_2026, %swap3A_2027], %broadcast_in_dim3A_15 {strides = array<i32>} : memref<128x32xf32, #tpu.memory_space<vmem>>, vector<16xf32>,
    %swap3A_2029 = arith.constant 75 : i32
    %swap3A_2030 = arith.index_cast %swap3A_2029 : i32 to index
    %swap3A_2031 = arith.constant 16 : index
    %swap3A_2032 = tpu.vector_load %arg9[%swap3A_2030, %swap3A_2031] {strides = array<i32>} : memref<128x32xf32, #tpu.memory_space<vmem>>, vector<16xf32>,
    tpu.vector_store %arg9[%swap3A_2030, %swap3A_2031], %broadcast_in_dim3A_15 {strides = array<i32>} : memref<128x32xf32, #tpu.memory_space<vmem>>, vector<16xf32>,
    %swap3A_2033 = arith.constant 76 : i32
    %swap3A_2034 = arith.index_cast %swap3A_2033 : i32 to index
    %swap3A_2035 = arith.constant 0 : index
    %swap3A_2036 = tpu.vector_load %arg9[%swap3A_2034, %swap3A_2035] {strides = array<i32>} : memref<128x32xf32, #tpu.memory_space<vmem>>, vector<16xf32>,
    tpu.vector_store %arg9[%swap3A_2034, %swap3A_2035], %broadcast_in_dim3A_15 {strides = array<i32>} : memref<128x32xf32, #tpu.memory_space<vmem>>, vector<16xf32>,
    %swap3A_2037 = arith.constant 76 : i32
    %swap3A_2038 = arith.index_cast %swap3A_2037 : i32 to index
    %swap3A_2039 = arith.constant 16 : index
    %swap3A_2040 = tpu.vector_load %arg9[%swap3A_2038, %swap3A_2039] {strides = array<i32>} : memref<128x32xf32, #tpu.memory_space<vmem>>, vector<16xf32>,
    tpu.vector_store %arg9[%swap3A_2038, %swap3A_2039], %broadcast_in_dim3A_15 {strides = array<i32>} : memref<128x32xf32, #tpu.memory_space<vmem>>, vector<16xf32>,
    %swap3A_2041 = arith.constant 77 : i32
    %swap3A_2042 = arith.index_cast %swap3A_2041 : i32 to index
    %swap3A_2043 = arith.constant 0 : index
    %swap3A_2044 = tpu.vector_load %arg9[%swap3A_2042, %swap3A_2043] {strides = array<i32>} : memref<128x32xf32, #tpu.memory_space<vmem>>, vector<16xf32>,
    tpu.vector_store %arg9[%swap3A_2042, %swap3A_2043], %broadcast_in_dim3A_15 {strides = array<i32>} : memref<128x32xf32, #tpu.memory_space<vmem>>, vector<16xf32>,
    %swap3A_2045 = arith.constant 77 : i32
    %swap3A_2046 = arith.index_cast %swap3A_2045 : i32 to index
    %swap3A_2047 = arith.constant 16 : index
    %swap3A_2048 = tpu.vector_load %arg9[%swap3A_2046, %swap3A_2047] {strides = array<i32>} : memref<128x32xf32, #tpu.memory_space<vmem>>, vector<16xf32>,
    tpu.vector_store %arg9[%swap3A_2046, %swap3A_2047], %broadcast_in_dim3A_15 {strides = array<i32>} : memref<128x32xf32, #tpu.memory_space<vmem>>, vector<16xf32>,
    %swap3A_2049 = arith.constant 78 : i32
    %swap3A_2050 = arith.index_cast %swap3A_2049 : i32 to index
    %swap3A_2051 = arith.constant 0 : index
    %swap3A_2052 = tpu.vector_load %arg9[%swap3A_2050, %swap3A_2051] {strides = array<i32>} : memref<128x32xf32, #tpu.memory_space<vmem>>, vector<16xf32>,
    tpu.vector_store %arg9[%swap3A_2050, %swap3A_2051], %broadcast_in_dim3A_15 {strides = array<i32>} : memref<128x32xf32, #tpu.memory_space<vmem>>, vector<16xf32>,
    %swap3A_2053 = arith.constant 78 : i32
    %swap3A_2054 = arith.index_cast %swap3A_2053 : i32 to index
    %swap3A_2055 = arith.constant 16 : index
    %swap3A_2056 = tpu.vector_load %arg9[%swap3A_2054, %swap3A_2055] {strides = array<i32>} : memref<128x32xf32, #tpu.memory_space<vmem>>, vector<16xf32>,
    tpu.vector_store %arg9[%swap3A_2054, %swap3A_2055], %broadcast_in_dim3A_15 {strides = array<i32>} : memref<128x32xf32, #tpu.memory_space<vmem>>, vector<16xf32>,
    %swap3A_2057 = arith.constant 79 : i32
    %swap3A_2058 = arith.index_cast %swap3A_2057 : i32 to index
    %swap3A_2059 = arith.constant 0 : index
    %swap3A_2060 = tpu.vector_load %arg9[%swap3A_2058, %swap3A_2059] {strides = array<i32>} : memref<128x32xf32, #tpu.memory_space<vmem>>, vector<16xf32>,
    tpu.vector_store %arg9[%swap3A_2058, %swap3A_2059], %broadcast_in_dim3A_15 {strides = array<i32>} : memref<128x32xf32, #tpu.memory_space<vmem>>, vector<16xf32>,
    %swap3A_2061 = arith.constant 79 : i32
    %swap3A_2062 = arith.index_cast %swap3A_2061 : i32 to index
    %swap3A_2063 = arith.constant 16 : index
    %swap3A_2064 = tpu.vector_load %arg9[%swap3A_2062, %swap3A_2063] {strides = array<i32>} : memref<128x32xf32, #tpu.memory_space<vmem>>, vector<16xf32>,
    tpu.vector_store %arg9[%swap3A_2062, %swap3A_2063], %broadcast_in_dim3A_15 {strides = array<i32>} : memref<128x32xf32, #tpu.memory_space<vmem>>, vector<16xf32>,
    %swap3A_2065 = arith.constant 80 : i32
    %swap3A_2066 = arith.index_cast %swap3A_2065 : i32 to index
    %swap3A_2067 = arith.constant 0 : index
    %swap3A_2068 = tpu.vector_load %arg9[%swap3A_2066, %swap3A_2067] {strides = array<i32>} : memref<128x32xf32, #tpu.memory_space<vmem>>, vector<16xf32>,
    tpu.vector_store %arg9[%swap3A_2066, %swap3A_2067], %broadcast_in_dim3A_15 {strides = array<i32>} : memref<128x32xf32, #tpu.memory_space<vmem>>, vector<16xf32>,
    %swap3A_2069 = arith.constant 80 : i32
    %swap3A_2070 = arith.index_cast %swap3A_2069 : i32 to index
    %swap3A_2071 = arith.constant 16 : index
    %swap3A_2072 = tpu.vector_load %arg9[%swap3A_2070, %swap3A_2071] {strides = array<i32>} : memref<128x32xf32, #tpu.memory_space<vmem>>, vector<16xf32>,
    tpu.vector_store %arg9[%swap3A_2070, %swap3A_2071], %broadcast_in_dim3A_15 {strides = array<i32>} : memref<128x32xf32, #tpu.memory_space<vmem>>, vector<16xf32>,
    %swap3A_2073 = arith.constant 81 : i32
    %swap3A_2074 = arith.index_cast %swap3A_2073 : i32 to index
    %swap3A_2075 = arith.constant 0 : index
    %swap3A_2076 = tpu.vector_load %arg9[%swap3A_2074, %swap3A_2075] {strides = array<i32>} : memref<128x32xf32, #tpu.memory_space<vmem>>, vector<16xf32>,
    tpu.vector_store %arg9[%swap3A_2074, %swap3A_2075], %broadcast_in_dim3A_15 {strides = array<i32>} : memref<128x32xf32, #tpu.memory_space<vmem>>, vector<16xf32>,
    %swap3A_2077 = arith.constant 81 : i32
    %swap3A_2078 = arith.index_cast %swap3A_2077 : i32 to index
    %swap3A_2079 = arith.constant 16 : index
    %swap3A_2080 = tpu.vector_load %arg9[%swap3A_2078, %swap3A_2079] {strides = array<i32>} : memref<128x32xf32, #tpu.memory_space<vmem>>, vector<16xf32>,
    tpu.vector_store %arg9[%swap3A_2078, %swap3A_2079], %broadcast_in_dim3A_15 {strides = array<i32>} : memref<128x32xf32, #tpu.memory_space<vmem>>, vector<16xf32>,
    %swap3A_2081 = arith.constant 82 : i32
    %swap3A_2082 = arith.index_cast %swap3A_2081 : i32 to index
    %swap3A_2083 = arith.constant 0 : index
    %swap3A_2084 = tpu.vector_load %arg9[%swap3A_2082, %swap3A_2083] {strides = array<i32>} : memref<128x32xf32, #tpu.memory_space<vmem>>, vector<16xf32>,
    tpu.vector_store %arg9[%swap3A_2082, %swap3A_2083], %broadcast_in_dim3A_15 {strides = array<i32>} : memref<128x32xf32, #tpu.memory_space<vmem>>, vector<16xf32>,
    %swap3A_2085 = arith.constant 82 : i32
    %swap3A_2086 = arith.index_cast %swap3A_2085 : i32 to index
    %swap3A_2087 = arith.constant 16 : index
    %swap3A_2088 = tpu.vector_load %arg9[%swap3A_2086, %swap3A_2087] {strides = array<i32>} : memref<128x32xf32, #tpu.memory_space<vmem>>, vector<16xf32>,
    tpu.vector_store %arg9[%swap3A_2086, %swap3A_2087], %broadcast_in_dim3A_15 {strides = array<i32>} : memref<128x32xf32, #tpu.memory_space<vmem>>, vector<16xf32>,
    %swap3A_2089 = arith.constant 83 : i32
    %swap3A_2090 = arith.index_cast %swap3A_2089 : i32 to index
    %swap3A_2091 = arith.constant 0 : index
    %swap3A_2092 = tpu.vector_load %arg9[%swap3A_2090, %swap3A_2091] {strides = array<i32>} : memref<128x32xf32, #tpu.memory_space<vmem>>, vector<16xf32>,
    tpu.vector_store %arg9[%swap3A_2090, %swap3A_2091], %broadcast_in_dim3A_15 {strides = array<i32>} : memref<128x32xf32, #tpu.memory_space<vmem>>, vector<16xf32>,
    %swap3A_2093 = arith.constant 83 : i32
    %swap3A_2094 = arith.index_cast %swap3A_2093 : i32 to index
    %swap3A_2095 = arith.constant 16 : index
    %swap3A_2096 = tpu.vector_load %arg9[%swap3A_2094, %swap3A_2095] {strides = array<i32>} : memref<128x32xf32, #tpu.memory_space<vmem>>, vector<16xf32>,
    tpu.vector_store %arg9[%swap3A_2094, %swap3A_2095], %broadcast_in_dim3A_15 {strides = array<i32>} : memref<128x32xf32, #tpu.memory_space<vmem>>, vector<16xf32>,
    %swap3A_2097 = arith.constant 84 : i32
    %swap3A_2098 = arith.index_cast %swap3A_2097 : i32 to index
    %swap3A_2099 = arith.constant 0 : index
    %swap3A_2100 = tpu.vector_load %arg9[%swap3A_2098, %swap3A_2099] {strides = array<i32>} : memref<128x32xf32, #tpu.memory_space<vmem>>, vector<16xf32>,
    tpu.vector_store %arg9[%swap3A_2098, %swap3A_2099], %broadcast_in_dim3A_15 {strides = array<i32>} : memref<128x32xf32, #tpu.memory_space<vmem>>, vector<16xf32>,
    %swap3A_2101 = arith.constant 84 : i32
    %swap3A_2102 = arith.index_cast %swap3A_2101 : i32 to index
    %swap3A_2103 = arith.constant 16 : index
    %swap3A_2104 = tpu.vector_load %arg9[%swap3A_2102, %swap3A_2103] {strides = array<i32>} : memref<128x32xf32, #tpu.memory_space<vmem>>, vector<16xf32>,
    tpu.vector_store %arg9[%swap3A_2102, %swap3A_2103], %broadcast_in_dim3A_15 {strides = array<i32>} : memref<128x32xf32, #tpu.memory_space<vmem>>, vector<16xf32>,
    %swap3A_2105 = arith.constant 85 : i32
    %swap3A_2106 = arith.index_cast %swap3A_2105 : i32 to index
    %swap3A_2107 = arith.constant 0 : index
    %swap3A_2108 = tpu.vector_load %arg9[%swap3A_2106, %swap3A_2107] {strides = array<i32>} : memref<128x32xf32, #tpu.memory_space<vmem>>, vector<16xf32>,
    tpu.vector_store %arg9[%swap3A_2106, %swap3A_2107], %broadcast_in_dim3A_15 {strides = array<i32>} : memref<128x32xf32, #tpu.memory_space<vmem>>, vector<16xf32>,
    %swap3A_2109 = arith.constant 85 : i32
    %swap3A_2110 = arith.index_cast %swap3A_2109 : i32 to index
    %swap3A_2111 = arith.constant 16 : index
    %swap3A_2112 = tpu.vector_load %arg9[%swap3A_2110, %swap3A_2111] {strides = array<i32>} : memref<128x32xf32, #tpu.memory_space<vmem>>, vector<16xf32>,
    tpu.vector_store %arg9[%swap3A_2110, %swap3A_2111], %broadcast_in_dim3A_15 {strides = array<i32>} : memref<128x32xf32, #tpu.memory_space<vmem>>, vector<16xf32>,
    %swap3A_2113 = arith.constant 86 : i32
    %swap3A_2114 = arith.index_cast %swap3A_2113 : i32 to index
    %swap3A_2115 = arith.constant 0 : index
    %swap3A_2116 = tpu.vector_load %arg9[%swap3A_2114, %swap3A_2115] {strides = array<i32>} : memref<128x32xf32, #tpu.memory_space<vmem>>, vector<16xf32>,
    tpu.vector_store %arg9[%swap3A_2114, %swap3A_2115], %broadcast_in_dim3A_15 {strides = array<i32>} : memref<128x32xf32, #tpu.memory_space<vmem>>, vector<16xf32>,
    %swap3A_2117 = arith.constant 86 : i32
    %swap3A_2118 = arith.index_cast %swap3A_2117 : i32 to index
    %swap3A_2119 = arith.constant 16 : index
    %swap3A_2120 = tpu.vector_load %arg9[%swap3A_2118, %swap3A_2119] {strides = array<i32>} : memref<128x32xf32, #tpu.memory_space<vmem>>, vector<16xf32>,
    tpu.vector_store %arg9[%swap3A_2118, %swap3A_2119], %broadcast_in_dim3A_15 {strides = array<i32>} : memref<128x32xf32, #tpu.memory_space<vmem>>, vector<16xf32>,
    %swap3A_2121 = arith.constant 87 : i32
    %swap3A_2122 = arith.index_cast %swap3A_2121 : i32 to index
    %swap3A_2123 = arith.constant 0 : index
    %swap3A_2124 = tpu.vector_load %arg9[%swap3A_2122, %swap3A_2123] {strides = array<i32>} : memref<128x32xf32, #tpu.memory_space<vmem>>, vector<16xf32>,
    tpu.vector_store %arg9[%swap3A_2122, %swap3A_2123], %broadcast_in_dim3A_15 {strides = array<i32>} : memref<128x32xf32, #tpu.memory_space<vmem>>, vector<16xf32>,
    %swap3A_2125 = arith.constant 87 : i32
    %swap3A_2126 = arith.index_cast %swap3A_2125 : i32 to index
    %swap3A_2127 = arith.constant 16 : index
    %swap3A_2128 = tpu.vector_load %arg9[%swap3A_2126, %swap3A_2127] {strides = array<i32>} : memref<128x32xf32, #tpu.memory_space<vmem>>, vector<16xf32>,
    tpu.vector_store %arg9[%swap3A_2126, %swap3A_2127], %broadcast_in_dim3A_15 {strides = array<i32>} : memref<128x32xf32, #tpu.memory_space<vmem>>, vector<16xf32>,
    %swap3A_2129 = arith.constant 88 : i32
    %swap3A_2130 = arith.index_cast %swap3A_2129 : i32 to index
    %swap3A_2131 = arith.constant 0 : index
    %swap3A_2132 = tpu.vector_load %arg9[%swap3A_2130, %swap3A_2131] {strides = array<i32>} : memref<128x32xf32, #tpu.memory_space<vmem>>, vector<16xf32>,
    tpu.vector_store %arg9[%swap3A_2130, %swap3A_2131], %broadcast_in_dim3A_15 {strides = array<i32>} : memref<128x32xf32, #tpu.memory_space<vmem>>, vector<16xf32>,
    %swap3A_2133 = arith.constant 88 : i32
    %swap3A_2134 = arith.index_cast %swap3A_2133 : i32 to index
    %swap3A_2135 = arith.constant 16 : index
    %swap3A_2136 = tpu.vector_load %arg9[%swap3A_2134, %swap3A_2135] {strides = array<i32>} : memref<128x32xf32, #tpu.memory_space<vmem>>, vector<16xf32>,
    tpu.vector_store %arg9[%swap3A_2134, %swap3A_2135], %broadcast_in_dim3A_15 {strides = array<i32>} : memref<128x32xf32, #tpu.memory_space<vmem>>, vector<16xf32>,
    %swap3A_2137 = arith.constant 89 : i32
    %swap3A_2138 = arith.index_cast %swap3A_2137 : i32 to index
    %swap3A_2139 = arith.constant 0 : index
    %swap3A_2140 = tpu.vector_load %arg9[%swap3A_2138, %swap3A_2139] {strides = array<i32>} : memref<128x32xf32, #tpu.memory_space<vmem>>, vector<16xf32>,
    tpu.vector_store %arg9[%swap3A_2138, %swap3A_2139], %broadcast_in_dim3A_15 {strides = array<i32>} : memref<128x32xf32, #tpu.memory_space<vmem>>, vector<16xf32>,
    %swap3A_2141 = arith.constant 89 : i32
    %swap3A_2142 = arith.index_cast %swap3A_2141 : i32 to index
    %swap3A_2143 = arith.constant 16 : index
    %swap3A_2144 = tpu.vector_load %arg9[%swap3A_2142, %swap3A_2143] {strides = array<i32>} : memref<128x32xf32, #tpu.memory_space<vmem>>, vector<16xf32>,
    tpu.vector_store %arg9[%swap3A_2142, %swap3A_2143], %broadcast_in_dim3A_15 {strides = array<i32>} : memref<128x32xf32, #tpu.memory_space<vmem>>, vector<16xf32>,
    %swap3A_2145 = arith.constant 90 : i32
    %swap3A_2146 = arith.index_cast %swap3A_2145 : i32 to index
    %swap3A_2147 = arith.constant 0 : index
    %swap3A_2148 = tpu.vector_load %arg9[%swap3A_2146, %swap3A_2147] {strides = array<i32>} : memref<128x32xf32, #tpu.memory_space<vmem>>, vector<16xf32>,
    tpu.vector_store %arg9[%swap3A_2146, %swap3A_2147], %broadcast_in_dim3A_15 {strides = array<i32>} : memref<128x32xf32, #tpu.memory_space<vmem>>, vector<16xf32>,
    %swap3A_2149 = arith.constant 90 : i32
    %swap3A_2150 = arith.index_cast %swap3A_2149 : i32 to index
    %swap3A_2151 = arith.constant 16 : index
    %swap3A_2152 = tpu.vector_load %arg9[%swap3A_2150, %swap3A_2151] {strides = array<i32>} : memref<128x32xf32, #tpu.memory_space<vmem>>, vector<16xf32>,
    tpu.vector_store %arg9[%swap3A_2150, %swap3A_2151], %broadcast_in_dim3A_15 {strides = array<i32>} : memref<128x32xf32, #tpu.memory_space<vmem>>, vector<16xf32>,
    %swap3A_2153 = arith.constant 91 : i32
    %swap3A_2154 = arith.index_cast %swap3A_2153 : i32 to index
    %swap3A_2155 = arith.constant 0 : index
    %swap3A_2156 = tpu.vector_load %arg9[%swap3A_2154, %swap3A_2155] {strides = array<i32>} : memref<128x32xf32, #tpu.memory_space<vmem>>, vector<16xf32>,
    tpu.vector_store %arg9[%swap3A_2154, %swap3A_2155], %broadcast_in_dim3A_15 {strides = array<i32>} : memref<128x32xf32, #tpu.memory_space<vmem>>, vector<16xf32>,
    %swap3A_2157 = arith.constant 91 : i32
    %swap3A_2158 = arith.index_cast %swap3A_2157 : i32 to index
    %swap3A_2159 = arith.constant 16 : index
    %swap3A_2160 = tpu.vector_load %arg9[%swap3A_2158, %swap3A_2159] {strides = array<i32>} : memref<128x32xf32, #tpu.memory_space<vmem>>, vector<16xf32>,
    tpu.vector_store %arg9[%swap3A_2158, %swap3A_2159], %broadcast_in_dim3A_15 {strides = array<i32>} : memref<128x32xf32, #tpu.memory_space<vmem>>, vector<16xf32>,
    %swap3A_2161 = arith.constant 92 : i32
    %swap3A_2162 = arith.index_cast %swap3A_2161 : i32 to index
    %swap3A_2163 = arith.constant 0 : index
    %swap3A_2164 = tpu.vector_load %arg9[%swap3A_2162, %swap3A_2163] {strides = array<i32>} : memref<128x32xf32, #tpu.memory_space<vmem>>, vector<16xf32>,
    tpu.vector_store %arg9[%swap3A_2162, %swap3A_2163], %broadcast_in_dim3A_15 {strides = array<i32>} : memref<128x32xf32, #tpu.memory_space<vmem>>, vector<16xf32>,
    %swap3A_2165 = arith.constant 92 : i32
    %swap3A_2166 = arith.index_cast %swap3A_2165 : i32 to index
    %swap3A_2167 = arith.constant 16 : index
    %swap3A_2168 = tpu.vector_load %arg9[%swap3A_2166, %swap3A_2167] {strides = array<i32>} : memref<128x32xf32, #tpu.memory_space<vmem>>, vector<16xf32>,
    tpu.vector_store %arg9[%swap3A_2166, %swap3A_2167], %broadcast_in_dim3A_15 {strides = array<i32>} : memref<128x32xf32, #tpu.memory_space<vmem>>, vector<16xf32>,
    %swap3A_2169 = arith.constant 93 : i32
    %swap3A_2170 = arith.index_cast %swap3A_2169 : i32 to index
    %swap3A_2171 = arith.constant 0 : index
    %swap3A_2172 = tpu.vector_load %arg9[%swap3A_2170, %swap3A_2171] {strides = array<i32>} : memref<128x32xf32, #tpu.memory_space<vmem>>, vector<16xf32>,
    tpu.vector_store %arg9[%swap3A_2170, %swap3A_2171], %broadcast_in_dim3A_15 {strides = array<i32>} : memref<128x32xf32, #tpu.memory_space<vmem>>, vector<16xf32>,
    %swap3A_2173 = arith.constant 93 : i32
    %swap3A_2174 = arith.index_cast %swap3A_2173 : i32 to index
    %swap3A_2175 = arith.constant 16 : index
    %swap3A_2176 = tpu.vector_load %arg9[%swap3A_2174, %swap3A_2175] {strides = array<i32>} : memref<128x32xf32, #tpu.memory_space<vmem>>, vector<16xf32>,
    tpu.vector_store %arg9[%swap3A_2174, %swap3A_2175], %broadcast_in_dim3A_15 {strides = array<i32>} : memref<128x32xf32, #tpu.memory_space<vmem>>, vector<16xf32>,
    %swap3A_2177 = arith.constant 94 : i32
    %swap3A_2178 = arith.index_cast %swap3A_2177 : i32 to index
    %swap3A_2179 = arith.constant 0 : index
    %swap3A_2180 = tpu.vector_load %arg9[%swap3A_2178, %swap3A_2179] {strides = array<i32>} : memref<128x32xf32, #tpu.memory_space<vmem>>, vector<16xf32>,
    tpu.vector_store %arg9[%swap3A_2178, %swap3A_2179], %broadcast_in_dim3A_15 {strides = array<i32>} : memref<128x32xf32, #tpu.memory_space<vmem>>, vector<16xf32>,
    %swap3A_2181 = arith.constant 94 : i32
    %swap3A_2182 = arith.index_cast %swap3A_2181 : i32 to index
    %swap3A_2183 = arith.constant 16 : index
    %swap3A_2184 = tpu.vector_load %arg9[%swap3A_2182, %swap3A_2183] {strides = array<i32>} : memref<128x32xf32, #tpu.memory_space<vmem>>, vector<16xf32>,
    tpu.vector_store %arg9[%swap3A_2182, %swap3A_2183], %broadcast_in_dim3A_15 {strides = array<i32>} : memref<128x32xf32, #tpu.memory_space<vmem>>, vector<16xf32>,
    %swap3A_2185 = arith.constant 95 : i32
    %swap3A_2186 = arith.index_cast %swap3A_2185 : i32 to index
    %swap3A_2187 = arith.constant 0 : index
    %swap3A_2188 = tpu.vector_load %arg9[%swap3A_2186, %swap3A_2187] {strides = array<i32>} : memref<128x32xf32, #tpu.memory_space<vmem>>, vector<16xf32>,
    tpu.vector_store %arg9[%swap3A_2186, %swap3A_2187], %broadcast_in_dim3A_15 {strides = array<i32>} : memref<128x32xf32, #tpu.memory_space<vmem>>, vector<16xf32>,
    %swap3A_2189 = arith.constant 95 : i32
    %swap3A_2190 = arith.index_cast %swap3A_2189 : i32 to index
    %swap3A_2191 = arith.constant 16 : index
    %swap3A_2192 = tpu.vector_load %arg9[%swap3A_2190, %swap3A_2191] {strides = array<i32>} : memref<128x32xf32, #tpu.memory_space<vmem>>, vector<16xf32>,
    tpu.vector_store %arg9[%swap3A_2190, %swap3A_2191], %broadcast_in_dim3A_15 {strides = array<i32>} : memref<128x32xf32, #tpu.memory_space<vmem>>, vector<16xf32>,
    %swap3A_2193 = arith.constant 96 : i32
    %swap3A_2194 = arith.index_cast %swap3A_2193 : i32 to index
    %swap3A_2195 = arith.constant 0 : index
    %swap3A_2196 = tpu.vector_load %arg9[%swap3A_2194, %swap3A_2195] {strides = array<i32>} : memref<128x32xf32, #tpu.memory_space<vmem>>, vector<16xf32>,
    tpu.vector_store %arg9[%swap3A_2194, %swap3A_2195], %broadcast_in_dim3A_15 {strides = array<i32>} : memref<128x32xf32, #tpu.memory_space<vmem>>, vector<16xf32>,
    %swap3A_2197 = arith.constant 96 : i32
    %swap3A_2198 = arith.index_cast %swap3A_2197 : i32 to index
    %swap3A_2199 = arith.constant 16 : index
    %swap3A_2200 = tpu.vector_load %arg9[%swap3A_2198, %swap3A_2199] {strides = array<i32>} : memref<128x32xf32, #tpu.memory_space<vmem>>, vector<16xf32>,
    tpu.vector_store %arg9[%swap3A_2198, %swap3A_2199], %broadcast_in_dim3A_15 {strides = array<i32>} : memref<128x32xf32, #tpu.memory_space<vmem>>, vector<16xf32>,
    %swap3A_2201 = arith.constant 97 : i32
    %swap3A_2202 = arith.index_cast %swap3A_2201 : i32 to index
    %swap3A_2203 = arith.constant 0 : index
    %swap3A_2204 = tpu.vector_load %arg9[%swap3A_2202, %swap3A_2203] {strides = array<i32>} : memref<128x32xf32, #tpu.memory_space<vmem>>, vector<16xf32>,
    tpu.vector_store %arg9[%swap3A_2202, %swap3A_2203], %broadcast_in_dim3A_15 {strides = array<i32>} : memref<128x32xf32, #tpu.memory_space<vmem>>, vector<16xf32>,
    %swap3A_2205 = arith.constant 97 : i32
    %swap3A_2206 = arith.index_cast %swap3A_2205 : i32 to index
    %swap3A_2207 = arith.constant 16 : index
    %swap3A_2208 = tpu.vector_load %arg9[%swap3A_2206, %swap3A_2207] {strides = array<i32>} : memref<128x32xf32, #tpu.memory_space<vmem>>, vector<16xf32>,
    tpu.vector_store %arg9[%swap3A_2206, %swap3A_2207], %broadcast_in_dim3A_15 {strides = array<i32>} : memref<128x32xf32, #tpu.memory_space<vmem>>, vector<16xf32>,
    %swap3A_2209 = arith.constant 98 : i32
    %swap3A_2210 = arith.index_cast %swap3A_2209 : i32 to index
    %swap3A_2211 = arith.constant 0 : index
    %swap3A_2212 = tpu.vector_load %arg9[%swap3A_2210, %swap3A_2211] {strides = array<i32>} : memref<128x32xf32, #tpu.memory_space<vmem>>, vector<16xf32>,
    tpu.vector_store %arg9[%swap3A_2210, %swap3A_2211], %broadcast_in_dim3A_15 {strides = array<i32>} : memref<128x32xf32, #tpu.memory_space<vmem>>, vector<16xf32>,
    %swap3A_2213 = arith.constant 98 : i32
    %swap3A_2214 = arith.index_cast %swap3A_2213 : i32 to index
    %swap3A_2215 = arith.constant 16 : index
    %swap3A_2216 = tpu.vector_load %arg9[%swap3A_2214, %swap3A_2215] {strides = array<i32>} : memref<128x32xf32, #tpu.memory_space<vmem>>, vector<16xf32>,
    tpu.vector_store %arg9[%swap3A_2214, %swap3A_2215], %broadcast_in_dim3A_15 {strides = array<i32>} : memref<128x32xf32, #tpu.memory_space<vmem>>, vector<16xf32>,
    %swap3A_2217 = arith.constant 99 : i32
    %swap3A_2218 = arith.index_cast %swap3A_2217 : i32 to index
    %swap3A_2219 = arith.constant 0 : index
    %swap3A_2220 = tpu.vector_load %arg9[%swap3A_2218, %swap3A_2219] {strides = array<i32>} : memref<128x32xf32, #tpu.memory_space<vmem>>, vector<16xf32>,
    tpu.vector_store %arg9[%swap3A_2218, %swap3A_2219], %broadcast_in_dim3A_15 {strides = array<i32>} : memref<128x32xf32, #tpu.memory_space<vmem>>, vector<16xf32>,
    %swap3A_2221 = arith.constant 99 : i32
    %swap3A_2222 = arith.index_cast %swap3A_2221 : i32 to index
    %swap3A_2223 = arith.constant 16 : index
    %swap3A_2224 = tpu.vector_load %arg9[%swap3A_2222, %swap3A_2223] {strides = array<i32>} : memref<128x32xf32, #tpu.memory_space<vmem>>, vector<16xf32>,
    tpu.vector_store %arg9[%swap3A_2222, %swap3A_2223], %broadcast_in_dim3A_15 {strides = array<i32>} : memref<128x32xf32, #tpu.memory_space<vmem>>, vector<16xf32>,
    %swap3A_2225 = arith.constant 100 : i32
    %swap3A_2226 = arith.index_cast %swap3A_2225 : i32 to index
    %swap3A_2227 = arith.constant 0 : index
    %swap3A_2228 = tpu.vector_load %arg9[%swap3A_2226, %swap3A_2227] {strides = array<i32>} : memref<128x32xf32, #tpu.memory_space<vmem>>, vector<16xf32>,
    tpu.vector_store %arg9[%swap3A_2226, %swap3A_2227], %broadcast_in_dim3A_15 {strides = array<i32>} : memref<128x32xf32, #tpu.memory_space<vmem>>, vector<16xf32>,
    %swap3A_2229 = arith.constant 100 : i32
    %swap3A_2230 = arith.index_cast %swap3A_2229 : i32 to index
    %swap3A_2231 = arith.constant 16 : index
    %swap3A_2232 = tpu.vector_load %arg9[%swap3A_2230, %swap3A_2231] {strides = array<i32>} : memref<128x32xf32, #tpu.memory_space<vmem>>, vector<16xf32>,
    tpu.vector_store %arg9[%swap3A_2230, %swap3A_2231], %broadcast_in_dim3A_15 {strides = array<i32>} : memref<128x32xf32, #tpu.memory_space<vmem>>, vector<16xf32>,
    %swap3A_2233 = arith.constant 101 : i32
    %swap3A_2234 = arith.index_cast %swap3A_2233 : i32 to index
    %swap3A_2235 = arith.constant 0 : index
    %swap3A_2236 = tpu.vector_load %arg9[%swap3A_2234, %swap3A_2235] {strides = array<i32>} : memref<128x32xf32, #tpu.memory_space<vmem>>, vector<16xf32>,
    tpu.vector_store %arg9[%swap3A_2234, %swap3A_2235], %broadcast_in_dim3A_15 {strides = array<i32>} : memref<128x32xf32, #tpu.memory_space<vmem>>, vector<16xf32>,
    %swap3A_2237 = arith.constant 101 : i32
    %swap3A_2238 = arith.index_cast %swap3A_2237 : i32 to index
    %swap3A_2239 = arith.constant 16 : index
    %swap3A_2240 = tpu.vector_load %arg9[%swap3A_2238, %swap3A_2239] {strides = array<i32>} : memref<128x32xf32, #tpu.memory_space<vmem>>, vector<16xf32>,
    tpu.vector_store %arg9[%swap3A_2238, %swap3A_2239], %broadcast_in_dim3A_15 {strides = array<i32>} : memref<128x32xf32, #tpu.memory_space<vmem>>, vector<16xf32>,
    %swap3A_2241 = arith.constant 102 : i32
    %swap3A_2242 = arith.index_cast %swap3A_2241 : i32 to index
    %swap3A_2243 = arith.constant 0 : index
    %swap3A_2244 = tpu.vector_load %arg9[%swap3A_2242, %swap3A_2243] {strides = array<i32>} : memref<128x32xf32, #tpu.memory_space<vmem>>, vector<16xf32>,
    tpu.vector_store %arg9[%swap3A_2242, %swap3A_2243], %broadcast_in_dim3A_15 {strides = array<i32>} : memref<128x32xf32, #tpu.memory_space<vmem>>, vector<16xf32>,
    %swap3A_2245 = arith.constant 102 : i32
    %swap3A_2246 = arith.index_cast %swap3A_2245 : i32 to index
    %swap3A_2247 = arith.constant 16 : index
    %swap3A_2248 = tpu.vector_load %arg9[%swap3A_2246, %swap3A_2247] {strides = array<i32>} : memref<128x32xf32, #tpu.memory_space<vmem>>, vector<16xf32>,
    tpu.vector_store %arg9[%swap3A_2246, %swap3A_2247], %broadcast_in_dim3A_15 {strides = array<i32>} : memref<128x32xf32, #tpu.memory_space<vmem>>, vector<16xf32>,
    %swap3A_2249 = arith.constant 103 : i32
    %swap3A_2250 = arith.index_cast %swap3A_2249 : i32 to index
    %swap3A_2251 = arith.constant 0 : index
    %swap3A_2252 = tpu.vector_load %arg9[%swap3A_2250, %swap3A_2251] {strides = array<i32>} : memref<128x32xf32, #tpu.memory_space<vmem>>, vector<16xf32>,
    tpu.vector_store %arg9[%swap3A_2250, %swap3A_2251], %broadcast_in_dim3A_15 {strides = array<i32>} : memref<128x32xf32, #tpu.memory_space<vmem>>, vector<16xf32>,
    %swap3A_2253 = arith.constant 103 : i32
    %swap3A_2254 = arith.index_cast %swap3A_2253 : i32 to index
    %swap3A_2255 = arith.constant 16 : index
    %swap3A_2256 = tpu.vector_load %arg9[%swap3A_2254, %swap3A_2255] {strides = array<i32>} : memref<128x32xf32, #tpu.memory_space<vmem>>, vector<16xf32>,
    tpu.vector_store %arg9[%swap3A_2254, %swap3A_2255], %broadcast_in_dim3A_15 {strides = array<i32>} : memref<128x32xf32, #tpu.memory_space<vmem>>, vector<16xf32>,
    %swap3A_2257 = arith.constant 104 : i32
    %swap3A_2258 = arith.index_cast %swap3A_2257 : i32 to index
    %swap3A_2259 = arith.constant 0 : index
    %swap3A_2260 = tpu.vector_load %arg9[%swap3A_2258, %swap3A_2259] {strides = array<i32>} : memref<128x32xf32, #tpu.memory_space<vmem>>, vector<16xf32>,
    tpu.vector_store %arg9[%swap3A_2258, %swap3A_2259], %broadcast_in_dim3A_15 {strides = array<i32>} : memref<128x32xf32, #tpu.memory_space<vmem>>, vector<16xf32>,
    %swap3A_2261 = arith.constant 104 : i32
    %swap3A_2262 = arith.index_cast %swap3A_2261 : i32 to index
    %swap3A_2263 = arith.constant 16 : index
    %swap3A_2264 = tpu.vector_load %arg9[%swap3A_2262, %swap3A_2263] {strides = array<i32>} : memref<128x32xf32, #tpu.memory_space<vmem>>, vector<16xf32>,
    tpu.vector_store %arg9[%swap3A_2262, %swap3A_2263], %broadcast_in_dim3A_15 {strides = array<i32>} : memref<128x32xf32, #tpu.memory_space<vmem>>, vector<16xf32>,
    %swap3A_2265 = arith.constant 105 : i32
    %swap3A_2266 = arith.index_cast %swap3A_2265 : i32 to index
    %swap3A_2267 = arith.constant 0 : index
    %swap3A_2268 = tpu.vector_load %arg9[%swap3A_2266, %swap3A_2267] {strides = array<i32>} : memref<128x32xf32, #tpu.memory_space<vmem>>, vector<16xf32>,
    tpu.vector_store %arg9[%swap3A_2266, %swap3A_2267], %broadcast_in_dim3A_15 {strides = array<i32>} : memref<128x32xf32, #tpu.memory_space<vmem>>, vector<16xf32>,
    %swap3A_2269 = arith.constant 105 : i32
    %swap3A_2270 = arith.index_cast %swap3A_2269 : i32 to index
    %swap3A_2271 = arith.constant 16 : index
    %swap3A_2272 = tpu.vector_load %arg9[%swap3A_2270, %swap3A_2271] {strides = array<i32>} : memref<128x32xf32, #tpu.memory_space<vmem>>, vector<16xf32>,
    tpu.vector_store %arg9[%swap3A_2270, %swap3A_2271], %broadcast_in_dim3A_15 {strides = array<i32>} : memref<128x32xf32, #tpu.memory_space<vmem>>, vector<16xf32>,
    %swap3A_2273 = arith.constant 106 : i32
    %swap3A_2274 = arith.index_cast %swap3A_2273 : i32 to index
    %swap3A_2275 = arith.constant 0 : index
    %swap3A_2276 = tpu.vector_load %arg9[%swap3A_2274, %swap3A_2275] {strides = array<i32>} : memref<128x32xf32, #tpu.memory_space<vmem>>, vector<16xf32>,
    tpu.vector_store %arg9[%swap3A_2274, %swap3A_2275], %broadcast_in_dim3A_15 {strides = array<i32>} : memref<128x32xf32, #tpu.memory_space<vmem>>, vector<16xf32>,
    %swap3A_2277 = arith.constant 106 : i32
    %swap3A_2278 = arith.index_cast %swap3A_2277 : i32 to index
    %swap3A_2279 = arith.constant 16 : index
    %swap3A_2280 = tpu.vector_load %arg9[%swap3A_2278, %swap3A_2279] {strides = array<i32>} : memref<128x32xf32, #tpu.memory_space<vmem>>, vector<16xf32>,
    tpu.vector_store %arg9[%swap3A_2278, %swap3A_2279], %broadcast_in_dim3A_15 {strides = array<i32>} : memref<128x32xf32, #tpu.memory_space<vmem>>, vector<16xf32>,
    %swap3A_2281 = arith.constant 107 : i32
    %swap3A_2282 = arith.index_cast %swap3A_2281 : i32 to index
    %swap3A_2283 = arith.constant 0 : index
    %swap3A_2284 = tpu.vector_load %arg9[%swap3A_2282, %swap3A_2283] {strides = array<i32>} : memref<128x32xf32, #tpu.memory_space<vmem>>, vector<16xf32>,
    tpu.vector_store %arg9[%swap3A_2282, %swap3A_2283], %broadcast_in_dim3A_15 {strides = array<i32>} : memref<128x32xf32, #tpu.memory_space<vmem>>, vector<16xf32>,
    %swap3A_2285 = arith.constant 107 : i32
    %swap3A_2286 = arith.index_cast %swap3A_2285 : i32 to index
    %swap3A_2287 = arith.constant 16 : index
    %swap3A_2288 = tpu.vector_load %arg9[%swap3A_2286, %swap3A_2287] {strides = array<i32>} : memref<128x32xf32, #tpu.memory_space<vmem>>, vector<16xf32>,
    tpu.vector_store %arg9[%swap3A_2286, %swap3A_2287], %broadcast_in_dim3A_15 {strides = array<i32>} : memref<128x32xf32, #tpu.memory_space<vmem>>, vector<16xf32>,
    %swap3A_2289 = arith.constant 108 : i32
    %swap3A_2290 = arith.index_cast %swap3A_2289 : i32 to index
    %swap3A_2291 = arith.constant 0 : index
    %swap3A_2292 = tpu.vector_load %arg9[%swap3A_2290, %swap3A_2291] {strides = array<i32>} : memref<128x32xf32, #tpu.memory_space<vmem>>, vector<16xf32>,
    tpu.vector_store %arg9[%swap3A_2290, %swap3A_2291], %broadcast_in_dim3A_15 {strides = array<i32>} : memref<128x32xf32, #tpu.memory_space<vmem>>, vector<16xf32>,
    %swap3A_2293 = arith.constant 108 : i32
    %swap3A_2294 = arith.index_cast %swap3A_2293 : i32 to index
    %swap3A_2295 = arith.constant 16 : index
    %swap3A_2296 = tpu.vector_load %arg9[%swap3A_2294, %swap3A_2295] {strides = array<i32>} : memref<128x32xf32, #tpu.memory_space<vmem>>, vector<16xf32>,
    tpu.vector_store %arg9[%swap3A_2294, %swap3A_2295], %broadcast_in_dim3A_15 {strides = array<i32>} : memref<128x32xf32, #tpu.memory_space<vmem>>, vector<16xf32>,
    %swap3A_2297 = arith.constant 109 : i32
    %swap3A_2298 = arith.index_cast %swap3A_2297 : i32 to index
    %swap3A_2299 = arith.constant 0 : index
    %swap3A_2300 = tpu.vector_load %arg9[%swap3A_2298, %swap3A_2299] {strides = array<i32>} : memref<128x32xf32, #tpu.memory_space<vmem>>, vector<16xf32>,
    tpu.vector_store %arg9[%swap3A_2298, %swap3A_2299], %broadcast_in_dim3A_15 {strides = array<i32>} : memref<128x32xf32, #tpu.memory_space<vmem>>, vector<16xf32>,
    %swap3A_2301 = arith.constant 109 : i32
    %swap3A_2302 = arith.index_cast %swap3A_2301 : i32 to index
    %swap3A_2303 = arith.constant 16 : index
    %swap3A_2304 = tpu.vector_load %arg9[%swap3A_2302, %swap3A_2303] {strides = array<i32>} : memref<128x32xf32, #tpu.memory_space<vmem>>, vector<16xf32>,
    tpu.vector_store %arg9[%swap3A_2302, %swap3A_2303], %broadcast_in_dim3A_15 {strides = array<i32>} : memref<128x32xf32, #tpu.memory_space<vmem>>, vector<16xf32>,
    %swap3A_2305 = arith.constant 110 : i32
    %swap3A_2306 = arith.index_cast %swap3A_2305 : i32 to index
    %swap3A_2307 = arith.constant 0 : index
    %swap3A_2308 = tpu.vector_load %arg9[%swap3A_2306, %swap3A_2307] {strides = array<i32>} : memref<128x32xf32, #tpu.memory_space<vmem>>, vector<16xf32>,
    tpu.vector_store %arg9[%swap3A_2306, %swap3A_2307], %broadcast_in_dim3A_15 {strides = array<i32>} : memref<128x32xf32, #tpu.memory_space<vmem>>, vector<16xf32>,
    %swap3A_2309 = arith.constant 110 : i32
    %swap3A_2310 = arith.index_cast %swap3A_2309 : i32 to index
    %swap3A_2311 = arith.constant 16 : index
    %swap3A_2312 = tpu.vector_load %arg9[%swap3A_2310, %swap3A_2311] {strides = array<i32>} : memref<128x32xf32, #tpu.memory_space<vmem>>, vector<16xf32>,
    tpu.vector_store %arg9[%swap3A_2310, %swap3A_2311], %broadcast_in_dim3A_15 {strides = array<i32>} : memref<128x32xf32, #tpu.memory_space<vmem>>, vector<16xf32>,
    %swap3A_2313 = arith.constant 111 : i32
    %swap3A_2314 = arith.index_cast %swap3A_2313 : i32 to index
    %swap3A_2315 = arith.constant 0 : index
    %swap3A_2316 = tpu.vector_load %arg9[%swap3A_2314, %swap3A_2315] {strides = array<i32>} : memref<128x32xf32, #tpu.memory_space<vmem>>, vector<16xf32>,
    tpu.vector_store %arg9[%swap3A_2314, %swap3A_2315], %broadcast_in_dim3A_15 {strides = array<i32>} : memref<128x32xf32, #tpu.memory_space<vmem>>, vector<16xf32>,
    %swap3A_2317 = arith.constant 111 : i32
    %swap3A_2318 = arith.index_cast %swap3A_2317 : i32 to index
    %swap3A_2319 = arith.constant 16 : index
    %swap3A_2320 = tpu.vector_load %arg9[%swap3A_2318, %swap3A_2319] {strides = array<i32>} : memref<128x32xf32, #tpu.memory_space<vmem>>, vector<16xf32>,
    tpu.vector_store %arg9[%swap3A_2318, %swap3A_2319], %broadcast_in_dim3A_15 {strides = array<i32>} : memref<128x32xf32, #tpu.memory_space<vmem>>, vector<16xf32>,
    %swap3A_2321 = arith.constant 112 : i32
    %swap3A_2322 = arith.index_cast %swap3A_2321 : i32 to index
    %swap3A_2323 = arith.constant 0 : index
    %swap3A_2324 = tpu.vector_load %arg9[%swap3A_2322, %swap3A_2323] {strides = array<i32>} : memref<128x32xf32, #tpu.memory_space<vmem>>, vector<16xf32>,
    tpu.vector_store %arg9[%swap3A_2322, %swap3A_2323], %broadcast_in_dim3A_15 {strides = array<i32>} : memref<128x32xf32, #tpu.memory_space<vmem>>, vector<16xf32>,
    %swap3A_2325 = arith.constant 112 : i32
    %swap3A_2326 = arith.index_cast %swap3A_2325 : i32 to index
    %swap3A_2327 = arith.constant 16 : index
    %swap3A_2328 = tpu.vector_load %arg9[%swap3A_2326, %swap3A_2327] {strides = array<i32>} : memref<128x32xf32, #tpu.memory_space<vmem>>, vector<16xf32>,
    tpu.vector_store %arg9[%swap3A_2326, %swap3A_2327], %broadcast_in_dim3A_15 {strides = array<i32>} : memref<128x32xf32, #tpu.memory_space<vmem>>, vector<16xf32>,
    %swap3A_2329 = arith.constant 113 : i32
    %swap3A_2330 = arith.index_cast %swap3A_2329 : i32 to index
    %swap3A_2331 = arith.constant 0 : index
    %swap3A_2332 = tpu.vector_load %arg9[%swap3A_2330, %swap3A_2331] {strides = array<i32>} : memref<128x32xf32, #tpu.memory_space<vmem>>, vector<16xf32>,
    tpu.vector_store %arg9[%swap3A_2330, %swap3A_2331], %broadcast_in_dim3A_15 {strides = array<i32>} : memref<128x32xf32, #tpu.memory_space<vmem>>, vector<16xf32>,
    %swap3A_2333 = arith.constant 113 : i32
    %swap3A_2334 = arith.index_cast %swap3A_2333 : i32 to index
    %swap3A_2335 = arith.constant 16 : index
    %swap3A_2336 = tpu.vector_load %arg9[%swap3A_2334, %swap3A_2335] {strides = array<i32>} : memref<128x32xf32, #tpu.memory_space<vmem>>, vector<16xf32>,
    tpu.vector_store %arg9[%swap3A_2334, %swap3A_2335], %broadcast_in_dim3A_15 {strides = array<i32>} : memref<128x32xf32, #tpu.memory_space<vmem>>, vector<16xf32>,
    %swap3A_2337 = arith.constant 114 : i32
    %swap3A_2338 = arith.index_cast %swap3A_2337 : i32 to index
    %swap3A_2339 = arith.constant 0 : index
    %swap3A_2340 = tpu.vector_load %arg9[%swap3A_2338, %swap3A_2339] {strides = array<i32>} : memref<128x32xf32, #tpu.memory_space<vmem>>, vector<16xf32>,
    tpu.vector_store %arg9[%swap3A_2338, %swap3A_2339], %broadcast_in_dim3A_15 {strides = array<i32>} : memref<128x32xf32, #tpu.memory_space<vmem>>, vector<16xf32>,
    %swap3A_2341 = arith.constant 114 : i32
    %swap3A_2342 = arith.index_cast %swap3A_2341 : i32 to index
    %swap3A_2343 = arith.constant 16 : index
    %swap3A_2344 = tpu.vector_load %arg9[%swap3A_2342, %swap3A_2343] {strides = array<i32>} : memref<128x32xf32, #tpu.memory_space<vmem>>, vector<16xf32>,
    tpu.vector_store %arg9[%swap3A_2342, %swap3A_2343], %broadcast_in_dim3A_15 {strides = array<i32>} : memref<128x32xf32, #tpu.memory_space<vmem>>, vector<16xf32>,
    %swap3A_2345 = arith.constant 115 : i32
    %swap3A_2346 = arith.index_cast %swap3A_2345 : i32 to index
    %swap3A_2347 = arith.constant 0 : index
    %swap3A_2348 = tpu.vector_load %arg9[%swap3A_2346, %swap3A_2347] {strides = array<i32>} : memref<128x32xf32, #tpu.memory_space<vmem>>, vector<16xf32>,
    tpu.vector_store %arg9[%swap3A_2346, %swap3A_2347], %broadcast_in_dim3A_15 {strides = array<i32>} : memref<128x32xf32, #tpu.memory_space<vmem>>, vector<16xf32>,
    %swap3A_2349 = arith.constant 115 : i32
    %swap3A_2350 = arith.index_cast %swap3A_2349 : i32 to index
    %swap3A_2351 = arith.constant 16 : index
    %swap3A_2352 = tpu.vector_load %arg9[%swap3A_2350, %swap3A_2351] {strides = array<i32>} : memref<128x32xf32, #tpu.memory_space<vmem>>, vector<16xf32>,
    tpu.vector_store %arg9[%swap3A_2350, %swap3A_2351], %broadcast_in_dim3A_15 {strides = array<i32>} : memref<128x32xf32, #tpu.memory_space<vmem>>, vector<16xf32>,
    %swap3A_2353 = arith.constant 116 : i32
    %swap3A_2354 = arith.index_cast %swap3A_2353 : i32 to index
    %swap3A_2355 = arith.constant 0 : index
    %swap3A_2356 = tpu.vector_load %arg9[%swap3A_2354, %swap3A_2355] {strides = array<i32>} : memref<128x32xf32, #tpu.memory_space<vmem>>, vector<16xf32>,
    tpu.vector_store %arg9[%swap3A_2354, %swap3A_2355], %broadcast_in_dim3A_15 {strides = array<i32>} : memref<128x32xf32, #tpu.memory_space<vmem>>, vector<16xf32>,
    %swap3A_2357 = arith.constant 116 : i32
    %swap3A_2358 = arith.index_cast %swap3A_2357 : i32 to index
    %swap3A_2359 = arith.constant 16 : index
    %swap3A_2360 = tpu.vector_load %arg9[%swap3A_2358, %swap3A_2359] {strides = array<i32>} : memref<128x32xf32, #tpu.memory_space<vmem>>, vector<16xf32>,
    tpu.vector_store %arg9[%swap3A_2358, %swap3A_2359], %broadcast_in_dim3A_15 {strides = array<i32>} : memref<128x32xf32, #tpu.memory_space<vmem>>, vector<16xf32>,
    %swap3A_2361 = arith.constant 117 : i32
    %swap3A_2362 = arith.index_cast %swap3A_2361 : i32 to index
    %swap3A_2363 = arith.constant 0 : index
    %swap3A_2364 = tpu.vector_load %arg9[%swap3A_2362, %swap3A_2363] {strides = array<i32>} : memref<128x32xf32, #tpu.memory_space<vmem>>, vector<16xf32>,
    tpu.vector_store %arg9[%swap3A_2362, %swap3A_2363], %broadcast_in_dim3A_15 {strides = array<i32>} : memref<128x32xf32, #tpu.memory_space<vmem>>, vector<16xf32>,
    %swap3A_2365 = arith.constant 117 : i32
    %swap3A_2366 = arith.index_cast %swap3A_2365 : i32 to index
    %swap3A_2367 = arith.constant 16 : index
    %swap3A_2368 = tpu.vector_load %arg9[%swap3A_2366, %swap3A_2367] {strides = array<i32>} : memref<128x32xf32, #tpu.memory_space<vmem>>, vector<16xf32>,
    tpu.vector_store %arg9[%swap3A_2366, %swap3A_2367], %broadcast_in_dim3A_15 {strides = array<i32>} : memref<128x32xf32, #tpu.memory_space<vmem>>, vector<16xf32>,
    %swap3A_2369 = arith.constant 118 : i32
    %swap3A_2370 = arith.index_cast %swap3A_2369 : i32 to index
    %swap3A_2371 = arith.constant 0 : index
    %swap3A_2372 = tpu.vector_load %arg9[%swap3A_2370, %swap3A_2371] {strides = array<i32>} : memref<128x32xf32, #tpu.memory_space<vmem>>, vector<16xf32>,
    tpu.vector_store %arg9[%swap3A_2370, %swap3A_2371], %broadcast_in_dim3A_15 {strides = array<i32>} : memref<128x32xf32, #tpu.memory_space<vmem>>, vector<16xf32>,
    %swap3A_2373 = arith.constant 118 : i32
    %swap3A_2374 = arith.index_cast %swap3A_2373 : i32 to index
    %swap3A_2375 = arith.constant 16 : index
    %swap3A_2376 = tpu.vector_load %arg9[%swap3A_2374, %swap3A_2375] {strides = array<i32>} : memref<128x32xf32, #tpu.memory_space<vmem>>, vector<16xf32>,
    tpu.vector_store %arg9[%swap3A_2374, %swap3A_2375], %broadcast_in_dim3A_15 {strides = array<i32>} : memref<128x32xf32, #tpu.memory_space<vmem>>, vector<16xf32>,
    %swap3A_2377 = arith.constant 119 : i32
    %swap3A_2378 = arith.index_cast %swap3A_2377 : i32 to index
    %swap3A_2379 = arith.constant 0 : index
    %swap3A_2380 = tpu.vector_load %arg9[%swap3A_2378, %swap3A_2379] {strides = array<i32>} : memref<128x32xf32, #tpu.memory_space<vmem>>, vector<16xf32>,
    tpu.vector_store %arg9[%swap3A_2378, %swap3A_2379], %broadcast_in_dim3A_15 {strides = array<i32>} : memref<128x32xf32, #tpu.memory_space<vmem>>, vector<16xf32>,
    %swap3A_2381 = arith.constant 119 : i32
    %swap3A_2382 = arith.index_cast %swap3A_2381 : i32 to index
    %swap3A_2383 = arith.constant 16 : index
    %swap3A_2384 = tpu.vector_load %arg9[%swap3A_2382, %swap3A_2383] {strides = array<i32>} : memref<128x32xf32, #tpu.memory_space<vmem>>, vector<16xf32>,
    tpu.vector_store %arg9[%swap3A_2382, %swap3A_2383], %broadcast_in_dim3A_15 {strides = array<i32>} : memref<128x32xf32, #tpu.memory_space<vmem>>, vector<16xf32>,
    %swap3A_2385 = arith.constant 120 : i32
    %swap3A_2386 = arith.index_cast %swap3A_2385 : i32 to index
    %swap3A_2387 = arith.constant 0 : index
    %swap3A_2388 = tpu.vector_load %arg9[%swap3A_2386, %swap3A_2387] {strides = array<i32>} : memref<128x32xf32, #tpu.memory_space<vmem>>, vector<16xf32>,
    tpu.vector_store %arg9[%swap3A_2386, %swap3A_2387], %broadcast_in_dim3A_15 {strides = array<i32>} : memref<128x32xf32, #tpu.memory_space<vmem>>, vector<16xf32>,
    %swap3A_2389 = arith.constant 120 : i32
    %swap3A_2390 = arith.index_cast %swap3A_2389 : i32 to index
    %swap3A_2391 = arith.constant 16 : index
    %swap3A_2392 = tpu.vector_load %arg9[%swap3A_2390, %swap3A_2391] {strides = array<i32>} : memref<128x32xf32, #tpu.memory_space<vmem>>, vector<16xf32>,
    tpu.vector_store %arg9[%swap3A_2390, %swap3A_2391], %broadcast_in_dim3A_15 {strides = array<i32>} : memref<128x32xf32, #tpu.memory_space<vmem>>, vector<16xf32>,
    %swap3A_2393 = arith.constant 121 : i32
    %swap3A_2394 = arith.index_cast %swap3A_2393 : i32 to index
    %swap3A_2395 = arith.constant 0 : index
    %swap3A_2396 = tpu.vector_load %arg9[%swap3A_2394, %swap3A_2395] {strides = array<i32>} : memref<128x32xf32, #tpu.memory_space<vmem>>, vector<16xf32>,
    tpu.vector_store %arg9[%swap3A_2394, %swap3A_2395], %broadcast_in_dim3A_15 {strides = array<i32>} : memref<128x32xf32, #tpu.memory_space<vmem>>, vector<16xf32>,
    %swap3A_2397 = arith.constant 121 : i32
    %swap3A_2398 = arith.index_cast %swap3A_2397 : i32 to index
    %swap3A_2399 = arith.constant 16 : index
    %swap3A_2400 = tpu.vector_load %arg9[%swap3A_2398, %swap3A_2399] {strides = array<i32>} : memref<128x32xf32, #tpu.memory_space<vmem>>, vector<16xf32>,
    tpu.vector_store %arg9[%swap3A_2398, %swap3A_2399], %broadcast_in_dim3A_15 {strides = array<i32>} : memref<128x32xf32, #tpu.memory_space<vmem>>, vector<16xf32>,
    %swap3A_2401 = arith.constant 122 : i32
    %swap3A_2402 = arith.index_cast %swap3A_2401 : i32 to index
    %swap3A_2403 = arith.constant 0 : index
    %swap3A_2404 = tpu.vector_load %arg9[%swap3A_2402, %swap3A_2403] {strides = array<i32>} : memref<128x32xf32, #tpu.memory_space<vmem>>, vector<16xf32>,
    tpu.vector_store %arg9[%swap3A_2402, %swap3A_2403], %broadcast_in_dim3A_15 {strides = array<i32>} : memref<128x32xf32, #tpu.memory_space<vmem>>, vector<16xf32>,
    %swap3A_2405 = arith.constant 122 : i32
    %swap3A_2406 = arith.index_cast %swap3A_2405 : i32 to index
    %swap3A_2407 = arith.constant 16 : index
    %swap3A_2408 = tpu.vector_load %arg9[%swap3A_2406, %swap3A_2407] {strides = array<i32>} : memref<128x32xf32, #tpu.memory_space<vmem>>, vector<16xf32>,
    tpu.vector_store %arg9[%swap3A_2406, %swap3A_2407], %broadcast_in_dim3A_15 {strides = array<i32>} : memref<128x32xf32, #tpu.memory_space<vmem>>, vector<16xf32>,
    %swap3A_2409 = arith.constant 123 : i32
    %swap3A_2410 = arith.index_cast %swap3A_2409 : i32 to index
    %swap3A_2411 = arith.constant 0 : index
    %swap3A_2412 = tpu.vector_load %arg9[%swap3A_2410, %swap3A_2411] {strides = array<i32>} : memref<128x32xf32, #tpu.memory_space<vmem>>, vector<16xf32>,
    tpu.vector_store %arg9[%swap3A_2410, %swap3A_2411], %broadcast_in_dim3A_15 {strides = array<i32>} : memref<128x32xf32, #tpu.memory_space<vmem>>, vector<16xf32>,
    %swap3A_2413 = arith.constant 123 : i32
    %swap3A_2414 = arith.index_cast %swap3A_2413 : i32 to index
    %swap3A_2415 = arith.constant 16 : index
    %swap3A_2416 = tpu.vector_load %arg9[%swap3A_2414, %swap3A_2415] {strides = array<i32>} : memref<128x32xf32, #tpu.memory_space<vmem>>, vector<16xf32>,
    tpu.vector_store %arg9[%swap3A_2414, %swap3A_2415], %broadcast_in_dim3A_15 {strides = array<i32>} : memref<128x32xf32, #tpu.memory_space<vmem>>, vector<16xf32>,
    %swap3A_2417 = arith.constant 124 : i32
    %swap3A_2418 = arith.index_cast %swap3A_2417 : i32 to index
    %swap3A_2419 = arith.constant 0 : index
    %swap3A_2420 = tpu.vector_load %arg9[%swap3A_2418, %swap3A_2419] {strides = array<i32>} : memref<128x32xf32, #tpu.memory_space<vmem>>, vector<16xf32>,
    tpu.vector_store %arg9[%swap3A_2418, %swap3A_2419], %broadcast_in_dim3A_15 {strides = array<i32>} : memref<128x32xf32, #tpu.memory_space<vmem>>, vector<16xf32>,
    %swap3A_2421 = arith.constant 124 : i32
    %swap3A_2422 = arith.index_cast %swap3A_2421 : i32 to index
    %swap3A_2423 = arith.constant 16 : index
    %swap3A_2424 = tpu.vector_load %arg9[%swap3A_2422, %swap3A_2423] {strides = array<i32>} : memref<128x32xf32, #tpu.memory_space<vmem>>, vector<16xf32>,
    tpu.vector_store %arg9[%swap3A_2422, %swap3A_2423], %broadcast_in_dim3A_15 {strides = array<i32>} : memref<128x32xf32, #tpu.memory_space<vmem>>, vector<16xf32>,
    %swap3A_2425 = arith.constant 125 : i32
    %swap3A_2426 = arith.index_cast %swap3A_2425 : i32 to index
    %swap3A_2427 = arith.constant 0 : index
    %swap3A_2428 = tpu.vector_load %arg9[%swap3A_2426, %swap3A_2427] {strides = array<i32>} : memref<128x32xf32, #tpu.memory_space<vmem>>, vector<16xf32>,
    tpu.vector_store %arg9[%swap3A_2426, %swap3A_2427], %broadcast_in_dim3A_15 {strides = array<i32>} : memref<128x32xf32, #tpu.memory_space<vmem>>, vector<16xf32>,
    %swap3A_2429 = arith.constant 125 : i32
    %swap3A_2430 = arith.index_cast %swap3A_2429 : i32 to index
    %swap3A_2431 = arith.constant 16 : index
    %swap3A_2432 = tpu.vector_load %arg9[%swap3A_2430, %swap3A_2431] {strides = array<i32>} : memref<128x32xf32, #tpu.memory_space<vmem>>, vector<16xf32>,
    tpu.vector_store %arg9[%swap3A_2430, %swap3A_2431], %broadcast_in_dim3A_15 {strides = array<i32>} : memref<128x32xf32, #tpu.memory_space<vmem>>, vector<16xf32>,
    %swap3A_2433 = arith.constant 126 : i32
    %swap3A_2434 = arith.index_cast %swap3A_2433 : i32 to index
    %swap3A_2435 = arith.constant 0 : index
    %swap3A_2436 = tpu.vector_load %arg9[%swap3A_2434, %swap3A_2435] {strides = array<i32>} : memref<128x32xf32, #tpu.memory_space<vmem>>, vector<16xf32>,
    tpu.vector_store %arg9[%swap3A_2434, %swap3A_2435], %broadcast_in_dim3A_15 {strides = array<i32>} : memref<128x32xf32, #tpu.memory_space<vmem>>, vector<16xf32>,
    %swap3A_2437 = arith.constant 126 : i32
    %swap3A_2438 = arith.index_cast %swap3A_2437 : i32 to index
    %swap3A_2439 = arith.constant 16 : index
    %swap3A_2440 = tpu.vector_load %arg9[%swap3A_2438, %swap3A_2439] {strides = array<i32>} : memref<128x32xf32, #tpu.memory_space<vmem>>, vector<16xf32>,
    tpu.vector_store %arg9[%swap3A_2438, %swap3A_2439], %broadcast_in_dim3A_15 {strides = array<i32>} : memref<128x32xf32, #tpu.memory_space<vmem>>, vector<16xf32>,
    %swap3A_2441 = arith.constant 127 : i32
    %swap3A_2442 = arith.index_cast %swap3A_2441 : i32 to index
    %swap3A_2443 = arith.constant 0 : index
    %swap3A_2444 = tpu.vector_load %arg9[%swap3A_2442, %swap3A_2443] {strides = array<i32>} : memref<128x32xf32, #tpu.memory_space<vmem>>, vector<16xf32>,
    tpu.vector_store %arg9[%swap3A_2442, %swap3A_2443], %broadcast_in_dim3A_15 {strides = array<i32>} : memref<128x32xf32, #tpu.memory_space<vmem>>, vector<16xf32>,
    %swap3A_2445 = arith.constant 127 : i32
    %swap3A_2446 = arith.index_cast %swap3A_2445 : i32 to index
    %swap3A_2447 = arith.constant 16 : index
    %swap3A_2448 = tpu.vector_load %arg9[%swap3A_2446, %swap3A_2447] {strides = array<i32>} : memref<128x32xf32, #tpu.memory_space<vmem>>, vector<16xf32>,
    tpu.vector_store %arg9[%swap3A_2446, %swap3A_2447], %broadcast_in_dim3A_15 {strides = array<i32>} : memref<128x32xf32, #tpu.memory_space<vmem>>, vector<16xf32>,
    %scan3A = arith.constant 0 : i32
    %scan3A_2449 = arith.constant 0 : i32
    %scan3A_2450 = arith.constant 16 : i32
    %scan3A_2451 = arith.addi %scan3A_2449, %scan3A_2450 : i32
    %scan3A_2452 = arith.constant 1 : i32
    scf.for %scan3A_2454 = %scan3A_2449 to %scan3A_2451 step %scan3A_2452  : i32 {
      %mul3A_2455 = arith.constant 2048 : i32
      %mul3A_2456 = arith.muli %add3A, %mul3A_2455 : i32
      %mul3A_2457 = arith.constant 2 : i32
      %mul3A_2458 = arith.muli %mul3A_2457, %scan3A_2454 : i32
      %mul3A_2459 = arith.constant 64 : i32
      %mul3A_2460 = arith.muli %mul3A_2458, %mul3A_2459 : i32
      %add3A_2461 = arith.addi %mul3A_2456, %mul3A_2460 : i32
      %multiple_of3A_2462 = tpu.assume_multiple %add3A_2461, 64 : i32
      %mul3A_2463 = arith.constant 2048 : i32
      %mul3A_2464 = arith.muli %add3A, %mul3A_2463 : i32
      %mul3A_2465 = arith.constant 2 : i32
      %mul3A_2466 = arith.muli %mul3A_2465, %scan3A_2454 : i32
      %add3A_2467 = arith.constant 1 : i32
      %add3A_2468 = arith.addi %mul3A_2466, %add3A_2467 : i32
      %mul3A_2469 = arith.constant 64 : i32
      %mul3A_2470 = arith.muli %add3A_2468, %mul3A_2469 : i32
      %add3A_2471 = arith.addi %mul3A_2464, %mul3A_2470 : i32
      %multiple_of3A_2472 = tpu.assume_multiple %add3A_2471, 64 : i32
      %mul3A_2473 = arith.constant 16 : i32
      %mul3A_2474 = arith.muli %multiple_of3A_2462, %mul3A_2473 : i32
      %multiple_of3A_2475 = tpu.assume_multiple %mul3A_2474, 1024 : i32
      "tpu.region"() ({
        %run_scoped3A = tpu.sem_alloc : memref<!tpu.dma_semaphore, #tpu.memory_space<semaphore_mem>>
        %dma_start3A_2489 = tpu.memref_slice %arg3[%multiple_of3A_2475] : memref<1048576xi32, #tpu.memory_space<hbm>> -> memref<1024xi32, #tpu.memory_space<hbm>>
        %dma_start3A_2490 = tpu.memref_slice %arg3[%multiple_of3A_2475] : memref<1048576xi32, #tpu.memory_space<hbm>> -> memref<1024xi32, #tpu.memory_space<hbm>>
        tpu.enqueue_dma source(%dma_start3A_2490 : memref<1024xi32, #tpu.memory_space<hbm>>) target(%arg5 : memref<1024xi32, #tpu.memory_space<vmem>>) target_semaphore(%run_scoped3A : memref<!tpu.dma_semaphore, #tpu.memory_space<semaphore_mem>>)
        %dma_wait3A_2491 = tpu.memref_slice %arg3[%multiple_of3A_2475] : memref<1048576xi32, #tpu.memory_space<hbm>> -> memref<1024xi32, #tpu.memory_space<hbm>>
        %dma_wait3A_2492 = tpu.memref_slice %arg3[%multiple_of3A_2475] : memref<1048576xi32, #tpu.memory_space<hbm>> -> memref<1024xi32, #tpu.memory_space<hbm>>
        tpu.wait_dma2 semaphore(%run_scoped3A : memref<!tpu.dma_semaphore, #tpu.memory_space<semaphore_mem>>) src(%dma_wait3A_2492 : memref<1024xi32, #tpu.memory_space<hbm>>) dst(%arg5 : memref<1024xi32, #tpu.memory_space<vmem>>)
        tpu.yield
      }) : () -> ()
      %dma_start3A = arith.constant 0 : i32
      %dma_start3A_2476 = arith.constant 0 : i32
      %dma_start3A_2477 = tpu.memref_slice %arg13[%dma_start3A, %dma_start3A_2476] : memref<23680x32xf32, #tpu.memory_space<vmem_shared>> -> memref<23680x32xf32, #tpu.memory_space<vmem_shared>>
      tpu.enqueue_indirect_dma source(%dma_start3A_2477 : memref<23680x32xf32, #tpu.memory_space<vmem_shared>>) target(%arg7 : memref<1024x32xf32, #tpu.memory_space<vmem>>) offsets(%arg5 : memref<1024xi32, #tpu.memory_space<vmem>>) semaphore(%arg14 : memref<!tpu.dma_semaphore, #tpu.memory_space<semaphore_mem>>)
      %mul3A_2478 = arith.constant 16 : i32
      %mul3A_2479 = arith.muli %multiple_of3A_2472, %mul3A_2478 : i32
      %multiple_of3A_2480 = tpu.assume_multiple %mul3A_2479, 1024 : i32
      "tpu.region"() ({
        %run_scoped3A = tpu.sem_alloc : memref<!tpu.dma_semaphore, #tpu.memory_space<semaphore_mem>>
        %dma_start3A_2489 = tpu.memref_slice %arg3[%multiple_of3A_2480] : memref<1048576xi32, #tpu.memory_space<hbm>> -> memref<1024xi32, #tpu.memory_space<hbm>>
        %dma_start3A_2490 = tpu.memref_slice %arg3[%multiple_of3A_2480] : memref<1048576xi32, #tpu.memory_space<hbm>> -> memref<1024xi32, #tpu.memory_space<hbm>>
        tpu.enqueue_dma source(%dma_start3A_2490 : memref<1024xi32, #tpu.memory_space<hbm>>) target(%arg6 : memref<1024xi32, #tpu.memory_space<vmem>>) target_semaphore(%run_scoped3A : memref<!tpu.dma_semaphore, #tpu.memory_space<semaphore_mem>>)
        %dma_wait3A_2491 = tpu.memref_slice %arg3[%multiple_of3A_2480] : memref<1048576xi32, #tpu.memory_space<hbm>> -> memref<1024xi32, #tpu.memory_space<hbm>>
        %dma_wait3A_2492 = tpu.memref_slice %arg3[%multiple_of3A_2480] : memref<1048576xi32, #tpu.memory_space<hbm>> -> memref<1024xi32, #tpu.memory_space<hbm>>
        tpu.wait_dma2 semaphore(%run_scoped3A : memref<!tpu.dma_semaphore, #tpu.memory_space<semaphore_mem>>) src(%dma_wait3A_2492 : memref<1024xi32, #tpu.memory_space<hbm>>) dst(%arg6 : memref<1024xi32, #tpu.memory_space<vmem>>)
        tpu.yield
      }) : () -> ()
      %dma_start3A_2481 = arith.constant 0 : i32
      %dma_start3A_2482 = arith.constant 0 : i32
      %dma_start3A_2483 = tpu.memref_slice %arg13[%dma_start3A_2481, %dma_start3A_2482] : memref<23680x32xf32, #tpu.memory_space<vmem_shared>> -> memref<23680x32xf32, #tpu.memory_space<vmem_shared>>
      tpu.enqueue_indirect_dma source(%dma_start3A_2483 : memref<23680x32xf32, #tpu.memory_space<vmem_shared>>) target(%arg8 : memref<1024x32xf32, #tpu.memory_space<vmem>>) offsets(%arg6 : memref<1024xi32, #tpu.memory_space<vmem>>) semaphore(%arg15 : memref<!tpu.dma_semaphore, #tpu.memory_space<semaphore_mem>>)
      "tpu.region"() ({
        %run_scoped3A = tpu.sem_alloc : memref<!tpu.dma_semaphore, #tpu.memory_space<semaphore_mem>>
        %dma_start3A_2489 = arith.constant 0 : i32
        %dma_start3A_2490 = tpu.memref_slice %arg12[%multiple_of3A, %dma_start3A_2489] : memref<2048x32xf32, #tpu.memory_space<vmem_shared>> -> memref<128x32xf32, #tpu.memory_space<vmem_shared>>
        %dma_start3A_2491 = arith.constant 0 : i32
        %dma_start3A_2492 = tpu.memref_slice %arg12[%multiple_of3A, %dma_start3A_2491] : memref<2048x32xf32, #tpu.memory_space<vmem_shared>> -> memref<128x32xf32, #tpu.memory_space<vmem_shared>>
        tpu.enqueue_dma source(%arg9 : memref<128x32xf32, #tpu.memory_space<vmem>>) target(%dma_start3A_2492 : memref<128x32xf32, #tpu.memory_space<vmem_shared>>) target_semaphore(%run_scoped3A : memref<!tpu.dma_semaphore, #tpu.memory_space<semaphore_mem>>)
        %dma_wait3A_2493 = arith.constant 0 : i32
        %dma_wait3A_2494 = tpu.memref_slice %arg12[%multiple_of3A, %dma_wait3A_2493] : memref<2048x32xf32, #tpu.memory_space<vmem_shared>> -> memref<128x32xf32, #tpu.memory_space<vmem_shared>>
        %dma_wait3A_2495 = arith.constant 0 : i32
        %dma_wait3A_2496 = tpu.memref_slice %arg12[%multiple_of3A, %dma_wait3A_2495] : memref<2048x32xf32, #tpu.memory_space<vmem_shared>> -> memref<128x32xf32, #tpu.memory_space<vmem_shared>>
        tpu.wait_dma2 semaphore(%run_scoped3A : memref<!tpu.dma_semaphore, #tpu.memory_space<semaphore_mem>>) src(%arg9 : memref<128x32xf32, #tpu.memory_space<vmem>>) dst(%dma_wait3A_2496 : memref<128x32xf32, #tpu.memory_space<vmem_shared>>)
        tpu.yield
      }) : () -> ()
      %dma_wait3A = arith.constant 0 : i32
      %dma_wait3A_2484 = arith.constant 0 : i32
      %dma_wait3A_2485 = tpu.memref_slice %arg13[%dma_wait3A, %dma_wait3A_2484] : memref<23680x32xf32, #tpu.memory_space<vmem_shared>> -> memref<23680x32xf32, #tpu.memory_space<vmem_shared>>
      tpu.wait_indirect_dma semaphore(%arg14 : memref<!tpu.dma_semaphore, #tpu.memory_space<semaphore_mem>>) src(%dma_wait3A_2485 : memref<23680x32xf32, #tpu.memory_space<vmem_shared>>) dst(%arg7 : memref<1024x32xf32, #tpu.memory_space<vmem>>)
      "tpu.region"() ({
        %run_scoped3A = tpu.sem_alloc : memref<!tpu.dma_semaphore, #tpu.memory_space<semaphore_mem>>
        %dma_start3A_2489 = arith.constant 0 : i32
        %dma_start3A_2490 = arith.constant 0 : i32
        %dma_start3A_2491 = tpu.memref_slice %arg12[%dma_start3A_2489, %dma_start3A_2490] : memref<2048x32xf32, #tpu.memory_space<vmem_shared>> -> memref<2048x32xf32, #tpu.memory_space<vmem_shared>>
        tpu.enqueue_indirect_dma source(%arg7 : memref<1024x32xf32, #tpu.memory_space<vmem>>) target(%dma_start3A_2491 : memref<2048x32xf32, #tpu.memory_space<vmem_shared>>) offsets(%arg10 : memref<1024xi32, #tpu.memory_space<vmem>>) semaphore(%run_scoped3A : memref<!tpu.dma_semaphore, #tpu.memory_space<semaphore_mem>>) {add = true}
        %dma_wait3A_2492 = arith.constant 0 : i32
        %dma_wait3A_2493 = arith.constant 0 : i32
        %dma_wait3A_2494 = tpu.memref_slice %arg12[%dma_wait3A_2492, %dma_wait3A_2493] : memref<2048x32xf32, #tpu.memory_space<vmem_shared>> -> memref<2048x32xf32, #tpu.memory_space<vmem_shared>>
        tpu.wait_indirect_dma semaphore(%run_scoped3A : memref<!tpu.dma_semaphore, #tpu.memory_space<semaphore_mem>>) src(%arg7 : memref<1024x32xf32, #tpu.memory_space<vmem>>) dst(%dma_wait3A_2494 : memref<2048x32xf32, #tpu.memory_space<vmem_shared>>)
        tpu.yield
      }) : () -> ()
      "tpu.region"() ({
        %run_scoped3A = tpu.sem_alloc : memref<!tpu.dma_semaphore, #tpu.memory_space<semaphore_mem>>
        %dma_start3A_2489 = arith.constant 0 : i32
        %dma_start3A_2490 = tpu.memref_slice %arg4[%multiple_of3A_2462, %dma_start3A_2489] : memref<65536x32xf32, #tpu.memory_space<hbm>> -> memref<64x32xf32, #tpu.memory_space<hbm>>
        %dma_start3A_2491 = arith.constant 0 : i32
        %dma_start3A_2492 = tpu.memref_slice %arg12[%multiple_of3A, %dma_start3A_2491] : memref<2048x32xf32, #tpu.memory_space<vmem_shared>> -> memref<64x32xf32, #tpu.memory_space<vmem_shared>>
        tpu.enqueue_dma source(%dma_start3A_2492 : memref<64x32xf32, #tpu.memory_space<vmem_shared>>) target(%dma_start3A_2490 : memref<64x32xf32, #tpu.memory_space<hbm>>) target_semaphore(%run_scoped3A : memref<!tpu.dma_semaphore, #tpu.memory_space<semaphore_mem>>)
        %dma_wait3A_2493 = arith.constant 0 : i32
        %dma_wait3A_2494 = tpu.memref_slice %arg4[%multiple_of3A_2462, %dma_wait3A_2493] : memref<65536x32xf32, #tpu.memory_space<hbm>> -> memref<64x32xf32, #tpu.memory_space<hbm>>
        %dma_wait3A_2495 = arith.constant 0 : i32
        %dma_wait3A_2496 = tpu.memref_slice %arg12[%multiple_of3A, %dma_wait3A_2495] : memref<2048x32xf32, #tpu.memory_space<vmem_shared>> -> memref<64x32xf32, #tpu.memory_space<vmem_shared>>
        tpu.wait_dma2 semaphore(%run_scoped3A : memref<!tpu.dma_semaphore, #tpu.memory_space<semaphore_mem>>) src(%dma_wait3A_2496 : memref<64x32xf32, #tpu.memory_space<vmem_shared>>) dst(%dma_wait3A_2494 : memref<64x32xf32, #tpu.memory_space<hbm>>)
        tpu.yield
      }) : () -> ()
      %dma_wait3A_2486 = arith.constant 0 : i32
      %dma_wait3A_2487 = arith.constant 0 : i32
      %dma_wait3A_2488 = tpu.memref_slice %arg13[%dma_wait3A_2486, %dma_wait3A_2487] : memref<23680x32xf32, #tpu.memory_space<vmem_shared>> -> memref<23680x32xf32, #tpu.memory_space<vmem_shared>>
      tpu.wait_indirect_dma semaphore(%arg15 : memref<!tpu.dma_semaphore, #tpu.memory_space<semaphore_mem>>) src(%dma_wait3A_2488 : memref<23680x32xf32, #tpu.memory_space<vmem_shared>>) dst(%arg8 : memref<1024x32xf32, #tpu.memory_space<vmem>>)
      "tpu.region"() ({
        %run_scoped3A = tpu.sem_alloc : memref<!tpu.dma_semaphore, #tpu.memory_space<semaphore_mem>>
        %dma_start3A_2489 = arith.constant 0 : i32
        %dma_start3A_2490 = arith.constant 0 : i32
        %dma_start3A_2491 = tpu.memref_slice %arg12[%dma_start3A_2489, %dma_start3A_2490] : memref<2048x32xf32, #tpu.memory_space<vmem_shared>> -> memref<2048x32xf32, #tpu.memory_space<vmem_shared>>
        tpu.enqueue_indirect_dma source(%arg8 : memref<1024x32xf32, #tpu.memory_space<vmem>>) target(%dma_start3A_2491 : memref<2048x32xf32, #tpu.memory_space<vmem_shared>>) offsets(%arg11 : memref<1024xi32, #tpu.memory_space<vmem>>) semaphore(%run_scoped3A : memref<!tpu.dma_semaphore, #tpu.memory_space<semaphore_mem>>) {add = true}
        %dma_wait3A_2492 = arith.constant 0 : i32
        %dma_wait3A_2493 = arith.constant 0 : i32
        %dma_wait3A_2494 = tpu.memref_slice %arg12[%dma_wait3A_2492, %dma_wait3A_2493] : memref<2048x32xf32, #tpu.memory_space<vmem_shared>> -> memref<2048x32xf32, #tpu.memory_space<vmem_shared>>
        tpu.wait_indirect_dma semaphore(%run_scoped3A : memref<!tpu.dma_semaphore, #tpu.memory_space<semaphore_mem>>) src(%arg8 : memref<1024x32xf32, #tpu.memory_space<vmem>>) dst(%dma_wait3A_2494 : memref<2048x32xf32, #tpu.memory_space<vmem_shared>>)
        tpu.yield
      }) : () -> ()
      "tpu.region"() ({
        %run_scoped3A = tpu.sem_alloc : memref<!tpu.dma_semaphore, #tpu.memory_space<semaphore_mem>>
        %dma_start3A_2489 = arith.constant 0 : i32
        %dma_start3A_2490 = tpu.memref_slice %arg4[%multiple_of3A_2472, %dma_start3A_2489] : memref<65536x32xf32, #tpu.memory_space<hbm>> -> memref<64x32xf32, #tpu.memory_space<hbm>>
        %dma_start3A_2491 = arith.constant 0 : i32
        %dma_start3A_2492 = tpu.memref_slice %arg12[%multiple_of3A_11, %dma_start3A_2491] : memref<2048x32xf32, #tpu.memory_space<vmem_shared>> -> memref<64x32xf32, #tpu.memory_space<vmem_shared>>
        tpu.enqueue_dma source(%dma_start3A_2492 : memref<64x32xf32, #tpu.memory_space<vmem_shared>>) target(%dma_start3A_2490 : memref<64x32xf32, #tpu.memory_space<hbm>>) target_semaphore(%run_scoped3A : memref<!tpu.dma_semaphore, #tpu.memory_space<semaphore_mem>>)
        %dma_wait3A_2493 = arith.constant 0 : i32
        %dma_wait3A_2494 = tpu.memref_slice %arg4[%multiple_of3A_2472, %dma_wait3A_2493] : memref<65536x32xf32, #tpu.memory_space<hbm>> -> memref<64x32xf32, #tpu.memory_space<hbm>>
        %dma_wait3A_2495 = arith.constant 0 : i32
        %dma_wait3A_2496 = tpu.memref_slice %arg12[%multiple_of3A_11, %dma_wait3A_2495] : memref<2048x32xf32, #tpu.memory_space<vmem_shared>> -> memref<64x32xf32, #tpu.memory_space<vmem_shared>>
        tpu.wait_dma2 semaphore(%run_scoped3A : memref<!tpu.dma_semaphore, #tpu.memory_space<semaphore_mem>>) src(%dma_wait3A_2496 : memref<64x32xf32, #tpu.memory_space<vmem_shared>>) dst(%dma_wait3A_2494 : memref<64x32xf32, #tpu.memory_space<hbm>>)
        tpu.yield
      }) : () -> ()
    }
    %scan3A_2453 = arith.constant 16 : i32
    return
  }
}

module attributes {stable_mosaic.version = 14 : i64} {
  func.func @_prep_body(%arg0: memref<1537x32xf32, #tpu.memory_space<vmem>>, %arg1: memref<1537x32xf32, #tpu.memory_space<vmem>>, %arg2: memref<1537x32xf32, #tpu.memory_space<vmem>>, %arg3: memref<5x32x32xf32, #tpu.memory_space<vmem>>, %arg4: memref<512x32xf32, #tpu.memory_space<vmem>>, %arg5: memref<8192x128xi32, #tpu.memory_space<vmem>>, %arg6: memref<23680x32xf32, #tpu.memory_space<vmem>>, %arg7: memref<8192x128xi32, #tpu.memory_space<vmem>>) attributes {dimension_semantics = [], scalar_prefetch = 0 : i64, scratch_operands = 0 : i64, tpu.core_type = #tpu.core_type<tc>} {
    %get3A = arith.constant 0 : index
    %get3A_0 = arith.constant 0 : index
    %get3A_1 = vector.load %arg0[%get3A, %get3A_0] : memref<1537x32xf32, #tpu.memory_space<vmem>>, vector<1537x32xf32>
    %get3A_2 = arith.constant 0 : index
    %get3A_3 = arith.constant 0 : index
    %get3A_4 = vector.load %arg1[%get3A_2, %get3A_3] : memref<1537x32xf32, #tpu.memory_space<vmem>>, vector<1537x32xf32>
    %get3A_5 = arith.constant 0 : index
    %get3A_6 = arith.constant 0 : index
    %get3A_7 = vector.load %arg2[%get3A_5, %get3A_6] : memref<1537x32xf32, #tpu.memory_space<vmem>>, vector<1537x32xf32>
    %get3A_8 = arith.constant 0 : index
    %get3A_9 = arith.constant 0 : index
    %get3A_10 = arith.constant 0 : index
    %get3A_11 = vector.load %arg3[%get3A_8, %get3A_9, %get3A_10] : memref<5x32x32xf32, #tpu.memory_space<vmem>>, vector<1x32x32xf32>
    %get3A_12 = vector.shape_cast %get3A_11 : vector<1x32x32xf32> to vector<32x32xf32>
    %dot_general3A = arith.constant dense<0.000000e+00> : vector<1537x32xf32>
    %dot_general3A_13 = tpu.matmul %get3A_1, %get3A_12, %dot_general3A {dimension_numbers = #tpu.dot_dimension_numbers<[1], [0], [0], [1], [0, 0, 1, 1], [], []>, transpose_lhs_hint = false} : vector<1537x32xf32>, vector<32x32xf32>, vector<1537x32xf32> -> vector<1537x32xf32>
    %mul3A = arith.constant 0.333333343 : f32
    %mul3A_14 = vector.broadcast %mul3A : f32 to vector<1537x32xf32>
    %mul3A_15 = arith.mulf %dot_general3A_13, %mul3A_14 : vector<1537x32xf32>
    %swap3A = arith.constant 0 : index
    %swap3A_16 = arith.constant 0 : index
    %swap3A_17 = vector.load %arg6[%swap3A, %swap3A_16] : memref<23680x32xf32, #tpu.memory_space<vmem>>, vector<1537x32xf32>
    tpu.vector_store %arg6[%swap3A, %swap3A_16], %mul3A_15 {strides = array<i32>} : memref<23680x32xf32, #tpu.memory_space<vmem>>, vector<1537x32xf32>,
    %get3A_18 = arith.constant 0 : index
    %get3A_19 = arith.constant 0 : index
    %get3A_20 = arith.constant 0 : index
    %get3A_21 = vector.load %arg3[%get3A_18, %get3A_19, %get3A_20] : memref<5x32x32xf32, #tpu.memory_space<vmem>>, vector<1x32x32xf32>
    %get3A_22 = vector.shape_cast %get3A_21 : vector<1x32x32xf32> to vector<32x32xf32>
    %dot_general3A_23 = arith.constant dense<0.000000e+00> : vector<1537x32xf32>
    %dot_general3A_24 = tpu.matmul %get3A_4, %get3A_22, %dot_general3A_23 {dimension_numbers = #tpu.dot_dimension_numbers<[1], [0], [0], [1], [0, 0, 1, 1], [], []>, transpose_lhs_hint = false} : vector<1537x32xf32>, vector<32x32xf32>, vector<1537x32xf32> -> vector<1537x32xf32>
    %mul3A_25 = arith.constant 0.333333343 : f32
    %mul3A_26 = vector.broadcast %mul3A_25 : f32 to vector<1537x32xf32>
    %mul3A_27 = arith.mulf %dot_general3A_24, %mul3A_26 : vector<1537x32xf32>
    %swap3A_28 = arith.constant 1537 : index
    %swap3A_29 = arith.constant 0 : index
    %swap3A_30 = vector.load %arg6[%swap3A_28, %swap3A_29] : memref<23680x32xf32, #tpu.memory_space<vmem>>, vector<1537x32xf32>
    tpu.vector_store %arg6[%swap3A_28, %swap3A_29], %mul3A_27 {strides = array<i32>} : memref<23680x32xf32, #tpu.memory_space<vmem>>, vector<1537x32xf32>,
    %get3A_31 = arith.constant 0 : index
    %get3A_32 = arith.constant 0 : index
    %get3A_33 = arith.constant 0 : index
    %get3A_34 = vector.load %arg3[%get3A_31, %get3A_32, %get3A_33] : memref<5x32x32xf32, #tpu.memory_space<vmem>>, vector<1x32x32xf32>
    %get3A_35 = vector.shape_cast %get3A_34 : vector<1x32x32xf32> to vector<32x32xf32>
    %dot_general3A_36 = arith.constant dense<0.000000e+00> : vector<1537x32xf32>
    %dot_general3A_37 = tpu.matmul %get3A_7, %get3A_35, %dot_general3A_36 {dimension_numbers = #tpu.dot_dimension_numbers<[1], [0], [0], [1], [0, 0, 1, 1], [], []>, transpose_lhs_hint = false} : vector<1537x32xf32>, vector<32x32xf32>, vector<1537x32xf32> -> vector<1537x32xf32>
    %mul3A_38 = arith.constant 0.333333343 : f32
    %mul3A_39 = vector.broadcast %mul3A_38 : f32 to vector<1537x32xf32>
    %mul3A_40 = arith.mulf %dot_general3A_37, %mul3A_39 : vector<1537x32xf32>
    %swap3A_41 = arith.constant 3074 : index
    %swap3A_42 = arith.constant 0 : index
    %swap3A_43 = vector.load %arg6[%swap3A_41, %swap3A_42] : memref<23680x32xf32, #tpu.memory_space<vmem>>, vector<1537x32xf32>
    tpu.vector_store %arg6[%swap3A_41, %swap3A_42], %mul3A_40 {strides = array<i32>} : memref<23680x32xf32, #tpu.memory_space<vmem>>, vector<1537x32xf32>,
    %get3A_44 = arith.constant 1 : index
    %get3A_45 = arith.constant 0 : index
    %get3A_46 = arith.constant 0 : index
    %get3A_47 = vector.load %arg3[%get3A_44, %get3A_45, %get3A_46] : memref<5x32x32xf32, #tpu.memory_space<vmem>>, vector<1x32x32xf32>
    %get3A_48 = vector.shape_cast %get3A_47 : vector<1x32x32xf32> to vector<32x32xf32>
    %dot_general3A_49 = arith.constant dense<0.000000e+00> : vector<1537x32xf32>
    %dot_general3A_50 = tpu.matmul %get3A_1, %get3A_48, %dot_general3A_49 {dimension_numbers = #tpu.dot_dimension_numbers<[1], [0], [0], [1], [0, 0, 1, 1], [], []>, transpose_lhs_hint = false} : vector<1537x32xf32>, vector<32x32xf32>, vector<1537x32xf32> -> vector<1537x32xf32>
    %mul3A_51 = arith.constant 0.333333343 : f32
    %mul3A_52 = vector.broadcast %mul3A_51 : f32 to vector<1537x32xf32>
    %mul3A_53 = arith.mulf %dot_general3A_50, %mul3A_52 : vector<1537x32xf32>
    %swap3A_54 = arith.constant 4611 : index
    %swap3A_55 = arith.constant 0 : index
    %swap3A_56 = vector.load %arg6[%swap3A_54, %swap3A_55] : memref<23680x32xf32, #tpu.memory_space<vmem>>, vector<1537x32xf32>
    tpu.vector_store %arg6[%swap3A_54, %swap3A_55], %mul3A_53 {strides = array<i32>} : memref<23680x32xf32, #tpu.memory_space<vmem>>, vector<1537x32xf32>,
    %get3A_57 = arith.constant 1 : index
    %get3A_58 = arith.constant 0 : index
    %get3A_59 = arith.constant 0 : index
    %get3A_60 = vector.load %arg3[%get3A_57, %get3A_58, %get3A_59] : memref<5x32x32xf32, #tpu.memory_space<vmem>>, vector<1x32x32xf32>
    %get3A_61 = vector.shape_cast %get3A_60 : vector<1x32x32xf32> to vector<32x32xf32>
    %dot_general3A_62 = arith.constant dense<0.000000e+00> : vector<1537x32xf32>
    %dot_general3A_63 = tpu.matmul %get3A_4, %get3A_61, %dot_general3A_62 {dimension_numbers = #tpu.dot_dimension_numbers<[1], [0], [0], [1], [0, 0, 1, 1], [], []>, transpose_lhs_hint = false} : vector<1537x32xf32>, vector<32x32xf32>, vector<1537x32xf32> -> vector<1537x32xf32>
    %mul3A_64 = arith.constant 0.333333343 : f32
    %mul3A_65 = vector.broadcast %mul3A_64 : f32 to vector<1537x32xf32>
    %mul3A_66 = arith.mulf %dot_general3A_63, %mul3A_65 : vector<1537x32xf32>
    %swap3A_67 = arith.constant 6148 : index
    %swap3A_68 = arith.constant 0 : index
    %swap3A_69 = vector.load %arg6[%swap3A_67, %swap3A_68] : memref<23680x32xf32, #tpu.memory_space<vmem>>, vector<1537x32xf32>
    tpu.vector_store %arg6[%swap3A_67, %swap3A_68], %mul3A_66 {strides = array<i32>} : memref<23680x32xf32, #tpu.memory_space<vmem>>, vector<1537x32xf32>,
    %get3A_70 = arith.constant 1 : index
    %get3A_71 = arith.constant 0 : index
    %get3A_72 = arith.constant 0 : index
    %get3A_73 = vector.load %arg3[%get3A_70, %get3A_71, %get3A_72] : memref<5x32x32xf32, #tpu.memory_space<vmem>>, vector<1x32x32xf32>
    %get3A_74 = vector.shape_cast %get3A_73 : vector<1x32x32xf32> to vector<32x32xf32>
    %dot_general3A_75 = arith.constant dense<0.000000e+00> : vector<1537x32xf32>
    %dot_general3A_76 = tpu.matmul %get3A_7, %get3A_74, %dot_general3A_75 {dimension_numbers = #tpu.dot_dimension_numbers<[1], [0], [0], [1], [0, 0, 1, 1], [], []>, transpose_lhs_hint = false} : vector<1537x32xf32>, vector<32x32xf32>, vector<1537x32xf32> -> vector<1537x32xf32>
    %mul3A_77 = arith.constant 0.333333343 : f32
    %mul3A_78 = vector.broadcast %mul3A_77 : f32 to vector<1537x32xf32>
    %mul3A_79 = arith.mulf %dot_general3A_76, %mul3A_78 : vector<1537x32xf32>
    %swap3A_80 = arith.constant 7685 : index
    %swap3A_81 = arith.constant 0 : index
    %swap3A_82 = vector.load %arg6[%swap3A_80, %swap3A_81] : memref<23680x32xf32, #tpu.memory_space<vmem>>, vector<1537x32xf32>
    tpu.vector_store %arg6[%swap3A_80, %swap3A_81], %mul3A_79 {strides = array<i32>} : memref<23680x32xf32, #tpu.memory_space<vmem>>, vector<1537x32xf32>,
    %get3A_83 = arith.constant 2 : index
    %get3A_84 = arith.constant 0 : index
    %get3A_85 = arith.constant 0 : index
    %get3A_86 = vector.load %arg3[%get3A_83, %get3A_84, %get3A_85] : memref<5x32x32xf32, #tpu.memory_space<vmem>>, vector<1x32x32xf32>
    %get3A_87 = vector.shape_cast %get3A_86 : vector<1x32x32xf32> to vector<32x32xf32>
    %dot_general3A_88 = arith.constant dense<0.000000e+00> : vector<1537x32xf32>
    %dot_general3A_89 = tpu.matmul %get3A_1, %get3A_87, %dot_general3A_88 {dimension_numbers = #tpu.dot_dimension_numbers<[1], [0], [0], [1], [0, 0, 1, 1], [], []>, transpose_lhs_hint = false} : vector<1537x32xf32>, vector<32x32xf32>, vector<1537x32xf32> -> vector<1537x32xf32>
    %mul3A_90 = arith.constant 0.333333343 : f32
    %mul3A_91 = vector.broadcast %mul3A_90 : f32 to vector<1537x32xf32>
    %mul3A_92 = arith.mulf %dot_general3A_89, %mul3A_91 : vector<1537x32xf32>
    %swap3A_93 = arith.constant 9222 : index
    %swap3A_94 = arith.constant 0 : index
    %swap3A_95 = vector.load %arg6[%swap3A_93, %swap3A_94] : memref<23680x32xf32, #tpu.memory_space<vmem>>, vector<1537x32xf32>
    tpu.vector_store %arg6[%swap3A_93, %swap3A_94], %mul3A_92 {strides = array<i32>} : memref<23680x32xf32, #tpu.memory_space<vmem>>, vector<1537x32xf32>,
    %get3A_96 = arith.constant 2 : index
    %get3A_97 = arith.constant 0 : index
    %get3A_98 = arith.constant 0 : index
    %get3A_99 = vector.load %arg3[%get3A_96, %get3A_97, %get3A_98] : memref<5x32x32xf32, #tpu.memory_space<vmem>>, vector<1x32x32xf32>
    %get3A_100 = vector.shape_cast %get3A_99 : vector<1x32x32xf32> to vector<32x32xf32>
    %dot_general3A_101 = arith.constant dense<0.000000e+00> : vector<1537x32xf32>
    %dot_general3A_102 = tpu.matmul %get3A_4, %get3A_100, %dot_general3A_101 {dimension_numbers = #tpu.dot_dimension_numbers<[1], [0], [0], [1], [0, 0, 1, 1], [], []>, transpose_lhs_hint = false} : vector<1537x32xf32>, vector<32x32xf32>, vector<1537x32xf32> -> vector<1537x32xf32>
    %mul3A_103 = arith.constant 0.333333343 : f32
    %mul3A_104 = vector.broadcast %mul3A_103 : f32 to vector<1537x32xf32>
    %mul3A_105 = arith.mulf %dot_general3A_102, %mul3A_104 : vector<1537x32xf32>
    %swap3A_106 = arith.constant 10759 : index
    %swap3A_107 = arith.constant 0 : index
    %swap3A_108 = vector.load %arg6[%swap3A_106, %swap3A_107] : memref<23680x32xf32, #tpu.memory_space<vmem>>, vector<1537x32xf32>
    tpu.vector_store %arg6[%swap3A_106, %swap3A_107], %mul3A_105 {strides = array<i32>} : memref<23680x32xf32, #tpu.memory_space<vmem>>, vector<1537x32xf32>,
    %get3A_109 = arith.constant 2 : index
    %get3A_110 = arith.constant 0 : index
    %get3A_111 = arith.constant 0 : index
    %get3A_112 = vector.load %arg3[%get3A_109, %get3A_110, %get3A_111] : memref<5x32x32xf32, #tpu.memory_space<vmem>>, vector<1x32x32xf32>
    %get3A_113 = vector.shape_cast %get3A_112 : vector<1x32x32xf32> to vector<32x32xf32>
    %dot_general3A_114 = arith.constant dense<0.000000e+00> : vector<1537x32xf32>
    %dot_general3A_115 = tpu.matmul %get3A_7, %get3A_113, %dot_general3A_114 {dimension_numbers = #tpu.dot_dimension_numbers<[1], [0], [0], [1], [0, 0, 1, 1], [], []>, transpose_lhs_hint = false} : vector<1537x32xf32>, vector<32x32xf32>, vector<1537x32xf32> -> vector<1537x32xf32>
    %mul3A_116 = arith.constant 0.333333343 : f32
    %mul3A_117 = vector.broadcast %mul3A_116 : f32 to vector<1537x32xf32>
    %mul3A_118 = arith.mulf %dot_general3A_115, %mul3A_117 : vector<1537x32xf32>
    %swap3A_119 = arith.constant 12296 : index
    %swap3A_120 = arith.constant 0 : index
    %swap3A_121 = vector.load %arg6[%swap3A_119, %swap3A_120] : memref<23680x32xf32, #tpu.memory_space<vmem>>, vector<1537x32xf32>
    tpu.vector_store %arg6[%swap3A_119, %swap3A_120], %mul3A_118 {strides = array<i32>} : memref<23680x32xf32, #tpu.memory_space<vmem>>, vector<1537x32xf32>,
    %get3A_122 = arith.constant 3 : index
    %get3A_123 = arith.constant 0 : index
    %get3A_124 = arith.constant 0 : index
    %get3A_125 = vector.load %arg3[%get3A_122, %get3A_123, %get3A_124] : memref<5x32x32xf32, #tpu.memory_space<vmem>>, vector<1x32x32xf32>
    %get3A_126 = vector.shape_cast %get3A_125 : vector<1x32x32xf32> to vector<32x32xf32>
    %dot_general3A_127 = arith.constant dense<0.000000e+00> : vector<1537x32xf32>
    %dot_general3A_128 = tpu.matmul %get3A_1, %get3A_126, %dot_general3A_127 {dimension_numbers = #tpu.dot_dimension_numbers<[1], [0], [0], [1], [0, 0, 1, 1], [], []>, transpose_lhs_hint = false} : vector<1537x32xf32>, vector<32x32xf32>, vector<1537x32xf32> -> vector<1537x32xf32>
    %mul3A_129 = arith.constant 0.333333343 : f32
    %mul3A_130 = vector.broadcast %mul3A_129 : f32 to vector<1537x32xf32>
    %mul3A_131 = arith.mulf %dot_general3A_128, %mul3A_130 : vector<1537x32xf32>
    %swap3A_132 = arith.constant 13833 : index
    %swap3A_133 = arith.constant 0 : index
    %swap3A_134 = vector.load %arg6[%swap3A_132, %swap3A_133] : memref<23680x32xf32, #tpu.memory_space<vmem>>, vector<1537x32xf32>
    tpu.vector_store %arg6[%swap3A_132, %swap3A_133], %mul3A_131 {strides = array<i32>} : memref<23680x32xf32, #tpu.memory_space<vmem>>, vector<1537x32xf32>,
    %get3A_135 = arith.constant 3 : index
    %get3A_136 = arith.constant 0 : index
    %get3A_137 = arith.constant 0 : index
    %get3A_138 = vector.load %arg3[%get3A_135, %get3A_136, %get3A_137] : memref<5x32x32xf32, #tpu.memory_space<vmem>>, vector<1x32x32xf32>
    %get3A_139 = vector.shape_cast %get3A_138 : vector<1x32x32xf32> to vector<32x32xf32>
    %dot_general3A_140 = arith.constant dense<0.000000e+00> : vector<1537x32xf32>
    %dot_general3A_141 = tpu.matmul %get3A_4, %get3A_139, %dot_general3A_140 {dimension_numbers = #tpu.dot_dimension_numbers<[1], [0], [0], [1], [0, 0, 1, 1], [], []>, transpose_lhs_hint = false} : vector<1537x32xf32>, vector<32x32xf32>, vector<1537x32xf32> -> vector<1537x32xf32>
    %mul3A_142 = arith.constant 0.333333343 : f32
    %mul3A_143 = vector.broadcast %mul3A_142 : f32 to vector<1537x32xf32>
    %mul3A_144 = arith.mulf %dot_general3A_141, %mul3A_143 : vector<1537x32xf32>
    %swap3A_145 = arith.constant 15370 : index
    %swap3A_146 = arith.constant 0 : index
    %swap3A_147 = vector.load %arg6[%swap3A_145, %swap3A_146] : memref<23680x32xf32, #tpu.memory_space<vmem>>, vector<1537x32xf32>
    tpu.vector_store %arg6[%swap3A_145, %swap3A_146], %mul3A_144 {strides = array<i32>} : memref<23680x32xf32, #tpu.memory_space<vmem>>, vector<1537x32xf32>,
    %get3A_148 = arith.constant 3 : index
    %get3A_149 = arith.constant 0 : index
    %get3A_150 = arith.constant 0 : index
    %get3A_151 = vector.load %arg3[%get3A_148, %get3A_149, %get3A_150] : memref<5x32x32xf32, #tpu.memory_space<vmem>>, vector<1x32x32xf32>
    %get3A_152 = vector.shape_cast %get3A_151 : vector<1x32x32xf32> to vector<32x32xf32>
    %dot_general3A_153 = arith.constant dense<0.000000e+00> : vector<1537x32xf32>
    %dot_general3A_154 = tpu.matmul %get3A_7, %get3A_152, %dot_general3A_153 {dimension_numbers = #tpu.dot_dimension_numbers<[1], [0], [0], [1], [0, 0, 1, 1], [], []>, transpose_lhs_hint = false} : vector<1537x32xf32>, vector<32x32xf32>, vector<1537x32xf32> -> vector<1537x32xf32>
    %mul3A_155 = arith.constant 0.333333343 : f32
    %mul3A_156 = vector.broadcast %mul3A_155 : f32 to vector<1537x32xf32>
    %mul3A_157 = arith.mulf %dot_general3A_154, %mul3A_156 : vector<1537x32xf32>
    %swap3A_158 = arith.constant 16907 : index
    %swap3A_159 = arith.constant 0 : index
    %swap3A_160 = vector.load %arg6[%swap3A_158, %swap3A_159] : memref<23680x32xf32, #tpu.memory_space<vmem>>, vector<1537x32xf32>
    tpu.vector_store %arg6[%swap3A_158, %swap3A_159], %mul3A_157 {strides = array<i32>} : memref<23680x32xf32, #tpu.memory_space<vmem>>, vector<1537x32xf32>,
    %get3A_161 = arith.constant 4 : index
    %get3A_162 = arith.constant 0 : index
    %get3A_163 = arith.constant 0 : index
    %get3A_164 = vector.load %arg3[%get3A_161, %get3A_162, %get3A_163] : memref<5x32x32xf32, #tpu.memory_space<vmem>>, vector<1x32x32xf32>
    %get3A_165 = vector.shape_cast %get3A_164 : vector<1x32x32xf32> to vector<32x32xf32>
    %dot_general3A_166 = arith.constant dense<0.000000e+00> : vector<1537x32xf32>
    %dot_general3A_167 = tpu.matmul %get3A_1, %get3A_165, %dot_general3A_166 {dimension_numbers = #tpu.dot_dimension_numbers<[1], [0], [0], [1], [0, 0, 1, 1], [], []>, transpose_lhs_hint = false} : vector<1537x32xf32>, vector<32x32xf32>, vector<1537x32xf32> -> vector<1537x32xf32>
    %mul3A_168 = arith.constant 0.333333343 : f32
    %mul3A_169 = vector.broadcast %mul3A_168 : f32 to vector<1537x32xf32>
    %mul3A_170 = arith.mulf %dot_general3A_167, %mul3A_169 : vector<1537x32xf32>
    %swap3A_171 = arith.constant 18444 : index
    %swap3A_172 = arith.constant 0 : index
    %swap3A_173 = vector.load %arg6[%swap3A_171, %swap3A_172] : memref<23680x32xf32, #tpu.memory_space<vmem>>, vector<1537x32xf32>
    tpu.vector_store %arg6[%swap3A_171, %swap3A_172], %mul3A_170 {strides = array<i32>} : memref<23680x32xf32, #tpu.memory_space<vmem>>, vector<1537x32xf32>,
    %get3A_174 = arith.constant 4 : index
    %get3A_175 = arith.constant 0 : index
    %get3A_176 = arith.constant 0 : index
    %get3A_177 = vector.load %arg3[%get3A_174, %get3A_175, %get3A_176] : memref<5x32x32xf32, #tpu.memory_space<vmem>>, vector<1x32x32xf32>
    %get3A_178 = vector.shape_cast %get3A_177 : vector<1x32x32xf32> to vector<32x32xf32>
    %dot_general3A_179 = arith.constant dense<0.000000e+00> : vector<1537x32xf32>
    %dot_general3A_180 = tpu.matmul %get3A_4, %get3A_178, %dot_general3A_179 {dimension_numbers = #tpu.dot_dimension_numbers<[1], [0], [0], [1], [0, 0, 1, 1], [], []>, transpose_lhs_hint = false} : vector<1537x32xf32>, vector<32x32xf32>, vector<1537x32xf32> -> vector<1537x32xf32>
    %mul3A_181 = arith.constant 0.333333343 : f32
    %mul3A_182 = vector.broadcast %mul3A_181 : f32 to vector<1537x32xf32>
    %mul3A_183 = arith.mulf %dot_general3A_180, %mul3A_182 : vector<1537x32xf32>
    %swap3A_184 = arith.constant 19981 : index
    %swap3A_185 = arith.constant 0 : index
    %swap3A_186 = vector.load %arg6[%swap3A_184, %swap3A_185] : memref<23680x32xf32, #tpu.memory_space<vmem>>, vector<1537x32xf32>
    tpu.vector_store %arg6[%swap3A_184, %swap3A_185], %mul3A_183 {strides = array<i32>} : memref<23680x32xf32, #tpu.memory_space<vmem>>, vector<1537x32xf32>,
    %get3A_187 = arith.constant 4 : index
    %get3A_188 = arith.constant 0 : index
    %get3A_189 = arith.constant 0 : index
    %get3A_190 = vector.load %arg3[%get3A_187, %get3A_188, %get3A_189] : memref<5x32x32xf32, #tpu.memory_space<vmem>>, vector<1x32x32xf32>
    %get3A_191 = vector.shape_cast %get3A_190 : vector<1x32x32xf32> to vector<32x32xf32>
    %dot_general3A_192 = arith.constant dense<0.000000e+00> : vector<1537x32xf32>
    %dot_general3A_193 = tpu.matmul %get3A_7, %get3A_191, %dot_general3A_192 {dimension_numbers = #tpu.dot_dimension_numbers<[1], [0], [0], [1], [0, 0, 1, 1], [], []>, transpose_lhs_hint = false} : vector<1537x32xf32>, vector<32x32xf32>, vector<1537x32xf32> -> vector<1537x32xf32>
    %mul3A_194 = arith.constant 0.333333343 : f32
    %mul3A_195 = vector.broadcast %mul3A_194 : f32 to vector<1537x32xf32>
    %mul3A_196 = arith.mulf %dot_general3A_193, %mul3A_195 : vector<1537x32xf32>
    %swap3A_197 = arith.constant 21518 : index
    %swap3A_198 = arith.constant 0 : index
    %swap3A_199 = vector.load %arg6[%swap3A_197, %swap3A_198] : memref<23680x32xf32, #tpu.memory_space<vmem>>, vector<1537x32xf32>
    tpu.vector_store %arg6[%swap3A_197, %swap3A_198], %mul3A_196 {strides = array<i32>} : memref<23680x32xf32, #tpu.memory_space<vmem>>, vector<1537x32xf32>,
    %iota3A = tpu.iota {dimensions = array<i32: 0>} : vector<512x1xi32>
    %eq3A = arith.constant 0 : i32
    %eq3A_200 = vector.broadcast %eq3A : i32 to vector<512x1xi32>
    %eq3A_201 = arith.cmpi eq, %iota3A, %eq3A_200 : vector<512x1xi32>
    %jit3A = arith.constant 1 : i32
    %broadcast_in_dim3A = vector.broadcast %jit3A : i32 to vector<512x1xi32>
    %select_n3A = arith.select %eq3A_201, %broadcast_in_dim3A, %iota3A : vector<512x1xi1>, vector<512x1xi32>
    %gt3A = arith.constant 1 : i32
    %gt3A_202 = vector.broadcast %gt3A : i32 to vector<512x1xi32>
    %gt3A_203 = arith.cmpi sgt, %select_n3A, %gt3A_202 : vector<512x1xi32>
    %sub3A = arith.constant 1 : i32
    %sub3A_204 = vector.broadcast %sub3A : i32 to vector<512x1xi32>
    %sub3A_205 = arith.subi %select_n3A, %sub3A_204 : vector<512x1xi32>
    %select_n3A_206 = arith.select %gt3A_203, %sub3A_205, %select_n3A : vector<512x1xi1>, vector<512x1xi32>
    %min3A = arith.constant 5 : i32
    %min3A_207 = vector.broadcast %min3A : i32 to vector<512x1xi32>
    %min3A_208 = arith.minsi %select_n3A_206, %min3A_207 : vector<512x1xi32>
    %get3A_209 = arith.constant 0 : index
    %get3A_210 = arith.constant 0 : index
    %get3A_211 = vector.load %arg4[%get3A_209, %get3A_210] : memref<512x32xf32, #tpu.memory_space<vmem>>, vector<512x32xf32>
    %convert_element_type3A = arith.sitofp %min3A_208 : vector<512x1xi32> to vector<512x1xf32>
    %mul3A_212 = vector.broadcast %convert_element_type3A : vector<512x1xf32> to vector<512x32xf32>
    %mul3A_213 = arith.mulf %get3A_211, %mul3A_212 : vector<512x32xf32>
    %swap3A_214 = arith.constant 23055 : index
    %swap3A_215 = arith.constant 0 : index
    %swap3A_216 = vector.load %arg6[%swap3A_214, %swap3A_215] : memref<23680x32xf32, #tpu.memory_space<vmem>>, vector<512x32xf32>
    tpu.vector_store %arg6[%swap3A_214, %swap3A_215], %mul3A_213 {strides = array<i32>} : memref<23680x32xf32, #tpu.memory_space<vmem>>, vector<512x32xf32>,
    %broadcast_in_dim3A_217 = arith.constant 0.000000e+00 : f32
    %broadcast_in_dim3A_218 = vector.broadcast %broadcast_in_dim3A_217 : f32 to vector<113x32xf32>
    %swap3A_219 = arith.constant 23567 : index
    %swap3A_220 = arith.constant 0 : index
    %swap3A_221 = vector.load %arg6[%swap3A_219, %swap3A_220] : memref<23680x32xf32, #tpu.memory_space<vmem>>, vector<113x32xf32>
    tpu.vector_store %arg6[%swap3A_219, %swap3A_220], %broadcast_in_dim3A_218 {strides = array<i32>} : memref<23680x32xf32, #tpu.memory_space<vmem>>, vector<113x32xf32>,
    %iota3A_222 = tpu.iota {dimensions = array<i32: 1>} : vector<1x128xi32>
    %jit3A_223 = arith.constant 16 : i32
    %eq3A_224 = arith.constant 0 : i32
    %eq3A_225 = arith.cmpi eq, %jit3A_223, %eq3A_224 : i32
    %jit3A_226 = arith.constant 1 : i32
    %select_n3A_227 = arith.select %eq3A_225, %jit3A_226, %jit3A_223 : i32
    %rem3A = vector.broadcast %select_n3A_227 : i32 to vector<1x128xi32>
    %rem3A_228 = arith.remsi %iota3A_222, %rem3A : vector<1x128xi32>
    %ne3A = arith.constant 0 : i32
    %ne3A_229 = vector.broadcast %ne3A : i32 to vector<1x128xi32>
    %ne3A_230 = arith.cmpi ne, %rem3A_228, %ne3A_229 : vector<1x128xi32>
    %lt3A = arith.constant 0 : i32
    %lt3A_231 = vector.broadcast %lt3A : i32 to vector<1x128xi32>
    %lt3A_232 = arith.cmpi slt, %rem3A_228, %lt3A_231 : vector<1x128xi32>
    %lt3A_233 = arith.constant 0 : i32
    %lt3A_234 = arith.cmpi slt, %select_n3A_227, %lt3A_233 : i32
    %ne3A_235 = vector.broadcast %lt3A_234 : i1 to vector<1x128xi1>
    %ne3A_236 = vector.broadcast %ne3A_235 : vector<1x128xi1> to vector<1x128xi1>
    %ne3A_237 = arith.xori %lt3A_232, %ne3A_236 : vector<1x128xi1>
    %and3A = arith.andi %ne3A_237, %ne3A_230 : vector<1x128xi1>
    %add3A = vector.broadcast %select_n3A_227 : i32 to vector<1x128xi32>
    %add3A_238 = arith.addi %rem3A_228, %add3A : vector<1x128xi32>
    %select_n3A_239 = arith.select %and3A, %add3A_238, %rem3A_228 : vector<1x128xi1>, vector<1x128xi32>
    %mul3A_240 = arith.constant 1537 : i32
    %mul3A_241 = vector.broadcast %mul3A_240 : i32 to vector<1x128xi32>
    %mul3A_242 = arith.muli %select_n3A_239, %mul3A_241 : vector<1x128xi32>
    %get3A_243 = arith.constant 0 : index
    %get3A_244 = arith.constant 0 : index
    %get3A_245 = vector.load %arg5[%get3A_243, %get3A_244] : memref<8192x128xi32, #tpu.memory_space<vmem>>, vector<8192x128xi32>
    %add3A_246 = vector.broadcast %mul3A_242 : vector<1x128xi32> to vector<8192x128xi32>
    %add3A_247 = arith.addi %get3A_245, %add3A_246 : vector<8192x128xi32>
    %swap3A_248 = arith.constant 0 : index
    %swap3A_249 = arith.constant 0 : index
    %swap3A_250 = vector.load %arg7[%swap3A_248, %swap3A_249] : memref<8192x128xi32, #tpu.memory_space<vmem>>, vector<8192x128xi32>
    tpu.vector_store %arg7[%swap3A_248, %swap3A_249], %add3A_247 {strides = array<i32>} : memref<8192x128xi32, #tpu.memory_space<vmem>>, vector<8192x128xi32>,
    return
  }
}

module attributes {stable_mosaic.version = 14 : i64} {
  func.func @_asm_body(%arg0: i32, %arg1: memref<1x65x65xf32, #tpu.memory_space<vmem>>, %arg2: memref<1x1x64x64xi32, #tpu.memory_space<vmem>>, %arg3: memref<1x4096x32xf32, #tpu.memory_space<vmem>>, %arg4: memref<1x32xf32, #tpu.memory_space<vmem>>, %arg5: memref<1x32x65x65xf32, #tpu.memory_space<vmem>>) attributes {dimension_semantics = [#tpu.dimension_semantics<arbitrary>], iteration_bounds = array<i64: 16>, scalar_prefetch = 0 : i64, scratch_operands = 0 : i64, tpu.core_type = #tpu.core_type<tc>, window_params = [{transform_indices = @transform_0, window_bounds = array<i64: 1, 65, 65>}, {transform_indices = @transform_1, window_bounds = array<i64: 1, 1, 64, 64>}, {transform_indices = @transform_2, window_bounds = array<i64: 1, 4096, 32>}, {pipeline_mode = #tpu.pipeline_mode<synchronous>, transform_indices = @transform_3, window_bounds = array<i64: 1, 32>}, {transform_indices = @transform_4, window_bounds = array<i64: 1, 32, 65, 65>}]} {
    %get3A = arith.constant 0 : index
    %get3A_0 = arith.constant 0 : index
    %get3A_1 = arith.constant 0 : index
    %get3A_2 = arith.constant 0 : index
    %get3A_3 = vector.load %arg2[%get3A, %get3A_0, %get3A_1, %get3A_2] : memref<1x1x64x64xi32, #tpu.memory_space<vmem>>, vector<1x1x64x64xi32>
    %get3A_4 = vector.shape_cast %get3A_3 : vector<1x1x64x64xi32> to vector<64x64xi32>
    %eq3A = arith.constant 0 : i32
    %eq3A_5 = vector.broadcast %eq3A : i32 to vector<64x64xi32>
    %eq3A_6 = arith.cmpi eq, %get3A_4, %eq3A_5 : vector<64x64xi32>
    %jit3A = arith.constant 1 : i32
    %broadcast_in_dim3A = vector.broadcast %jit3A : i32 to vector<64x64xi32>
    %select_n3A = arith.select %eq3A_6, %broadcast_in_dim3A, %get3A_4 : vector<64x64xi1>, vector<64x64xi32>
    %gt3A = arith.constant 1 : i32
    %gt3A_7 = vector.broadcast %gt3A : i32 to vector<64x64xi32>
    %gt3A_8 = arith.cmpi sgt, %select_n3A, %gt3A_7 : vector<64x64xi32>
    %sub3A = arith.constant 1 : i32
    %sub3A_9 = vector.broadcast %sub3A : i32 to vector<64x64xi32>
    %sub3A_10 = arith.subi %select_n3A, %sub3A_9 : vector<64x64xi32>
    %select_n3A_11 = arith.select %gt3A_8, %sub3A_10, %select_n3A : vector<64x64xi1>, vector<64x64xi32>
    %min3A = arith.constant 5 : i32
    %min3A_12 = vector.broadcast %min3A : i32 to vector<64x64xi32>
    %min3A_13 = arith.minsi %select_n3A_11, %min3A_12 : vector<64x64xi32>
    %get3A_14 = arith.constant 0 : index
    %get3A_15 = arith.constant 0 : index
    %get3A_16 = arith.constant 0 : index
    %get3A_17 = vector.load %arg3[%get3A_14, %get3A_15, %get3A_16] : memref<1x4096x32xf32, #tpu.memory_space<vmem>>, vector<1x4096x32xf32>
    %get3A_18 = vector.shape_cast %get3A_17 : vector<1x4096x32xf32> to vector<4096x32xf32>
    %transpose3A = tpu.transpose %get3A_18, [1, 0] : vector<4096x32xf32> -> vector<32x4096xf32>
    %reshape3A = vector.shape_cast %transpose3A : vector<32x4096xf32> to vector<32x64x64xf32>
    %convert_element_type3A = arith.sitofp %min3A_13 : vector<64x64xi32> to vector<64x64xf32>
    %div3A = arith.constant 1.000000e+00 : f32
    %div3A_19 = vector.broadcast %div3A : f32 to vector<64x64xf32>
    %div3A_20 = arith.divf %div3A_19, %convert_element_type3A : vector<64x64xf32>
    %broadcast_in_dim3A_21 = vector.shape_cast %div3A_20 : vector<64x64xf32> to vector<1x64x64xf32>
    %mul3A = vector.broadcast %broadcast_in_dim3A_21 : vector<1x64x64xf32> to vector<32x64x64xf32>
    %mul3A_22 = arith.mulf %reshape3A, %mul3A : vector<32x64x64xf32>
    %get3A_23 = arith.constant 0 : index
    %get3A_24 = arith.constant 0 : index
    %get3A_25 = arith.constant 0 : index
    %get3A_26 = vector.load %arg1[%get3A_23, %get3A_24, %get3A_25] : memref<1x65x65xf32, #tpu.memory_space<vmem>>, vector<1x65x65xf32>
    %get3A_27 = vector.shape_cast %get3A_26 : vector<1x65x65xf32> to vector<65x65xf32>
    %get3A_28 = arith.constant 0 : index
    %get3A_29 = arith.constant 0 : index
    %get3A_30 = vector.load %arg4[%get3A_28, %get3A_29] : memref<1x32xf32, #tpu.memory_space<vmem>>, vector<1x32xf32>
    %reshape3A_31 = vector.shape_cast %get3A_30 : vector<1x32xf32> to vector<32x1xf32>
    %slice3A = vector.extract_strided_slice %get3A_27 {offsets = [0, 0], sizes = [1, 65], strides = [1, 1]} : vector<65x65xf32> to vector<1x65xf32>
    %add3A = vector.broadcast %slice3A : vector<1x65xf32> to vector<32x65xf32>
    %add3A_32 = vector.broadcast %reshape3A_31 : vector<32x1xf32> to vector<32x65xf32>
    %add3A_33 = arith.addf %add3A, %add3A_32 : vector<32x65xf32>
    %swap3A = arith.constant 0 : index
    %swap3A_34 = arith.constant 0 : index
    %swap3A_35 = arith.constant 0 : index
    %swap3A_36 = arith.constant 0 : index
    %swap3A_37 = vector.load %arg5[%swap3A, %swap3A_34, %swap3A_35, %swap3A_36] : memref<1x32x65x65xf32, #tpu.memory_space<vmem>>, vector<1x32x1x65xf32>
    %swap3A_38 = vector.shape_cast %swap3A_37 : vector<1x32x1x65xf32> to vector<32x65xf32>
    %swap3A_39 = vector.shape_cast %add3A_33 : vector<32x65xf32> to vector<1x32x1x65xf32>
    tpu.vector_store %arg5[%swap3A, %swap3A_34, %swap3A_35, %swap3A_36], %swap3A_39 {strides = array<i32>} : memref<1x32x65x65xf32, #tpu.memory_space<vmem>>, vector<1x32x1x65xf32>,
    %slice3A_40 = vector.extract_strided_slice %get3A_27 {offsets = [1, 0], sizes = [64, 1], strides = [1, 1]} : vector<65x65xf32> to vector<64x1xf32>
    %broadcast_in_dim3A_41 = vector.shape_cast %slice3A_40 : vector<64x1xf32> to vector<1x64x1xf32>
    %reshape3A_42 = vector.shape_cast %reshape3A_31 : vector<32x1xf32> to vector<32x1x1xf32>
    %add3A_43 = vector.broadcast %broadcast_in_dim3A_41 : vector<1x64x1xf32> to vector<32x64x1xf32>
    %add3A_44 = vector.broadcast %reshape3A_42 : vector<32x1x1xf32> to vector<32x64x1xf32>
    %add3A_45 = arith.addf %add3A_43, %add3A_44 : vector<32x64x1xf32>
    %swap3A_46 = arith.constant 0 : index
    %swap3A_47 = arith.constant 0 : index
    %swap3A_48 = arith.constant 1 : index
    %swap3A_49 = arith.constant 0 : index
    %swap3A_50 = vector.load %arg5[%swap3A_46, %swap3A_47, %swap3A_48, %swap3A_49] : memref<1x32x65x65xf32, #tpu.memory_space<vmem>>, vector<1x32x64x1xf32>
    %swap3A_51 = vector.shape_cast %swap3A_50 : vector<1x32x64x1xf32> to vector<32x64x1xf32>
    %swap3A_52 = vector.shape_cast %add3A_45 : vector<32x64x1xf32> to vector<1x32x64x1xf32>
    tpu.vector_store %arg5[%swap3A_46, %swap3A_47, %swap3A_48, %swap3A_49], %swap3A_52 {strides = array<i32>} : memref<1x32x65x65xf32, #tpu.memory_space<vmem>>, vector<1x32x64x1xf32>,
    %slice3A_53 = vector.extract_strided_slice %get3A_27 {offsets = [1, 1], sizes = [64, 64], strides = [1, 1]} : vector<65x65xf32> to vector<64x64xf32>
    %broadcast_in_dim3A_54 = vector.shape_cast %slice3A_53 : vector<64x64xf32> to vector<1x64x64xf32>
    %add3A_55 = vector.broadcast %broadcast_in_dim3A_54 : vector<1x64x64xf32> to vector<32x64x64xf32>
    %add3A_56 = arith.addf %mul3A_22, %add3A_55 : vector<32x64x64xf32>
    %swap3A_57 = arith.constant 0 : index
    %swap3A_58 = arith.constant 0 : index
    %swap3A_59 = arith.constant 1 : index
    %swap3A_60 = arith.constant 1 : index
    %swap3A_61 = vector.load %arg5[%swap3A_57, %swap3A_58, %swap3A_59, %swap3A_60] : memref<1x32x65x65xf32, #tpu.memory_space<vmem>>, vector<1x32x64x64xf32>
    %swap3A_62 = vector.shape_cast %swap3A_61 : vector<1x32x64x64xf32> to vector<32x64x64xf32>
    %swap3A_63 = vector.shape_cast %add3A_56 : vector<32x64x64xf32> to vector<1x32x64x64xf32>
    tpu.vector_store %arg5[%swap3A_57, %swap3A_58, %swap3A_59, %swap3A_60], %swap3A_63 {strides = array<i32>} : memref<1x32x65x65xf32, #tpu.memory_space<vmem>>, vector<1x32x64x64xf32>,
    return
  }
  func.func @transform_0(%arg0: i32) -> (i32, i32, i32) {
    %c0_i32 = arith.constant 0 : i32
    %c0_i32_0 = arith.constant 0 : i32
    %c0_i32_1 = arith.constant 0 : i32
    return %arg0, %c0_i32, %c0_i32_0 : i32, i32, i32
  }
  func.func @transform_1(%arg0: i32) -> (i32, i32, i32, i32) {
    %c0_i32 = arith.constant 0 : i32
    %c0_i32_0 = arith.constant 0 : i32
    %c0_i32_1 = arith.constant 0 : i32
    %c0_i32_2 = arith.constant 0 : i32
    return %arg0, %c0_i32, %c0_i32_0, %c0_i32_1 : i32, i32, i32, i32
  }
  func.func @transform_2(%arg0: i32) -> (i32, i32, i32) {
    %c0_i32 = arith.constant 0 : i32
    %c0_i32_0 = arith.constant 0 : i32
    %c0_i32_1 = arith.constant 0 : i32
    return %arg0, %c0_i32, %c0_i32_0 : i32, i32, i32
  }
  func.func @transform_3(%arg0: i32) -> (i32, i32) {
    %c0_i32 = arith.constant 0 : i32
    %c0_i32_0 = arith.constant 0 : i32
    %c0_i32_1 = arith.constant 0 : i32
    return %c0_i32, %c0_i32_0 : i32, i32
  }
  func.func @transform_4(%arg0: i32) -> (i32, i32, i32, i32) {
    %c0_i32 = arith.constant 0 : i32
    %c0_i32_0 = arith.constant 0 : i32
    %c0_i32_1 = arith.constant 0 : i32
    %c0_i32_2 = arith.constant 0 : i32
    return %arg0, %c0_i32, %c0_i32_0, %c0_i32_1 : i32, i32, i32, i32
  }
}

</mosaic_0001>

<sc_bundles>
// kernel: kernel.5.cloned.1.call-start
scs
__scs_entry_jumppad:
0x0: {  	(pc) =	sbr.rel $0x88, $3  }
0x1: {  	(tag) =	ssettag $0x0;
	lr =	simm.s32 $0x1  }
0x2: {  	[smem:$0x3F98] =	sst lr;
	_ =	strace $0xD0000000  }
0x3: {  	_ = 	snop  }
0x4: {  	_ = 	snop  }
0x5: {  	_ = 	snop  }
0x6: {  	_ = 	snop  }
0x7: {  	_ = 	snop  }
__scs_overlays_trampoline_lowered:
0x8: {  	[smem:$0x3FA7] =	sst s0  }
0x9: {  	[smem:$0x3FA8] =	sst s1  }
0xa: {  	[smem:$0x3FA9] =	sst s2  }
0xb: {  	[smem:$0x3FAA] =	sst s3  }
0xc: {  	[smem:$0x3FAB] =	sst s4  }
0xd: {  	[smem:$0x3FAC] =	sst s5  }
0xe: {  	[smem:$0x3FAD] =	sst s6  }
0xf: {  	[smem:$0x3FAE] =	sst s7  }
0x10: {  	[smem:$0x3FAF] =	sst s8  }
0x11: {  	[smem:$0x3FB0] =	sst s9;
	s0 =	simm.s32 @!p0 $0x0  }
0x12: {  	s1 =	sld [smem:$0x3F96];
	s0 =	simm.s32 @p0 $0x1  }
0x13: {  	[smem:$0x3FB1] =	sst s0;
	s0 =	simm.s32 @!p1 $0x0  }
0x14: {  	s2 =	sld [smem:$0x3F95];
	s0 =	simm.s32 @p1 $0x1  }
0x15: {  	[smem:$0x3FB2] =	sst s0;
	s0 =	simm.s32 @!p2 $0x0  }
0x16: {  	s3 =	sld [smem:$0x3FDB];
	s0 =	simm.s32 @p2 $0x1  }
0x17: {  	s4 =	simm.s32 $0x1BF5;
	[smem:$0x3FB4] =	sst s0  }
0x18: {  	s0 =	sld [smem:$0x3F97];
	_ =	swait.ge [sflag:s4], $0x0  }
0x19: {  	s7 =	sld [smem:$0x3F98]  }
0x1a: {  	s8 =	sadd.s32 $0xFFFFE003, lr  }
0x1b: {  	s9 =	sadd.s32 $0xFFFFFEF7, lr;
	s5 =	simm.s32 $0xFFFFFFFF;
	p2 =	slt.u32 s8, $0xFFFFF086  }
0x1c: {  	p1 =	slt.u32 s9, $0xF7A;
	s5 =	simm.s32 @!p2 $0x0  }
0x1d: {  	s5 =	simm.s32 @p1 $0x1;
	p0 =	seq.s32 s7, s2  }
0x1e: {  	s7 =	smul.u32 @!p0 $0xF7A, s2;
	p2 =	seq.s32 @!p0 s5, $0x0  }
0x1f: {  	s9 =	smul.u32 $0xF7A, s1;
	s8 =	simm.s32 @!p0 $0x1BF5;
	p2 =	por !p2, p0  }
0x20: {  	[sflag:s8] =	ssyncset.s32 @!p0 $0xFFFFF086;
	s6 =	sadd.s32 @!p0 s3, s7;
	s7 =	simm.s32 @!p0 $0x108  }
0x21: {  	s3 =	sadd.s32 s3, s9;
	s6 =	sadd.s32 @!p0 $0x88, s6;
	s7 =	simm.s32 @p2 $0x1082  }
0x22: {  	[simem:s7], [sflag:s8] =	dma.local @!p0 [hbm:s6], $0xF7A  }
0x23: {  	s9 =	sor.u32 $0xD0000000, s2;
	s6 =	simm.s32 $0x108;
	_ =	swait.ge @!p0 [sflag:s8], $0x0  }
0x24: {  	s3 =	sadd.s32 $0x88, s3;
	s6 =	simm.s32 @!p1 $0x1082;
	[sflag:s4] =	ssyncset.s32 $0xFFFFF086  }
0x25: {  	[simem:s6], [sflag:s4] =	dma.local [hbm:s3], $0xF7A  }
0x26: {  	[smem:$0x3F98] =	sst s1;
	(tag) =	ssettag s2;
	_ =	strace s9  }
0x27: {  	s1 =	sld [smem:$0x3FA8]  }
0x28: {  	s2 =	sld [smem:$0x3FA9]  }
0x29: {  	s4 =	sld [smem:$0x3FAB]  }
0x2a: {  	p0 =	seq.s32 s5, $0x0;
	s5 =	sld [smem:$0x3FAC]  }
0x2b: {  	s6 =	sld [smem:$0x3FAD]  }
0x2c: {  	s7 =	sld [smem:$0x3FAE]  }
0x2d: {  	s3 =	simm.s32 $0x108;
	s8 =	sld [smem:$0x3FAF]  }
0x2e: {  	s3 =	simm.s32 @!p0 $0x1082;
	s9 =	sld [smem:$0x3FB0]  }
0x2f: {  	lr =	sadd.s32 s0, s3;
	s0 =	sld [smem:$0x3FA7]  }
0x30: {  	s3 =	sld [smem:$0x3FAA]  }
0x31: {  	[smem:$0x3FB3] =	sst s10  }
0x32: {  	s10 =	sld [smem:$0x3FB1];
	_ =	sdelay $0x3  }
0x33: {  	p0 =	seq.s32 s10, $0x1;
	s10 =	sld [smem:$0x3FB3];
	_ =	sdelay $0x3  }
0x34: {  	[smem:$0x3FB3] =	sst s10  }
0x35: {  	s10 =	sld [smem:$0x3FB2];
	_ =	sdelay $0x3  }
0x36: {  	p1 =	seq.s32 s10, $0x1;
	s10 =	sld [smem:$0x3FB3];
	_ =	sdelay $0x3  }
0x37: {  	[smem:$0x3FB3] =	sst s10  }
0x38: {  	s10 =	sld [smem:$0x3FB4]  }
0x39: {  	_ = 	snop;
	(pc) =	sbr.ind lr, $3  }
0x3a: {  	_ = 	snop  }
0x3b: {  	_ = 	snop  }
0x3c: {  	p2 =	seq.s32 s10, $0x1;
	s10 =	sld [smem:$0x3FB3]  }
0x3d: {  	_ =	shalt  }
0x3e: {  	_ =	shalt  }
0x3f: {  	_ =	shalt  }
0x40: {  	_ =	shalt  }
0x41: {  	_ =	shalt  }
0x42: {  	_ =	shalt  }
0x43: {  	_ =	shalt  }
0x44: {  	_ =	shalt  }
0x45: {  	_ =	shalt  }
0x46: {  	_ =	shalt  }
0x47: {  	_ =	shalt  }
0x48: {  	_ =	shalt  }
0x49: {  	_ =	shalt  }
0x4a: {  	_ =	shalt  }
0x4b: {  	_ =	shalt  }
0x4c: {  	_ =	shalt  }
0x4d: {  	_ =	shalt  }
0x4e: {  	_ =	shalt  }
0x4f: {  	_ =	shalt  }
0x50: {  	_ =	shalt  }
0x51: {  	_ =	shalt  }
0x52: {  	_ =	shalt  }
0x53: {  	_ =	shalt  }
0x54: {  	_ =	shalt  }
0x55: {  	_ =	shalt  }
0x56: {  	_ =	shalt  }
0x57: {  	_ =	shalt  }
0x58: {  	_ =	shalt  }
0x59: {  	_ =	shalt  }
0x5a: {  	_ =	shalt  }
0x5b: {  	_ =	shalt  }
0x5c: {  	_ =	shalt  }
0x5d: {  	_ =	shalt  }
0x5e: {  	_ =	shalt  }
0x5f: {  	_ =	shalt  }
0x60: {  	_ =	shalt  }
0x61: {  	_ =	shalt  }
0x62: {  	_ =	shalt  }
0x63: {  	_ =	shalt  }
0x64: {  	_ =	shalt  }
0x65: {  	_ =	shalt  }
0x66: {  	_ =	shalt  }
0x67: {  	_ =	shalt  }
0x68: {  	_ =	shalt  }
0x69: {  	_ =	shalt  }
0x6a: {  	_ =	shalt  }
0x6b: {  	_ =	shalt  }
0x6c: {  	_ =	shalt  }
0x6d: {  	_ =	shalt  }
0x6e: {  	_ =	shalt  }
0x6f: {  	_ =	shalt  }
0x70: {  	_ =	shalt  }
0x71: {  	_ =	shalt  }
0x72: {  	_ =	shalt  }
0x73: {  	_ =	shalt  }
0x74: {  	_ =	shalt  }
0x75: {  	_ =	shalt  }
0x76: {  	_ =	shalt  }
0x77: {  	_ =	shalt  }
0x78: {  	_ =	shalt  }
0x79: {  	_ =	shalt  }
0x7a: {  	_ =	shalt  }
0x7b: {  	_ =	shalt  }
0x7c: {  	_ =	shalt  }
0x7d: {  	_ =	shalt  }
0x7e: {  	_ =	shalt  }
0x7f: {  	_ =	shalt  }
0x80: {  	_ =	shalt  }
0x81: {  	_ =	shalt  }
0x82: {  	_ =	shalt  }
0x83: {  	_ =	shalt  }
0x84: {  	_ =	shalt  }
0x85: {  	_ =	shalt  }
0x86: {  	_ =	shalt  }
0x87: {  	_ =	shalt  }
.Lfunc_end0:
.L_simem_size_0:
called_computation_lowered:
.L_overlay_start_0:
0x88: {  	s2 =	sld [smem:$0x3FD9]  }
0x89: {  	s3 =	sld [smem:$0x3FFE];
	_ =	sdelay $0x1  }
0x8a: {  	s1 =	srdreg.scid  }
0x8b: {  	s0 =	sand.u32 $0x1, s1  }
0x8c: {  	s17 =	sshll.u32 s0, $0xA;
	s2 =	sadd.s32 s3, s2  }
0x8d: {  	s2 =	sadd.s32 s2, s17  }
0x8e: {  	[smem:$0x3FBF] =	sst s2  }
0x8f: {  	_ = 	snop  }
0x90: {  	s2 =	sld [smem:$0x3FD0];
	(tm) =	ssettm $0x1  }
0x91: {  	s18 =	sld [smem:$0x3FFB];
	_ =	sdelay $0x3  }
0x92: {  	_ =	strace s18  }
0x93: {  	s3 =	sld [smem:$0x3FFC];
	_ =	sdelay $0x3  }
0x94: {  	_ =	strace s3  }
0x95: {  	s3 =	sld [smem:$0x3FFD];
	_ =	sdelay $0x3  }
0x96: {  	_ =	strace s3  }
0x97: {  	_ =	strace $0x8FFFFFFF  }
0x98: {  	s19 =	sld [smem:$0x3FDB];
	_ =	sdelay $0x1  }
0x99: {  	s4 =	simm.s32 $_scs_section_size  }
0x9a: {  	s5 =	simm.s32 $_size__tile_overlayer_lowered;
	s6 =	simm.s32 $_tile_overlayer_lowered  }
0x9b: {  	s22 =	simm.s32 $0x1BFF;
	s21 =	sshll.u32 s6, $0x1;
	s3 =	sadd.s32 s4, s19  }
0x9c: {  	s7 =	simm.s32 $0x0;
	s20 =	sshll.u32 s5, $0x1;
	s5 =	sadd.s32 s21, s3  }
0x9d: {  	[timem:s7], [sflag:s22] =	dma.local [hbm:s5], s20  }
0x9e: {  	_ =	swait.ge [sflag:s22], s20  }
0x9f: {  	s4 =	ssub.s32 $0x0, s20;
	[sflag:s22] =	ssyncset.done $0x0  }
0xa0: {  	[sflag:s22] =	ssyncadd.s32 s4;
	_ =	sdelay $0x1  }
0xa1: {  	s23 =	simm.s32 $0x1B8B  }
0xa2: {  	_ =	swait.ge [sflag:s23], $0x1  }
0xa3: {  	[sflag:s23] =	ssyncset.done $0x0  }
0xa4: {  	s25 =	simm.s32 $0x1B8E;
	s24 =	sld [smem:$0x3FFE];
	[sflag:s23] =	ssyncadd.s32 $0xFFFFFFFF  }
0xa5: {  	s26 =	simm.s32 $execute0_lowered;
	[smem:$0x3FD2] =	sst s25  }
0xa6: {  	s5 =	sshll.u32 s26, $0x1;
	_ =	strace $0x80000046;
	[dreg:$0x1] =	wrdreg $0xFFFFFFFF  }
0xa7: {  	s28 =	simm.s32 $_size_execute0_lowered;
	s3 =	sadd.s32 s3, s5;
	[dreg:$0x0] =	wrdreg $0x0  }
0xa8: {  	s5 =	sshll.u32 s28, $0x1;
	[dreg:$0x2] =	wrdreg s3  }
0xa9: {  	[dreg:$0x3] =	wrdreg s5  }
0xaa: {  	[dreg:$0x4] =	wrdreg $0xC0  }
0xab: {  	_ =	task [dreg:s7], $0x5FFFF  }
0xac: {  	[dreg:$0x1] =	wrdreg $0xFFFFFFFF  }
0xad: {  	[dreg:$0x0] =	wrdreg $0x60  }
0xae: {  	[dreg:$0x2] =	wrdreg s24  }
0xaf: {  	[dreg:$0x3] =	wrdreg s2  }
0xb0: {  	[dreg:$0x4] =	wrdreg $0x130000  }
0xb1: {  	[dreg:$0x5] =	wrdreg $0x120000  }
0xb2: {  	[dreg:$0x6] =	wrdreg $0x9  }
0xb3: {  	_ =	task.clear_ibuf [dreg:s7], $0x7FFFF;
	_ =	strace $0x90000046  }
0xb4: {  	s29 =	simm.s32 $0x9;
	_ =	strace $0x80000048  }
0xb5: {  	_ =	swait.ge [sflag:s29], $0x1  }
0xb6: {  	[sflag:s29] =	ssyncadd.s32 $0xFFFFFFFF  }
0xb7: {  	_ =	strace $0x90000048  }
0xb8: {  	_ =	sfence  }
0xb9: {  	s30 =	sld [smem:$0x0];
	_ =	sdelay $0x2  }
0xba: {  	s31 =	sshll.u32 s1, $0xD;
	s1 =	sshrl.u32 s1, $0x2  }
0xbb: {  	s3 =	sand.u32 $0x4000, s31;
	s1 =	sadd.s32 s1, s30  }
0xbc: {  	s0 =	sor.u32 s3, s0;
	s1 =	sshll.u32 s1, $0x11  }
0xbd: {  	s0 =	sor.u32 s1, s0  }
0xbe: {  	s0 =	sadd.s32 $0x8F2B, s0  }
0xbf: {  	[sflag:s0] =	ssyncadd.remote.s32 $0x1  }
0xc0: {  	_ =	sfence.sel $0xFFFF  }
0xc1: {  	[dreg:$0x0] =	wrdreg $0xFFFFFFFF;
	(pc) =	sbr.abs _section_cstart, $3  }
0xc2: {  	[dreg:$0x1] =	wrdreg $0xFFFFFFFF  }
0xc3: {  	_ =	task.clear_ibuf [dreg:s7], $0x2FFFF;
	_ =	strace $0x9FFFFFFF  }
0xc4: {  	(tm) =	ssettm $0x7FFFFFFF  }
0xc5: {  	_ =	shalt  }
tec
execute0_lowered:
.L_overlay_start_1:
0x0: {  	(tag) =	ssettag $0x1  }
0x1: {  	s8 =	srdreg.scid  }
0x2: {  	s12 =	sand.u32 $0x1, s8  }
0x3: {  	s9 =	ssub.s32 $0x2, s12  }
0x4: {  	s5 =	rddreg [dreg:$0x0];
	s1 =	stileid.u32;
	s10 =	sshrl.u32 s9, $0x1  }
0x5: {  	s7 =	rddreg [dreg:$0x1];
	s9 =	ssub.s32 s9, s10;
	s10 =	sshll.u32 s1, $0x7  }
0x6: {  	s2 =	rddreg [dreg:$0x2];
	s4 =	simm.s32 $0x0;
	s15 =	sor.u32 $0x1, s10  }
0x7: {  	[smem:$0x7FF] =	sst s4;
	s16 =	sor.u32 $0x41, s10;
	v0 =	vmov s15  }
0x8: {  	s3 =	rddreg [dreg:$0x3];
	_ =	strace $0x80000047;
	s17 =	sor.u32 $0x2, s10;
	[tilespmem:$0x1FBE0] =	vst v0;
	v0 =	vmov s16  }
0x9: {  	s18 =	sor.u32 $0x42, s10;
	[tilespmem:$0x1FBF0] =	vst v0;
	v0 =	vmov s17  }
0xa: {  	s6 =	smul.u32 $0xB900, s1;
	s19 =	sor.u32 $0x3, s10;
	[tilespmem:$0x1FC00] =	vst v0;
	v0 =	vmov s18  }
0xb: {  	s20 =	sor.u32 $0x43, s10;
	[tilespmem:$0x1FC10] =	vst v0;
	v0 =	vmov s19  }
0xc: {  	s29 =	sshll.u32 s1, $0xD;
	s28 =	sshrl.u32 s6, $0x3;
	s21 =	sor.u32 $0x4, s10;
	[tilespmem:$0x1FC20] =	vst v0;
	v0 =	vmov s20  }
0xd: {  	s14 =	sadd.s32 s29, s5;
	s13 =	sadd.s32 s28, s5;
	s22 =	sor.u32 $0x44, s10;
	[tilespmem:$0x1FC30] =	vst v0;
	v0 =	vmov s21  }
0xe: {  	s5 =	sadd.s32 $0x20A00, s13;
	s23 =	sor.u32 $0x5, s10;
	s13 =	sshll.u32 s1, $0xE;
	[tilespmem:$0x1FC40] =	vst v0;
	v0 =	vmov s22  }
0xf: {  	s25 =	sshll.u32 s12, $0xD;
	s24 =	sor.u32 $0x45, s10;
	s7 =	sadd.s32 s13, s7;
	[tilespmem:$0x1FC50] =	vst v0;
	v0 =	vmov s23  }
0x10: {  	s12 =	sshll.u32 s12, $0xC;
	s7 =	sadd.s32 s25, s7;
	s25 =	sor.u32 $0x6, s10;
	[tilespmem:$0x1FC60] =	vst v0;
	v0 =	vmov s24  }
0x11: {  	s12 =	sadd.s32 s12, s14;
	s14 =	sor.u32 $0x46, s10;
	[tilespmem:$0x1FC70] =	vst v0;
	v0 =	vmov s25  }
0x12: {  	s26 =	sor.u32 $0x7, s10;
	[tilespmem:$0x1FC80] =	vst v0;
	v0 =	vmov s14  }
0x13: {  	s28 =	sor.u32 $0x47, s10;
	[tilespmem:$0x1FC90] =	vst v0;
	v0 =	vmov s26  }
0x14: {  	s30 =	sshll.u32 s1, $0x6;
	s29 =	sor.u32 $0x8, s10;
	[tilespmem:$0x1FCA0] =	vst v0;
	v0 =	vmov s28  }
0x15: {  	s11 =	sadd.s32 s6, s2;
	s6 =	sor.u32 $0x1C03, s30;
	s30 =	sor.u32 $0x48, s10;
	[tilespmem:$0x1FCB0] =	vst v0;
	v0 =	vmov s29  }
0x16: {  	s31 =	sor.u32 $0x9, s10;
	[tilespmem:$0x1FCC0] =	vst v0;
	v0 =	vmov s30  }
0x17: {  	s0 =	sor.u32 $0x49, s10;
	[tilespmem:$0x1FCD0] =	vst v0;
	v0 =	vmov s31  }
0x18: {  	s17 =	sor.u32 $0xA, s10;
	[tilespmem:$0x1FCE0] =	vst v0;
	v0 =	vmov s0  }
0x19: {  	s18 =	sor.u32 $0x4A, s10;
	[tilespmem:$0x1FCF0] =	vst v0;
	v0 =	vmov s17  }
0x1a: {  	s19 =	sor.u32 $0xB, s10;
	[tilespmem:$0x1FD00] =	vst v0;
	v0 =	vmov s18  }
0x1b: {  	s20 =	sor.u32 $0x4B, s10;
	[tilespmem:$0x1FD10] =	vst v0;
	v0 =	vmov s19  }
0x1c: {  	s21 =	sor.u32 $0xC, s10;
	[tilespmem:$0x1FD20] =	vst v0;
	v0 =	vmov s20  }
0x1d: {  	s22 =	sor.u32 $0x4C, s10;
	[tilespmem:$0x1FD30] =	vst v0;
	v0 =	vmov s21  }
0x1e: {  	s23 =	sor.u32 $0xD, s10;
	[tilespmem:$0x1FD40] =	vst v0;
	v0 =	vmov s22  }
0x1f: {  	s14 =	sor.u32 $0x4D, s10;
	[tilespmem:$0x1FD50] =	vst v0;
	v0 =	vmov s23  }
0x20: {  	s24 =	sor.u32 $0xE, s10;
	[tilespmem:$0x1FD60] =	vst v0;
	v0 =	vmov s14  }
0x21: {  	s25 =	sor.u32 $0x4E, s10;
	[tilespmem:$0x1FD70] =	vst v0;
	v0 =	vmov s24  }
0x22: {  	s26 =	sor.u32 $0xF, s10;
	[tilespmem:$0x1FD80] =	vst v0;
	v0 =	vmov s25  }
0x23: {  	s28 =	sor.u32 $0x4F, s10;
	[tilespmem:$0x1FD90] =	vst v0;
	v0 =	vmov s26  }
0x24: {  	s29 =	sor.u32 $0x10, s10;
	[tilespmem:$0x1FDA0] =	vst v0;
	v0 =	vmov s28  }
0x25: {  	s31 =	sor.u32 $0x50, s10;
	[tilespmem:$0x1FDB0] =	vst v0;
	v0 =	vmov s29  }
0x26: {  	s0 =	sor.u32 $0x11, s10;
	[tilespmem:$0x1FDC0] =	vst v0;
	v0 =	vmov s31  }
0x27: {  	s30 =	sor.u32 $0x51, s10;
	[tilespmem:$0x1FDD0] =	vst v0;
	v0 =	vmov s0  }
0x28: {  	s17 =	sor.u32 $0x12, s10;
	[tilespmem:$0x1FDE0] =	vst v0;
	v0 =	vmov s30  }
0x29: {  	s18 =	sor.u32 $0x52, s10;
	[tilespmem:$0x1FDF0] =	vst v0;
	v0 =	vmov s17  }
0x2a: {  	s19 =	sor.u32 $0x13, s10;
	[tilespmem:$0x1FE00] =	vst v0;
	v0 =	vmov s18  }
0x2b: {  	s20 =	sor.u32 $0x53, s10;
	[tilespmem:$0x1FE10] =	vst v0;
	v0 =	vmov s19  }
0x2c: {  	s21 =	sor.u32 $0x14, s10;
	[tilespmem:$0x1FE20] =	vst v0;
	v0 =	vmov s20  }
0x2d: {  	s22 =	sor.u32 $0x54, s10;
	[tilespmem:$0x1FE30] =	vst v0;
	v0 =	vmov s21  }
0x2e: {  	s14 =	sor.u32 $0x15, s10;
	[tilespmem:$0x1FE40] =	vst v0;
	v0 =	vmov s22  }
0x2f: {  	s23 =	sor.u32 $0x55, s10;
	[tilespmem:$0x1FE50] =	vst v0;
	v0 =	vmov s14  }
0x30: {  	s11 =	sshrl.u32 s11, $0x3;
	s24 =	sor.u32 $0x16, s10;
	[tilespmem:$0x1FE60] =	vst v0;
	v0 =	vmov s23  }
0x31: {  	s8 =	sor.u32 $0x40, s10;
	s1 =	sshllo.u32 s1, $0x7;
	s25 =	sor.u32 $0x56, s10;
	[tilespmem:$0x1FE70] =	vst v0;
	v0 =	vmov s24  }
0x32: {  	s9 =	smax.u32 s9, $0x1;
	s15 =	sshrl.u32 s13, $0x2;
	s26 =	sor.u32 $0x17, s10;
	[tilespmem:$0x1FE80] =	vst v0;
	v0 =	vmov s25  }
0x33: {  	s13 =	simm.s32 $0x400;
	s16 =	sshll.u32 s8, $0x5;
	s28 =	sor.u32 $0x57, s10;
	[tilespmem:$0x1FE90] =	vst v0;
	v0 =	vmov s26  }
0x34: {  	v46 =	vmov s8;
	s8 =	sadd.s32 s15, s3;
	s15 =	simm.s32 $0x8800;
	s31 =	sor.u32 $0x18, s10;
	[tilespmem:$0x1FEA0] =	vst v0;
	v0 =	vmov s28  }
0x35: {  	s29 =	sor.u32 $0x19, s10;
	s0 =	sor.u32 $0x58, s10;
	s30 =	sor.u32 $0x5A, s10;
	[tilespmem:$0x1FEB0] =	vst v0;
	v0 =	vmov s31  }
0x36: {  	s17 =	sor.u32 $0x59, s10;
	s18 =	sor.u32 $0x1A, s10;
	s19 =	sor.u32 $0x1B, s10;
	[tilespmem:$0x1FEC0] =	vst v0;
	v0 =	vmov s0  }
0x37: {  	s20 =	sor.u32 $0x5B, s10;
	s21 =	sor.u32 $0x1C, s10;
	s22 =	sor.u32 $0x1D, s10;
	[tilespmem:$0x1FED0] =	vst v0;
	v0 =	vmov s29  }
0x38: {  	s14 =	sor.u32 $0x5C, s10;
	s23 =	sor.u32 $0x5D, s10;
	s29 =	sor.u32 $0x22, s10;
	[tilespmem:$0x1FEE0] =	vst v0;
	v0 =	vmov s17  }
0x39: {  	v45 =	vmov s10;
	s24 =	sor.u32 $0x1E, s10;
	s25 =	sor.u32 $0x5E, s10;
	v2 =	vmov s29;
	s29 =	sor.u32 $0x2B, s10;
	[tilespmem:$0x1FEF0] =	vst v0;
	v0 =	vmov s18  }
0x3a: {  	v63 =	vmov s1;
	s26 =	sor.u32 $0x1F, s10;
	v20 =	vmov s29;
	s29 =	sor.u32 $0x34, s10;
	[tilespmem:$0x1FF00] =	vst v0;
	v0 =	vmov s30;
	s30 =	sor.u32 $0x63, s10  }
0x3b: {  	s28 =	sor.u32 $0x60, s10;
	v38 =	vmov s29;
	s29 =	sor.u32 $0x3D, s10;
	[tilespmem:$0x1FF10] =	vst v0;
	v0 =	vmov s19;
	s19 =	sor.u32 $0x62, s10;
	v5 =	vmov s30  }
0x3c: {  	s31 =	sor.u32 $0x5F, s10;
	s30 =	sor.u32 $0x6C, s10;
	v58 =	vmov s29;
	[tilespmem:$0x1FF20] =	vst v0;
	v0 =	vmov s20;
	s20 =	sor.u32 $0x23, s10;
	v3 =	vmov s19  }
0x3d: {  	s0 =	sor.u32 $0x20, s10;
	s19 =	sor.u32 $0x2A, s10;
	v23 =	vmov s30;
	s30 =	sor.u32 $0x75, s10;
	[tilespmem:$0x1FF30] =	vst v0;
	v0 =	vmov s21;
	v4 =	vmov s20  }
0x3e: {  	s21 =	sor.u32 $0x64, s10;
	s20 =	sor.u32 $0x6A, s10;
	v18 =	vmov s19;
	s19 =	sor.u32 $0x71, s10;
	v41 =	vmov s30;
	[tilespmem:$0x1FF40] =	vst v0;
	v0 =	vmov s14  }
0x3f: {  	s17 =	sor.u32 $0x21, s10;
	s30 =	sor.u32 $0x7D, s10;
	s14 =	sor.u32 $0x24, s10;
	v7 =	vmov s21;
	v19 =	vmov s20;
	v33 =	vmov s19  }
0x40: {  	s21 =	sor.u32 $0x2C, s10;
	s20 =	sor.u32 $0x32, s10;
	s19 =	sor.u32 $0x39, s10;
	v59 =	vmov s30;
	[tilespmem:$0x1FF50] =	vst v0;
	v0 =	vmov s22;
	v6 =	vmov s14  }
0x41: {  	s18 =	sor.u32 $0x61, s10;
	s22 =	sor.u32 $0x25, s10;
	s14 =	sor.u32 $0x6B, s10;
	v22 =	vmov s21;
	v34 =	vmov s20;
	v50 =	vmov s19  }
0x42: {  	s21 =	sor.u32 $0x73, s10;
	s20 =	sor.u32 $0x79, s10;
	s19 =	sshrl.u32 s8, $0x3;
	[tilespmem:$0x1FF60] =	vst v0;
	v0 =	vmov s23;
	v8 =	vmov s22;
	v21 =	vmov s14  }
0x43: {  	s23 =	sor.u32 $0x65, s10;
	s22 =	sor.u32 $0x2D, s10;
	s14 =	sor.u32 $0x33, s10;
	v37 =	vmov s21;
	v51 =	vmov s20;
	[tilespmem:$0x1FF70] =	vst v0;
	v0 =	vmov s24  }
0x44: {  	s21 =	sor.u32 $0x3B, s10;
	s20 =	simm.s32 $0x2;
	s24 =	sor.u32 $0x26, s10;
	v9 =	vmov s23;
	v24 =	vmov s22;
	v36 =	vmov s14  }
0x45: {  	s23 =	sor.u32 $0x6D, s10;
	s22 =	sor.u32 $0x74, s10;
	s14 =	sor.u32 $0x7A, s10;
	v54 =	vmov s21;
	[tilespmem:$0x1FF80] =	vst v0;
	v0 =	vmov s25;
	v10 =	vmov s24  }
0x46: {  	s21 =	simm.s32 $0x11C00;
	s25 =	sor.u32 $0x66, s10;
	s24 =	sor.u32 $0x2E, s10;
	v25 =	vmov s23;
	v39 =	vmov s22;
	v53 =	vmov s14  }
0x47: {  	s23 =	sor.u32 $0x35, s10;
	s22 =	sor.u32 $0x3C, s10;
	s14 =	simm.s32 $0x800;
	[tilespmem:$0x1FF90] =	vst v0;
	v0 =	vmov s26;
	v11 =	vmov s25;
	v26 =	vmov s24  }
0x48: {  	s26 =	sor.u32 $0x28, s10;
	s25 =	sor.u32 $0x6F, s10;
	s24 =	sor.u32 $0x37, s10;
	v40 =	vmov s23;
	v56 =	vmov s22;
	[tilespmem:$0x1FFA0] =	vst v0;
	v0 =	vmov s31  }
0x49: {  	s23 =	sor.u32 $0x7C, s10;
	s31 =	sor.u32 $0x27, s10;
	v14 =	vmov s26;
	s26 =	sor.u32 $0x31, s10;
	v29 =	vmov s25;
	v44 =	vmov s24  }
0x4a: {  	s25 =	sor.u32 $0x78, s10;
	s24 =	sor.u32 $0x3F, s10;
	v57 =	vmov s23;
	s23 =	simm.s32 $0x0;
	[tilespmem:$0x1FFB0] =	vst v0;
	v0 =	vmov s0;
	v12 =	vmov s31  }
0x4b: {  	s0 =	sor.u32 $0x67, s10;
	s31 =	sor.u32 $0x6E, s10;
	v32 =	vmov s26;
	s26 =	sor.u32 $0x3A, s10;
	v49 =	vmov s25;
	v62 =	vmov s24  }
0x4c: {  	s25 =	sadd.s32 s16, s3;
	s16 =	simm.s32 $0x10800;
	[tilespmem:$0x1FFC0] =	vst v0;
	v0 =	vmov s28;
	s28 =	sor.u32 $0x69, s10;
	v13 =	vmov s0;
	v27 =	vmov s31  }
0x4d: {  	s0 =	sor.u32 $0x2F, s10;
	s31 =	sor.u32 $0x36, s10;
	v52 =	vmov s26;
	s22 =	sshrl.u32 s25, $0x3;
	[tilespmem:$0x1FFD0] =	vst v0;
	v0 =	vmov s17;
	v17 =	vmov s28  }
0x4e: {  	s17 =	sor.u32 $0x68, s10;
	s28 =	sor.u32 $0x72, s10;
	v28 =	vmov s0;
	s0 =	sor.u32 $0x76, s10;
	v42 =	vmov s31;
	[tilespmem:$0x1FFE0] =	vst v0;
	v0 =	vmov s18  }
0x4f: {  	s31 =	sor.u32 $0x3E, s10;
	s18 =	sor.u32 $0x29, s10;
	v15 =	vmov s17;
	s17 =	sor.u32 $0x30, s10;
	v35 =	vmov s28;
	v43 =	vmov s0  }
0x50: {  	s28 =	sor.u32 $0x7B, s10;
	s0 =	sor.u32 $0x7E, s10;
	v60 =	vmov s31;
	v16 =	vmov s18;
	s18 =	sor.u32 $0x70, s10;
	v30 =	vmov s17  }
0x51: {  	s17 =	sor.u32 $0x77, s10;
	v55 =	vmov s28;
	v61 =	vmov s0;
	v31 =	vmov s18;
	s18 =	sor.u32 $0x38, s10;
	s10 =	sadd.s32 $0xA80, s12  }
0x52: {  	[tilespmem:$0x1FFF0] =	vst v0;
	v0 =	vimm.f32 $0.0e+00;
	v47 =	vmov s17;
	s12 =	simm.s32 $0x3;
	s17 =	simm.s32 $0x1;
	v48 =	vmov s18;
	s18 =	simm.s32 $0x11800  }
.LBB2_1:
0x53: {  	[spmem:s11], [sflag:s6] =	dma.local [hbm:s5], $0x1720  }
0x54: {  	_ =	swait.ge [sflag:s12], $0x1720  }
0x55: {  	[sflag:s12] =	ssyncset.done $0x0  }
0x56: {  	[sflag:s12] =	ssyncadd.s32 $0xFFFFE8E0  }
0x57: {  	[bflag:$0x0] =	sbarrier.arrive $0xFFFF  }
0x58: {  	[tilespmem:$0x11800] =	vst v45  }
0x59: {  	[tilespmem:$0x11C00] =	vst v46  }
0x5a: {  	[tilespmem:$0x11A20] =	vst v2  }
0x5b: {  	[tilespmem:$0x11E20] =	vst v3  }
0x5c: {  	[tilespmem:$0x11A30] =	vst v4  }
0x5d: {  	[tilespmem:$0x11E30] =	vst v5  }
0x5e: {  	[tilespmem:$0x11A40] =	vst v6  }
0x5f: {  	[tilespmem:$0x11E40] =	vst v7  }
0x60: {  	[tilespmem:$0x11A50] =	vst v8  }
0x61: {  	[tilespmem:$0x11E50] =	vst v9  }
0x62: {  	[tilespmem:$0x11A60] =	vst v10  }
0x63: {  	[tilespmem:$0x11E60] =	vst v11  }
0x64: {  	[tilespmem:$0x11A70] =	vst v12  }
0x65: {  	[tilespmem:$0x11E70] =	vst v13  }
0x66: {  	[tilespmem:$0x11A80] =	vst v14  }
0x67: {  	[tilespmem:$0x11E80] =	vst v15  }
0x68: {  	[tilespmem:$0x11A90] =	vst v16  }
0x69: {  	[tilespmem:$0x11E90] =	vst v17  }
0x6a: {  	[tilespmem:$0x11AA0] =	vst v18  }
0x6b: {  	[tilespmem:$0x11EA0] =	vst v19  }
0x6c: {  	[tilespmem:$0x11AB0] =	vst v20  }
0x6d: {  	[tilespmem:$0x11EB0] =	vst v21  }
0x6e: {  	[tilespmem:$0x11AC0] =	vst v22  }
0x6f: {  	[tilespmem:$0x11EC0] =	vst v23  }
0x70: {  	[tilespmem:$0x11AD0] =	vst v24  }
0x71: {  	[tilespmem:$0x11ED0] =	vst v25  }
0x72: {  	[tilespmem:$0x11AE0] =	vst v26  }
0x73: {  	[tilespmem:$0x11EE0] =	vst v27  }
0x74: {  	[tilespmem:$0x11AF0] =	vst v28  }
0x75: {  	[tilespmem:$0x11EF0] =	vst v29  }
0x76: {  	[tilespmem:$0x11B00] =	vst v30  }
0x77: {  	[tilespmem:$0x11F00] =	vst v31  }
0x78: {  	[tilespmem:$0x11B10] =	vst v32  }
0x79: {  	[tilespmem:$0x11F10] =	vst v33  }
0x7a: {  	[tilespmem:$0x11B20] =	vst v34  }
0x7b: {  	[tilespmem:$0x11F20] =	vst v35  }
0x7c: {  	[tilespmem:$0x11B30] =	vst v36  }
0x7d: {  	[tilespmem:$0x11F30] =	vst v37  }
0x7e: {  	[tilespmem:$0x11B40] =	vst v38  }
0x7f: {  	[tilespmem:$0x11F40] =	vst v39  }
0x80: {  	[tilespmem:$0x11B50] =	vst v40  }
0x81: {  	[tilespmem:$0x11F50] =	vst v41  }
0x82: {  	[tilespmem:$0x11B60] =	vst v42  }
0x83: {  	[tilespmem:$0x11F60] =	vst v43  }
0x84: {  	[tilespmem:$0x11B70] =	vst v44  }
0x85: {  	[tilespmem:$0x11F70] =	vst v47  }
0x86: {  	[tilespmem:$0x11B80] =	vst v48  }
0x87: {  	[tilespmem:$0x11F80] =	vst v49  }
0x88: {  	[tilespmem:$0x11B90] =	vst v50  }
0x89: {  	[tilespmem:$0x11F90] =	vst v51  }
0x8a: {  	[tilespmem:$0x11BA0] =	vst v52  }
0x8b: {  	[tilespmem:$0x11FA0] =	vst v53  }
0x8c: {  	[tilespmem:$0x11BB0] =	vst v54  }
0x8d: {  	v1 =	vld [tilespmem:$0x1FBE0];
	[tilespmem:$0x11FB0] =	vst v55  }
0x8e: {  	[tilespmem:$0x11BC0] =	vst v56  }
0x8f: {  	[tilespmem:$0x11FC0] =	vst v57  }
0x90: {  	[tilespmem:$0x11BD0] =	vst v58  }
0x91: {  	[tilespmem:$0x11FD0] =	vst v59  }
0x92: {  	[tilespmem:$0x11810] =	vst v1;
	v1 =	vld [tilespmem:$0x1FBF0]  }
0x93: {  	[tilespmem:$0x11BE0] =	vst v60  }
0x94: {  	[tilespmem:$0x11FE0] =	vst v61  }
0x95: {  	[tilespmem:$0x11BF0] =	vst v62  }
0x96: {  	[tilespmem:$0x11FF0] =	vst v63  }
0x97: {  	[tilespmem:$0x11C10] =	vst v1;
	v1 =	vld [tilespmem:$0x1FC00]  }
0x98: {  	[tilespmem:$0x10800] =	vst v0  }
0x99: {  	[tilespmem:$0x10810] =	vst v0  }
0x9a: {  	[tilespmem:$0x10820] =	vst v0  }
0x9b: {  	[tilespmem:$0x10830] =	vst v0  }
0x9c: {  	[tilespmem:$0x11820] =	vst v1;
	v1 =	vld [tilespmem:$0x1FC10]  }
0x9d: {  	[tilespmem:$0x10840] =	vst v0  }
0x9e: {  	[tilespmem:$0x10850] =	vst v0  }
0x9f: {  	[tilespmem:$0x10860] =	vst v0  }
0xa0: {  	[tilespmem:$0x10870] =	vst v0  }
0xa1: {  	[tilespmem:$0x11C20] =	vst v1;
	v1 =	vld [tilespmem:$0x1FC20]  }
0xa2: {  	[tilespmem:$0x10880] =	vst v0  }
0xa3: {  	[tilespmem:$0x10890] =	vst v0  }
0xa4: {  	[tilespmem:$0x108A0] =	vst v0  }
0xa5: {  	[tilespmem:$0x108B0] =	vst v0  }
0xa6: {  	[tilespmem:$0x11830] =	vst v1;
	v1 =	vld [tilespmem:$0x1FC30]  }
0xa7: {  	[tilespmem:$0x108C0] =	vst v0  }
0xa8: {  	[tilespmem:$0x108D0] =	vst v0  }
0xa9: {  	[tilespmem:$0x108E0] =	vst v0  }
0xaa: {  	[tilespmem:$0x108F0] =	vst v0  }
0xab: {  	[tilespmem:$0x11C30] =	vst v1;
	v1 =	vld [tilespmem:$0x1FC40]  }
0xac: {  	[tilespmem:$0x10900] =	vst v0  }
0xad: {  	[tilespmem:$0x10910] =	vst v0  }
0xae: {  	[tilespmem:$0x10920] =	vst v0  }
0xaf: {  	[tilespmem:$0x10930] =	vst v0  }
0xb0: {  	[tilespmem:$0x11840] =	vst v1;
	v1 =	vld [tilespmem:$0x1FC50]  }
0xb1: {  	[tilespmem:$0x10940] =	vst v0  }
0xb2: {  	[tilespmem:$0x10950] =	vst v0  }
0xb3: {  	[tilespmem:$0x10960] =	vst v0  }
0xb4: {  	[tilespmem:$0x10970] =	vst v0  }
0xb5: {  	[tilespmem:$0x11C40] =	vst v1;
	v1 =	vld [tilespmem:$0x1FC60]  }
0xb6: {  	[tilespmem:$0x10980] =	vst v0  }
0xb7: {  	[tilespmem:$0x10990] =	vst v0  }
0xb8: {  	[tilespmem:$0x109A0] =	vst v0  }
0xb9: {  	[tilespmem:$0x109B0] =	vst v0  }
0xba: {  	[tilespmem:$0x11850] =	vst v1;
	v1 =	vld [tilespmem:$0x1FC70]  }
0xbb: {  	[tilespmem:$0x109C0] =	vst v0  }
0xbc: {  	[tilespmem:$0x109D0] =	vst v0  }
0xbd: {  	[tilespmem:$0x109E0] =	vst v0  }
0xbe: {  	[tilespmem:$0x109F0] =	vst v0  }
0xbf: {  	[tilespmem:$0x11C50] =	vst v1;
	v1 =	vld [tilespmem:$0x1FC80]  }
0xc0: {  	[tilespmem:$0x10A00] =	vst v0  }
0xc1: {  	[tilespmem:$0x10A10] =	vst v0  }
0xc2: {  	[tilespmem:$0x10A20] =	vst v0  }
0xc3: {  	[tilespmem:$0x10A30] =	vst v0  }
0xc4: {  	[tilespmem:$0x11860] =	vst v1;
	v1 =	vld [tilespmem:$0x1FC90]  }
0xc5: {  	[tilespmem:$0x10A40] =	vst v0  }
0xc6: {  	[tilespmem:$0x10A50] =	vst v0  }
0xc7: {  	[tilespmem:$0x10A60] =	vst v0  }
0xc8: {  	[tilespmem:$0x10A70] =	vst v0  }
0xc9: {  	[tilespmem:$0x11C60] =	vst v1;
	v1 =	vld [tilespmem:$0x1FCA0]  }
0xca: {  	[tilespmem:$0x10A80] =	vst v0  }
0xcb: {  	[tilespmem:$0x10A90] =	vst v0  }
0xcc: {  	[tilespmem:$0x10AA0] =	vst v0  }
0xcd: {  	[tilespmem:$0x10AB0] =	vst v0  }
0xce: {  	[tilespmem:$0x11870] =	vst v1;
	v1 =	vld [tilespmem:$0x1FCB0]  }
0xcf: {  	[tilespmem:$0x10AC0] =	vst v0  }
0xd0: {  	[tilespmem:$0x10AD0] =	vst v0  }
0xd1: {  	[tilespmem:$0x10AE0] =	vst v0  }
0xd2: {  	[tilespmem:$0x10AF0] =	vst v0  }
0xd3: {  	[tilespmem:$0x11C70] =	vst v1;
	v1 =	vld [tilespmem:$0x1FCC0]  }
0xd4: {  	[tilespmem:$0x10B00] =	vst v0  }
0xd5: {  	[tilespmem:$0x10B10] =	vst v0  }
0xd6: {  	[tilespmem:$0x10B20] =	vst v0  }
0xd7: {  	[tilespmem:$0x10B30] =	vst v0  }
0xd8: {  	[tilespmem:$0x11880] =	vst v1;
	v1 =	vld [tilespmem:$0x1FCD0]  }
0xd9: {  	[tilespmem:$0x10B40] =	vst v0  }
0xda: {  	[tilespmem:$0x10B50] =	vst v0  }
0xdb: {  	[tilespmem:$0x10B60] =	vst v0  }
0xdc: {  	[tilespmem:$0x10B70] =	vst v0  }
0xdd: {  	[tilespmem:$0x11C80] =	vst v1;
	v1 =	vld [tilespmem:$0x1FCE0]  }
0xde: {  	[tilespmem:$0x10B80] =	vst v0  }
0xdf: {  	[tilespmem:$0x10B90] =	vst v0  }
0xe0: {  	[tilespmem:$0x10BA0] =	vst v0  }
0xe1: {  	[tilespmem:$0x10BB0] =	vst v0  }
0xe2: {  	[tilespmem:$0x11890] =	vst v1;
	v1 =	vld [tilespmem:$0x1FCF0]  }
0xe3: {  	[tilespmem:$0x10BC0] =	vst v0  }
0xe4: {  	[tilespmem:$0x10BD0] =	vst v0  }
0xe5: {  	[tilespmem:$0x10BE0] =	vst v0  }
0xe6: {  	[tilespmem:$0x10BF0] =	vst v0  }
0xe7: {  	[tilespmem:$0x11C90] =	vst v1;
	v1 =	vld [tilespmem:$0x1FD00]  }
0xe8: {  	[tilespmem:$0x10C00] =	vst v0  }
0xe9: {  	[tilespmem:$0x10C10] =	vst v0  }
0xea: {  	[tilespmem:$0x10C20] =	vst v0  }
0xeb: {  	[tilespmem:$0x10C30] =	vst v0  }
0xec: {  	[tilespmem:$0x118A0] =	vst v1;
	v1 =	vld [tilespmem:$0x1FD10]  }
0xed: {  	[tilespmem:$0x10C40] =	vst v0  }
0xee: {  	[tilespmem:$0x10C50] =	vst v0  }
0xef: {  	[tilespmem:$0x10C60] =	vst v0  }
0xf0: {  	[tilespmem:$0x10C70] =	vst v0  }
0xf1: {  	[tilespmem:$0x11CA0] =	vst v1;
	v1 =	vld [tilespmem:$0x1FD20]  }
0xf2: {  	[tilespmem:$0x10C80] =	vst v0  }
0xf3: {  	[tilespmem:$0x10C90] =	vst v0  }
0xf4: {  	[tilespmem:$0x10CA0] =	vst v0  }
0xf5: {  	[tilespmem:$0x10CB0] =	vst v0  }
0xf6: {  	[tilespmem:$0x118B0] =	vst v1;
	v1 =	vld [tilespmem:$0x1FD30]  }
0xf7: {  	[tilespmem:$0x10CC0] =	vst v0  }
0xf8: {  	[tilespmem:$0x10CD0] =	vst v0  }
0xf9: {  	[tilespmem:$0x10CE0] =	vst v0  }
0xfa: {  	[tilespmem:$0x10CF0] =	vst v0  }
0xfb: {  	[tilespmem:$0x11CB0] =	vst v1;
	v1 =	vld [tilespmem:$0x1FD40]  }
0xfc: {  	[tilespmem:$0x10D00] =	vst v0  }
0xfd: {  	[tilespmem:$0x10D10] =	vst v0  }
0xfe: {  	[tilespmem:$0x10D20] =	vst v0  }
0xff: {  	[tilespmem:$0x10D30] =	vst v0  }
0x100: {  	[tilespmem:$0x118C0] =	vst v1;
	v1 =	vld [tilespmem:$0x1FD50]  }
0x101: {  	[tilespmem:$0x10D40] =	vst v0  }
0x102: {  	[tilespmem:$0x10D50] =	vst v0  }
0x103: {  	[tilespmem:$0x10D60] =	vst v0  }
0x104: {  	[tilespmem:$0x10D70] =	vst v0  }
0x105: {  	[tilespmem:$0x11CC0] =	vst v1;
	v1 =	vld [tilespmem:$0x1FD60]  }
0x106: {  	[tilespmem:$0x10D80] =	vst v0  }
0x107: {  	[tilespmem:$0x10D90] =	vst v0  }
0x108: {  	[tilespmem:$0x10DA0] =	vst v0  }
0x109: {  	[tilespmem:$0x10DB0] =	vst v0  }
0x10a: {  	[tilespmem:$0x118D0] =	vst v1;
	v1 =	vld [tilespmem:$0x1FD70]  }
0x10b: {  	[tilespmem:$0x10DC0] =	vst v0  }
0x10c: {  	[tilespmem:$0x10DD0] =	vst v0  }
0x10d: {  	[tilespmem:$0x10DE0] =	vst v0  }
0x10e: {  	[tilespmem:$0x10DF0] =	vst v0  }
0x10f: {  	[tilespmem:$0x11CD0] =	vst v1;
	v1 =	vld [tilespmem:$0x1FD80]  }
0x110: {  	[tilespmem:$0x10E00] =	vst v0  }
0x111: {  	[tilespmem:$0x10E10] =	vst v0  }
0x112: {  	[tilespmem:$0x10E20] =	vst v0  }
0x113: {  	[tilespmem:$0x10E30] =	vst v0  }
0x114: {  	[tilespmem:$0x118E0] =	vst v1;
	v1 =	vld [tilespmem:$0x1FD90]  }
0x115: {  	[tilespmem:$0x10E40] =	vst v0  }
0x116: {  	[tilespmem:$0x10E50] =	vst v0  }
0x117: {  	[tilespmem:$0x10E60] =	vst v0  }
0x118: {  	[tilespmem:$0x10E70] =	vst v0  }
0x119: {  	[tilespmem:$0x11CE0] =	vst v1;
	v1 =	vld [tilespmem:$0x1FDA0]  }
0x11a: {  	[tilespmem:$0x10E80] =	vst v0  }
0x11b: {  	[tilespmem:$0x10E90] =	vst v0  }
0x11c: {  	[tilespmem:$0x10EA0] =	vst v0  }
0x11d: {  	[tilespmem:$0x10EB0] =	vst v0  }
0x11e: {  	[tilespmem:$0x118F0] =	vst v1;
	v1 =	vld [tilespmem:$0x1FDB0]  }
0x11f: {  	[tilespmem:$0x10EC0] =	vst v0  }
0x120: {  	[tilespmem:$0x10ED0] =	vst v0  }
0x121: {  	[tilespmem:$0x10EE0] =	vst v0  }
0x122: {  	[tilespmem:$0x10EF0] =	vst v0  }
0x123: {  	[tilespmem:$0x11CF0] =	vst v1;
	v1 =	vld [tilespmem:$0x1FDC0]  }
0x124: {  	[tilespmem:$0x10F00] =	vst v0  }
0x125: {  	[tilespmem:$0x10F10] =	vst v0  }
0x126: {  	[tilespmem:$0x10F20] =	vst v0  }
0x127: {  	[tilespmem:$0x10F30] =	vst v0  }
0x128: {  	[tilespmem:$0x11900] =	vst v1;
	v1 =	vld [tilespmem:$0x1FDD0]  }
0x129: {  	[tilespmem:$0x10F40] =	vst v0  }
0x12a: {  	[tilespmem:$0x10F50] =	vst v0  }
0x12b: {  	[tilespmem:$0x10F60] =	vst v0  }
0x12c: {  	[tilespmem:$0x10F70] =	vst v0  }
0x12d: {  	[tilespmem:$0x11D00] =	vst v1;
	v1 =	vld [tilespmem:$0x1FDE0]  }
0x12e: {  	[tilespmem:$0x10F80] =	vst v0  }
0x12f: {  	[tilespmem:$0x10F90] =	vst v0  }
0x130: {  	[tilespmem:$0x10FA0] =	vst v0  }
0x131: {  	[tilespmem:$0x10FB0] =	vst v0  }
0x132: {  	[tilespmem:$0x11910] =	vst v1;
	v1 =	vld [tilespmem:$0x1FDF0]  }
0x133: {  	[tilespmem:$0x10FC0] =	vst v0  }
0x134: {  	[tilespmem:$0x10FD0] =	vst v0  }
0x135: {  	[tilespmem:$0x10FE0] =	vst v0  }
0x136: {  	[tilespmem:$0x117F0] =	vst v0  }
0x137: {  	[tilespmem:$0x11D10] =	vst v1;
	v1 =	vld [tilespmem:$0x1FE00]  }
0x138: {  	[tilespmem:$0x117E0] =	vst v0  }
0x139: {  	[tilespmem:$0x117D0] =	vst v0  }
0x13a: {  	[tilespmem:$0x117C0] =	vst v0  }
0x13b: {  	[tilespmem:$0x117B0] =	vst v0  }
0x13c: {  	[tilespmem:$0x11920] =	vst v1;
	v1 =	vld [tilespmem:$0x1FE10]  }
0x13d: {  	[tilespmem:$0x117A0] =	vst v0  }
0x13e: {  	[tilespmem:$0x11790] =	vst v0  }
0x13f: {  	[tilespmem:$0x11780] =	vst v0  }
0x140: {  	[tilespmem:$0x11770] =	vst v0  }
0x141: {  	[tilespmem:$0x11D20] =	vst v1;
	v1 =	vld [tilespmem:$0x1FE20]  }
0x142: {  	[tilespmem:$0x11760] =	vst v0  }
0x143: {  	[tilespmem:$0x11750] =	vst v0  }
0x144: {  	[tilespmem:$0x11740] =	vst v0  }
0x145: {  	[tilespmem:$0x11730] =	vst v0  }
0x146: {  	[tilespmem:$0x11930] =	vst v1;
	v1 =	vld [tilespmem:$0x1FE30]  }
0x147: {  	[tilespmem:$0x11720] =	vst v0  }
0x148: {  	[tilespmem:$0x11710] =	vst v0  }
0x149: {  	[tilespmem:$0x11700] =	vst v0  }
0x14a: {  	[tilespmem:$0x116F0] =	vst v0  }
0x14b: {  	[tilespmem:$0x11D30] =	vst v1;
	v1 =	vld [tilespmem:$0x1FE40]  }
0x14c: {  	[tilespmem:$0x116E0] =	vst v0  }
0x14d: {  	[tilespmem:$0x116D0] =	vst v0  }
0x14e: {  	[tilespmem:$0x116C0] =	vst v0  }
0x14f: {  	[tilespmem:$0x116B0] =	vst v0  }
0x150: {  	[tilespmem:$0x11940] =	vst v1;
	v1 =	vld [tilespmem:$0x1FE50]  }
0x151: {  	[tilespmem:$0x116A0] =	vst v0  }
0x152: {  	[tilespmem:$0x11690] =	vst v0  }
0x153: {  	[tilespmem:$0x11680] =	vst v0  }
0x154: {  	[tilespmem:$0x11670] =	vst v0  }
0x155: {  	[tilespmem:$0x11D40] =	vst v1;
	v1 =	vld [tilespmem:$0x1FE60]  }
0x156: {  	[tilespmem:$0x11660] =	vst v0  }
0x157: {  	[tilespmem:$0x11650] =	vst v0  }
0x158: {  	[tilespmem:$0x11640] =	vst v0  }
0x159: {  	[tilespmem:$0x11630] =	vst v0  }
0x15a: {  	[tilespmem:$0x11950] =	vst v1;
	v1 =	vld [tilespmem:$0x1FE70]  }
0x15b: {  	[tilespmem:$0x11620] =	vst v0  }
0x15c: {  	[tilespmem:$0x11610] =	vst v0  }
0x15d: {  	[tilespmem:$0x11600] =	vst v0  }
0x15e: {  	[tilespmem:$0x115F0] =	vst v0  }
0x15f: {  	[tilespmem:$0x11D50] =	vst v1;
	v1 =	vld [tilespmem:$0x1FE80]  }
0x160: {  	[tilespmem:$0x115E0] =	vst v0  }
0x161: {  	[tilespmem:$0x115D0] =	vst v0  }
0x162: {  	[tilespmem:$0x115C0] =	vst v0  }
0x163: {  	[tilespmem:$0x115B0] =	vst v0  }
0x164: {  	[tilespmem:$0x11960] =	vst v1;
	v1 =	vld [tilespmem:$0x1FE90]  }
0x165: {  	[tilespmem:$0x115A0] =	vst v0  }
0x166: {  	[tilespmem:$0x11590] =	vst v0  }
0x167: {  	[tilespmem:$0x11580] =	vst v0  }
0x168: {  	[tilespmem:$0x11570] =	vst v0  }
0x169: {  	[tilespmem:$0x11D60] =	vst v1;
	v1 =	vld [tilespmem:$0x1FEA0]  }
0x16a: {  	[tilespmem:$0x11560] =	vst v0  }
0x16b: {  	[tilespmem:$0x11550] =	vst v0  }
0x16c: {  	[tilespmem:$0x11540] =	vst v0  }
0x16d: {  	[tilespmem:$0x11530] =	vst v0  }
0x16e: {  	[tilespmem:$0x11970] =	vst v1;
	v1 =	vld [tilespmem:$0x1FEB0]  }
0x16f: {  	[tilespmem:$0x11520] =	vst v0  }
0x170: {  	[tilespmem:$0x11510] =	vst v0  }
0x171: {  	[tilespmem:$0x11500] =	vst v0  }
0x172: {  	[tilespmem:$0x114F0] =	vst v0  }
0x173: {  	[tilespmem:$0x11D70] =	vst v1;
	v1 =	vld [tilespmem:$0x1FEC0]  }
0x174: {  	[tilespmem:$0x114E0] =	vst v0  }
0x175: {  	[tilespmem:$0x114D0] =	vst v0  }
0x176: {  	[tilespmem:$0x114C0] =	vst v0  }
0x177: {  	[tilespmem:$0x114B0] =	vst v0  }
0x178: {  	[tilespmem:$0x11980] =	vst v1;
	v1 =	vld [tilespmem:$0x1FED0]  }
0x179: {  	[tilespmem:$0x114A0] =	vst v0  }
0x17a: {  	[tilespmem:$0x11490] =	vst v0  }
0x17b: {  	[tilespmem:$0x11480] =	vst v0  }
0x17c: {  	[tilespmem:$0x11470] =	vst v0  }
0x17d: {  	[tilespmem:$0x11D80] =	vst v1;
	v1 =	vld [tilespmem:$0x1FEE0]  }
0x17e: {  	[tilespmem:$0x11460] =	vst v0  }
0x17f: {  	[tilespmem:$0x11450] =	vst v0  }
0x180: {  	[tilespmem:$0x11440] =	vst v0  }
0x181: {  	[tilespmem:$0x11430] =	vst v0  }
0x182: {  	[tilespmem:$0x11990] =	vst v1;
	v1 =	vld [tilespmem:$0x1FEF0]  }
0x183: {  	[tilespmem:$0x11420] =	vst v0  }
0x184: {  	[tilespmem:$0x11410] =	vst v0  }
0x185: {  	[tilespmem:$0x11400] =	vst v0  }
0x186: {  	[tilespmem:$0x113F0] =	vst v0  }
0x187: {  	[tilespmem:$0x11D90] =	vst v1;
	v1 =	vld [tilespmem:$0x1FF00]  }
0x188: {  	[tilespmem:$0x113E0] =	vst v0  }
0x189: {  	[tilespmem:$0x11000] =	vst v0  }
0x18a: {  	[tilespmem:$0x11020] =	vst v0  }
0x18b: {  	[tilespmem:$0x11010] =	vst v0  }
0x18c: {  	[tilespmem:$0x119A0] =	vst v1;
	v1 =	vld [tilespmem:$0x1FF10]  }
0x18d: {  	[tilespmem:$0x11030] =	vst v0  }
0x18e: {  	[tilespmem:$0x11040] =	vst v0  }
0x18f: {  	[tilespmem:$0x11060] =	vst v0  }
0x190: {  	[tilespmem:$0x11050] =	vst v0  }
0x191: {  	[tilespmem:$0x11DA0] =	vst v1;
	v1 =	vld [tilespmem:$0x1FF20]  }
0x192: {  	[tilespmem:$0x11070] =	vst v0  }
0x193: {  	[tilespmem:$0x11080] =	vst v0  }
0x194: {  	[tilespmem:$0x110A0] =	vst v0  }
0x195: {  	[tilespmem:$0x11090] =	vst v0  }
0x196: {  	[tilespmem:$0x119B0] =	vst v1;
	v1 =	vld [tilespmem:$0x1FF30]  }
0x197: {  	[tilespmem:$0x110B0] =	vst v0  }
0x198: {  	[tilespmem:$0x110C0] =	vst v0  }
0x199: {  	[tilespmem:$0x110E0] =	vst v0  }
0x19a: {  	[tilespmem:$0x110D0] =	vst v0  }
0x19b: {  	[tilespmem:$0x11DB0] =	vst v1;
	v1 =	vld [tilespmem:$0x1FF40]  }
0x19c: {  	[tilespmem:$0x110F0] =	vst v0  }
0x19d: {  	[tilespmem:$0x11100] =	vst v0  }
0x19e: {  	[tilespmem:$0x11120] =	vst v0  }
0x19f: {  	[tilespmem:$0x11110] =	vst v0  }
0x1a0: {  	[tilespmem:$0x119C0] =	vst v1;
	v1 =	vld [tilespmem:$0x1FF50]  }
0x1a1: {  	[tilespmem:$0x11130] =	vst v0  }
0x1a2: {  	[tilespmem:$0x11140] =	vst v0  }
0x1a3: {  	[tilespmem:$0x11160] =	vst v0  }
0x1a4: {  	[tilespmem:$0x11150] =	vst v0  }
0x1a5: {  	[tilespmem:$0x11DC0] =	vst v1;
	v1 =	vld [tilespmem:$0x1FF60]  }
0x1a6: {  	[tilespmem:$0x11170] =	vst v0  }
0x1a7: {  	[tilespmem:$0x11180] =	vst v0  }
0x1a8: {  	[tilespmem:$0x111A0] =	vst v0  }
0x1a9: {  	[tilespmem:$0x11190] =	vst v0  }
0x1aa: {  	[tilespmem:$0x119D0] =	vst v1;
	v1 =	vld [tilespmem:$0x1FF70]  }
0x1ab: {  	[tilespmem:$0x111B0] =	vst v0  }
0x1ac: {  	[tilespmem:$0x111C0] =	vst v0  }
0x1ad: {  	[tilespmem:$0x111E0] =	vst v0  }
0x1ae: {  	[tilespmem:$0x111D0] =	vst v0  }
0x1af: {  	[tilespmem:$0x11DD0] =	vst v1;
	v1 =	vld [tilespmem:$0x1FF80]  }
0x1b0: {  	[tilespmem:$0x111F0] =	vst v0  }
0x1b1: {  	[tilespmem:$0x11200] =	vst v0  }
0x1b2: {  	[tilespmem:$0x11220] =	vst v0  }
0x1b3: {  	[tilespmem:$0x11210] =	vst v0  }
0x1b4: {  	[tilespmem:$0x119E0] =	vst v1;
	v1 =	vld [tilespmem:$0x1FF90]  }
0x1b5: {  	[tilespmem:$0x11230] =	vst v0  }
0x1b6: {  	[tilespmem:$0x11240] =	vst v0  }
0x1b7: {  	[tilespmem:$0x11260] =	vst v0  }
0x1b8: {  	[tilespmem:$0x11250] =	vst v0  }
0x1b9: {  	[tilespmem:$0x11DE0] =	vst v1;
	v1 =	vld [tilespmem:$0x1FFA0]  }
0x1ba: {  	[tilespmem:$0x11270] =	vst v0  }
0x1bb: {  	[tilespmem:$0x11280] =	vst v0  }
0x1bc: {  	[tilespmem:$0x112A0] =	vst v0  }
0x1bd: {  	[tilespmem:$0x11290] =	vst v0  }
0x1be: {  	[tilespmem:$0x119F0] =	vst v1;
	v1 =	vld [tilespmem:$0x1FFB0]  }
0x1bf: {  	[tilespmem:$0x112B0] =	vst v0  }
0x1c0: {  	[tilespmem:$0x112C0] =	vst v0  }
0x1c1: {  	[tilespmem:$0x112E0] =	vst v0  }
0x1c2: {  	[tilespmem:$0x112D0] =	vst v0  }
0x1c3: {  	[tilespmem:$0x11DF0] =	vst v1;
	v1 =	vld [tilespmem:$0x1FFC0]  }
0x1c4: {  	[tilespmem:$0x112F0] =	vst v0  }
0x1c5: {  	[tilespmem:$0x11300] =	vst v0  }
0x1c6: {  	[tilespmem:$0x11320] =	vst v0  }
0x1c7: {  	[tilespmem:$0x11310] =	vst v0  }
0x1c8: {  	[tilespmem:$0x11A00] =	vst v1;
	v1 =	vld [tilespmem:$0x1FFD0]  }
0x1c9: {  	[tilespmem:$0x11330] =	vst v0  }
0x1ca: {  	[tilespmem:$0x11340] =	vst v0  }
0x1cb: {  	[tilespmem:$0x11360] =	vst v0  }
0x1cc: {  	[tilespmem:$0x11350] =	vst v0  }
0x1cd: {  	[tilespmem:$0x11E00] =	vst v1;
	v1 =	vld [tilespmem:$0x1FFE0]  }
0x1ce: {  	[tilespmem:$0x11370] =	vst v0  }
0x1cf: {  	[tilespmem:$0x11380] =	vst v0  }
0x1d0: {  	[tilespmem:$0x113A0] =	vst v0  }
0x1d1: {  	[tilespmem:$0x11390] =	vst v0  }
0x1d2: {  	[tilespmem:$0x11A10] =	vst v1;
	v1 =	vld [tilespmem:$0x1FFF0]  }
0x1d3: {  	[tilespmem:$0x113B0] =	vst v0  }
0x1d4: {  	[tilespmem:$0x113C0] =	vst v0  }
0x1d5: {  	[tilespmem:$0x113D0] =	vst v0  }
0x1d6: {  	[tilespmem:$0x10FF0] =	vst v0  }
0x1d7: {  	s0 =	sadd.s32 $0xFFFFFF80, s10;
	[tilespmem:$0x11E10] =	vst v1  }
0x1d8: {  	[tilespmem:s4], [sflag:$0x3] =	stream.linear.gather [hbm4b:s0+s4], $0x400, $0x38;
	[tilespmem:$0x1E900] =	vst v63  }
0x1d9: {  	_ =	swait.ge [sflag:s12], $0x400  }
0x1da: {  	[sflag:s12] =	ssyncset.done $0x0  }
0x1db: {  	[sflag:s12] =	ssyncadd.s32 $0xFFFFFC00  }
0x1dc: {  	[tilespmem:s14], [sflag:$0x1] =	stream.indirect.gather [spmem:s2], $0x20, s4, s13, $0xb8;
	[tilespmem:$0x1E900] =	vst v63  }
0x1dd: {  	_ = 	snop  }
0x1de: {  	[tilespmem:s13], [sflag:$0x3] =	stream.linear.gather [hbm4b:s10+s4], $0x400, $0x38;
	[tilespmem:$0x1E900] =	vst v63  }
0x1df: {  	_ =	swait.ge [sflag:s12], $0x400  }
0x1e0: {  	[sflag:s12] =	ssyncset.done $0x0  }
0x1e1: {  	[sflag:s12] =	ssyncadd.s32 $0xFFFFFC00  }
0x1e2: {  	[tilespmem:s15], [sflag:$0x2] =	stream.indirect.gather [spmem:s2], $0x20, s13, s13, $0xb8;
	[tilespmem:$0x1E900] =	vst v63  }
0x1e3: {  	_ = 	snop  }
0x1e4: {  	[spmem:s8] =	stream.linear.scatter [tilespmem:s16], [sflag:$0x3], $0x1000, $0x38;
	[tilespmem:$0x1E900] =	vst v63  }
0x1e5: {  	_ =	swait.ge [sflag:s12], $0x1000  }
0x1e6: {  	[sflag:s12] =	ssyncset.done $0x0  }
0x1e7: {  	[sflag:s12] =	ssyncadd.s32 $0xFFFFF000  }
0x1e8: {  	_ =	swait.ge [sflag:s17], $0x8000  }
0x1e9: {  	[sflag:s17] =	ssyncset.done $0x0  }
0x1ea: {  	[sflag:s17] =	ssyncadd.s32 $0xFFFF8000  }
0x1eb: {  	[spmem:s3] =	stream.indirect.scatter.add.f32 [tilespmem:s14], [sflag:$0x3], $0x20, s18, s13, $0xb8;
	[tilespmem:$0x1E900] =	vst v63  }
0x1ec: {  	_ =	swait.ge [sflag:s12], $0x8000  }
0x1ed: {  	[sflag:s12] =	ssyncset.done $0x0  }
0x1ee: {  	s31 =	sadd.s32 $0x0, s7;
	[sflag:s12] =	ssyncadd.s32 $0xFFFF8000  }
0x1ef: {  	[hbm:s31], [sflag:s6] =	dma.local [spmem:s19], $0x100  }
0x1f0: {  	_ =	swait.ge [sflag:s12], $0x100  }
0x1f1: {  	[sflag:s12] =	ssyncset.done $0x0  }
0x1f2: {  	[sflag:s12] =	ssyncadd.s32 $0xFFFFFF00  }
0x1f3: {  	_ =	swait.ge [sflag:s20], $0x8000  }
0x1f4: {  	[sflag:s20] =	ssyncset.done $0x0  }
0x1f5: {  	[sflag:s20] =	ssyncadd.s32 $0xFFFF8000  }
0x1f6: {  	[spmem:s3] =	stream.indirect.scatter.add.f32 [tilespmem:s15], [sflag:$0x3], $0x20, s21, s13, $0xb8;
	[tilespmem:$0x1E900] =	vst v63  }
0x1f7: {  	_ =	swait.ge [sflag:s12], $0x8000  }
0x1f8: {  	[sflag:s12] =	ssyncset.done $0x0  }
0x1f9: {  	s0 =	sadd.s32 $0x100, s31;
	[sflag:s12] =	ssyncadd.s32 $0xFFFF8000  }
0x1fa: {  	[hbm:s0], [sflag:s6] =	dma.local [spmem:s22], $0x100  }
0x1fb: {  	s24 =	simm.s32 $0x200;
	_ =	swait.ge [sflag:s12], $0x100  }
0x1fc: {  	s26 =	simm.s32 $0x400;
	s25 =	sadd.s32 $0x100, s10;
	[sflag:s12] =	ssyncset.done $0x0  }
.LBB2_2:
0x1fd: {  	p0 =	sne.s32 s26, $0x1E00;
	s0 =	sadd.s32 $0xFFFFFF80, s25;
	[sflag:s12] =	ssyncadd.s32 $0xFFFFFF00  }
0x1fe: {  	[tilespmem:s4], [sflag:$0x3] =	stream.linear.gather [hbm4b:s0+s4], $0x400, $0x38;
	[tilespmem:$0x1E900] =	vst v63  }
0x1ff: {  	s0 =	smov.u32 s26;
	s26 =	sadd.s32 $0x200, s26;
	_ =	swait.ge [sflag:s12], $0x400  }
0x200: {  	[sflag:s12] =	ssyncset.done $0x0  }
0x201: {  	[sflag:s12] =	ssyncadd.s32 $0xFFFFFC00  }
0x202: {  	[tilespmem:s14], [sflag:$0x1] =	stream.indirect.gather [spmem:s2], $0x20, s4, s13, $0xb8;
	[tilespmem:$0x1E900] =	vst v63  }
0x203: {  	_ = 	snop  }
0x204: {  	[tilespmem:s13], [sflag:$0x3] =	stream.linear.gather [hbm4b:s25+s4], $0x400, $0x38;
	[tilespmem:$0x1E900] =	vst v63  }
0x205: {  	_ =	swait.ge [sflag:s12], $0x400  }
0x206: {  	[sflag:s12] =	ssyncset.done $0x0  }
0x207: {  	[sflag:s12] =	ssyncadd.s32 $0xFFFFFC00  }
0x208: {  	[tilespmem:s15], [sflag:$0x2] =	stream.indirect.gather [spmem:s2], $0x20, s13, s13, $0xb8;
	[tilespmem:$0x1E900] =	vst v63  }
0x209: {  	_ = 	snop  }
0x20a: {  	[spmem:s8] =	stream.linear.scatter [tilespmem:s16], [sflag:$0x3], $0x1000, $0x38;
	[tilespmem:$0x1E900] =	vst v63  }
0x20b: {  	_ =	swait.ge [sflag:s12], $0x1000  }
0x20c: {  	[sflag:s12] =	ssyncset.done $0x0  }
0x20d: {  	[sflag:s12] =	ssyncadd.s32 $0xFFFFF000  }
0x20e: {  	_ =	swait.ge [sflag:s17], $0x8000  }
0x20f: {  	[sflag:s17] =	ssyncset.done $0x0  }
0x210: {  	[sflag:s17] =	ssyncadd.s32 $0xFFFF8000  }
0x211: {  	[spmem:s3] =	stream.indirect.scatter.add.f32 [tilespmem:s14], [sflag:$0x3], $0x20, s18, s13, $0xb8;
	[tilespmem:$0x1E900] =	vst v63  }
0x212: {  	_ =	swait.ge [sflag:s12], $0x8000  }
0x213: {  	[sflag:s12] =	ssyncset.done $0x0  }
0x214: {  	s1 =	sadd.s32 s24, s7;
	s24 =	smov.u32 s0;
	[sflag:s12] =	ssyncadd.s32 $0xFFFF8000  }
0x215: {  	[hbm:s1], [sflag:s6] =	dma.local [spmem:s19], $0x100  }
0x216: {  	_ =	swait.ge [sflag:s12], $0x100  }
0x217: {  	[sflag:s12] =	ssyncset.done $0x0  }
0x218: {  	[sflag:s12] =	ssyncadd.s32 $0xFFFFFF00  }
0x219: {  	_ =	swait.ge [sflag:s20], $0x8000  }
0x21a: {  	[sflag:s20] =	ssyncset.done $0x0  }
0x21b: {  	[sflag:s20] =	ssyncadd.s32 $0xFFFF8000  }
0x21c: {  	[spmem:s3] =	stream.indirect.scatter.add.f32 [tilespmem:s15], [sflag:$0x3], $0x20, s21, s13, $0xb8;
	[tilespmem:$0x1E900] =	vst v63  }
0x21d: {  	_ =	swait.ge [sflag:s12], $0x8000  }
.Ltmp0:
0x21e: {  	[sflag:s12] =	ssyncset.done $0x0;
	(pc) =	sbr.rel @p0 .LBB2_2-.Ltmp0, $4  }
0x21f: {  	s0 =	sadd.s32 $0x100, s1;
	[sflag:s12] =	ssyncadd.s32 $0xFFFF8000  }
0x220: {  	[hbm:s0], [sflag:s6] =	dma.local [spmem:s22], $0x100  }
0x221: {  	_ =	swait.ge [sflag:s12], $0x100  }
0x222: {  	s25 =	sadd.s32 $0x100, s25;
	[sflag:s12] =	ssyncset.done $0x0  }
0x223: {  	s0 =	sadd.s32 $0xFFFFFF80, s25;
	[sflag:s12] =	ssyncadd.s32 $0xFFFFFF00  }
0x224: {  	[tilespmem:s4], [sflag:$0x3] =	stream.linear.gather [hbm4b:s0+s4], $0x400, $0x38;
	[tilespmem:$0x1E900] =	vst v63  }
0x225: {  	_ =	swait.ge [sflag:s12], $0x400  }
0x226: {  	[sflag:s12] =	ssyncset.done $0x0  }
0x227: {  	[sflag:s12] =	ssyncadd.s32 $0xFFFFFC00  }
0x228: {  	[tilespmem:s14], [sflag:$0x1] =	stream.indirect.gather [spmem:s2], $0x20, s4, s13, $0xb8;
	[tilespmem:$0x1E900] =	vst v63  }
0x229: {  	_ = 	snop  }
0x22a: {  	[tilespmem:s13], [sflag:$0x3] =	stream.linear.gather [hbm4b:s25+s4], $0x400, $0x38;
	[tilespmem:$0x1E900] =	vst v63  }
0x22b: {  	_ =	swait.ge [sflag:s12], $0x400  }
0x22c: {  	[sflag:s12] =	ssyncset.done $0x0  }
0x22d: {  	[sflag:s12] =	ssyncadd.s32 $0xFFFFFC00  }
0x22e: {  	[tilespmem:s15], [sflag:$0x2] =	stream.indirect.gather [spmem:s2], $0x20, s13, s13, $0xb8;
	[tilespmem:$0x1E900] =	vst v63  }
0x22f: {  	_ = 	snop  }
0x230: {  	[spmem:s8] =	stream.linear.scatter [tilespmem:s16], [sflag:$0x3], $0x1000, $0x38;
	[tilespmem:$0x1E900] =	vst v63  }
0x231: {  	_ =	swait.ge [sflag:s12], $0x1000  }
0x232: {  	[sflag:s12] =	ssyncset.done $0x0  }
0x233: {  	[sflag:s12] =	ssyncadd.s32 $0xFFFFF000  }
0x234: {  	_ =	swait.ge [sflag:s17], $0x8000  }
0x235: {  	[sflag:s17] =	ssyncset.done $0x0  }
0x236: {  	[sflag:s17] =	ssyncadd.s32 $0xFFFF8000  }
0x237: {  	[spmem:s3] =	stream.indirect.scatter.add.f32 [tilespmem:s14], [sflag:$0x3], $0x20, s18, s13, $0xb8;
	[tilespmem:$0x1E900] =	vst v63  }
0x238: {  	_ =	swait.ge [sflag:s12], $0x8000  }
0x239: {  	[sflag:s12] =	ssyncset.done $0x0  }
0x23a: {  	s31 =	sadd.s32 s24, s7;
	[sflag:s12] =	ssyncadd.s32 $0xFFFF8000  }
0x23b: {  	[hbm:s31], [sflag:s6] =	dma.local [spmem:s19], $0x100  }
0x23c: {  	_ =	swait.ge [sflag:s12], $0x100  }
0x23d: {  	[sflag:s12] =	ssyncset.done $0x0  }
0x23e: {  	[sflag:s12] =	ssyncadd.s32 $0xFFFFFF00  }
0x23f: {  	_ =	swait.ge [sflag:s20], $0x8000  }
0x240: {  	[sflag:s20] =	ssyncset.done $0x0  }
0x241: {  	[sflag:s20] =	ssyncadd.s32 $0xFFFF8000  }
0x242: {  	[spmem:s3] =	stream.indirect.scatter.add.f32 [tilespmem:s15], [sflag:$0x3], $0x20, s21, s13, $0xb8;
	[tilespmem:$0x1E900] =	vst v63  }
0x243: {  	s23 =	sadd.s32 $0x1, s23;
	_ =	swait.ge [sflag:s12], $0x8000  }
0x244: {  	p0 =	sne.s32 s23, s9;
	[sflag:s12] =	ssyncset.done $0x0  }
.Ltmp1:
0x245: {  	s0 =	sadd.s32 $0x100, s31;
	[sflag:s12] =	ssyncadd.s32 $0xFFFF8000;
	(pc) =	sbr.rel @p0 .LBB2_1-.Ltmp1, $4  }
0x246: {  	[hbm:s0], [sflag:s6] =	dma.local [spmem:s22], $0x100  }
0x247: {  	_ =	swait.ge [sflag:s12], $0x100  }
0x248: {  	[sflag:s12] =	ssyncset.done $0x0  }
0x249: {  	[sflag:s12] =	ssyncadd.s32 $0xFFFFFF00  }
0x24a: {  	_ =	sfence.sel $0x180000  }
0x24b: {  	[bflag:$0x0] =	sbarrier.arrive $0xFFFF  }
0x24c: {  	_ =	strace $0x90000047  }
0x24d: {  	s0 =	stileid.u32;
	[bflag:$0x2] =	sbarrier.arrive $0xFFFF  }
0x24e: {  	p0 =	sne.s32 s0, $0x0;
	s0 =	rddreg [dreg:$0x4]  }
0x24f: {  	s0 =	sadd.s32 @!p0 $0x100000, s0  }
0x250: {  	[sflag:s0] =	ssyncadd.tile.s32 @!p0 $0x1;
	_ =	shalt  }
.Lfunc_end2:
_tile_overlayer_lowered:
.L_overlay_start_2:
0x251: {  	(tag) =	ssettag $0x2  }
0x252: {  	s0 =	rddreg [dreg:$0x0];
	s2 =	stileid.u32  }
0x253: {  	s1 =	rddreg [dreg:$0x1];
	p0 =	sne.s32 s2, $0x0  }
0x254: {  	s3 =	rddreg [dreg:$0x2];
	[bflag:$0x3] =	sbarrier.arrive $0xFFFF;
	s2 =	simm.s32 @!p0 $0x1C03  }
0x255: {  	[timem:s3], [sflag:s2] =	dma.local @!p0 [hbm:s0], s1  }
0x256: {  	s0 =	simm.s32 @!p0 $0x3  }
0x257: {  	_ =	swait.ge @!p0 [sflag:s0], s1  }
0x258: {  	s1 =	ssub.s32 @!p0 $0x0, s1;
	[sflag:s0] =	ssyncset.done @!p0 $0x0  }
0x259: {  	[sflag:s0] =	ssyncadd.s32 @!p0 s1  }
0x25a: {  	[bflag:$0x3] =	sbarrier.arrive $0xFFFF  }
0x25b: {  	_ =	shalt  }

</sc_bundles>
